<compile_context>
chip_gen: v7x
topology: tpu7x:2x2x1
jax: 0.10.2.dev20260603
libtpu: 0.0.44.dev20260713+nightly
codegen_flags: <defaults>
</compile_context>

<pallas_src>
import functools
import jax
import jax.numpy as jnp
from jax import lax
from jax.experimental import pallas as pl
from jax.experimental.pallas import tpu as pltpu

try:
    from jax.experimental.pallas import tpu_sc as plsc
    _info = plsc.get_sparse_core_info()
    NC, NS = _info.num_cores, _info.num_subcores
except Exception:
    plsc = None
    NC, NS = 2, 16

H = 384
W = 384
HW = H * W
D = 256
NP = 10112
E = 80000
EP = 163840
NEG = 0.01
NW = NC * NS
CK = 128

_INTERPRET = False


def _leaky(x):
    return jnp.where(x >= 0, x, NEG * x)


def _pc(body, grid, in_specs, out_specs, out_shape):
    return pl.pallas_call(body, grid=grid, in_specs=in_specs,
                          out_specs=out_specs, out_shape=out_shape,
                          interpret=_INTERPRET)



def _make_sc_seg(B, gather_table, emit_gather, with_scatter, aux_ang, aux_cnt,
                 main=True):
    nb = B // NW
    nit = nb // CK
    rpw = NP // NS

    out_type = []
    if with_scatter:
        out_type += [jax.ShapeDtypeStruct((NC, NP, 128), jnp.float32)] * 2
    if emit_gather:
        out_type += [jax.ShapeDtypeStruct((B, 128), jnp.float32)] * 2
    if aux_ang:
        out_type.append(jax.ShapeDtypeStruct((NC, NP, 16), jnp.float32))
    if aux_cnt:
        out_type.append(jax.ShapeDtypeStruct((NC, NP, 16), jnp.float32))

    scratch = [pltpu.VMEM((CK,), jnp.int32),
               pltpu.SemaphoreType.DMA]
    if main:
        scratch.insert(1, pltpu.VMEM((CK, 128), jnp.float32))
    if gather_table:
        scratch.append(pltpu.VMEM((CK,), jnp.int32))
    if aux_ang:
        scratch.append(pltpu.VMEM((CK, 16), jnp.float32))
    if aux_cnt:
        scratch.append(pltpu.VMEM((CK, 16), jnp.float32))
    if with_scatter:
        scratch.append(pltpu.VMEM_SHARED((NP, 128), jnp.float32))
    if aux_ang:
        scratch.append(pltpu.VMEM_SHARED((NP, 16), jnp.float32))
    if aux_cnt:
        scratch.append(pltpu.VMEM_SHARED((NP, 16), jnp.float32))

    mesh = plsc.VectorSubcoreMesh(core_axis_name="c", subcore_axis_name="s",
                                  num_cores=NC)

    @functools.partial(pl.kernel, mesh=mesh, out_type=out_type,
                       scratch_types=scratch)
    def k(*refs):
        it = iter(refs)
        d0 = next(it) if main else None
        d1 = next(it) if main else None
        dst_h = next(it)
        src_h = next(it) if gather_table else None
        ang_h = next(it) if aux_ang else None
        zrow_h = next(it)
        z16_h = next(it)
        ones_h = next(it)
        s0_o = next(it) if with_scatter else None
        s1_o = next(it) if with_scatter else None
        g0_o = next(it) if emit_gather else None
        g1_o = next(it) if emit_gather else None
        anga_o = next(it) if aux_ang else None
        cnta_o = next(it) if aux_cnt else None
        dst_v = next(it)
        rows_v = next(it) if main else None
        sem = next(it)
        src_v = next(it) if gather_table else None
        ang_v = next(it) if aux_ang else None
        ones_v = next(it) if aux_cnt else None
        acc = next(it) if with_scatter else None
        anga = next(it) if aux_ang else None
        cnta = next(it) if aux_cnt else None

        cid = lax.axis_index("c")
        sid = lax.axis_index("s")
        wid = sid * NC + cid
        base0 = wid * nb

        if aux_cnt:
            pltpu.sync_copy(ones_h, ones_v)

        for h in range(2 if main else 1):
            dat = (d0, d1)[h]
            g_o = (g0_o, g1_o)[h] if emit_gather else None
            s_o = (s0_o, s1_o)[h] if with_scatter else None
            do_aux = h == 0 and (aux_ang or aux_cnt)
            any_acc = with_scatter or do_aux

            if with_scatter:
                pltpu.sync_copy(zrow_h, acc.at[pl.ds(sid * rpw, rpw)])
            if do_aux and aux_ang:
                pltpu.sync_copy(z16_h, anga.at[pl.ds(sid * rpw, rpw)])
            if do_aux and aux_cnt:
                pltpu.sync_copy(z16_h, cnta.at[pl.ds(sid * rpw, rpw)])
            if any_acc:
                plsc.subcore_barrier()

            def body(i, carry):
                base = base0 + i * CK
                pltpu.sync_copy(dst_h.at[pl.ds(base, CK)], dst_v)
                if main:
                    if gather_table:
                        pltpu.sync_copy(src_h.at[pl.ds(base, CK)], src_v)
                        pltpu.async_copy(dat.at[src_v], rows_v, sem).wait()
                    else:
                        pltpu.sync_copy(dat.at[pl.ds(base, CK)], rows_v)
                if with_scatter:
                    pltpu.sync_copy(rows_v, acc.at[dst_v], add=True)
                if emit_gather:
                    pltpu.sync_copy(rows_v, g_o.at[pl.ds(base, CK)])
                if do_aux and aux_ang:
                    pltpu.sync_copy(ang_h.at[pl.ds(base, CK)], ang_v)
                    pltpu.sync_copy(ang_v, anga.at[dst_v], add=True)
                if do_aux and aux_cnt:
                    pltpu.sync_copy(ones_v, cnta.at[dst_v], add=True)
                return carry

            lax.fori_loop(0, nit, body, 0)

            if any_acc:
                plsc.subcore_barrier()
            if with_scatter:
                pltpu.sync_copy(acc.at[pl.ds(sid * rpw, rpw)],
                                s_o.at[cid, pl.ds(sid * rpw, rpw)])
            if do_aux and aux_ang:
                pltpu.sync_copy(anga.at[pl.ds(sid * rpw, rpw)],
                                anga_o.at[cid, pl.ds(sid * rpw, rpw)])
            if do_aux and aux_cnt:
                pltpu.sync_copy(cnta.at[pl.ds(sid * rpw, rpw)],
                                cnta_o.at[cid, pl.ds(sid * rpw, rpw)])
            if any_acc:
                plsc.subcore_barrier()

    def run(dst, d0=None, d1=None, src=None, ang=None):
        zrow = jnp.zeros((rpw, 128), jnp.float32)
        z16 = jnp.zeros((rpw, 16), jnp.float32)
        ones = jnp.ones((CK, 16), jnp.float32)
        args = [d0, d1] if main else []
        args.append(dst)
        if gather_table:
            args.append(src)
        if aux_ang:
            args.append(ang)
        args += [zrow, z16, ones]
        return k(*args)

    return run



def _mm_leaky_body(x_ref, w_ref, b_ref, o_ref):
    o_ref[...] = _leaky(jnp.dot(x_ref[...], w_ref[...],
                                preferred_element_type=jnp.float32) + b_ref[...])


def _mm_leaky(x, w, b, bm):
    M, K = x.shape
    N = w.shape[1]
    return _pc(
        _mm_leaky_body, (M // bm,),
        [pl.BlockSpec((bm, K), lambda i: (i, 0)),
         pl.BlockSpec((K, N), lambda i: (0, 0)),
         pl.BlockSpec((1, N), lambda i: (0, 0))],
        pl.BlockSpec((bm, N), lambda i: (i, 0)),
        jax.ShapeDtypeStruct((M, N), jnp.float32),
    )(x, w, b.reshape(1, N))


def _mm_leaky2_body(x_ref, w_ref, b_ref, o0_ref, o1_ref):
    y = _leaky(jnp.dot(x_ref[...], w_ref[...],
                       preferred_element_type=jnp.float32) + b_ref[...])
    o0_ref[...] = y[:, :128]
    o1_ref[...] = y[:, 128:]


def _mm_leaky2(x, w, b, bm):
    M, K = x.shape
    N = w.shape[1]
    blk = pl.BlockSpec((bm, 128), lambda i: (i, 0))
    return _pc(
        _mm_leaky2_body, (M // bm,),
        [pl.BlockSpec((bm, K), lambda i: (i, 0)),
         pl.BlockSpec((K, N), lambda i: (0, 0)),
         pl.BlockSpec((1, N), lambda i: (0, 0))],
        [blk, blk],
        [jax.ShapeDtypeStruct((M, 128), jnp.float32)] * 2,
    )(x, w, b.reshape(1, N))


def _segdiv2_body(s0_ref, s1_ref, c_ref, o0_ref, o1_ref):
    c = jnp.maximum(c_ref[...], 1.0)
    o0_ref[...] = (s0_ref[0] + s0_ref[1]) / c
    o1_ref[...] = (s1_ref[0] + s1_ref[1]) / c


def _segdiv2(s0p, s1p, cnt, bm=632):
    M = s0p.shape[1]
    pblk = pl.BlockSpec((NC, bm, 128), lambda i: (0, i, 0))
    blk = pl.BlockSpec((bm, 128), lambda i: (i, 0))
    return _pc(
        _segdiv2_body, (M // bm,),
        [pblk, pblk, pl.BlockSpec((bm, 1), lambda i: (i, 0))],
        [blk, blk],
        [jax.ShapeDtypeStruct((M, 128), jnp.float32)] * 2,
    )(s0p, s1p, cnt.reshape(M, 1))


def _node_body(x0_ref, x1_ref, s0_ref, s1_ref, ang_ref, cnt_ref, ws_ref,
               bs_ref, wmx_ref, wma_ref, bmv_ref, o0_ref, o1_ref):
    deg = cnt_ref[...]
    sang = ang_ref[...]
    agg = jnp.dot(s0_ref[0] + s0_ref[1], wmx_ref[:128],
                  preferred_element_type=jnp.float32)
    agg = agg + jnp.dot(s1_ref[0] + s1_ref[1], wmx_ref[128:],
                        preferred_element_type=jnp.float32)
    agg = agg + sang * wma_ref[...] + deg * bmv_ref[...]
    agg = agg / jnp.maximum(deg, 1.0)
    y = jnp.dot(x0_ref[...], ws_ref[:128], preferred_element_type=jnp.float32)
    y = y + jnp.dot(x1_ref[...], ws_ref[128:], preferred_element_type=jnp.float32)
    y = _leaky(y + bs_ref[...] + agg)
    o0_ref[...] = y[:, :128]
    o1_ref[...] = y[:, 128:]


def _node_update(x0, x1, s0p, s1p, angp, cntp, ws, bs, wm, bmv, bm=632):
    M = x0.shape[0]
    blk = pl.BlockSpec((bm, 128), lambda i: (i, 0))
    pblk = pl.BlockSpec((NC, bm, 128), lambda i: (0, i, 0))
    ablk = pl.BlockSpec((bm, 1), lambda i: (i, 0))
    full = lambda r, c: pl.BlockSpec((r, c), lambda i: (0, 0))
    return _pc(
        _node_body, (M // bm,),
        [blk, blk, pblk, pblk, ablk, ablk,
         full(D, D), full(1, D), full(D, D), full(1, D), full(1, D)],
        [blk, blk],
        [jax.ShapeDtypeStruct((M, 128), jnp.float32)] * 2,
    )(x0, x1, s0p, s1p, angp.reshape(M, 1), cntp.reshape(M, 1), ws,
      bs.reshape(1, D), wm[:D], wm[D:D + 1], bmv.reshape(1, D))


def _edge1_body(gs0_ref, gd0_ref, gs1_ref, gd1_ref, w_ref, wsum_ref, wew_ref,
                be_ref, o_ref):
    y = jnp.dot(gs0_ref[...] + gd0_ref[...], wsum_ref[:128],
                preferred_element_type=jnp.float32)
    y = y + jnp.dot(gs1_ref[...] + gd1_ref[...], wsum_ref[128:],
                    preferred_element_type=jnp.float32)
    y = y + 2.0 * (w_ref[...] * wew_ref[...]) + 2.0 * be_ref[...]
    o_ref[...] = _leaky(y)


def _edge1(g0, g1, w, we, be, bm=640):
    nsb = E // bm
    wsum = we[:D] + we[D:2 * D]
    sblk = pl.BlockSpec((bm, 128), lambda i: (i, 0))
    dblk = pl.BlockSpec((bm, 128), lambda i: (i + nsb, 0))
    full = lambda r, c: pl.BlockSpec((r, c), lambda i: (0, 0))
    return _pc(
        _edge1_body, (nsb,),
        [sblk, dblk, sblk, dblk, pl.BlockSpec((bm, 1), lambda i: (i, 0)),
         full(D, D), full(1, D), full(1, D)],
        pl.BlockSpec((bm, D), lambda i: (i, 0)),
        jax.ShapeDtypeStruct((E, D), jnp.float32),
    )(g0, g0, g1, g1, w.reshape(E, 1), wsum, we[2 * D:2 * D + 1],
      be.reshape(1, D))


def _edge2_body(gs0_ref, gd0_ref, gs1_ref, gd1_ref, w_ref, ef1_ref, wsum_ref,
                wew_ref, be_ref, wct_ref, wcb_ref, bc_ref, o_ref):
    t = jnp.dot(gs0_ref[...] + gd0_ref[...], wsum_ref[:128],
                preferred_element_type=jnp.float32)
    t = t + jnp.dot(gs1_ref[...] + gd1_ref[...], wsum_ref[128:],
                    preferred_element_type=jnp.float32)
    t = t + 2.0 * (w_ref[...] * wew_ref[...]) + 2.0 * be_ref[...]
    y = jnp.dot(t, wct_ref[...], preferred_element_type=jnp.float32)
    y = y + jnp.dot(ef1_ref[...], wcb_ref[...], preferred_element_type=jnp.float32)
    o_ref[...] = _leaky(y + bc_ref[...])


def _edge2(g0, g1, w, ef1, we, be, wc, bc, bm=640):
    nsb = E // bm
    wsum = we[:D] + we[D:2 * D]
    sblk = pl.BlockSpec((bm, 128), lambda i: (i, 0))
    dblk = pl.BlockSpec((bm, 128), lambda i: (i + nsb, 0))
    full = lambda r, c: pl.BlockSpec((r, c), lambda i: (0, 0))
    return _pc(
        _edge2_body, (nsb,),
        [sblk, dblk, sblk, dblk, pl.BlockSpec((bm, 1), lambda i: (i, 0)),
         pl.BlockSpec((bm, D), lambda i: (i, 0)),
         full(D, D), full(1, D), full(1, D),
         full(D, D), full(D, D), full(1, D)],
        pl.BlockSpec((bm, D), lambda i: (i, 0)),
        jax.ShapeDtypeStruct((E, D), jnp.float32),
    )(g0, g0, g1, g1, w.reshape(E, 1), ef1, wsum, we[2 * D:2 * D + 1],
      be.reshape(1, D), wc[:D], wc[D:2 * D], bc.reshape(1, D))


def _head_body(ef_ref, e1d_ref, w_ref, wp1a_ref, wp1b_ref, wp1c_ref, bp1_ref,
               wp2_ref, bp2_ref, wq1a_ref, wq1b_ref, wq1c_ref, bq1_ref,
               wq2_ref, bq2_ref, p_ref, q_ref, v_ref):
    ef = ef_ref[...]
    e1d = e1d_ref[...]
    wv = w_ref[...]
    hp = jnp.dot(ef, wp1a_ref[...], preferred_element_type=jnp.float32)
    hp = hp + jnp.dot(e1d, wp1b_ref[...], preferred_element_type=jnp.float32)
    hp = hp + wv * wp1c_ref[...] + bp1_ref[...]
    zp = jnp.dot(hp, wp2_ref[...], preferred_element_type=jnp.float32) + bp2_ref[...]
    sg = jax.nn.sigmoid(zp)
    mx = jnp.max(sg, axis=1, keepdims=True)
    ez = jnp.exp(sg - mx)
    p = ez / jnp.sum(ez, axis=1, keepdims=True)
    hq = jnp.dot(ef, wq1a_ref[...], preferred_element_type=jnp.float32)
    hq = hq + jnp.dot(e1d, wq1b_ref[...], preferred_element_type=jnp.float32)
    hq = hq + wv * wq1c_ref[...] + bq1_ref[...]
    q = jnp.dot(hq, wq2_ref[...], preferred_element_type=jnp.float32) + bq2_ref[...]
    p_ref[...] = p
    q_ref[...] = q
    v_ref[...] = jnp.sum(q * p, axis=1, keepdims=True)


def _head(ef, e1d, w, wp1, bp1, wp2, bp2, wq1, bq1, wq2, bq2, bm=640):
    M = ef.shape[0]
    F = e1d.shape[1]
    C = wp2.shape[1]
    full = lambda r, c: pl.BlockSpec((r, c), lambda i: (0, 0))
    blk = lambda c: pl.BlockSpec((bm, c), lambda i: (i, 0))
    return _pc(
        _head_body, (M // bm,),
        [blk(D), blk(F), blk(1),
         full(D, 256), full(F, 256), full(1, 256), full(1, 256),
         full(256, C), full(1, C),
         full(D, 256), full(F, 256), full(1, 256), full(1, 256),
         full(256, C), full(1, C)],
        [blk(C), blk(C), blk(1)],
        [jax.ShapeDtypeStruct((M, C), jnp.float32),
         jax.ShapeDtypeStruct((M, C), jnp.float32),
         jax.ShapeDtypeStruct((M, 1), jnp.float32)],
    )(ef, e1d, w.reshape(M, 1),
      wp1[:D], wp1[D:D + F], wp1[D + F:D + F + 1], bp1.reshape(1, 256),
      wp2, bp2.reshape(1, C),
      wq1[:D], wq1[D:D + F], wq1[D + F:D + F + 1], bq1.reshape(1, 256),
      wq2, bq2.reshape(1, C))


def _im2col3x3(img_hwc):
    p = jnp.pad(img_hwc, ((1, 1), (1, 1), (0, 0)))
    cols = [p[ky:ky + H, kx:kx + W, :] for ky in range(3) for kx in range(3)]
    return jnp.concatenate(cols, axis=-1).reshape(HW, 9 * img_hwc.shape[2])


def kernel(edge_weights, img1, img2, sp_indices, edge_index, angles,
           edge_features_1d, conv1_w, conv1_b, conv2_w, conv2_b,
           Ws1, bs1, Wm1, bm1, We1, be1,
           Ws2, bs2, Wm2, bm2, We2, be2, Wc2, bc2,
           Wp1, bp1, Wp2, bp2, Wq1, bq1, Wq2, bq2):
    f32 = jnp.float32
    imgs = jnp.stack([img1, img2], axis=-1)
    X1 = _im2col3x3(imgs)
    W1 = conv1_w.transpose(2, 3, 1, 0).reshape(18, 64)
    h = _mm_leaky(X1, W1, conv1_b, bm=1024)
    X2 = _im2col3x3(h.reshape(H, W, 64))
    W2 = conv2_w.transpose(2, 3, 1, 0).reshape(576, D)
    pix0, pix1 = _mm_leaky2(X2, W2, conv2_b, bm=1024)

    sp = sp_indices.astype(jnp.int32)
    src = edge_index[0].astype(jnp.int32)
    dst = edge_index[1].astype(jnp.int32)
    pad_i = jnp.full((EP - 2 * E,), NP - 1, jnp.int32)
    src_p = jnp.concatenate([src, pad_i])
    dst_p = jnp.concatenate([dst, pad_i])

    sc_pool = _make_sc_seg(HW, gather_table=False, emit_gather=False,
                           with_scatter=True, aux_ang=False, aux_cnt=False)
    sc_l1 = _make_sc_seg(EP, gather_table=True, emit_gather=False,
                         with_scatter=True, aux_ang=False, aux_cnt=False)
    sc_l2 = _make_sc_seg(EP, gather_table=True, emit_gather=True,
                         with_scatter=True, aux_ang=False, aux_cnt=False)
    sc_g = _make_sc_seg(EP, gather_table=True, emit_gather=True,
                        with_scatter=False, aux_ang=False, aux_cnt=False)

    Sp0, Sp1 = sc_pool(sp, pix0, pix1)
    cnt_sp = jax.ops.segment_sum(jnp.ones((HW,), f32), sp, num_segments=NP)
    nf0_0, nf0_1 = _segdiv2(Sp0, Sp1, cnt_sp)

    deg = jax.ops.segment_sum(jnp.ones((2 * E,), f32), dst, num_segments=NP)
    sang = jax.ops.segment_sum(angles, dst, num_segments=NP)
    S10, S11 = sc_l1(dst_p, nf0_0, nf0_1, src=src_p)
    nf1_0, nf1_1 = _node_update(nf0_0, nf0_1, S10, S11, sang, deg,
                                Ws1, bs1, Wm1, bm1)

    S20, S21, xg0, xg1 = sc_l2(dst_p, nf1_0, nf1_1, src=src_p)
    ef1 = _edge1(xg0, xg1, edge_weights, We1, be1)
    nf2_0, nf2_1 = _node_update(nf1_0, nf1_1, S20, S21, sang, deg,
                                Ws2, bs2, Wm2, bm2)

    yg0, yg1 = sc_g(dst_p, nf2_0, nf2_1, src=src_p)
    efc = _edge2(yg0, yg1, edge_weights, ef1, We2, be2, Wc2, bc2)

    p, q, v = _head(efc, edge_features_1d, edge_weights,
                    Wp1, bp1, Wp2, bp2, Wq1, bq1, Wq2, bq2)
    return (p, q, v.reshape(E))

# --- scband reference (transcript-rebuilt; emitter-appended) ---
"""Pipeline reference for scband-gcn-edge-angle1d-pqv-62560493633968 (READ-ONLY COPY).

The authoritative reference and input builder live on the scoring server;
editing this copy changes nothing except your own understanding.
"""

import jax, jax.numpy as jnp
import numpy as np

N_NODES = 10000
D = 256
H = 384
W = 384
E_UND = 80000
N_EDGE_FEATS = 16
N_CLASSES = 2


def _conv(x, w, b):
    y = jax.lax.conv_general_dilated(x, w, (1, 1), 'SAME', dimension_numbers=('NCHW', 'OIHW', 'NCHW'))
    return y + b[None, :, None, None]


def _segment_mean(data, ids, num):
    s = jax.ops.segment_sum(data, ids, num_segments=num)
    c = jax.ops.segment_sum(jnp.ones((data.shape[0], 1), data.dtype), ids, num_segments=num)
    return s / jnp.maximum(c, 1.0)


def _node_conv(x, ei, ang, Ws, bs, Wm, bm):
    src, dst = ei[0], ei[1]
    m = jnp.concatenate([x[src], ang[:, None]], axis=1) @ Wm + bm
    agg = _segment_mean(m, dst, x.shape[0])
    return x @ Ws + bs + agg


def _edge_conv(x, ei, w2, We, be):
    src, dst = ei[0], ei[1]
    e = jnp.concatenate([x[src], x[dst], w2[:, None]], axis=1) @ We + be
    E = e.shape[0] // 2
    return e[:E] + e[E:]


def setup_inputs(seed: int = 0):
    key = jax.random.key(seed)
    ks = jax.random.split(key, 40)
    sc = 0.05
    inp = {}
    inp['edge_weights'] = jax.random.uniform(ks[0], (E_UND,), jnp.float32)
    inp['img1'] = jax.random.normal(ks[1], (H, W), jnp.float32)
    inp['img2'] = jax.random.normal(ks[2], (H, W), jnp.float32)
    inp['sp_indices'] = jax.random.randint(ks[3], (H * W,), 0, N_NODES)
    s = jax.random.randint(ks[4], (E_UND,), 0, N_NODES)
    d = jax.random.randint(ks[5], (E_UND,), 0, N_NODES)
    inp['edge_index'] = jnp.stack([jnp.concatenate([s, d]), jnp.concatenate([d, s])])
    inp['angles'] = jax.random.normal(ks[6], (2 * E_UND,), jnp.float32)
    inp['edge_features_1d'] = jax.random.normal(ks[7], (E_UND, N_EDGE_FEATS), jnp.float32)
    inp['conv1_w'] = jax.random.normal(ks[8], (64, 2, 3, 3), jnp.float32) * sc
    inp['conv1_b'] = jnp.zeros((64,), jnp.float32)
    inp['conv2_w'] = jax.random.normal(ks[9], (D, 64, 3, 3), jnp.float32) * sc
    inp['conv2_b'] = jnp.zeros((D,), jnp.float32)
    inp['Ws1'] = jax.random.normal(ks[10], (D, D), jnp.float32) * sc
    inp['bs1'] = jnp.zeros((D,), jnp.float32)
    inp['Wm1'] = jax.random.normal(ks[11], (D + 1, D), jnp.float32) * sc
    inp['bm1'] = jnp.zeros((D,), jnp.float32)
    inp['We1'] = jax.random.normal(ks[12], (2 * D + 1, D), jnp.float32) * sc
    inp['be1'] = jnp.zeros((D,), jnp.float32)
    inp['Ws2'] = jax.random.normal(ks[13], (D, D), jnp.float32) * sc
    inp['bs2'] = jnp.zeros((D,), jnp.float32)
    inp['Wm2'] = jax.random.normal(ks[14], (D + 1, D), jnp.float32) * sc
    inp['bm2'] = jnp.zeros((D,), jnp.float32)
    inp['We2'] = jax.random.normal(ks[15], (2 * D + 1, D), jnp.float32) * sc
    inp['be2'] = jnp.zeros((D,), jnp.float32)
    inp['Wc2'] = jax.random.normal(ks[16], (2 * D, D), jnp.float32) * sc
    inp['bc2'] = jnp.zeros((D,), jnp.float32)
    inp['Wp1'] = jax.random.normal(ks[17], (D + N_EDGE_FEATS + 1, 256), jnp.float32) * sc
    inp['bp1'] = jnp.zeros((256,), jnp.float32)
    inp['Wp2'] = jax.random.normal(ks[18], (256, N_CLASSES), jnp.float32) * sc
    inp['bp2'] = jnp.zeros((N_CLASSES,), jnp.float32)
    inp['Wq1'] = jax.random.normal(ks[19], (D + N_EDGE_FEATS + 1, 256), jnp.float32) * sc
    inp['bq1'] = jnp.zeros((256,), jnp.float32)
    inp['Wq2'] = jax.random.normal(ks[20], (256, N_CLASSES), jnp.float32) * sc
    inp['bq2'] = jnp.zeros((N_CLASSES,), jnp.float32)
    return inp


def reference(edge_weights, img1, img2, sp_indices, edge_index, angles, edge_features_1d,
              conv1_w, conv1_b, conv2_w, conv2_b,
              Ws1, bs1, Wm1, bm1, We1, be1,
              Ws2, bs2, Wm2, bm2, We2, be2, Wc2, bc2,
              Wp1, bp1, Wp2, bp2, Wq1, bq1, Wq2, bq2):
    inp = jnp.stack((img1, img2))[None]  # [1, 2, H, W]
    h = jax.nn.leaky_relu(_conv(inp, conv1_w, conv1_b))
    h = jax.nn.leaky_relu(_conv(h, conv2_w, conv2_b))  # [1, D, H, W]
    pix = h[0].reshape(D, H * W).T  # [H*W, D]
    nf = _segment_mean(pix, sp_indices, N_NODES)  # SpVecsUnet superpixel pooling
    nf = jax.nn.leaky_relu(_node_conv(nf, edge_index, angles, Ws1, bs1, Wm1, bm1))
    w2 = jnp.concatenate([edge_weights, edge_weights])
    ef = jax.nn.leaky_relu(_edge_conv(nf, edge_index, w2, We1, be1))
    nf = jax.nn.leaky_relu(_node_conv(nf, edge_index, angles, Ws2, bs2, Wm2, bm2))
    ef2 = _edge_conv(nf, edge_index, w2, We2, be2)
    ef = jax.nn.leaky_relu(jnp.concatenate([ef2, ef], axis=1) @ Wc2 + bc2)
    feat = jnp.concatenate([ef, edge_features_1d, edge_weights[:, None]], axis=1)
    p = feat @ Wp1 + bp1
    p = jnp.minimum(jax.nn.softmax(jax.nn.sigmoid(p @ Wp2 + bp2), axis=-1), 1 - 1e-20)
    q = feat @ Wq1 + bq1
    q = q @ Wq2 + bq2
    v = (q * p).sum(1)
    return (p, q, v)

if __name__ == "__main__":
    import jax
    _d = setup_inputs()
    print(jax.jit(kernel)(*tuple(_d.values())))

</pallas_src>

<mosaic_0001>
#map = affine_map<(d0, d1) -> (0, 0)>
#map1 = affine_map<(d0, d1) -> (0)>
#map2 = affine_map<(d0, d1) -> (0, 0, 0)>
module attributes {stable_mosaic.version = 14 : i64} {
  func.func @k(%arg0: i32, %arg1: i32, %arg2: memref<147456x128xf32, #tpu.memory_space<hbm>>, %arg3: memref<147456x128xf32, #tpu.memory_space<hbm>>, %arg4: memref<147456xi32, #tpu.memory_space<hbm>>, %arg5: memref<632x128xf32, #tpu.memory_space<hbm>>, %arg6: memref<632x16xf32, #tpu.memory_space<hbm>>, %arg7: memref<128x16xf32, #tpu.memory_space<hbm>>, %arg8: memref<2x10112x128xf32, #tpu.memory_space<hbm>>, %arg9: memref<2x10112x128xf32, #tpu.memory_space<hbm>>, %arg10: memref<128xi32, #tpu.memory_space<vmem>>, %arg11: memref<128x128xf32, #tpu.memory_space<vmem>>, %arg12: memref<!tpu.dma_semaphore, #tpu.memory_space<semaphore_mem>>, %arg13: memref<10112x128xf32, #tpu.memory_space<vmem_shared>>) attributes {dimension_semantics = [#tpu.dimension_semantics<core_parallel>, #tpu.dimension_semantics<subcore_parallel>], iteration_bounds = array<i64: 2, 16>, scalar_prefetch = 0 : i64, scratch_operands = 4 : i64, tpu.core_type = #tpu.core_type<sc_vector_subcore>, window_params = [{transform_indices = #map}, {transform_indices = #map}, {transform_indices = #map1}, {transform_indices = #map}, {transform_indices = #map}, {transform_indices = #map}, {transform_indices = #map2}, {transform_indices = #map2}]} {
    %mul3A = arith.constant 2 : i32
    %mul3A_0 = arith.muli %arg1, %mul3A : i32
    %add3A = arith.addi %mul3A_0, %arg0 : i32
    %mul3A_1 = arith.constant 4608 : i32
    %mul3A_2 = arith.muli %add3A, %mul3A_1 : i32
    %mul3A_3 = arith.constant 632 : i32
    %mul3A_4 = arith.muli %arg1, %mul3A_3 : i32
    "tpu.region"() ({
      %run_scoped3A = tpu.sem_alloc : memref<!tpu.dma_semaphore, #tpu.memory_space<semaphore_mem>>
      %dma_start3A = arith.constant 0 : i32
      %dma_start3A_31 = tpu.memref_slice %arg13[%mul3A_4, %dma_start3A] : memref<10112x128xf32, #tpu.memory_space<vmem_shared>> -> memref<632x128xf32, #tpu.memory_space<vmem_shared>>
      tpu.enqueue_dma source(%arg5 : memref<632x128xf32, #tpu.memory_space<hbm>>) target(%dma_start3A_31 : memref<632x128xf32, #tpu.memory_space<vmem_shared>>) target_semaphore(%run_scoped3A : memref<!tpu.dma_semaphore, #tpu.memory_space<semaphore_mem>>)
      %dma_wait3A = arith.constant 0 : i32
      %dma_wait3A_32 = tpu.memref_slice %arg13[%mul3A_4, %dma_wait3A] : memref<10112x128xf32, #tpu.memory_space<vmem_shared>> -> memref<632x128xf32, #tpu.memory_space<vmem_shared>>
      tpu.wait_dma2 semaphore(%run_scoped3A : memref<!tpu.dma_semaphore, #tpu.memory_space<semaphore_mem>>) src(%arg5 : memref<632x128xf32, #tpu.memory_space<hbm>>) dst(%dma_wait3A_32 : memref<632x128xf32, #tpu.memory_space<vmem_shared>>)
      tpu.yield
    }) : () -> ()
    %barrier3A = arith.constant 0 : index
    tpu.barrier barrier_id(%barrier3A)
    %scan3A = arith.constant 0 : i32
    %scan3A_5 = arith.constant 0 : i32
    %scan3A_6 = arith.constant 36 : i32
    %scan3A_7 = arith.addi %scan3A_5, %scan3A_6 : i32
    %scan3A_8 = arith.constant 1 : i32
    scf.for %scan3A_31 = %scan3A_5 to %scan3A_7 step %scan3A_8  : i32 {
      %mul3A_32 = arith.constant 128 : i32
      %mul3A_33 = arith.muli %scan3A_31, %mul3A_32 : i32
      %add3A_34 = arith.addi %mul3A_2, %mul3A_33 : i32
      "tpu.region"() ({
        %run_scoped3A = tpu.sem_alloc : memref<!tpu.dma_semaphore, #tpu.memory_space<semaphore_mem>>
        %dma_start3A = tpu.memref_slice %arg4[%add3A_34] : memref<147456xi32, #tpu.memory_space<hbm>> -> memref<128xi32, #tpu.memory_space<hbm>>
        %dma_start3A_35 = tpu.memref_slice %arg4[%add3A_34] : memref<147456xi32, #tpu.memory_space<hbm>> -> memref<128xi32, #tpu.memory_space<hbm>>
        tpu.enqueue_dma source(%dma_start3A_35 : memref<128xi32, #tpu.memory_space<hbm>>) target(%arg10 : memref<128xi32, #tpu.memory_space<vmem>>) target_semaphore(%run_scoped3A : memref<!tpu.dma_semaphore, #tpu.memory_space<semaphore_mem>>)
        %dma_wait3A = tpu.memref_slice %arg4[%add3A_34] : memref<147456xi32, #tpu.memory_space<hbm>> -> memref<128xi32, #tpu.memory_space<hbm>>
        %dma_wait3A_36 = tpu.memref_slice %arg4[%add3A_34] : memref<147456xi32, #tpu.memory_space<hbm>> -> memref<128xi32, #tpu.memory_space<hbm>>
        tpu.wait_dma2 semaphore(%run_scoped3A : memref<!tpu.dma_semaphore, #tpu.memory_space<semaphore_mem>>) src(%dma_wait3A_36 : memref<128xi32, #tpu.memory_space<hbm>>) dst(%arg10 : memref<128xi32, #tpu.memory_space<vmem>>)
        tpu.yield
      }) : () -> ()
      "tpu.region"() ({
        %run_scoped3A = tpu.sem_alloc : memref<!tpu.dma_semaphore, #tpu.memory_space<semaphore_mem>>
        %dma_start3A = arith.constant 0 : i32
        %dma_start3A_35 = tpu.memref_slice %arg2[%add3A_34, %dma_start3A] : memref<147456x128xf32, #tpu.memory_space<hbm>> -> memref<128x128xf32, #tpu.memory_space<hbm>>
        %dma_start3A_36 = arith.constant 0 : i32
        %dma_start3A_37 = tpu.memref_slice %arg2[%add3A_34, %dma_start3A_36] : memref<147456x128xf32, #tpu.memory_space<hbm>> -> memref<128x128xf32, #tpu.memory_space<hbm>>
        tpu.enqueue_dma source(%dma_start3A_37 : memref<128x128xf32, #tpu.memory_space<hbm>>) target(%arg11 : memref<128x128xf32, #tpu.memory_space<vmem>>) target_semaphore(%run_scoped3A : memref<!tpu.dma_semaphore, #tpu.memory_space<semaphore_mem>>)
        %dma_wait3A = arith.constant 0 : i32
        %dma_wait3A_38 = tpu.memref_slice %arg2[%add3A_34, %dma_wait3A] : memref<147456x128xf32, #tpu.memory_space<hbm>> -> memref<128x128xf32, #tpu.memory_space<hbm>>
        %dma_wait3A_39 = arith.constant 0 : i32
        %dma_wait3A_40 = tpu.memref_slice %arg2[%add3A_34, %dma_wait3A_39] : memref<147456x128xf32, #tpu.memory_space<hbm>> -> memref<128x128xf32, #tpu.memory_space<hbm>>
        tpu.wait_dma2 semaphore(%run_scoped3A : memref<!tpu.dma_semaphore, #tpu.memory_space<semaphore_mem>>) src(%dma_wait3A_40 : memref<128x128xf32, #tpu.memory_space<hbm>>) dst(%arg11 : memref<128x128xf32, #tpu.memory_space<vmem>>)
        tpu.yield
      }) : () -> ()
      "tpu.region"() ({
        %run_scoped3A = tpu.sem_alloc : memref<!tpu.dma_semaphore, #tpu.memory_space<semaphore_mem>>
        %dma_start3A = arith.constant 0 : i32
        %dma_start3A_35 = arith.constant 0 : i32
        %dma_start3A_36 = tpu.memref_slice %arg13[%dma_start3A, %dma_start3A_35] : memref<10112x128xf32, #tpu.memory_space<vmem_shared>> -> memref<10112x128xf32, #tpu.memory_space<vmem_shared>>
        tpu.enqueue_indirect_dma source(%arg11 : memref<128x128xf32, #tpu.memory_space<vmem>>) target(%dma_start3A_36 : memref<10112x128xf32, #tpu.memory_space<vmem_shared>>) offsets(%arg10 : memref<128xi32, #tpu.memory_space<vmem>>) semaphore(%run_scoped3A : memref<!tpu.dma_semaphore, #tpu.memory_space<semaphore_mem>>) {add = true}
        %dma_wait3A = arith.constant 0 : i32
        %dma_wait3A_37 = arith.constant 0 : i32
        %dma_wait3A_38 = tpu.memref_slice %arg13[%dma_wait3A, %dma_wait3A_37] : memref<10112x128xf32, #tpu.memory_space<vmem_shared>> -> memref<10112x128xf32, #tpu.memory_space<vmem_shared>>
        tpu.wait_indirect_dma semaphore(%run_scoped3A : memref<!tpu.dma_semaphore, #tpu.memory_space<semaphore_mem>>) src(%arg11 : memref<128x128xf32, #tpu.memory_space<vmem>>) dst(%dma_wait3A_38 : memref<10112x128xf32, #tpu.memory_space<vmem_shared>>)
        tpu.yield
      }) : () -> ()
    }
    %scan3A_9 = arith.constant 36 : i32
    %barrier3A_10 = arith.constant 0 : index
    tpu.barrier barrier_id(%barrier3A_10)
    %mul3A_11 = arith.constant 632 : i32
    %mul3A_12 = arith.muli %arg1, %mul3A_11 : i32
    %mul3A_13 = arith.constant 632 : i32
    %mul3A_14 = arith.muli %arg1, %mul3A_13 : i32
    "tpu.region"() ({
      %run_scoped3A = tpu.sem_alloc : memref<!tpu.dma_semaphore, #tpu.memory_space<semaphore_mem>>
      %dma_start3A = arith.constant 0 : i32
      %dma_start3A_31 = tpu.memref_slice %arg8[%arg0, %mul3A_14, %dma_start3A] : memref<2x10112x128xf32, #tpu.memory_space<hbm>> -> memref<1x632x128xf32, #tpu.memory_space<hbm>>
      %dma_start3A_32 = tpu.memref_squeeze %dma_start3A_31 : memref<1x632x128xf32, #tpu.memory_space<hbm>> -> memref<632x128xf32, #tpu.memory_space<hbm>>
      %dma_start3A_33 = arith.constant 0 : i32
      %dma_start3A_34 = tpu.memref_slice %arg13[%mul3A_12, %dma_start3A_33] : memref<10112x128xf32, #tpu.memory_space<vmem_shared>> -> memref<632x128xf32, #tpu.memory_space<vmem_shared>>
      tpu.enqueue_dma source(%dma_start3A_34 : memref<632x128xf32, #tpu.memory_space<vmem_shared>>) target(%dma_start3A_32 : memref<632x128xf32, #tpu.memory_space<hbm>>) target_semaphore(%run_scoped3A : memref<!tpu.dma_semaphore, #tpu.memory_space<semaphore_mem>>)
      %dma_wait3A = arith.constant 0 : i32
      %dma_wait3A_35 = tpu.memref_slice %arg8[%arg0, %mul3A_14, %dma_wait3A] : memref<2x10112x128xf32, #tpu.memory_space<hbm>> -> memref<1x632x128xf32, #tpu.memory_space<hbm>>
      %dma_wait3A_36 = tpu.memref_squeeze %dma_wait3A_35 : memref<1x632x128xf32, #tpu.memory_space<hbm>> -> memref<632x128xf32, #tpu.memory_space<hbm>>
      %dma_wait3A_37 = arith.constant 0 : i32
      %dma_wait3A_38 = tpu.memref_slice %arg13[%mul3A_12, %dma_wait3A_37] : memref<10112x128xf32, #tpu.memory_space<vmem_shared>> -> memref<632x128xf32, #tpu.memory_space<vmem_shared>>
      tpu.wait_dma2 semaphore(%run_scoped3A : memref<!tpu.dma_semaphore, #tpu.memory_space<semaphore_mem>>) src(%dma_wait3A_38 : memref<632x128xf32, #tpu.memory_space<vmem_shared>>) dst(%dma_wait3A_36 : memref<632x128xf32, #tpu.memory_space<hbm>>)
      tpu.yield
    }) : () -> ()
    %barrier3A_15 = arith.constant 0 : index
    tpu.barrier barrier_id(%barrier3A_15)
    %mul3A_16 = arith.constant 632 : i32
    %mul3A_17 = arith.muli %arg1, %mul3A_16 : i32
    "tpu.region"() ({
      %run_scoped3A = tpu.sem_alloc : memref<!tpu.dma_semaphore, #tpu.memory_space<semaphore_mem>>
      %dma_start3A = arith.constant 0 : i32
      %dma_start3A_31 = tpu.memref_slice %arg13[%mul3A_17, %dma_start3A] : memref<10112x128xf32, #tpu.memory_space<vmem_shared>> -> memref<632x128xf32, #tpu.memory_space<vmem_shared>>
      tpu.enqueue_dma source(%arg5 : memref<632x128xf32, #tpu.memory_space<hbm>>) target(%dma_start3A_31 : memref<632x128xf32, #tpu.memory_space<vmem_shared>>) target_semaphore(%run_scoped3A : memref<!tpu.dma_semaphore, #tpu.memory_space<semaphore_mem>>)
      %dma_wait3A = arith.constant 0 : i32
      %dma_wait3A_32 = tpu.memref_slice %arg13[%mul3A_17, %dma_wait3A] : memref<10112x128xf32, #tpu.memory_space<vmem_shared>> -> memref<632x128xf32, #tpu.memory_space<vmem_shared>>
      tpu.wait_dma2 semaphore(%run_scoped3A : memref<!tpu.dma_semaphore, #tpu.memory_space<semaphore_mem>>) src(%arg5 : memref<632x128xf32, #tpu.memory_space<hbm>>) dst(%dma_wait3A_32 : memref<632x128xf32, #tpu.memory_space<vmem_shared>>)
      tpu.yield
    }) : () -> ()
    %barrier3A_18 = arith.constant 0 : index
    tpu.barrier barrier_id(%barrier3A_18)
    %scan3A_19 = arith.constant 0 : i32
    %scan3A_20 = arith.constant 0 : i32
    %scan3A_21 = arith.constant 36 : i32
    %scan3A_22 = arith.addi %scan3A_20, %scan3A_21 : i32
    %scan3A_23 = arith.constant 1 : i32
    scf.for %scan3A_31 = %scan3A_20 to %scan3A_22 step %scan3A_23  : i32 {
      %mul3A_32 = arith.constant 128 : i32
      %mul3A_33 = arith.muli %scan3A_31, %mul3A_32 : i32
      %add3A_34 = arith.addi %mul3A_2, %mul3A_33 : i32
      "tpu.region"() ({
        %run_scoped3A = tpu.sem_alloc : memref<!tpu.dma_semaphore, #tpu.memory_space<semaphore_mem>>
        %dma_start3A = tpu.memref_slice %arg4[%add3A_34] : memref<147456xi32, #tpu.memory_space<hbm>> -> memref<128xi32, #tpu.memory_space<hbm>>
        %dma_start3A_35 = tpu.memref_slice %arg4[%add3A_34] : memref<147456xi32, #tpu.memory_space<hbm>> -> memref<128xi32, #tpu.memory_space<hbm>>
        tpu.enqueue_dma source(%dma_start3A_35 : memref<128xi32, #tpu.memory_space<hbm>>) target(%arg10 : memref<128xi32, #tpu.memory_space<vmem>>) target_semaphore(%run_scoped3A : memref<!tpu.dma_semaphore, #tpu.memory_space<semaphore_mem>>)
        %dma_wait3A = tpu.memref_slice %arg4[%add3A_34] : memref<147456xi32, #tpu.memory_space<hbm>> -> memref<128xi32, #tpu.memory_space<hbm>>
        %dma_wait3A_36 = tpu.memref_slice %arg4[%add3A_34] : memref<147456xi32, #tpu.memory_space<hbm>> -> memref<128xi32, #tpu.memory_space<hbm>>
        tpu.wait_dma2 semaphore(%run_scoped3A : memref<!tpu.dma_semaphore, #tpu.memory_space<semaphore_mem>>) src(%dma_wait3A_36 : memref<128xi32, #tpu.memory_space<hbm>>) dst(%arg10 : memref<128xi32, #tpu.memory_space<vmem>>)
        tpu.yield
      }) : () -> ()
      "tpu.region"() ({
        %run_scoped3A = tpu.sem_alloc : memref<!tpu.dma_semaphore, #tpu.memory_space<semaphore_mem>>
        %dma_start3A = arith.constant 0 : i32
        %dma_start3A_35 = tpu.memref_slice %arg3[%add3A_34, %dma_start3A] : memref<147456x128xf32, #tpu.memory_space<hbm>> -> memref<128x128xf32, #tpu.memory_space<hbm>>
        %dma_start3A_36 = arith.constant 0 : i32
        %dma_start3A_37 = tpu.memref_slice %arg3[%add3A_34, %dma_start3A_36] : memref<147456x128xf32, #tpu.memory_space<hbm>> -> memref<128x128xf32, #tpu.memory_space<hbm>>
        tpu.enqueue_dma source(%dma_start3A_37 : memref<128x128xf32, #tpu.memory_space<hbm>>) target(%arg11 : memref<128x128xf32, #tpu.memory_space<vmem>>) target_semaphore(%run_scoped3A : memref<!tpu.dma_semaphore, #tpu.memory_space<semaphore_mem>>)
        %dma_wait3A = arith.constant 0 : i32
        %dma_wait3A_38 = tpu.memref_slice %arg3[%add3A_34, %dma_wait3A] : memref<147456x128xf32, #tpu.memory_space<hbm>> -> memref<128x128xf32, #tpu.memory_space<hbm>>
        %dma_wait3A_39 = arith.constant 0 : i32
        %dma_wait3A_40 = tpu.memref_slice %arg3[%add3A_34, %dma_wait3A_39] : memref<147456x128xf32, #tpu.memory_space<hbm>> -> memref<128x128xf32, #tpu.memory_space<hbm>>
        tpu.wait_dma2 semaphore(%run_scoped3A : memref<!tpu.dma_semaphore, #tpu.memory_space<semaphore_mem>>) src(%dma_wait3A_40 : memref<128x128xf32, #tpu.memory_space<hbm>>) dst(%arg11 : memref<128x128xf32, #tpu.memory_space<vmem>>)
        tpu.yield
      }) : () -> ()
      "tpu.region"() ({
        %run_scoped3A = tpu.sem_alloc : memref<!tpu.dma_semaphore, #tpu.memory_space<semaphore_mem>>
        %dma_start3A = arith.constant 0 : i32
        %dma_start3A_35 = arith.constant 0 : i32
        %dma_start3A_36 = tpu.memref_slice %arg13[%dma_start3A, %dma_start3A_35] : memref<10112x128xf32, #tpu.memory_space<vmem_shared>> -> memref<10112x128xf32, #tpu.memory_space<vmem_shared>>
        tpu.enqueue_indirect_dma source(%arg11 : memref<128x128xf32, #tpu.memory_space<vmem>>) target(%dma_start3A_36 : memref<10112x128xf32, #tpu.memory_space<vmem_shared>>) offsets(%arg10 : memref<128xi32, #tpu.memory_space<vmem>>) semaphore(%run_scoped3A : memref<!tpu.dma_semaphore, #tpu.memory_space<semaphore_mem>>) {add = true}
        %dma_wait3A = arith.constant 0 : i32
        %dma_wait3A_37 = arith.constant 0 : i32
        %dma_wait3A_38 = tpu.memref_slice %arg13[%dma_wait3A, %dma_wait3A_37] : memref<10112x128xf32, #tpu.memory_space<vmem_shared>> -> memref<10112x128xf32, #tpu.memory_space<vmem_shared>>
        tpu.wait_indirect_dma semaphore(%run_scoped3A : memref<!tpu.dma_semaphore, #tpu.memory_space<semaphore_mem>>) src(%arg11 : memref<128x128xf32, #tpu.memory_space<vmem>>) dst(%dma_wait3A_38 : memref<10112x128xf32, #tpu.memory_space<vmem_shared>>)
        tpu.yield
      }) : () -> ()
    }
    %scan3A_24 = arith.constant 36 : i32
    %barrier3A_25 = arith.constant 0 : index
    tpu.barrier barrier_id(%barrier3A_25)
    %mul3A_26 = arith.constant 632 : i32
    %mul3A_27 = arith.muli %arg1, %mul3A_26 : i32
    %mul3A_28 = arith.constant 632 : i32
    %mul3A_29 = arith.muli %arg1, %mul3A_28 : i32
    "tpu.region"() ({
      %run_scoped3A = tpu.sem_alloc : memref<!tpu.dma_semaphore, #tpu.memory_space<semaphore_mem>>
      %dma_start3A = arith.constant 0 : i32
      %dma_start3A_31 = tpu.memref_slice %arg9[%arg0, %mul3A_29, %dma_start3A] : memref<2x10112x128xf32, #tpu.memory_space<hbm>> -> memref<1x632x128xf32, #tpu.memory_space<hbm>>
      %dma_start3A_32 = tpu.memref_squeeze %dma_start3A_31 : memref<1x632x128xf32, #tpu.memory_space<hbm>> -> memref<632x128xf32, #tpu.memory_space<hbm>>
      %dma_start3A_33 = arith.constant 0 : i32
      %dma_start3A_34 = tpu.memref_slice %arg13[%mul3A_27, %dma_start3A_33] : memref<10112x128xf32, #tpu.memory_space<vmem_shared>> -> memref<632x128xf32, #tpu.memory_space<vmem_shared>>
      tpu.enqueue_dma source(%dma_start3A_34 : memref<632x128xf32, #tpu.memory_space<vmem_shared>>) target(%dma_start3A_32 : memref<632x128xf32, #tpu.memory_space<hbm>>) target_semaphore(%run_scoped3A : memref<!tpu.dma_semaphore, #tpu.memory_space<semaphore_mem>>)
      %dma_wait3A = arith.constant 0 : i32
      %dma_wait3A_35 = tpu.memref_slice %arg9[%arg0, %mul3A_29, %dma_wait3A] : memref<2x10112x128xf32, #tpu.memory_space<hbm>> -> memref<1x632x128xf32, #tpu.memory_space<hbm>>
      %dma_wait3A_36 = tpu.memref_squeeze %dma_wait3A_35 : memref<1x632x128xf32, #tpu.memory_space<hbm>> -> memref<632x128xf32, #tpu.memory_space<hbm>>
      %dma_wait3A_37 = arith.constant 0 : i32
      %dma_wait3A_38 = tpu.memref_slice %arg13[%mul3A_27, %dma_wait3A_37] : memref<10112x128xf32, #tpu.memory_space<vmem_shared>> -> memref<632x128xf32, #tpu.memory_space<vmem_shared>>
      tpu.wait_dma2 semaphore(%run_scoped3A : memref<!tpu.dma_semaphore, #tpu.memory_space<semaphore_mem>>) src(%dma_wait3A_38 : memref<632x128xf32, #tpu.memory_space<vmem_shared>>) dst(%dma_wait3A_36 : memref<632x128xf32, #tpu.memory_space<hbm>>)
      tpu.yield
    }) : () -> ()
    %barrier3A_30 = arith.constant 0 : index
    tpu.barrier barrier_id(%barrier3A_30)
    return
  }
}

#map = affine_map<(d0, d1) -> (0, 0)>
#map1 = affine_map<(d0, d1) -> (0)>
#map2 = affine_map<(d0, d1) -> (0, 0, 0)>
module attributes {stable_mosaic.version = 14 : i64} {
  func.func @k(%arg0: i32, %arg1: i32, %arg2: memref<10112x128xf32, #tpu.memory_space<hbm>>, %arg3: memref<10112x128xf32, #tpu.memory_space<hbm>>, %arg4: memref<163840xi32, #tpu.memory_space<hbm>>, %arg5: memref<163840xi32, #tpu.memory_space<hbm>>, %arg6: memref<632x128xf32, #tpu.memory_space<hbm>>, %arg7: memref<632x16xf32, #tpu.memory_space<hbm>>, %arg8: memref<128x16xf32, #tpu.memory_space<hbm>>, %arg9: memref<2x10112x128xf32, #tpu.memory_space<hbm>>, %arg10: memref<2x10112x128xf32, #tpu.memory_space<hbm>>, %arg11: memref<128xi32, #tpu.memory_space<vmem>>, %arg12: memref<128x128xf32, #tpu.memory_space<vmem>>, %arg13: memref<!tpu.dma_semaphore, #tpu.memory_space<semaphore_mem>>, %arg14: memref<128xi32, #tpu.memory_space<vmem>>, %arg15: memref<10112x128xf32, #tpu.memory_space<vmem_shared>>) attributes {dimension_semantics = [#tpu.dimension_semantics<core_parallel>, #tpu.dimension_semantics<subcore_parallel>], iteration_bounds = array<i64: 2, 16>, scalar_prefetch = 0 : i64, scratch_operands = 5 : i64, tpu.core_type = #tpu.core_type<sc_vector_subcore>, window_params = [{transform_indices = #map}, {transform_indices = #map}, {transform_indices = #map1}, {transform_indices = #map1}, {transform_indices = #map}, {transform_indices = #map}, {transform_indices = #map}, {transform_indices = #map2}, {transform_indices = #map2}]} {
    %mul3A = arith.constant 2 : i32
    %mul3A_0 = arith.muli %arg1, %mul3A : i32
    %add3A = arith.addi %mul3A_0, %arg0 : i32
    %mul3A_1 = arith.constant 5120 : i32
    %mul3A_2 = arith.muli %add3A, %mul3A_1 : i32
    %mul3A_3 = arith.constant 632 : i32
    %mul3A_4 = arith.muli %arg1, %mul3A_3 : i32
    "tpu.region"() ({
      %run_scoped3A = tpu.sem_alloc : memref<!tpu.dma_semaphore, #tpu.memory_space<semaphore_mem>>
      %dma_start3A = arith.constant 0 : i32
      %dma_start3A_31 = tpu.memref_slice %arg15[%mul3A_4, %dma_start3A] : memref<10112x128xf32, #tpu.memory_space<vmem_shared>> -> memref<632x128xf32, #tpu.memory_space<vmem_shared>>
      tpu.enqueue_dma source(%arg6 : memref<632x128xf32, #tpu.memory_space<hbm>>) target(%dma_start3A_31 : memref<632x128xf32, #tpu.memory_space<vmem_shared>>) target_semaphore(%run_scoped3A : memref<!tpu.dma_semaphore, #tpu.memory_space<semaphore_mem>>)
      %dma_wait3A = arith.constant 0 : i32
      %dma_wait3A_32 = tpu.memref_slice %arg15[%mul3A_4, %dma_wait3A] : memref<10112x128xf32, #tpu.memory_space<vmem_shared>> -> memref<632x128xf32, #tpu.memory_space<vmem_shared>>
      tpu.wait_dma2 semaphore(%run_scoped3A : memref<!tpu.dma_semaphore, #tpu.memory_space<semaphore_mem>>) src(%arg6 : memref<632x128xf32, #tpu.memory_space<hbm>>) dst(%dma_wait3A_32 : memref<632x128xf32, #tpu.memory_space<vmem_shared>>)
      tpu.yield
    }) : () -> ()
    %barrier3A = arith.constant 0 : index
    tpu.barrier barrier_id(%barrier3A)
    %scan3A = arith.constant 0 : i32
    %scan3A_5 = arith.constant 0 : i32
    %scan3A_6 = arith.constant 40 : i32
    %scan3A_7 = arith.addi %scan3A_5, %scan3A_6 : i32
    %scan3A_8 = arith.constant 1 : i32
    scf.for %scan3A_31 = %scan3A_5 to %scan3A_7 step %scan3A_8  : i32 {
      %mul3A_32 = arith.constant 128 : i32
      %mul3A_33 = arith.muli %scan3A_31, %mul3A_32 : i32
      %add3A_34 = arith.addi %mul3A_2, %mul3A_33 : i32
      "tpu.region"() ({
        %run_scoped3A = tpu.sem_alloc : memref<!tpu.dma_semaphore, #tpu.memory_space<semaphore_mem>>
        %dma_start3A_39 = tpu.memref_slice %arg4[%add3A_34] : memref<163840xi32, #tpu.memory_space<hbm>> -> memref<128xi32, #tpu.memory_space<hbm>>
        %dma_start3A_40 = tpu.memref_slice %arg4[%add3A_34] : memref<163840xi32, #tpu.memory_space<hbm>> -> memref<128xi32, #tpu.memory_space<hbm>>
        tpu.enqueue_dma source(%dma_start3A_40 : memref<128xi32, #tpu.memory_space<hbm>>) target(%arg11 : memref<128xi32, #tpu.memory_space<vmem>>) target_semaphore(%run_scoped3A : memref<!tpu.dma_semaphore, #tpu.memory_space<semaphore_mem>>)
        %dma_wait3A_41 = tpu.memref_slice %arg4[%add3A_34] : memref<163840xi32, #tpu.memory_space<hbm>> -> memref<128xi32, #tpu.memory_space<hbm>>
        %dma_wait3A_42 = tpu.memref_slice %arg4[%add3A_34] : memref<163840xi32, #tpu.memory_space<hbm>> -> memref<128xi32, #tpu.memory_space<hbm>>
        tpu.wait_dma2 semaphore(%run_scoped3A : memref<!tpu.dma_semaphore, #tpu.memory_space<semaphore_mem>>) src(%dma_wait3A_42 : memref<128xi32, #tpu.memory_space<hbm>>) dst(%arg11 : memref<128xi32, #tpu.memory_space<vmem>>)
        tpu.yield
      }) : () -> ()
      "tpu.region"() ({
        %run_scoped3A = tpu.sem_alloc : memref<!tpu.dma_semaphore, #tpu.memory_space<semaphore_mem>>
        %dma_start3A_39 = tpu.memref_slice %arg5[%add3A_34] : memref<163840xi32, #tpu.memory_space<hbm>> -> memref<128xi32, #tpu.memory_space<hbm>>
        %dma_start3A_40 = tpu.memref_slice %arg5[%add3A_34] : memref<163840xi32, #tpu.memory_space<hbm>> -> memref<128xi32, #tpu.memory_space<hbm>>
        tpu.enqueue_dma source(%dma_start3A_40 : memref<128xi32, #tpu.memory_space<hbm>>) target(%arg14 : memref<128xi32, #tpu.memory_space<vmem>>) target_semaphore(%run_scoped3A : memref<!tpu.dma_semaphore, #tpu.memory_space<semaphore_mem>>)
        %dma_wait3A_41 = tpu.memref_slice %arg5[%add3A_34] : memref<163840xi32, #tpu.memory_space<hbm>> -> memref<128xi32, #tpu.memory_space<hbm>>
        %dma_wait3A_42 = tpu.memref_slice %arg5[%add3A_34] : memref<163840xi32, #tpu.memory_space<hbm>> -> memref<128xi32, #tpu.memory_space<hbm>>
        tpu.wait_dma2 semaphore(%run_scoped3A : memref<!tpu.dma_semaphore, #tpu.memory_space<semaphore_mem>>) src(%dma_wait3A_42 : memref<128xi32, #tpu.memory_space<hbm>>) dst(%arg14 : memref<128xi32, #tpu.memory_space<vmem>>)
        tpu.yield
      }) : () -> ()
      %dma_start3A = arith.constant 0 : i32
      %dma_start3A_35 = arith.constant 0 : i32
      %dma_start3A_36 = tpu.memref_slice %arg2[%dma_start3A, %dma_start3A_35] : memref<10112x128xf32, #tpu.memory_space<hbm>> -> memref<10112x128xf32, #tpu.memory_space<hbm>>
      tpu.enqueue_indirect_dma source(%dma_start3A_36 : memref<10112x128xf32, #tpu.memory_space<hbm>>) target(%arg12 : memref<128x128xf32, #tpu.memory_space<vmem>>) offsets(%arg14 : memref<128xi32, #tpu.memory_space<vmem>>) semaphore(%arg13 : memref<!tpu.dma_semaphore, #tpu.memory_space<semaphore_mem>>)
      %dma_wait3A = arith.constant 0 : i32
      %dma_wait3A_37 = arith.constant 0 : i32
      %dma_wait3A_38 = tpu.memref_slice %arg2[%dma_wait3A, %dma_wait3A_37] : memref<10112x128xf32, #tpu.memory_space<hbm>> -> memref<10112x128xf32, #tpu.memory_space<hbm>>
      tpu.wait_indirect_dma semaphore(%arg13 : memref<!tpu.dma_semaphore, #tpu.memory_space<semaphore_mem>>) src(%dma_wait3A_38 : memref<10112x128xf32, #tpu.memory_space<hbm>>) dst(%arg12 : memref<128x128xf32, #tpu.memory_space<vmem>>)
      "tpu.region"() ({
        %run_scoped3A = tpu.sem_alloc : memref<!tpu.dma_semaphore, #tpu.memory_space<semaphore_mem>>
        %dma_start3A_39 = arith.constant 0 : i32
        %dma_start3A_40 = arith.constant 0 : i32
        %dma_start3A_41 = tpu.memref_slice %arg15[%dma_start3A_39, %dma_start3A_40] : memref<10112x128xf32, #tpu.memory_space<vmem_shared>> -> memref<10112x128xf32, #tpu.memory_space<vmem_shared>>
        tpu.enqueue_indirect_dma source(%arg12 : memref<128x128xf32, #tpu.memory_space<vmem>>) target(%dma_start3A_41 : memref<10112x128xf32, #tpu.memory_space<vmem_shared>>) offsets(%arg11 : memref<128xi32, #tpu.memory_space<vmem>>) semaphore(%run_scoped3A : memref<!tpu.dma_semaphore, #tpu.memory_space<semaphore_mem>>) {add = true}
        %dma_wait3A_42 = arith.constant 0 : i32
        %dma_wait3A_43 = arith.constant 0 : i32
        %dma_wait3A_44 = tpu.memref_slice %arg15[%dma_wait3A_42, %dma_wait3A_43] : memref<10112x128xf32, #tpu.memory_space<vmem_shared>> -> memref<10112x128xf32, #tpu.memory_space<vmem_shared>>
        tpu.wait_indirect_dma semaphore(%run_scoped3A : memref<!tpu.dma_semaphore, #tpu.memory_space<semaphore_mem>>) src(%arg12 : memref<128x128xf32, #tpu.memory_space<vmem>>) dst(%dma_wait3A_44 : memref<10112x128xf32, #tpu.memory_space<vmem_shared>>)
        tpu.yield
      }) : () -> ()
    }
    %scan3A_9 = arith.constant 40 : i32
    %barrier3A_10 = arith.constant 0 : index
    tpu.barrier barrier_id(%barrier3A_10)
    %mul3A_11 = arith.constant 632 : i32
    %mul3A_12 = arith.muli %arg1, %mul3A_11 : i32
    %mul3A_13 = arith.constant 632 : i32
    %mul3A_14 = arith.muli %arg1, %mul3A_13 : i32
    "tpu.region"() ({
      %run_scoped3A = tpu.sem_alloc : memref<!tpu.dma_semaphore, #tpu.memory_space<semaphore_mem>>
      %dma_start3A = arith.constant 0 : i32
      %dma_start3A_31 = tpu.memref_slice %arg9[%arg0, %mul3A_14, %dma_start3A] : memref<2x10112x128xf32, #tpu.memory_space<hbm>> -> memref<1x632x128xf32, #tpu.memory_space<hbm>>
      %dma_start3A_32 = tpu.memref_squeeze %dma_start3A_31 : memref<1x632x128xf32, #tpu.memory_space<hbm>> -> memref<632x128xf32, #tpu.memory_space<hbm>>
      %dma_start3A_33 = arith.constant 0 : i32
      %dma_start3A_34 = tpu.memref_slice %arg15[%mul3A_12, %dma_start3A_33] : memref<10112x128xf32, #tpu.memory_space<vmem_shared>> -> memref<632x128xf32, #tpu.memory_space<vmem_shared>>
      tpu.enqueue_dma source(%dma_start3A_34 : memref<632x128xf32, #tpu.memory_space<vmem_shared>>) target(%dma_start3A_32 : memref<632x128xf32, #tpu.memory_space<hbm>>) target_semaphore(%run_scoped3A : memref<!tpu.dma_semaphore, #tpu.memory_space<semaphore_mem>>)
      %dma_wait3A = arith.constant 0 : i32
      %dma_wait3A_35 = tpu.memref_slice %arg9[%arg0, %mul3A_14, %dma_wait3A] : memref<2x10112x128xf32, #tpu.memory_space<hbm>> -> memref<1x632x128xf32, #tpu.memory_space<hbm>>
      %dma_wait3A_36 = tpu.memref_squeeze %dma_wait3A_35 : memref<1x632x128xf32, #tpu.memory_space<hbm>> -> memref<632x128xf32, #tpu.memory_space<hbm>>
      %dma_wait3A_37 = arith.constant 0 : i32
      %dma_wait3A_38 = tpu.memref_slice %arg15[%mul3A_12, %dma_wait3A_37] : memref<10112x128xf32, #tpu.memory_space<vmem_shared>> -> memref<632x128xf32, #tpu.memory_space<vmem_shared>>
      tpu.wait_dma2 semaphore(%run_scoped3A : memref<!tpu.dma_semaphore, #tpu.memory_space<semaphore_mem>>) src(%dma_wait3A_38 : memref<632x128xf32, #tpu.memory_space<vmem_shared>>) dst(%dma_wait3A_36 : memref<632x128xf32, #tpu.memory_space<hbm>>)
      tpu.yield
    }) : () -> ()
    %barrier3A_15 = arith.constant 0 : index
    tpu.barrier barrier_id(%barrier3A_15)
    %mul3A_16 = arith.constant 632 : i32
    %mul3A_17 = arith.muli %arg1, %mul3A_16 : i32
    "tpu.region"() ({
      %run_scoped3A = tpu.sem_alloc : memref<!tpu.dma_semaphore, #tpu.memory_space<semaphore_mem>>
      %dma_start3A = arith.constant 0 : i32
      %dma_start3A_31 = tpu.memref_slice %arg15[%mul3A_17, %dma_start3A] : memref<10112x128xf32, #tpu.memory_space<vmem_shared>> -> memref<632x128xf32, #tpu.memory_space<vmem_shared>>
      tpu.enqueue_dma source(%arg6 : memref<632x128xf32, #tpu.memory_space<hbm>>) target(%dma_start3A_31 : memref<632x128xf32, #tpu.memory_space<vmem_shared>>) target_semaphore(%run_scoped3A : memref<!tpu.dma_semaphore, #tpu.memory_space<semaphore_mem>>)
      %dma_wait3A = arith.constant 0 : i32
      %dma_wait3A_32 = tpu.memref_slice %arg15[%mul3A_17, %dma_wait3A] : memref<10112x128xf32, #tpu.memory_space<vmem_shared>> -> memref<632x128xf32, #tpu.memory_space<vmem_shared>>
      tpu.wait_dma2 semaphore(%run_scoped3A : memref<!tpu.dma_semaphore, #tpu.memory_space<semaphore_mem>>) src(%arg6 : memref<632x128xf32, #tpu.memory_space<hbm>>) dst(%dma_wait3A_32 : memref<632x128xf32, #tpu.memory_space<vmem_shared>>)
      tpu.yield
    }) : () -> ()
    %barrier3A_18 = arith.constant 0 : index
    tpu.barrier barrier_id(%barrier3A_18)
    %scan3A_19 = arith.constant 0 : i32
    %scan3A_20 = arith.constant 0 : i32
    %scan3A_21 = arith.constant 40 : i32
    %scan3A_22 = arith.addi %scan3A_20, %scan3A_21 : i32
    %scan3A_23 = arith.constant 1 : i32
    scf.for %scan3A_31 = %scan3A_20 to %scan3A_22 step %scan3A_23  : i32 {
      %mul3A_32 = arith.constant 128 : i32
      %mul3A_33 = arith.muli %scan3A_31, %mul3A_32 : i32
      %add3A_34 = arith.addi %mul3A_2, %mul3A_33 : i32
      "tpu.region"() ({
        %run_scoped3A = tpu.sem_alloc : memref<!tpu.dma_semaphore, #tpu.memory_space<semaphore_mem>>
        %dma_start3A_39 = tpu.memref_slice %arg4[%add3A_34] : memref<163840xi32, #tpu.memory_space<hbm>> -> memref<128xi32, #tpu.memory_space<hbm>>
        %dma_start3A_40 = tpu.memref_slice %arg4[%add3A_34] : memref<163840xi32, #tpu.memory_space<hbm>> -> memref<128xi32, #tpu.memory_space<hbm>>
        tpu.enqueue_dma source(%dma_start3A_40 : memref<128xi32, #tpu.memory_space<hbm>>) target(%arg11 : memref<128xi32, #tpu.memory_space<vmem>>) target_semaphore(%run_scoped3A : memref<!tpu.dma_semaphore, #tpu.memory_space<semaphore_mem>>)
        %dma_wait3A_41 = tpu.memref_slice %arg4[%add3A_34] : memref<163840xi32, #tpu.memory_space<hbm>> -> memref<128xi32, #tpu.memory_space<hbm>>
        %dma_wait3A_42 = tpu.memref_slice %arg4[%add3A_34] : memref<163840xi32, #tpu.memory_space<hbm>> -> memref<128xi32, #tpu.memory_space<hbm>>
        tpu.wait_dma2 semaphore(%run_scoped3A : memref<!tpu.dma_semaphore, #tpu.memory_space<semaphore_mem>>) src(%dma_wait3A_42 : memref<128xi32, #tpu.memory_space<hbm>>) dst(%arg11 : memref<128xi32, #tpu.memory_space<vmem>>)
        tpu.yield
      }) : () -> ()
      "tpu.region"() ({
        %run_scoped3A = tpu.sem_alloc : memref<!tpu.dma_semaphore, #tpu.memory_space<semaphore_mem>>
        %dma_start3A_39 = tpu.memref_slice %arg5[%add3A_34] : memref<163840xi32, #tpu.memory_space<hbm>> -> memref<128xi32, #tpu.memory_space<hbm>>
        %dma_start3A_40 = tpu.memref_slice %arg5[%add3A_34] : memref<163840xi32, #tpu.memory_space<hbm>> -> memref<128xi32, #tpu.memory_space<hbm>>
        tpu.enqueue_dma source(%dma_start3A_40 : memref<128xi32, #tpu.memory_space<hbm>>) target(%arg14 : memref<128xi32, #tpu.memory_space<vmem>>) target_semaphore(%run_scoped3A : memref<!tpu.dma_semaphore, #tpu.memory_space<semaphore_mem>>)
        %dma_wait3A_41 = tpu.memref_slice %arg5[%add3A_34] : memref<163840xi32, #tpu.memory_space<hbm>> -> memref<128xi32, #tpu.memory_space<hbm>>
        %dma_wait3A_42 = tpu.memref_slice %arg5[%add3A_34] : memref<163840xi32, #tpu.memory_space<hbm>> -> memref<128xi32, #tpu.memory_space<hbm>>
        tpu.wait_dma2 semaphore(%run_scoped3A : memref<!tpu.dma_semaphore, #tpu.memory_space<semaphore_mem>>) src(%dma_wait3A_42 : memref<128xi32, #tpu.memory_space<hbm>>) dst(%arg14 : memref<128xi32, #tpu.memory_space<vmem>>)
        tpu.yield
      }) : () -> ()
      %dma_start3A = arith.constant 0 : i32
      %dma_start3A_35 = arith.constant 0 : i32
      %dma_start3A_36 = tpu.memref_slice %arg3[%dma_start3A, %dma_start3A_35] : memref<10112x128xf32, #tpu.memory_space<hbm>> -> memref<10112x128xf32, #tpu.memory_space<hbm>>
      tpu.enqueue_indirect_dma source(%dma_start3A_36 : memref<10112x128xf32, #tpu.memory_space<hbm>>) target(%arg12 : memref<128x128xf32, #tpu.memory_space<vmem>>) offsets(%arg14 : memref<128xi32, #tpu.memory_space<vmem>>) semaphore(%arg13 : memref<!tpu.dma_semaphore, #tpu.memory_space<semaphore_mem>>)
      %dma_wait3A = arith.constant 0 : i32
      %dma_wait3A_37 = arith.constant 0 : i32
      %dma_wait3A_38 = tpu.memref_slice %arg3[%dma_wait3A, %dma_wait3A_37] : memref<10112x128xf32, #tpu.memory_space<hbm>> -> memref<10112x128xf32, #tpu.memory_space<hbm>>
      tpu.wait_indirect_dma semaphore(%arg13 : memref<!tpu.dma_semaphore, #tpu.memory_space<semaphore_mem>>) src(%dma_wait3A_38 : memref<10112x128xf32, #tpu.memory_space<hbm>>) dst(%arg12 : memref<128x128xf32, #tpu.memory_space<vmem>>)
      "tpu.region"() ({
        %run_scoped3A = tpu.sem_alloc : memref<!tpu.dma_semaphore, #tpu.memory_space<semaphore_mem>>
        %dma_start3A_39 = arith.constant 0 : i32
        %dma_start3A_40 = arith.constant 0 : i32
        %dma_start3A_41 = tpu.memref_slice %arg15[%dma_start3A_39, %dma_start3A_40] : memref<10112x128xf32, #tpu.memory_space<vmem_shared>> -> memref<10112x128xf32, #tpu.memory_space<vmem_shared>>
        tpu.enqueue_indirect_dma source(%arg12 : memref<128x128xf32, #tpu.memory_space<vmem>>) target(%dma_start3A_41 : memref<10112x128xf32, #tpu.memory_space<vmem_shared>>) offsets(%arg11 : memref<128xi32, #tpu.memory_space<vmem>>) semaphore(%run_scoped3A : memref<!tpu.dma_semaphore, #tpu.memory_space<semaphore_mem>>) {add = true}
        %dma_wait3A_42 = arith.constant 0 : i32
        %dma_wait3A_43 = arith.constant 0 : i32
        %dma_wait3A_44 = tpu.memref_slice %arg15[%dma_wait3A_42, %dma_wait3A_43] : memref<10112x128xf32, #tpu.memory_space<vmem_shared>> -> memref<10112x128xf32, #tpu.memory_space<vmem_shared>>
        tpu.wait_indirect_dma semaphore(%run_scoped3A : memref<!tpu.dma_semaphore, #tpu.memory_space<semaphore_mem>>) src(%arg12 : memref<128x128xf32, #tpu.memory_space<vmem>>) dst(%dma_wait3A_44 : memref<10112x128xf32, #tpu.memory_space<vmem_shared>>)
        tpu.yield
      }) : () -> ()
    }
    %scan3A_24 = arith.constant 40 : i32
    %barrier3A_25 = arith.constant 0 : index
    tpu.barrier barrier_id(%barrier3A_25)
    %mul3A_26 = arith.constant 632 : i32
    %mul3A_27 = arith.muli %arg1, %mul3A_26 : i32
    %mul3A_28 = arith.constant 632 : i32
    %mul3A_29 = arith.muli %arg1, %mul3A_28 : i32
    "tpu.region"() ({
      %run_scoped3A = tpu.sem_alloc : memref<!tpu.dma_semaphore, #tpu.memory_space<semaphore_mem>>
      %dma_start3A = arith.constant 0 : i32
      %dma_start3A_31 = tpu.memref_slice %arg10[%arg0, %mul3A_29, %dma_start3A] : memref<2x10112x128xf32, #tpu.memory_space<hbm>> -> memref<1x632x128xf32, #tpu.memory_space<hbm>>
      %dma_start3A_32 = tpu.memref_squeeze %dma_start3A_31 : memref<1x632x128xf32, #tpu.memory_space<hbm>> -> memref<632x128xf32, #tpu.memory_space<hbm>>
      %dma_start3A_33 = arith.constant 0 : i32
      %dma_start3A_34 = tpu.memref_slice %arg15[%mul3A_27, %dma_start3A_33] : memref<10112x128xf32, #tpu.memory_space<vmem_shared>> -> memref<632x128xf32, #tpu.memory_space<vmem_shared>>
      tpu.enqueue_dma source(%dma_start3A_34 : memref<632x128xf32, #tpu.memory_space<vmem_shared>>) target(%dma_start3A_32 : memref<632x128xf32, #tpu.memory_space<hbm>>) target_semaphore(%run_scoped3A : memref<!tpu.dma_semaphore, #tpu.memory_space<semaphore_mem>>)
      %dma_wait3A = arith.constant 0 : i32
      %dma_wait3A_35 = tpu.memref_slice %arg10[%arg0, %mul3A_29, %dma_wait3A] : memref<2x10112x128xf32, #tpu.memory_space<hbm>> -> memref<1x632x128xf32, #tpu.memory_space<hbm>>
      %dma_wait3A_36 = tpu.memref_squeeze %dma_wait3A_35 : memref<1x632x128xf32, #tpu.memory_space<hbm>> -> memref<632x128xf32, #tpu.memory_space<hbm>>
      %dma_wait3A_37 = arith.constant 0 : i32
      %dma_wait3A_38 = tpu.memref_slice %arg15[%mul3A_27, %dma_wait3A_37] : memref<10112x128xf32, #tpu.memory_space<vmem_shared>> -> memref<632x128xf32, #tpu.memory_space<vmem_shared>>
      tpu.wait_dma2 semaphore(%run_scoped3A : memref<!tpu.dma_semaphore, #tpu.memory_space<semaphore_mem>>) src(%dma_wait3A_38 : memref<632x128xf32, #tpu.memory_space<vmem_shared>>) dst(%dma_wait3A_36 : memref<632x128xf32, #tpu.memory_space<hbm>>)
      tpu.yield
    }) : () -> ()
    %barrier3A_30 = arith.constant 0 : index
    tpu.barrier barrier_id(%barrier3A_30)
    return
  }
}

#map = affine_map<(d0, d1) -> (0, 0)>
#map1 = affine_map<(d0, d1) -> (0)>
#map2 = affine_map<(d0, d1) -> (0, 0, 0)>
module attributes {stable_mosaic.version = 14 : i64} {
  func.func @k(%arg0: i32, %arg1: i32, %arg2: memref<10112x128xf32, #tpu.memory_space<hbm>>, %arg3: memref<10112x128xf32, #tpu.memory_space<hbm>>, %arg4: memref<163840xi32, #tpu.memory_space<hbm>>, %arg5: memref<163840xi32, #tpu.memory_space<hbm>>, %arg6: memref<632x128xf32, #tpu.memory_space<hbm>>, %arg7: memref<632x16xf32, #tpu.memory_space<hbm>>, %arg8: memref<128x16xf32, #tpu.memory_space<hbm>>, %arg9: memref<2x10112x128xf32, #tpu.memory_space<hbm>>, %arg10: memref<2x10112x128xf32, #tpu.memory_space<hbm>>, %arg11: memref<163840x128xf32, #tpu.memory_space<hbm>>, %arg12: memref<163840x128xf32, #tpu.memory_space<hbm>>, %arg13: memref<128xi32, #tpu.memory_space<vmem>>, %arg14: memref<128x128xf32, #tpu.memory_space<vmem>>, %arg15: memref<!tpu.dma_semaphore, #tpu.memory_space<semaphore_mem>>, %arg16: memref<128xi32, #tpu.memory_space<vmem>>, %arg17: memref<10112x128xf32, #tpu.memory_space<vmem_shared>>) attributes {dimension_semantics = [#tpu.dimension_semantics<core_parallel>, #tpu.dimension_semantics<subcore_parallel>], iteration_bounds = array<i64: 2, 16>, scalar_prefetch = 0 : i64, scratch_operands = 5 : i64, tpu.core_type = #tpu.core_type<sc_vector_subcore>, window_params = [{transform_indices = #map}, {transform_indices = #map}, {transform_indices = #map1}, {transform_indices = #map1}, {transform_indices = #map}, {transform_indices = #map}, {transform_indices = #map}, {transform_indices = #map2}, {transform_indices = #map2}, {transform_indices = #map}, {transform_indices = #map}]} {
    %mul3A = arith.constant 2 : i32
    %mul3A_0 = arith.muli %arg1, %mul3A : i32
    %add3A = arith.addi %mul3A_0, %arg0 : i32
    %mul3A_1 = arith.constant 5120 : i32
    %mul3A_2 = arith.muli %add3A, %mul3A_1 : i32
    %mul3A_3 = arith.constant 632 : i32
    %mul3A_4 = arith.muli %arg1, %mul3A_3 : i32
    "tpu.region"() ({
      %run_scoped3A = tpu.sem_alloc : memref<!tpu.dma_semaphore, #tpu.memory_space<semaphore_mem>>
      %dma_start3A = arith.constant 0 : i32
      %dma_start3A_31 = tpu.memref_slice %arg17[%mul3A_4, %dma_start3A] : memref<10112x128xf32, #tpu.memory_space<vmem_shared>> -> memref<632x128xf32, #tpu.memory_space<vmem_shared>>
      tpu.enqueue_dma source(%arg6 : memref<632x128xf32, #tpu.memory_space<hbm>>) target(%dma_start3A_31 : memref<632x128xf32, #tpu.memory_space<vmem_shared>>) target_semaphore(%run_scoped3A : memref<!tpu.dma_semaphore, #tpu.memory_space<semaphore_mem>>)
      %dma_wait3A = arith.constant 0 : i32
      %dma_wait3A_32 = tpu.memref_slice %arg17[%mul3A_4, %dma_wait3A] : memref<10112x128xf32, #tpu.memory_space<vmem_shared>> -> memref<632x128xf32, #tpu.memory_space<vmem_shared>>
      tpu.wait_dma2 semaphore(%run_scoped3A : memref<!tpu.dma_semaphore, #tpu.memory_space<semaphore_mem>>) src(%arg6 : memref<632x128xf32, #tpu.memory_space<hbm>>) dst(%dma_wait3A_32 : memref<632x128xf32, #tpu.memory_space<vmem_shared>>)
      tpu.yield
    }) : () -> ()
    %barrier3A = arith.constant 0 : index
    tpu.barrier barrier_id(%barrier3A)
    %scan3A = arith.constant 0 : i32
    %scan3A_5 = arith.constant 0 : i32
    %scan3A_6 = arith.constant 40 : i32
    %scan3A_7 = arith.addi %scan3A_5, %scan3A_6 : i32
    %scan3A_8 = arith.constant 1 : i32
    scf.for %scan3A_31 = %scan3A_5 to %scan3A_7 step %scan3A_8  : i32 {
      %mul3A_32 = arith.constant 128 : i32
      %mul3A_33 = arith.muli %scan3A_31, %mul3A_32 : i32
      %add3A_34 = arith.addi %mul3A_2, %mul3A_33 : i32
      "tpu.region"() ({
        %run_scoped3A = tpu.sem_alloc : memref<!tpu.dma_semaphore, #tpu.memory_space<semaphore_mem>>
        %dma_start3A_39 = tpu.memref_slice %arg4[%add3A_34] : memref<163840xi32, #tpu.memory_space<hbm>> -> memref<128xi32, #tpu.memory_space<hbm>>
        %dma_start3A_40 = tpu.memref_slice %arg4[%add3A_34] : memref<163840xi32, #tpu.memory_space<hbm>> -> memref<128xi32, #tpu.memory_space<hbm>>
        tpu.enqueue_dma source(%dma_start3A_40 : memref<128xi32, #tpu.memory_space<hbm>>) target(%arg13 : memref<128xi32, #tpu.memory_space<vmem>>) target_semaphore(%run_scoped3A : memref<!tpu.dma_semaphore, #tpu.memory_space<semaphore_mem>>)
        %dma_wait3A_41 = tpu.memref_slice %arg4[%add3A_34] : memref<163840xi32, #tpu.memory_space<hbm>> -> memref<128xi32, #tpu.memory_space<hbm>>
        %dma_wait3A_42 = tpu.memref_slice %arg4[%add3A_34] : memref<163840xi32, #tpu.memory_space<hbm>> -> memref<128xi32, #tpu.memory_space<hbm>>
        tpu.wait_dma2 semaphore(%run_scoped3A : memref<!tpu.dma_semaphore, #tpu.memory_space<semaphore_mem>>) src(%dma_wait3A_42 : memref<128xi32, #tpu.memory_space<hbm>>) dst(%arg13 : memref<128xi32, #tpu.memory_space<vmem>>)
        tpu.yield
      }) : () -> ()
      "tpu.region"() ({
        %run_scoped3A = tpu.sem_alloc : memref<!tpu.dma_semaphore, #tpu.memory_space<semaphore_mem>>
        %dma_start3A_39 = tpu.memref_slice %arg5[%add3A_34] : memref<163840xi32, #tpu.memory_space<hbm>> -> memref<128xi32, #tpu.memory_space<hbm>>
        %dma_start3A_40 = tpu.memref_slice %arg5[%add3A_34] : memref<163840xi32, #tpu.memory_space<hbm>> -> memref<128xi32, #tpu.memory_space<hbm>>
        tpu.enqueue_dma source(%dma_start3A_40 : memref<128xi32, #tpu.memory_space<hbm>>) target(%arg16 : memref<128xi32, #tpu.memory_space<vmem>>) target_semaphore(%run_scoped3A : memref<!tpu.dma_semaphore, #tpu.memory_space<semaphore_mem>>)
        %dma_wait3A_41 = tpu.memref_slice %arg5[%add3A_34] : memref<163840xi32, #tpu.memory_space<hbm>> -> memref<128xi32, #tpu.memory_space<hbm>>
        %dma_wait3A_42 = tpu.memref_slice %arg5[%add3A_34] : memref<163840xi32, #tpu.memory_space<hbm>> -> memref<128xi32, #tpu.memory_space<hbm>>
        tpu.wait_dma2 semaphore(%run_scoped3A : memref<!tpu.dma_semaphore, #tpu.memory_space<semaphore_mem>>) src(%dma_wait3A_42 : memref<128xi32, #tpu.memory_space<hbm>>) dst(%arg16 : memref<128xi32, #tpu.memory_space<vmem>>)
        tpu.yield
      }) : () -> ()
      %dma_start3A = arith.constant 0 : i32
      %dma_start3A_35 = arith.constant 0 : i32
      %dma_start3A_36 = tpu.memref_slice %arg2[%dma_start3A, %dma_start3A_35] : memref<10112x128xf32, #tpu.memory_space<hbm>> -> memref<10112x128xf32, #tpu.memory_space<hbm>>
      tpu.enqueue_indirect_dma source(%dma_start3A_36 : memref<10112x128xf32, #tpu.memory_space<hbm>>) target(%arg14 : memref<128x128xf32, #tpu.memory_space<vmem>>) offsets(%arg16 : memref<128xi32, #tpu.memory_space<vmem>>) semaphore(%arg15 : memref<!tpu.dma_semaphore, #tpu.memory_space<semaphore_mem>>)
      %dma_wait3A = arith.constant 0 : i32
      %dma_wait3A_37 = arith.constant 0 : i32
      %dma_wait3A_38 = tpu.memref_slice %arg2[%dma_wait3A, %dma_wait3A_37] : memref<10112x128xf32, #tpu.memory_space<hbm>> -> memref<10112x128xf32, #tpu.memory_space<hbm>>
      tpu.wait_indirect_dma semaphore(%arg15 : memref<!tpu.dma_semaphore, #tpu.memory_space<semaphore_mem>>) src(%dma_wait3A_38 : memref<10112x128xf32, #tpu.memory_space<hbm>>) dst(%arg14 : memref<128x128xf32, #tpu.memory_space<vmem>>)
      "tpu.region"() ({
        %run_scoped3A = tpu.sem_alloc : memref<!tpu.dma_semaphore, #tpu.memory_space<semaphore_mem>>
        %dma_start3A_39 = arith.constant 0 : i32
        %dma_start3A_40 = arith.constant 0 : i32
        %dma_start3A_41 = tpu.memref_slice %arg17[%dma_start3A_39, %dma_start3A_40] : memref<10112x128xf32, #tpu.memory_space<vmem_shared>> -> memref<10112x128xf32, #tpu.memory_space<vmem_shared>>
        tpu.enqueue_indirect_dma source(%arg14 : memref<128x128xf32, #tpu.memory_space<vmem>>) target(%dma_start3A_41 : memref<10112x128xf32, #tpu.memory_space<vmem_shared>>) offsets(%arg13 : memref<128xi32, #tpu.memory_space<vmem>>) semaphore(%run_scoped3A : memref<!tpu.dma_semaphore, #tpu.memory_space<semaphore_mem>>) {add = true}
        %dma_wait3A_42 = arith.constant 0 : i32
        %dma_wait3A_43 = arith.constant 0 : i32
        %dma_wait3A_44 = tpu.memref_slice %arg17[%dma_wait3A_42, %dma_wait3A_43] : memref<10112x128xf32, #tpu.memory_space<vmem_shared>> -> memref<10112x128xf32, #tpu.memory_space<vmem_shared>>
        tpu.wait_indirect_dma semaphore(%run_scoped3A : memref<!tpu.dma_semaphore, #tpu.memory_space<semaphore_mem>>) src(%arg14 : memref<128x128xf32, #tpu.memory_space<vmem>>) dst(%dma_wait3A_44 : memref<10112x128xf32, #tpu.memory_space<vmem_shared>>)
        tpu.yield
      }) : () -> ()
      "tpu.region"() ({
        %run_scoped3A = tpu.sem_alloc : memref<!tpu.dma_semaphore, #tpu.memory_space<semaphore_mem>>
        %dma_start3A_39 = arith.constant 0 : i32
        %dma_start3A_40 = tpu.memref_slice %arg11[%add3A_34, %dma_start3A_39] : memref<163840x128xf32, #tpu.memory_space<hbm>> -> memref<128x128xf32, #tpu.memory_space<hbm>>
        %dma_start3A_41 = arith.constant 0 : i32
        %dma_start3A_42 = tpu.memref_slice %arg11[%add3A_34, %dma_start3A_41] : memref<163840x128xf32, #tpu.memory_space<hbm>> -> memref<128x128xf32, #tpu.memory_space<hbm>>
        tpu.enqueue_dma source(%arg14 : memref<128x128xf32, #tpu.memory_space<vmem>>) target(%dma_start3A_42 : memref<128x128xf32, #tpu.memory_space<hbm>>) target_semaphore(%run_scoped3A : memref<!tpu.dma_semaphore, #tpu.memory_space<semaphore_mem>>)
        %dma_wait3A_43 = arith.constant 0 : i32
        %dma_wait3A_44 = tpu.memref_slice %arg11[%add3A_34, %dma_wait3A_43] : memref<163840x128xf32, #tpu.memory_space<hbm>> -> memref<128x128xf32, #tpu.memory_space<hbm>>
        %dma_wait3A_45 = arith.constant 0 : i32
        %dma_wait3A_46 = tpu.memref_slice %arg11[%add3A_34, %dma_wait3A_45] : memref<163840x128xf32, #tpu.memory_space<hbm>> -> memref<128x128xf32, #tpu.memory_space<hbm>>
        tpu.wait_dma2 semaphore(%run_scoped3A : memref<!tpu.dma_semaphore, #tpu.memory_space<semaphore_mem>>) src(%arg14 : memref<128x128xf32, #tpu.memory_space<vmem>>) dst(%dma_wait3A_46 : memref<128x128xf32, #tpu.memory_space<hbm>>)
        tpu.yield
      }) : () -> ()
    }
    %scan3A_9 = arith.constant 40 : i32
    %barrier3A_10 = arith.constant 0 : index
    tpu.barrier barrier_id(%barrier3A_10)
    %mul3A_11 = arith.constant 632 : i32
    %mul3A_12 = arith.muli %arg1, %mul3A_11 : i32
    %mul3A_13 = arith.constant 632 : i32
    %mul3A_14 = arith.muli %arg1, %mul3A_13 : i32
    "tpu.region"() ({
      %run_scoped3A = tpu.sem_alloc : memref<!tpu.dma_semaphore, #tpu.memory_space<semaphore_mem>>
      %dma_start3A = arith.constant 0 : i32
      %dma_start3A_31 = tpu.memref_slice %arg9[%arg0, %mul3A_14, %dma_start3A] : memref<2x10112x128xf32, #tpu.memory_space<hbm>> -> memref<1x632x128xf32, #tpu.memory_space<hbm>>
      %dma_start3A_32 = tpu.memref_squeeze %dma_start3A_31 : memref<1x632x128xf32, #tpu.memory_space<hbm>> -> memref<632x128xf32, #tpu.memory_space<hbm>>
      %dma_start3A_33 = arith.constant 0 : i32
      %dma_start3A_34 = tpu.memref_slice %arg17[%mul3A_12, %dma_start3A_33] : memref<10112x128xf32, #tpu.memory_space<vmem_shared>> -> memref<632x128xf32, #tpu.memory_space<vmem_shared>>
      tpu.enqueue_dma source(%dma_start3A_34 : memref<632x128xf32, #tpu.memory_space<vmem_shared>>) target(%dma_start3A_32 : memref<632x128xf32, #tpu.memory_space<hbm>>) target_semaphore(%run_scoped3A : memref<!tpu.dma_semaphore, #tpu.memory_space<semaphore_mem>>)
      %dma_wait3A = arith.constant 0 : i32
      %dma_wait3A_35 = tpu.memref_slice %arg9[%arg0, %mul3A_14, %dma_wait3A] : memref<2x10112x128xf32, #tpu.memory_space<hbm>> -> memref<1x632x128xf32, #tpu.memory_space<hbm>>
      %dma_wait3A_36 = tpu.memref_squeeze %dma_wait3A_35 : memref<1x632x128xf32, #tpu.memory_space<hbm>> -> memref<632x128xf32, #tpu.memory_space<hbm>>
      %dma_wait3A_37 = arith.constant 0 : i32
      %dma_wait3A_38 = tpu.memref_slice %arg17[%mul3A_12, %dma_wait3A_37] : memref<10112x128xf32, #tpu.memory_space<vmem_shared>> -> memref<632x128xf32, #tpu.memory_space<vmem_shared>>
      tpu.wait_dma2 semaphore(%run_scoped3A : memref<!tpu.dma_semaphore, #tpu.memory_space<semaphore_mem>>) src(%dma_wait3A_38 : memref<632x128xf32, #tpu.memory_space<vmem_shared>>) dst(%dma_wait3A_36 : memref<632x128xf32, #tpu.memory_space<hbm>>)
      tpu.yield
    }) : () -> ()
    %barrier3A_15 = arith.constant 0 : index
    tpu.barrier barrier_id(%barrier3A_15)
    %mul3A_16 = arith.constant 632 : i32
    %mul3A_17 = arith.muli %arg1, %mul3A_16 : i32
    "tpu.region"() ({
      %run_scoped3A = tpu.sem_alloc : memref<!tpu.dma_semaphore, #tpu.memory_space<semaphore_mem>>
      %dma_start3A = arith.constant 0 : i32
      %dma_start3A_31 = tpu.memref_slice %arg17[%mul3A_17, %dma_start3A] : memref<10112x128xf32, #tpu.memory_space<vmem_shared>> -> memref<632x128xf32, #tpu.memory_space<vmem_shared>>
      tpu.enqueue_dma source(%arg6 : memref<632x128xf32, #tpu.memory_space<hbm>>) target(%dma_start3A_31 : memref<632x128xf32, #tpu.memory_space<vmem_shared>>) target_semaphore(%run_scoped3A : memref<!tpu.dma_semaphore, #tpu.memory_space<semaphore_mem>>)
      %dma_wait3A = arith.constant 0 : i32
      %dma_wait3A_32 = tpu.memref_slice %arg17[%mul3A_17, %dma_wait3A] : memref<10112x128xf32, #tpu.memory_space<vmem_shared>> -> memref<632x128xf32, #tpu.memory_space<vmem_shared>>
      tpu.wait_dma2 semaphore(%run_scoped3A : memref<!tpu.dma_semaphore, #tpu.memory_space<semaphore_mem>>) src(%arg6 : memref<632x128xf32, #tpu.memory_space<hbm>>) dst(%dma_wait3A_32 : memref<632x128xf32, #tpu.memory_space<vmem_shared>>)
      tpu.yield
    }) : () -> ()
    %barrier3A_18 = arith.constant 0 : index
    tpu.barrier barrier_id(%barrier3A_18)
    %scan3A_19 = arith.constant 0 : i32
    %scan3A_20 = arith.constant 0 : i32
    %scan3A_21 = arith.constant 40 : i32
    %scan3A_22 = arith.addi %scan3A_20, %scan3A_21 : i32
    %scan3A_23 = arith.constant 1 : i32
    scf.for %scan3A_31 = %scan3A_20 to %scan3A_22 step %scan3A_23  : i32 {
      %mul3A_32 = arith.constant 128 : i32
      %mul3A_33 = arith.muli %scan3A_31, %mul3A_32 : i32
      %add3A_34 = arith.addi %mul3A_2, %mul3A_33 : i32
      "tpu.region"() ({
        %run_scoped3A = tpu.sem_alloc : memref<!tpu.dma_semaphore, #tpu.memory_space<semaphore_mem>>
        %dma_start3A_39 = tpu.memref_slice %arg4[%add3A_34] : memref<163840xi32, #tpu.memory_space<hbm>> -> memref<128xi32, #tpu.memory_space<hbm>>
        %dma_start3A_40 = tpu.memref_slice %arg4[%add3A_34] : memref<163840xi32, #tpu.memory_space<hbm>> -> memref<128xi32, #tpu.memory_space<hbm>>
        tpu.enqueue_dma source(%dma_start3A_40 : memref<128xi32, #tpu.memory_space<hbm>>) target(%arg13 : memref<128xi32, #tpu.memory_space<vmem>>) target_semaphore(%run_scoped3A : memref<!tpu.dma_semaphore, #tpu.memory_space<semaphore_mem>>)
        %dma_wait3A_41 = tpu.memref_slice %arg4[%add3A_34] : memref<163840xi32, #tpu.memory_space<hbm>> -> memref<128xi32, #tpu.memory_space<hbm>>
        %dma_wait3A_42 = tpu.memref_slice %arg4[%add3A_34] : memref<163840xi32, #tpu.memory_space<hbm>> -> memref<128xi32, #tpu.memory_space<hbm>>
        tpu.wait_dma2 semaphore(%run_scoped3A : memref<!tpu.dma_semaphore, #tpu.memory_space<semaphore_mem>>) src(%dma_wait3A_42 : memref<128xi32, #tpu.memory_space<hbm>>) dst(%arg13 : memref<128xi32, #tpu.memory_space<vmem>>)
        tpu.yield
      }) : () -> ()
      "tpu.region"() ({
        %run_scoped3A = tpu.sem_alloc : memref<!tpu.dma_semaphore, #tpu.memory_space<semaphore_mem>>
        %dma_start3A_39 = tpu.memref_slice %arg5[%add3A_34] : memref<163840xi32, #tpu.memory_space<hbm>> -> memref<128xi32, #tpu.memory_space<hbm>>
        %dma_start3A_40 = tpu.memref_slice %arg5[%add3A_34] : memref<163840xi32, #tpu.memory_space<hbm>> -> memref<128xi32, #tpu.memory_space<hbm>>
        tpu.enqueue_dma source(%dma_start3A_40 : memref<128xi32, #tpu.memory_space<hbm>>) target(%arg16 : memref<128xi32, #tpu.memory_space<vmem>>) target_semaphore(%run_scoped3A : memref<!tpu.dma_semaphore, #tpu.memory_space<semaphore_mem>>)
        %dma_wait3A_41 = tpu.memref_slice %arg5[%add3A_34] : memref<163840xi32, #tpu.memory_space<hbm>> -> memref<128xi32, #tpu.memory_space<hbm>>
        %dma_wait3A_42 = tpu.memref_slice %arg5[%add3A_34] : memref<163840xi32, #tpu.memory_space<hbm>> -> memref<128xi32, #tpu.memory_space<hbm>>
        tpu.wait_dma2 semaphore(%run_scoped3A : memref<!tpu.dma_semaphore, #tpu.memory_space<semaphore_mem>>) src(%dma_wait3A_42 : memref<128xi32, #tpu.memory_space<hbm>>) dst(%arg16 : memref<128xi32, #tpu.memory_space<vmem>>)
        tpu.yield
      }) : () -> ()
      %dma_start3A = arith.constant 0 : i32
      %dma_start3A_35 = arith.constant 0 : i32
      %dma_start3A_36 = tpu.memref_slice %arg3[%dma_start3A, %dma_start3A_35] : memref<10112x128xf32, #tpu.memory_space<hbm>> -> memref<10112x128xf32, #tpu.memory_space<hbm>>
      tpu.enqueue_indirect_dma source(%dma_start3A_36 : memref<10112x128xf32, #tpu.memory_space<hbm>>) target(%arg14 : memref<128x128xf32, #tpu.memory_space<vmem>>) offsets(%arg16 : memref<128xi32, #tpu.memory_space<vmem>>) semaphore(%arg15 : memref<!tpu.dma_semaphore, #tpu.memory_space<semaphore_mem>>)
      %dma_wait3A = arith.constant 0 : i32
      %dma_wait3A_37 = arith.constant 0 : i32
      %dma_wait3A_38 = tpu.memref_slice %arg3[%dma_wait3A, %dma_wait3A_37] : memref<10112x128xf32, #tpu.memory_space<hbm>> -> memref<10112x128xf32, #tpu.memory_space<hbm>>
      tpu.wait_indirect_dma semaphore(%arg15 : memref<!tpu.dma_semaphore, #tpu.memory_space<semaphore_mem>>) src(%dma_wait3A_38 : memref<10112x128xf32, #tpu.memory_space<hbm>>) dst(%arg14 : memref<128x128xf32, #tpu.memory_space<vmem>>)
      "tpu.region"() ({
        %run_scoped3A = tpu.sem_alloc : memref<!tpu.dma_semaphore, #tpu.memory_space<semaphore_mem>>
        %dma_start3A_39 = arith.constant 0 : i32
        %dma_start3A_40 = arith.constant 0 : i32
        %dma_start3A_41 = tpu.memref_slice %arg17[%dma_start3A_39, %dma_start3A_40] : memref<10112x128xf32, #tpu.memory_space<vmem_shared>> -> memref<10112x128xf32, #tpu.memory_space<vmem_shared>>
        tpu.enqueue_indirect_dma source(%arg14 : memref<128x128xf32, #tpu.memory_space<vmem>>) target(%dma_start3A_41 : memref<10112x128xf32, #tpu.memory_space<vmem_shared>>) offsets(%arg13 : memref<128xi32, #tpu.memory_space<vmem>>) semaphore(%run_scoped3A : memref<!tpu.dma_semaphore, #tpu.memory_space<semaphore_mem>>) {add = true}
        %dma_wait3A_42 = arith.constant 0 : i32
        %dma_wait3A_43 = arith.constant 0 : i32
        %dma_wait3A_44 = tpu.memref_slice %arg17[%dma_wait3A_42, %dma_wait3A_43] : memref<10112x128xf32, #tpu.memory_space<vmem_shared>> -> memref<10112x128xf32, #tpu.memory_space<vmem_shared>>
        tpu.wait_indirect_dma semaphore(%run_scoped3A : memref<!tpu.dma_semaphore, #tpu.memory_space<semaphore_mem>>) src(%arg14 : memref<128x128xf32, #tpu.memory_space<vmem>>) dst(%dma_wait3A_44 : memref<10112x128xf32, #tpu.memory_space<vmem_shared>>)
        tpu.yield
      }) : () -> ()
      "tpu.region"() ({
        %run_scoped3A = tpu.sem_alloc : memref<!tpu.dma_semaphore, #tpu.memory_space<semaphore_mem>>
        %dma_start3A_39 = arith.constant 0 : i32
        %dma_start3A_40 = tpu.memref_slice %arg12[%add3A_34, %dma_start3A_39] : memref<163840x128xf32, #tpu.memory_space<hbm>> -> memref<128x128xf32, #tpu.memory_space<hbm>>
        %dma_start3A_41 = arith.constant 0 : i32
        %dma_start3A_42 = tpu.memref_slice %arg12[%add3A_34, %dma_start3A_41] : memref<163840x128xf32, #tpu.memory_space<hbm>> -> memref<128x128xf32, #tpu.memory_space<hbm>>
        tpu.enqueue_dma source(%arg14 : memref<128x128xf32, #tpu.memory_space<vmem>>) target(%dma_start3A_42 : memref<128x128xf32, #tpu.memory_space<hbm>>) target_semaphore(%run_scoped3A : memref<!tpu.dma_semaphore, #tpu.memory_space<semaphore_mem>>)
        %dma_wait3A_43 = arith.constant 0 : i32
        %dma_wait3A_44 = tpu.memref_slice %arg12[%add3A_34, %dma_wait3A_43] : memref<163840x128xf32, #tpu.memory_space<hbm>> -> memref<128x128xf32, #tpu.memory_space<hbm>>
        %dma_wait3A_45 = arith.constant 0 : i32
        %dma_wait3A_46 = tpu.memref_slice %arg12[%add3A_34, %dma_wait3A_45] : memref<163840x128xf32, #tpu.memory_space<hbm>> -> memref<128x128xf32, #tpu.memory_space<hbm>>
        tpu.wait_dma2 semaphore(%run_scoped3A : memref<!tpu.dma_semaphore, #tpu.memory_space<semaphore_mem>>) src(%arg14 : memref<128x128xf32, #tpu.memory_space<vmem>>) dst(%dma_wait3A_46 : memref<128x128xf32, #tpu.memory_space<hbm>>)
        tpu.yield
      }) : () -> ()
    }
    %scan3A_24 = arith.constant 40 : i32
    %barrier3A_25 = arith.constant 0 : index
    tpu.barrier barrier_id(%barrier3A_25)
    %mul3A_26 = arith.constant 632 : i32
    %mul3A_27 = arith.muli %arg1, %mul3A_26 : i32
    %mul3A_28 = arith.constant 632 : i32
    %mul3A_29 = arith.muli %arg1, %mul3A_28 : i32
    "tpu.region"() ({
      %run_scoped3A = tpu.sem_alloc : memref<!tpu.dma_semaphore, #tpu.memory_space<semaphore_mem>>
      %dma_start3A = arith.constant 0 : i32
      %dma_start3A_31 = tpu.memref_slice %arg10[%arg0, %mul3A_29, %dma_start3A] : memref<2x10112x128xf32, #tpu.memory_space<hbm>> -> memref<1x632x128xf32, #tpu.memory_space<hbm>>
      %dma_start3A_32 = tpu.memref_squeeze %dma_start3A_31 : memref<1x632x128xf32, #tpu.memory_space<hbm>> -> memref<632x128xf32, #tpu.memory_space<hbm>>
      %dma_start3A_33 = arith.constant 0 : i32
      %dma_start3A_34 = tpu.memref_slice %arg17[%mul3A_27, %dma_start3A_33] : memref<10112x128xf32, #tpu.memory_space<vmem_shared>> -> memref<632x128xf32, #tpu.memory_space<vmem_shared>>
      tpu.enqueue_dma source(%dma_start3A_34 : memref<632x128xf32, #tpu.memory_space<vmem_shared>>) target(%dma_start3A_32 : memref<632x128xf32, #tpu.memory_space<hbm>>) target_semaphore(%run_scoped3A : memref<!tpu.dma_semaphore, #tpu.memory_space<semaphore_mem>>)
      %dma_wait3A = arith.constant 0 : i32
      %dma_wait3A_35 = tpu.memref_slice %arg10[%arg0, %mul3A_29, %dma_wait3A] : memref<2x10112x128xf32, #tpu.memory_space<hbm>> -> memref<1x632x128xf32, #tpu.memory_space<hbm>>
      %dma_wait3A_36 = tpu.memref_squeeze %dma_wait3A_35 : memref<1x632x128xf32, #tpu.memory_space<hbm>> -> memref<632x128xf32, #tpu.memory_space<hbm>>
      %dma_wait3A_37 = arith.constant 0 : i32
      %dma_wait3A_38 = tpu.memref_slice %arg17[%mul3A_27, %dma_wait3A_37] : memref<10112x128xf32, #tpu.memory_space<vmem_shared>> -> memref<632x128xf32, #tpu.memory_space<vmem_shared>>
      tpu.wait_dma2 semaphore(%run_scoped3A : memref<!tpu.dma_semaphore, #tpu.memory_space<semaphore_mem>>) src(%dma_wait3A_38 : memref<632x128xf32, #tpu.memory_space<vmem_shared>>) dst(%dma_wait3A_36 : memref<632x128xf32, #tpu.memory_space<hbm>>)
      tpu.yield
    }) : () -> ()
    %barrier3A_30 = arith.constant 0 : index
    tpu.barrier barrier_id(%barrier3A_30)
    return
  }
}

#map = affine_map<(d0, d1) -> (0, 0)>
#map1 = affine_map<(d0, d1) -> (0)>
module attributes {stable_mosaic.version = 14 : i64} {
  func.func @k(%arg0: i32, %arg1: i32, %arg2: memref<10112x128xf32, #tpu.memory_space<hbm>>, %arg3: memref<10112x128xf32, #tpu.memory_space<hbm>>, %arg4: memref<163840xi32, #tpu.memory_space<hbm>>, %arg5: memref<163840xi32, #tpu.memory_space<hbm>>, %arg6: memref<632x128xf32, #tpu.memory_space<hbm>>, %arg7: memref<632x16xf32, #tpu.memory_space<hbm>>, %arg8: memref<128x16xf32, #tpu.memory_space<hbm>>, %arg9: memref<163840x128xf32, #tpu.memory_space<hbm>>, %arg10: memref<163840x128xf32, #tpu.memory_space<hbm>>, %arg11: memref<128xi32, #tpu.memory_space<vmem>>, %arg12: memref<128x128xf32, #tpu.memory_space<vmem>>, %arg13: memref<!tpu.dma_semaphore, #tpu.memory_space<semaphore_mem>>, %arg14: memref<128xi32, #tpu.memory_space<vmem>>) attributes {dimension_semantics = [#tpu.dimension_semantics<core_parallel>, #tpu.dimension_semantics<subcore_parallel>], iteration_bounds = array<i64: 2, 16>, scalar_prefetch = 0 : i64, scratch_operands = 4 : i64, tpu.core_type = #tpu.core_type<sc_vector_subcore>, window_params = [{transform_indices = #map}, {transform_indices = #map}, {transform_indices = #map1}, {transform_indices = #map1}, {transform_indices = #map}, {transform_indices = #map}, {transform_indices = #map}, {transform_indices = #map}, {transform_indices = #map}]} {
    %mul3A = arith.constant 2 : i32
    %mul3A_0 = arith.muli %arg1, %mul3A : i32
    %add3A = arith.addi %mul3A_0, %arg0 : i32
    %mul3A_1 = arith.constant 5120 : i32
    %mul3A_2 = arith.muli %add3A, %mul3A_1 : i32
    %scan3A = arith.constant 0 : i32
    %scan3A_3 = arith.constant 0 : i32
    %scan3A_4 = arith.constant 40 : i32
    %scan3A_5 = arith.addi %scan3A_3, %scan3A_4 : i32
    %scan3A_6 = arith.constant 1 : i32
    scf.for %scan3A_14 = %scan3A_3 to %scan3A_5 step %scan3A_6  : i32 {
      %mul3A_15 = arith.constant 128 : i32
      %mul3A_16 = arith.muli %scan3A_14, %mul3A_15 : i32
      %add3A_17 = arith.addi %mul3A_2, %mul3A_16 : i32
      "tpu.region"() ({
        %run_scoped3A = tpu.sem_alloc : memref<!tpu.dma_semaphore, #tpu.memory_space<semaphore_mem>>
        %dma_start3A_22 = tpu.memref_slice %arg4[%add3A_17] : memref<163840xi32, #tpu.memory_space<hbm>> -> memref<128xi32, #tpu.memory_space<hbm>>
        %dma_start3A_23 = tpu.memref_slice %arg4[%add3A_17] : memref<163840xi32, #tpu.memory_space<hbm>> -> memref<128xi32, #tpu.memory_space<hbm>>
        tpu.enqueue_dma source(%dma_start3A_23 : memref<128xi32, #tpu.memory_space<hbm>>) target(%arg11 : memref<128xi32, #tpu.memory_space<vmem>>) target_semaphore(%run_scoped3A : memref<!tpu.dma_semaphore, #tpu.memory_space<semaphore_mem>>)
        %dma_wait3A_24 = tpu.memref_slice %arg4[%add3A_17] : memref<163840xi32, #tpu.memory_space<hbm>> -> memref<128xi32, #tpu.memory_space<hbm>>
        %dma_wait3A_25 = tpu.memref_slice %arg4[%add3A_17] : memref<163840xi32, #tpu.memory_space<hbm>> -> memref<128xi32, #tpu.memory_space<hbm>>
        tpu.wait_dma2 semaphore(%run_scoped3A : memref<!tpu.dma_semaphore, #tpu.memory_space<semaphore_mem>>) src(%dma_wait3A_25 : memref<128xi32, #tpu.memory_space<hbm>>) dst(%arg11 : memref<128xi32, #tpu.memory_space<vmem>>)
        tpu.yield
      }) : () -> ()
      "tpu.region"() ({
        %run_scoped3A = tpu.sem_alloc : memref<!tpu.dma_semaphore, #tpu.memory_space<semaphore_mem>>
        %dma_start3A_22 = tpu.memref_slice %arg5[%add3A_17] : memref<163840xi32, #tpu.memory_space<hbm>> -> memref<128xi32, #tpu.memory_space<hbm>>
        %dma_start3A_23 = tpu.memref_slice %arg5[%add3A_17] : memref<163840xi32, #tpu.memory_space<hbm>> -> memref<128xi32, #tpu.memory_space<hbm>>
        tpu.enqueue_dma source(%dma_start3A_23 : memref<128xi32, #tpu.memory_space<hbm>>) target(%arg14 : memref<128xi32, #tpu.memory_space<vmem>>) target_semaphore(%run_scoped3A : memref<!tpu.dma_semaphore, #tpu.memory_space<semaphore_mem>>)
        %dma_wait3A_24 = tpu.memref_slice %arg5[%add3A_17] : memref<163840xi32, #tpu.memory_space<hbm>> -> memref<128xi32, #tpu.memory_space<hbm>>
        %dma_wait3A_25 = tpu.memref_slice %arg5[%add3A_17] : memref<163840xi32, #tpu.memory_space<hbm>> -> memref<128xi32, #tpu.memory_space<hbm>>
        tpu.wait_dma2 semaphore(%run_scoped3A : memref<!tpu.dma_semaphore, #tpu.memory_space<semaphore_mem>>) src(%dma_wait3A_25 : memref<128xi32, #tpu.memory_space<hbm>>) dst(%arg14 : memref<128xi32, #tpu.memory_space<vmem>>)
        tpu.yield
      }) : () -> ()
      %dma_start3A = arith.constant 0 : i32
      %dma_start3A_18 = arith.constant 0 : i32
      %dma_start3A_19 = tpu.memref_slice %arg2[%dma_start3A, %dma_start3A_18] : memref<10112x128xf32, #tpu.memory_space<hbm>> -> memref<10112x128xf32, #tpu.memory_space<hbm>>
      tpu.enqueue_indirect_dma source(%dma_start3A_19 : memref<10112x128xf32, #tpu.memory_space<hbm>>) target(%arg12 : memref<128x128xf32, #tpu.memory_space<vmem>>) offsets(%arg14 : memref<128xi32, #tpu.memory_space<vmem>>) semaphore(%arg13 : memref<!tpu.dma_semaphore, #tpu.memory_space<semaphore_mem>>)
      %dma_wait3A = arith.constant 0 : i32
      %dma_wait3A_20 = arith.constant 0 : i32
      %dma_wait3A_21 = tpu.memref_slice %arg2[%dma_wait3A, %dma_wait3A_20] : memref<10112x128xf32, #tpu.memory_space<hbm>> -> memref<10112x128xf32, #tpu.memory_space<hbm>>
      tpu.wait_indirect_dma semaphore(%arg13 : memref<!tpu.dma_semaphore, #tpu.memory_space<semaphore_mem>>) src(%dma_wait3A_21 : memref<10112x128xf32, #tpu.memory_space<hbm>>) dst(%arg12 : memref<128x128xf32, #tpu.memory_space<vmem>>)
      "tpu.region"() ({
        %run_scoped3A = tpu.sem_alloc : memref<!tpu.dma_semaphore, #tpu.memory_space<semaphore_mem>>
        %dma_start3A_22 = arith.constant 0 : i32
        %dma_start3A_23 = tpu.memref_slice %arg9[%add3A_17, %dma_start3A_22] : memref<163840x128xf32, #tpu.memory_space<hbm>> -> memref<128x128xf32, #tpu.memory_space<hbm>>
        %dma_start3A_24 = arith.constant 0 : i32
        %dma_start3A_25 = tpu.memref_slice %arg9[%add3A_17, %dma_start3A_24] : memref<163840x128xf32, #tpu.memory_space<hbm>> -> memref<128x128xf32, #tpu.memory_space<hbm>>
        tpu.enqueue_dma source(%arg12 : memref<128x128xf32, #tpu.memory_space<vmem>>) target(%dma_start3A_25 : memref<128x128xf32, #tpu.memory_space<hbm>>) target_semaphore(%run_scoped3A : memref<!tpu.dma_semaphore, #tpu.memory_space<semaphore_mem>>)
        %dma_wait3A_26 = arith.constant 0 : i32
        %dma_wait3A_27 = tpu.memref_slice %arg9[%add3A_17, %dma_wait3A_26] : memref<163840x128xf32, #tpu.memory_space<hbm>> -> memref<128x128xf32, #tpu.memory_space<hbm>>
        %dma_wait3A_28 = arith.constant 0 : i32
        %dma_wait3A_29 = tpu.memref_slice %arg9[%add3A_17, %dma_wait3A_28] : memref<163840x128xf32, #tpu.memory_space<hbm>> -> memref<128x128xf32, #tpu.memory_space<hbm>>
        tpu.wait_dma2 semaphore(%run_scoped3A : memref<!tpu.dma_semaphore, #tpu.memory_space<semaphore_mem>>) src(%arg12 : memref<128x128xf32, #tpu.memory_space<vmem>>) dst(%dma_wait3A_29 : memref<128x128xf32, #tpu.memory_space<hbm>>)
        tpu.yield
      }) : () -> ()
    }
    %scan3A_7 = arith.constant 40 : i32
    %scan3A_8 = arith.constant 0 : i32
    %scan3A_9 = arith.constant 0 : i32
    %scan3A_10 = arith.constant 40 : i32
    %scan3A_11 = arith.addi %scan3A_9, %scan3A_10 : i32
    %scan3A_12 = arith.constant 1 : i32
    scf.for %scan3A_14 = %scan3A_9 to %scan3A_11 step %scan3A_12  : i32 {
      %mul3A_15 = arith.constant 128 : i32
      %mul3A_16 = arith.muli %scan3A_14, %mul3A_15 : i32
      %add3A_17 = arith.addi %mul3A_2, %mul3A_16 : i32
      "tpu.region"() ({
        %run_scoped3A = tpu.sem_alloc : memref<!tpu.dma_semaphore, #tpu.memory_space<semaphore_mem>>
        %dma_start3A_22 = tpu.memref_slice %arg4[%add3A_17] : memref<163840xi32, #tpu.memory_space<hbm>> -> memref<128xi32, #tpu.memory_space<hbm>>
        %dma_start3A_23 = tpu.memref_slice %arg4[%add3A_17] : memref<163840xi32, #tpu.memory_space<hbm>> -> memref<128xi32, #tpu.memory_space<hbm>>
        tpu.enqueue_dma source(%dma_start3A_23 : memref<128xi32, #tpu.memory_space<hbm>>) target(%arg11 : memref<128xi32, #tpu.memory_space<vmem>>) target_semaphore(%run_scoped3A : memref<!tpu.dma_semaphore, #tpu.memory_space<semaphore_mem>>)
        %dma_wait3A_24 = tpu.memref_slice %arg4[%add3A_17] : memref<163840xi32, #tpu.memory_space<hbm>> -> memref<128xi32, #tpu.memory_space<hbm>>
        %dma_wait3A_25 = tpu.memref_slice %arg4[%add3A_17] : memref<163840xi32, #tpu.memory_space<hbm>> -> memref<128xi32, #tpu.memory_space<hbm>>
        tpu.wait_dma2 semaphore(%run_scoped3A : memref<!tpu.dma_semaphore, #tpu.memory_space<semaphore_mem>>) src(%dma_wait3A_25 : memref<128xi32, #tpu.memory_space<hbm>>) dst(%arg11 : memref<128xi32, #tpu.memory_space<vmem>>)
        tpu.yield
      }) : () -> ()
      "tpu.region"() ({
        %run_scoped3A = tpu.sem_alloc : memref<!tpu.dma_semaphore, #tpu.memory_space<semaphore_mem>>
        %dma_start3A_22 = tpu.memref_slice %arg5[%add3A_17] : memref<163840xi32, #tpu.memory_space<hbm>> -> memref<128xi32, #tpu.memory_space<hbm>>
        %dma_start3A_23 = tpu.memref_slice %arg5[%add3A_17] : memref<163840xi32, #tpu.memory_space<hbm>> -> memref<128xi32, #tpu.memory_space<hbm>>
        tpu.enqueue_dma source(%dma_start3A_23 : memref<128xi32, #tpu.memory_space<hbm>>) target(%arg14 : memref<128xi32, #tpu.memory_space<vmem>>) target_semaphore(%run_scoped3A : memref<!tpu.dma_semaphore, #tpu.memory_space<semaphore_mem>>)
        %dma_wait3A_24 = tpu.memref_slice %arg5[%add3A_17] : memref<163840xi32, #tpu.memory_space<hbm>> -> memref<128xi32, #tpu.memory_space<hbm>>
        %dma_wait3A_25 = tpu.memref_slice %arg5[%add3A_17] : memref<163840xi32, #tpu.memory_space<hbm>> -> memref<128xi32, #tpu.memory_space<hbm>>
        tpu.wait_dma2 semaphore(%run_scoped3A : memref<!tpu.dma_semaphore, #tpu.memory_space<semaphore_mem>>) src(%dma_wait3A_25 : memref<128xi32, #tpu.memory_space<hbm>>) dst(%arg14 : memref<128xi32, #tpu.memory_space<vmem>>)
        tpu.yield
      }) : () -> ()
      %dma_start3A = arith.constant 0 : i32
      %dma_start3A_18 = arith.constant 0 : i32
      %dma_start3A_19 = tpu.memref_slice %arg3[%dma_start3A, %dma_start3A_18] : memref<10112x128xf32, #tpu.memory_space<hbm>> -> memref<10112x128xf32, #tpu.memory_space<hbm>>
      tpu.enqueue_indirect_dma source(%dma_start3A_19 : memref<10112x128xf32, #tpu.memory_space<hbm>>) target(%arg12 : memref<128x128xf32, #tpu.memory_space<vmem>>) offsets(%arg14 : memref<128xi32, #tpu.memory_space<vmem>>) semaphore(%arg13 : memref<!tpu.dma_semaphore, #tpu.memory_space<semaphore_mem>>)
      %dma_wait3A = arith.constant 0 : i32
      %dma_wait3A_20 = arith.constant 0 : i32
      %dma_wait3A_21 = tpu.memref_slice %arg3[%dma_wait3A, %dma_wait3A_20] : memref<10112x128xf32, #tpu.memory_space<hbm>> -> memref<10112x128xf32, #tpu.memory_space<hbm>>
      tpu.wait_indirect_dma semaphore(%arg13 : memref<!tpu.dma_semaphore, #tpu.memory_space<semaphore_mem>>) src(%dma_wait3A_21 : memref<10112x128xf32, #tpu.memory_space<hbm>>) dst(%arg12 : memref<128x128xf32, #tpu.memory_space<vmem>>)
      "tpu.region"() ({
        %run_scoped3A = tpu.sem_alloc : memref<!tpu.dma_semaphore, #tpu.memory_space<semaphore_mem>>
        %dma_start3A_22 = arith.constant 0 : i32
        %dma_start3A_23 = tpu.memref_slice %arg10[%add3A_17, %dma_start3A_22] : memref<163840x128xf32, #tpu.memory_space<hbm>> -> memref<128x128xf32, #tpu.memory_space<hbm>>
        %dma_start3A_24 = arith.constant 0 : i32
        %dma_start3A_25 = tpu.memref_slice %arg10[%add3A_17, %dma_start3A_24] : memref<163840x128xf32, #tpu.memory_space<hbm>> -> memref<128x128xf32, #tpu.memory_space<hbm>>
        tpu.enqueue_dma source(%arg12 : memref<128x128xf32, #tpu.memory_space<vmem>>) target(%dma_start3A_25 : memref<128x128xf32, #tpu.memory_space<hbm>>) target_semaphore(%run_scoped3A : memref<!tpu.dma_semaphore, #tpu.memory_space<semaphore_mem>>)
        %dma_wait3A_26 = arith.constant 0 : i32
        %dma_wait3A_27 = tpu.memref_slice %arg10[%add3A_17, %dma_wait3A_26] : memref<163840x128xf32, #tpu.memory_space<hbm>> -> memref<128x128xf32, #tpu.memory_space<hbm>>
        %dma_wait3A_28 = arith.constant 0 : i32
        %dma_wait3A_29 = tpu.memref_slice %arg10[%add3A_17, %dma_wait3A_28] : memref<163840x128xf32, #tpu.memory_space<hbm>> -> memref<128x128xf32, #tpu.memory_space<hbm>>
        tpu.wait_dma2 semaphore(%run_scoped3A : memref<!tpu.dma_semaphore, #tpu.memory_space<semaphore_mem>>) src(%arg12 : memref<128x128xf32, #tpu.memory_space<vmem>>) dst(%dma_wait3A_29 : memref<128x128xf32, #tpu.memory_space<hbm>>)
        tpu.yield
      }) : () -> ()
    }
    %scan3A_13 = arith.constant 40 : i32
    return
  }
}

module attributes {stable_mosaic.version = 14 : i64} {
  func.func @_mm_leaky_body(%arg0: i32, %arg1: memref<1024x18xf32, #tpu.memory_space<vmem>>, %arg2: memref<18x64xf32, #tpu.memory_space<vmem>>, %arg3: memref<1x64xf32, #tpu.memory_space<vmem>>, %arg4: memref<1024x64xf32, #tpu.memory_space<vmem>>) attributes {dimension_semantics = [#tpu.dimension_semantics<arbitrary>], iteration_bounds = array<i64: 144>, scalar_prefetch = 0 : i64, scratch_operands = 0 : i64, tpu.core_type = #tpu.core_type<tc>, window_params = [{transform_indices = @transform_0, window_bounds = array<i64: 1024, 18>}, {pipeline_mode = #tpu.pipeline_mode<synchronous>, transform_indices = @transform_1, window_bounds = array<i64: 18, 64>}, {pipeline_mode = #tpu.pipeline_mode<synchronous>, transform_indices = @transform_2, window_bounds = array<i64: 1, 64>}, {transform_indices = @transform_3, window_bounds = array<i64: 1024, 64>}]} {
    %get3A = arith.constant 0 : index
    %get3A_0 = arith.constant 0 : index
    %get3A_1 = vector.load %arg1[%get3A, %get3A_0] : memref<1024x18xf32, #tpu.memory_space<vmem>>, vector<1024x18xf32>
    %get3A_2 = arith.constant 0 : index
    %get3A_3 = arith.constant 0 : index
    %get3A_4 = vector.load %arg2[%get3A_2, %get3A_3] : memref<18x64xf32, #tpu.memory_space<vmem>>, vector<18x64xf32>
    %dot_general3A = arith.constant dense<0.000000e+00> : vector<1024x64xf32>
    %dot_general3A_5 = tpu.matmul %get3A_1, %get3A_4, %dot_general3A {dimension_numbers = #tpu.dot_dimension_numbers<[1], [0], [0], [1], [0, 0, 1, 1], [], []>, transpose_lhs_hint = false} : vector<1024x18xf32>, vector<18x64xf32>, vector<1024x64xf32> -> vector<1024x64xf32>
    %get3A_6 = arith.constant 0 : index
    %get3A_7 = arith.constant 0 : index
    %get3A_8 = vector.load %arg3[%get3A_6, %get3A_7] : memref<1x64xf32, #tpu.memory_space<vmem>>, vector<1x64xf32>
    %add3A = vector.broadcast %get3A_8 : vector<1x64xf32> to vector<1024x64xf32>
    %add3A_9 = arith.addf %dot_general3A_5, %add3A : vector<1024x64xf32>
    %ge3A = arith.constant 0.000000e+00 : f32
    %ge3A_10 = vector.broadcast %ge3A : f32 to vector<1024x64xf32>
    %ge3A_11 = arith.cmpf oge, %add3A_9, %ge3A_10 : vector<1024x64xf32>
    %mul3A = arith.constant 0.00999999977 : f32
    %mul3A_12 = vector.broadcast %mul3A : f32 to vector<1024x64xf32>
    %mul3A_13 = arith.mulf %mul3A_12, %add3A_9 : vector<1024x64xf32>
    %select_n3A = arith.select %ge3A_11, %add3A_9, %mul3A_13 : vector<1024x64xi1>, vector<1024x64xf32>
    %swap3A = arith.constant 0 : index
    %swap3A_14 = arith.constant 0 : index
    %swap3A_15 = vector.load %arg4[%swap3A, %swap3A_14] : memref<1024x64xf32, #tpu.memory_space<vmem>>, vector<1024x64xf32>
    tpu.vector_store %arg4[%swap3A, %swap3A_14], %select_n3A {strides = array<i32>} : memref<1024x64xf32, #tpu.memory_space<vmem>>, vector<1024x64xf32>,
    return
  }
  func.func @transform_0(%arg0: i32) -> (i32, i32) {
    %c0_i32 = arith.constant 0 : i32
    %c0_i32_0 = arith.constant 0 : i32
    return %arg0, %c0_i32 : i32, i32
  }
  func.func @transform_1(%arg0: i32) -> (i32, i32) {
    %c0_i32 = arith.constant 0 : i32
    %c0_i32_0 = arith.constant 0 : i32
    %c0_i32_1 = arith.constant 0 : i32
    return %c0_i32, %c0_i32_0 : i32, i32
  }
  func.func @transform_2(%arg0: i32) -> (i32, i32) {
    %c0_i32 = arith.constant 0 : i32
    %c0_i32_0 = arith.constant 0 : i32
    %c0_i32_1 = arith.constant 0 : i32
    return %c0_i32, %c0_i32_0 : i32, i32
  }
  func.func @transform_3(%arg0: i32) -> (i32, i32) {
    %c0_i32 = arith.constant 0 : i32
    %c0_i32_0 = arith.constant 0 : i32
    return %arg0, %c0_i32 : i32, i32
  }
}

module attributes {stable_mosaic.version = 14 : i64} {
  func.func @_mm_leaky2_body(%arg0: i32, %arg1: memref<1024x576xf32, #tpu.memory_space<vmem>>, %arg2: memref<576x256xf32, #tpu.memory_space<vmem>>, %arg3: memref<1x256xf32, #tpu.memory_space<vmem>>, %arg4: memref<1024x128xf32, #tpu.memory_space<vmem>>, %arg5: memref<1024x128xf32, #tpu.memory_space<vmem>>) attributes {dimension_semantics = [#tpu.dimension_semantics<arbitrary>], iteration_bounds = array<i64: 144>, scalar_prefetch = 0 : i64, scratch_operands = 0 : i64, tpu.core_type = #tpu.core_type<tc>, window_params = [{transform_indices = @transform_0, window_bounds = array<i64: 1024, 576>}, {pipeline_mode = #tpu.pipeline_mode<synchronous>, transform_indices = @transform_1, window_bounds = array<i64: 576, 256>}, {pipeline_mode = #tpu.pipeline_mode<synchronous>, transform_indices = @transform_2, window_bounds = array<i64: 1, 256>}, {transform_indices = @transform_3, window_bounds = array<i64: 1024, 128>}, {transform_indices = @transform_4, window_bounds = array<i64: 1024, 128>}]} {
    %get3A = arith.constant 0 : index
    %get3A_0 = arith.constant 0 : index
    %get3A_1 = vector.load %arg1[%get3A, %get3A_0] : memref<1024x576xf32, #tpu.memory_space<vmem>>, vector<1024x576xf32>
    %get3A_2 = arith.constant 0 : index
    %get3A_3 = arith.constant 0 : index
    %get3A_4 = vector.load %arg2[%get3A_2, %get3A_3] : memref<576x256xf32, #tpu.memory_space<vmem>>, vector<576x256xf32>
    %dot_general3A = arith.constant dense<0.000000e+00> : vector<1024x256xf32>
    %dot_general3A_5 = tpu.matmul %get3A_1, %get3A_4, %dot_general3A {dimension_numbers = #tpu.dot_dimension_numbers<[1], [0], [0], [1], [0, 0, 1, 1], [], []>, transpose_lhs_hint = false} : vector<1024x576xf32>, vector<576x256xf32>, vector<1024x256xf32> -> vector<1024x256xf32>
    %get3A_6 = arith.constant 0 : index
    %get3A_7 = arith.constant 0 : index
    %get3A_8 = vector.load %arg3[%get3A_6, %get3A_7] : memref<1x256xf32, #tpu.memory_space<vmem>>, vector<1x256xf32>
    %add3A = vector.broadcast %get3A_8 : vector<1x256xf32> to vector<1024x256xf32>
    %add3A_9 = arith.addf %dot_general3A_5, %add3A : vector<1024x256xf32>
    %ge3A = arith.constant 0.000000e+00 : f32
    %ge3A_10 = vector.broadcast %ge3A : f32 to vector<1024x256xf32>
    %ge3A_11 = arith.cmpf oge, %add3A_9, %ge3A_10 : vector<1024x256xf32>
    %mul3A = arith.constant 0.00999999977 : f32
    %mul3A_12 = vector.broadcast %mul3A : f32 to vector<1024x256xf32>
    %mul3A_13 = arith.mulf %mul3A_12, %add3A_9 : vector<1024x256xf32>
    %select_n3A = arith.select %ge3A_11, %add3A_9, %mul3A_13 : vector<1024x256xi1>, vector<1024x256xf32>
    %slice3A = vector.extract_strided_slice %select_n3A {offsets = [0, 0], sizes = [1024, 128], strides = [1, 1]} : vector<1024x256xf32> to vector<1024x128xf32>
    %swap3A = arith.constant 0 : index
    %swap3A_14 = arith.constant 0 : index
    %swap3A_15 = vector.load %arg4[%swap3A, %swap3A_14] : memref<1024x128xf32, #tpu.memory_space<vmem>>, vector<1024x128xf32>
    tpu.vector_store %arg4[%swap3A, %swap3A_14], %slice3A {strides = array<i32>} : memref<1024x128xf32, #tpu.memory_space<vmem>>, vector<1024x128xf32>,
    %slice3A_16 = vector.extract_strided_slice %select_n3A {offsets = [0, 128], sizes = [1024, 128], strides = [1, 1]} : vector<1024x256xf32> to vector<1024x128xf32>
    %swap3A_17 = arith.constant 0 : index
    %swap3A_18 = arith.constant 0 : index
    %swap3A_19 = vector.load %arg5[%swap3A_17, %swap3A_18] : memref<1024x128xf32, #tpu.memory_space<vmem>>, vector<1024x128xf32>
    tpu.vector_store %arg5[%swap3A_17, %swap3A_18], %slice3A_16 {strides = array<i32>} : memref<1024x128xf32, #tpu.memory_space<vmem>>, vector<1024x128xf32>,
    return
  }
  func.func @transform_0(%arg0: i32) -> (i32, i32) {
    %c0_i32 = arith.constant 0 : i32
    %c0_i32_0 = arith.constant 0 : i32
    return %arg0, %c0_i32 : i32, i32
  }
  func.func @transform_1(%arg0: i32) -> (i32, i32) {
    %c0_i32 = arith.constant 0 : i32
    %c0_i32_0 = arith.constant 0 : i32
    %c0_i32_1 = arith.constant 0 : i32
    return %c0_i32, %c0_i32_0 : i32, i32
  }
  func.func @transform_2(%arg0: i32) -> (i32, i32) {
    %c0_i32 = arith.constant 0 : i32
    %c0_i32_0 = arith.constant 0 : i32
    %c0_i32_1 = arith.constant 0 : i32
    return %c0_i32, %c0_i32_0 : i32, i32
  }
  func.func @transform_3(%arg0: i32) -> (i32, i32) {
    %c0_i32 = arith.constant 0 : i32
    %c0_i32_0 = arith.constant 0 : i32
    return %arg0, %c0_i32 : i32, i32
  }
  func.func @transform_4(%arg0: i32) -> (i32, i32) {
    %c0_i32 = arith.constant 0 : i32
    %c0_i32_0 = arith.constant 0 : i32
    return %arg0, %c0_i32 : i32, i32
  }
}

module attributes {stable_mosaic.version = 14 : i64} {
  func.func @_segdiv2_body(%arg0: i32, %arg1: memref<2x632x128xf32, #tpu.memory_space<vmem>>, %arg2: memref<2x632x128xf32, #tpu.memory_space<vmem>>, %arg3: memref<632x1xf32, #tpu.memory_space<vmem>>, %arg4: memref<632x128xf32, #tpu.memory_space<vmem>>, %arg5: memref<632x128xf32, #tpu.memory_space<vmem>>) attributes {dimension_semantics = [#tpu.dimension_semantics<arbitrary>], iteration_bounds = array<i64: 16>, scalar_prefetch = 0 : i64, scratch_operands = 0 : i64, tpu.core_type = #tpu.core_type<tc>, window_params = [{transform_indices = @transform_0, window_bounds = array<i64: 2, 632, 128>}, {transform_indices = @transform_1, window_bounds = array<i64: 2, 632, 128>}, {transform_indices = @transform_2, window_bounds = array<i64: 632, 1>}, {transform_indices = @transform_3, window_bounds = array<i64: 632, 128>}, {transform_indices = @transform_4, window_bounds = array<i64: 632, 128>}]} {
    %get3A = arith.constant 0 : index
    %get3A_0 = arith.constant 0 : index
    %get3A_1 = vector.load %arg3[%get3A, %get3A_0] : memref<632x1xf32, #tpu.memory_space<vmem>>, vector<632x1xf32>
    %max3A = arith.constant 1.000000e+00 : f32
    %max3A_2 = vector.broadcast %max3A : f32 to vector<632x1xf32>
    %max3A_3 = arith.maximumf %get3A_1, %max3A_2 : vector<632x1xf32>
    %get3A_4 = arith.constant 0 : index
    %get3A_5 = arith.constant 0 : index
    %get3A_6 = arith.constant 0 : index
    %get3A_7 = vector.load %arg1[%get3A_4, %get3A_5, %get3A_6] : memref<2x632x128xf32, #tpu.memory_space<vmem>>, vector<1x632x128xf32>
    %get3A_8 = vector.shape_cast %get3A_7 : vector<1x632x128xf32> to vector<632x128xf32>
    %get3A_9 = arith.constant 1 : index
    %get3A_10 = arith.constant 0 : index
    %get3A_11 = arith.constant 0 : index
    %get3A_12 = vector.load %arg1[%get3A_9, %get3A_10, %get3A_11] : memref<2x632x128xf32, #tpu.memory_space<vmem>>, vector<1x632x128xf32>
    %get3A_13 = vector.shape_cast %get3A_12 : vector<1x632x128xf32> to vector<632x128xf32>
    %add3A = arith.addf %get3A_8, %get3A_13 : vector<632x128xf32>
    %div3A = vector.broadcast %max3A_3 : vector<632x1xf32> to vector<632x128xf32>
    %div3A_14 = arith.divf %add3A, %div3A : vector<632x128xf32>
    %swap3A = arith.constant 0 : index
    %swap3A_15 = arith.constant 0 : index
    %swap3A_16 = vector.load %arg4[%swap3A, %swap3A_15] : memref<632x128xf32, #tpu.memory_space<vmem>>, vector<632x128xf32>
    tpu.vector_store %arg4[%swap3A, %swap3A_15], %div3A_14 {strides = array<i32>} : memref<632x128xf32, #tpu.memory_space<vmem>>, vector<632x128xf32>,
    %get3A_17 = arith.constant 0 : index
    %get3A_18 = arith.constant 0 : index
    %get3A_19 = arith.constant 0 : index
    %get3A_20 = vector.load %arg2[%get3A_17, %get3A_18, %get3A_19] : memref<2x632x128xf32, #tpu.memory_space<vmem>>, vector<1x632x128xf32>
    %get3A_21 = vector.shape_cast %get3A_20 : vector<1x632x128xf32> to vector<632x128xf32>
    %get3A_22 = arith.constant 1 : index
    %get3A_23 = arith.constant 0 : index
    %get3A_24 = arith.constant 0 : index
    %get3A_25 = vector.load %arg2[%get3A_22, %get3A_23, %get3A_24] : memref<2x632x128xf32, #tpu.memory_space<vmem>>, vector<1x632x128xf32>
    %get3A_26 = vector.shape_cast %get3A_25 : vector<1x632x128xf32> to vector<632x128xf32>
    %add3A_27 = arith.addf %get3A_21, %get3A_26 : vector<632x128xf32>
    %div3A_28 = vector.broadcast %max3A_3 : vector<632x1xf32> to vector<632x128xf32>
    %div3A_29 = arith.divf %add3A_27, %div3A_28 : vector<632x128xf32>
    %swap3A_30 = arith.constant 0 : index
    %swap3A_31 = arith.constant 0 : index
    %swap3A_32 = vector.load %arg5[%swap3A_30, %swap3A_31] : memref<632x128xf32, #tpu.memory_space<vmem>>, vector<632x128xf32>
    tpu.vector_store %arg5[%swap3A_30, %swap3A_31], %div3A_29 {strides = array<i32>} : memref<632x128xf32, #tpu.memory_space<vmem>>, vector<632x128xf32>,
    return
  }
  func.func @transform_0(%arg0: i32) -> (i32, i32, i32) {
    %c0_i32 = arith.constant 0 : i32
    %c0_i32_0 = arith.constant 0 : i32
    %c0_i32_1 = arith.constant 0 : i32
    return %c0_i32, %arg0, %c0_i32_0 : i32, i32, i32
  }
  func.func @transform_1(%arg0: i32) -> (i32, i32, i32) {
    %c0_i32 = arith.constant 0 : i32
    %c0_i32_0 = arith.constant 0 : i32
    %c0_i32_1 = arith.constant 0 : i32
    return %c0_i32, %arg0, %c0_i32_0 : i32, i32, i32
  }
  func.func @transform_2(%arg0: i32) -> (i32, i32) {
    %c0_i32 = arith.constant 0 : i32
    %c0_i32_0 = arith.constant 0 : i32
    return %arg0, %c0_i32 : i32, i32
  }
  func.func @transform_3(%arg0: i32) -> (i32, i32) {
    %c0_i32 = arith.constant 0 : i32
    %c0_i32_0 = arith.constant 0 : i32
    return %arg0, %c0_i32 : i32, i32
  }
  func.func @transform_4(%arg0: i32) -> (i32, i32) {
    %c0_i32 = arith.constant 0 : i32
    %c0_i32_0 = arith.constant 0 : i32
    return %arg0, %c0_i32 : i32, i32
  }
}

module attributes {stable_mosaic.version = 14 : i64} {
  func.func @_node_body(%arg0: i32, %arg1: memref<632x128xf32, #tpu.memory_space<vmem>>, %arg2: memref<632x128xf32, #tpu.memory_space<vmem>>, %arg3: memref<2x632x128xf32, #tpu.memory_space<vmem>>, %arg4: memref<2x632x128xf32, #tpu.memory_space<vmem>>, %arg5: memref<632x1xf32, #tpu.memory_space<vmem>>, %arg6: memref<632x1xf32, #tpu.memory_space<vmem>>, %arg7: memref<256x256xf32, #tpu.memory_space<vmem>>, %arg8: memref<1x256xf32, #tpu.memory_space<vmem>>, %arg9: memref<256x256xf32, #tpu.memory_space<vmem>>, %arg10: memref<1x256xf32, #tpu.memory_space<vmem>>, %arg11: memref<1x256xf32, #tpu.memory_space<vmem>>, %arg12: memref<632x128xf32, #tpu.memory_space<vmem>>, %arg13: memref<632x128xf32, #tpu.memory_space<vmem>>) attributes {dimension_semantics = [#tpu.dimension_semantics<arbitrary>], iteration_bounds = array<i64: 16>, scalar_prefetch = 0 : i64, scratch_operands = 0 : i64, tpu.core_type = #tpu.core_type<tc>, window_params = [{transform_indices = @transform_0, window_bounds = array<i64: 632, 128>}, {transform_indices = @transform_1, window_bounds = array<i64: 632, 128>}, {transform_indices = @transform_2, window_bounds = array<i64: 2, 632, 128>}, {transform_indices = @transform_3, window_bounds = array<i64: 2, 632, 128>}, {transform_indices = @transform_4, window_bounds = array<i64: 632, 1>}, {transform_indices = @transform_5, window_bounds = array<i64: 632, 1>}, {pipeline_mode = #tpu.pipeline_mode<synchronous>, transform_indices = @transform_6, window_bounds = array<i64: 256, 256>}, {pipeline_mode = #tpu.pipeline_mode<synchronous>, transform_indices = @transform_7, window_bounds = array<i64: 1, 256>}, {pipeline_mode = #tpu.pipeline_mode<synchronous>, transform_indices = @transform_8, window_bounds = array<i64: 256, 256>}, {pipeline_mode = #tpu.pipeline_mode<synchronous>, transform_indices = @transform_9, window_bounds = array<i64: 1, 256>}, {pipeline_mode = #tpu.pipeline_mode<synchronous>, transform_indices = @transform_10, window_bounds = array<i64: 1, 256>}, {transform_indices = @transform_11, window_bounds = array<i64: 632, 128>}, {transform_indices = @transform_12, window_bounds = array<i64: 632, 128>}]} {
    %get3A = arith.constant 0 : index
    %get3A_0 = arith.constant 0 : index
    %get3A_1 = vector.load %arg6[%get3A, %get3A_0] : memref<632x1xf32, #tpu.memory_space<vmem>>, vector<632x1xf32>
    %get3A_2 = arith.constant 0 : index
    %get3A_3 = arith.constant 0 : index
    %get3A_4 = vector.load %arg5[%get3A_2, %get3A_3] : memref<632x1xf32, #tpu.memory_space<vmem>>, vector<632x1xf32>
    %get3A_5 = arith.constant 0 : index
    %get3A_6 = arith.constant 0 : index
    %get3A_7 = arith.constant 0 : index
    %get3A_8 = vector.load %arg3[%get3A_5, %get3A_6, %get3A_7] : memref<2x632x128xf32, #tpu.memory_space<vmem>>, vector<1x632x128xf32>
    %get3A_9 = vector.shape_cast %get3A_8 : vector<1x632x128xf32> to vector<632x128xf32>
    %get3A_10 = arith.constant 1 : index
    %get3A_11 = arith.constant 0 : index
    %get3A_12 = arith.constant 0 : index
    %get3A_13 = vector.load %arg3[%get3A_10, %get3A_11, %get3A_12] : memref<2x632x128xf32, #tpu.memory_space<vmem>>, vector<1x632x128xf32>
    %get3A_14 = vector.shape_cast %get3A_13 : vector<1x632x128xf32> to vector<632x128xf32>
    %add3A = arith.addf %get3A_9, %get3A_14 : vector<632x128xf32>
    %get3A_15 = arith.constant 0 : index
    %get3A_16 = arith.constant 0 : index
    %get3A_17 = vector.load %arg9[%get3A_15, %get3A_16] : memref<256x256xf32, #tpu.memory_space<vmem>>, vector<128x256xf32>
    %dot_general3A = arith.constant dense<0.000000e+00> : vector<632x256xf32>
    %dot_general3A_18 = tpu.matmul %add3A, %get3A_17, %dot_general3A {dimension_numbers = #tpu.dot_dimension_numbers<[1], [0], [0], [1], [0, 0, 1, 1], [], []>, transpose_lhs_hint = false} : vector<632x128xf32>, vector<128x256xf32>, vector<632x256xf32> -> vector<632x256xf32>
    %get3A_19 = arith.constant 0 : index
    %get3A_20 = arith.constant 0 : index
    %get3A_21 = arith.constant 0 : index
    %get3A_22 = vector.load %arg4[%get3A_19, %get3A_20, %get3A_21] : memref<2x632x128xf32, #tpu.memory_space<vmem>>, vector<1x632x128xf32>
    %get3A_23 = vector.shape_cast %get3A_22 : vector<1x632x128xf32> to vector<632x128xf32>
    %get3A_24 = arith.constant 1 : index
    %get3A_25 = arith.constant 0 : index
    %get3A_26 = arith.constant 0 : index
    %get3A_27 = vector.load %arg4[%get3A_24, %get3A_25, %get3A_26] : memref<2x632x128xf32, #tpu.memory_space<vmem>>, vector<1x632x128xf32>
    %get3A_28 = vector.shape_cast %get3A_27 : vector<1x632x128xf32> to vector<632x128xf32>
    %add3A_29 = arith.addf %get3A_23, %get3A_28 : vector<632x128xf32>
    %get3A_30 = arith.constant 128 : index
    %get3A_31 = arith.constant 0 : index
    %get3A_32 = vector.load %arg9[%get3A_30, %get3A_31] : memref<256x256xf32, #tpu.memory_space<vmem>>, vector<128x256xf32>
    %dot_general3A_33 = arith.constant dense<0.000000e+00> : vector<632x256xf32>
    %dot_general3A_34 = tpu.matmul %add3A_29, %get3A_32, %dot_general3A_33 {dimension_numbers = #tpu.dot_dimension_numbers<[1], [0], [0], [1], [0, 0, 1, 1], [], []>, transpose_lhs_hint = false} : vector<632x128xf32>, vector<128x256xf32>, vector<632x256xf32> -> vector<632x256xf32>
    %add3A_35 = arith.addf %dot_general3A_18, %dot_general3A_34 : vector<632x256xf32>
    %get3A_36 = arith.constant 0 : index
    %get3A_37 = arith.constant 0 : index
    %get3A_38 = vector.load %arg10[%get3A_36, %get3A_37] : memref<1x256xf32, #tpu.memory_space<vmem>>, vector<1x256xf32>
    %mul3A = vector.broadcast %get3A_4 : vector<632x1xf32> to vector<632x256xf32>
    %mul3A_39 = vector.broadcast %get3A_38 : vector<1x256xf32> to vector<632x256xf32>
    %mul3A_40 = arith.mulf %mul3A, %mul3A_39 : vector<632x256xf32>
    %add3A_41 = arith.addf %add3A_35, %mul3A_40 : vector<632x256xf32>
    %get3A_42 = arith.constant 0 : index
    %get3A_43 = arith.constant 0 : index
    %get3A_44 = vector.load %arg11[%get3A_42, %get3A_43] : memref<1x256xf32, #tpu.memory_space<vmem>>, vector<1x256xf32>
    %mul3A_45 = vector.broadcast %get3A_1 : vector<632x1xf32> to vector<632x256xf32>
    %mul3A_46 = vector.broadcast %get3A_44 : vector<1x256xf32> to vector<632x256xf32>
    %mul3A_47 = arith.mulf %mul3A_45, %mul3A_46 : vector<632x256xf32>
    %add3A_48 = arith.addf %add3A_41, %mul3A_47 : vector<632x256xf32>
    %max3A = arith.constant 1.000000e+00 : f32
    %max3A_49 = vector.broadcast %max3A : f32 to vector<632x1xf32>
    %max3A_50 = arith.maximumf %get3A_1, %max3A_49 : vector<632x1xf32>
    %div3A = vector.broadcast %max3A_50 : vector<632x1xf32> to vector<632x256xf32>
    %div3A_51 = arith.divf %add3A_48, %div3A : vector<632x256xf32>
    %get3A_52 = arith.constant 0 : index
    %get3A_53 = arith.constant 0 : index
    %get3A_54 = vector.load %arg1[%get3A_52, %get3A_53] : memref<632x128xf32, #tpu.memory_space<vmem>>, vector<632x128xf32>
    %get3A_55 = arith.constant 0 : index
    %get3A_56 = arith.constant 0 : index
    %get3A_57 = vector.load %arg7[%get3A_55, %get3A_56] : memref<256x256xf32, #tpu.memory_space<vmem>>, vector<128x256xf32>
    %dot_general3A_58 = arith.constant dense<0.000000e+00> : vector<632x256xf32>
    %dot_general3A_59 = tpu.matmul %get3A_54, %get3A_57, %dot_general3A_58 {dimension_numbers = #tpu.dot_dimension_numbers<[1], [0], [0], [1], [0, 0, 1, 1], [], []>, transpose_lhs_hint = false} : vector<632x128xf32>, vector<128x256xf32>, vector<632x256xf32> -> vector<632x256xf32>
    %get3A_60 = arith.constant 0 : index
    %get3A_61 = arith.constant 0 : index
    %get3A_62 = vector.load %arg2[%get3A_60, %get3A_61] : memref<632x128xf32, #tpu.memory_space<vmem>>, vector<632x128xf32>
    %get3A_63 = arith.constant 128 : index
    %get3A_64 = arith.constant 0 : index
    %get3A_65 = vector.load %arg7[%get3A_63, %get3A_64] : memref<256x256xf32, #tpu.memory_space<vmem>>, vector<128x256xf32>
    %dot_general3A_66 = arith.constant dense<0.000000e+00> : vector<632x256xf32>
    %dot_general3A_67 = tpu.matmul %get3A_62, %get3A_65, %dot_general3A_66 {dimension_numbers = #tpu.dot_dimension_numbers<[1], [0], [0], [1], [0, 0, 1, 1], [], []>, transpose_lhs_hint = false} : vector<632x128xf32>, vector<128x256xf32>, vector<632x256xf32> -> vector<632x256xf32>
    %add3A_68 = arith.addf %dot_general3A_59, %dot_general3A_67 : vector<632x256xf32>
    %get3A_69 = arith.constant 0 : index
    %get3A_70 = arith.constant 0 : index
    %get3A_71 = vector.load %arg8[%get3A_69, %get3A_70] : memref<1x256xf32, #tpu.memory_space<vmem>>, vector<1x256xf32>
    %add3A_72 = vector.broadcast %get3A_71 : vector<1x256xf32> to vector<632x256xf32>
    %add3A_73 = arith.addf %add3A_68, %add3A_72 : vector<632x256xf32>
    %add3A_74 = arith.addf %add3A_73, %div3A_51 : vector<632x256xf32>
    %ge3A = arith.constant 0.000000e+00 : f32
    %ge3A_75 = vector.broadcast %ge3A : f32 to vector<632x256xf32>
    %ge3A_76 = arith.cmpf oge, %add3A_74, %ge3A_75 : vector<632x256xf32>
    %mul3A_77 = arith.constant 0.00999999977 : f32
    %mul3A_78 = vector.broadcast %mul3A_77 : f32 to vector<632x256xf32>
    %mul3A_79 = arith.mulf %mul3A_78, %add3A_74 : vector<632x256xf32>
    %select_n3A = arith.select %ge3A_76, %add3A_74, %mul3A_79 : vector<632x256xi1>, vector<632x256xf32>
    %slice3A = vector.extract_strided_slice %select_n3A {offsets = [0, 0], sizes = [632, 128], strides = [1, 1]} : vector<632x256xf32> to vector<632x128xf32>
    %swap3A = arith.constant 0 : index
    %swap3A_80 = arith.constant 0 : index
    %swap3A_81 = vector.load %arg12[%swap3A, %swap3A_80] : memref<632x128xf32, #tpu.memory_space<vmem>>, vector<632x128xf32>
    tpu.vector_store %arg12[%swap3A, %swap3A_80], %slice3A {strides = array<i32>} : memref<632x128xf32, #tpu.memory_space<vmem>>, vector<632x128xf32>,
    %slice3A_82 = vector.extract_strided_slice %select_n3A {offsets = [0, 128], sizes = [632, 128], strides = [1, 1]} : vector<632x256xf32> to vector<632x128xf32>
    %swap3A_83 = arith.constant 0 : index
    %swap3A_84 = arith.constant 0 : index
    %swap3A_85 = vector.load %arg13[%swap3A_83, %swap3A_84] : memref<632x128xf32, #tpu.memory_space<vmem>>, vector<632x128xf32>
    tpu.vector_store %arg13[%swap3A_83, %swap3A_84], %slice3A_82 {strides = array<i32>} : memref<632x128xf32, #tpu.memory_space<vmem>>, vector<632x128xf32>,
    return
  }
  func.func @transform_0(%arg0: i32) -> (i32, i32) {
    %c0_i32 = arith.constant 0 : i32
    %c0_i32_0 = arith.constant 0 : i32
    return %arg0, %c0_i32 : i32, i32
  }
  func.func @transform_1(%arg0: i32) -> (i32, i32) {
    %c0_i32 = arith.constant 0 : i32
    %c0_i32_0 = arith.constant 0 : i32
    return %arg0, %c0_i32 : i32, i32
  }
  func.func @transform_2(%arg0: i32) -> (i32, i32, i32) {
    %c0_i32 = arith.constant 0 : i32
    %c0_i32_0 = arith.constant 0 : i32
    %c0_i32_1 = arith.constant 0 : i32
    return %c0_i32, %arg0, %c0_i32_0 : i32, i32, i32
  }
  func.func @transform_3(%arg0: i32) -> (i32, i32, i32) {
    %c0_i32 = arith.constant 0 : i32
    %c0_i32_0 = arith.constant 0 : i32
    %c0_i32_1 = arith.constant 0 : i32
    return %c0_i32, %arg0, %c0_i32_0 : i32, i32, i32
  }
  func.func @transform_4(%arg0: i32) -> (i32, i32) {
    %c0_i32 = arith.constant 0 : i32
    %c0_i32_0 = arith.constant 0 : i32
    return %arg0, %c0_i32 : i32, i32
  }
  func.func @transform_5(%arg0: i32) -> (i32, i32) {
    %c0_i32 = arith.constant 0 : i32
    %c0_i32_0 = arith.constant 0 : i32
    return %arg0, %c0_i32 : i32, i32
  }
  func.func @transform_6(%arg0: i32) -> (i32, i32) {
    %c0_i32 = arith.constant 0 : i32
    %c0_i32_0 = arith.constant 0 : i32
    %c0_i32_1 = arith.constant 0 : i32
    return %c0_i32, %c0_i32_0 : i32, i32
  }
  func.func @transform_7(%arg0: i32) -> (i32, i32) {
    %c0_i32 = arith.constant 0 : i32
    %c0_i32_0 = arith.constant 0 : i32
    %c0_i32_1 = arith.constant 0 : i32
    return %c0_i32, %c0_i32_0 : i32, i32
  }
  func.func @transform_8(%arg0: i32) -> (i32, i32) {
    %c0_i32 = arith.constant 0 : i32
    %c0_i32_0 = arith.constant 0 : i32
    %c0_i32_1 = arith.constant 0 : i32
    return %c0_i32, %c0_i32_0 : i32, i32
  }
  func.func @transform_9(%arg0: i32) -> (i32, i32) {
    %c0_i32 = arith.constant 0 : i32
    %c0_i32_0 = arith.constant 0 : i32
    %c0_i32_1 = arith.constant 0 : i32
    return %c0_i32, %c0_i32_0 : i32, i32
  }
  func.func @transform_10(%arg0: i32) -> (i32, i32) {
    %c0_i32 = arith.constant 0 : i32
    %c0_i32_0 = arith.constant 0 : i32
    %c0_i32_1 = arith.constant 0 : i32
    return %c0_i32, %c0_i32_0 : i32, i32
  }
  func.func @transform_11(%arg0: i32) -> (i32, i32) {
    %c0_i32 = arith.constant 0 : i32
    %c0_i32_0 = arith.constant 0 : i32
    return %arg0, %c0_i32 : i32, i32
  }
  func.func @transform_12(%arg0: i32) -> (i32, i32) {
    %c0_i32 = arith.constant 0 : i32
    %c0_i32_0 = arith.constant 0 : i32
    return %arg0, %c0_i32 : i32, i32
  }
}

module attributes {stable_mosaic.version = 14 : i64} {
  func.func @_edge1_body(%arg0: i32, %arg1: memref<640x128xf32, #tpu.memory_space<vmem>>, %arg2: memref<640x128xf32, #tpu.memory_space<vmem>>, %arg3: memref<640x128xf32, #tpu.memory_space<vmem>>, %arg4: memref<640x128xf32, #tpu.memory_space<vmem>>, %arg5: memref<640x1xf32, #tpu.memory_space<vmem>>, %arg6: memref<256x256xf32, #tpu.memory_space<vmem>>, %arg7: memref<1x256xf32, #tpu.memory_space<vmem>>, %arg8: memref<1x256xf32, #tpu.memory_space<vmem>>, %arg9: memref<640x256xf32, #tpu.memory_space<vmem>>) attributes {dimension_semantics = [#tpu.dimension_semantics<arbitrary>], iteration_bounds = array<i64: 125>, scalar_prefetch = 0 : i64, scratch_operands = 0 : i64, tpu.core_type = #tpu.core_type<tc>, window_params = [{transform_indices = @transform_0, window_bounds = array<i64: 640, 128>}, {transform_indices = @transform_1, window_bounds = array<i64: 640, 128>}, {transform_indices = @transform_2, window_bounds = array<i64: 640, 128>}, {transform_indices = @transform_3, window_bounds = array<i64: 640, 128>}, {transform_indices = @transform_4, window_bounds = array<i64: 640, 1>}, {pipeline_mode = #tpu.pipeline_mode<synchronous>, transform_indices = @transform_5, window_bounds = array<i64: 256, 256>}, {pipeline_mode = #tpu.pipeline_mode<synchronous>, transform_indices = @transform_6, window_bounds = array<i64: 1, 256>}, {pipeline_mode = #tpu.pipeline_mode<synchronous>, transform_indices = @transform_7, window_bounds = array<i64: 1, 256>}, {transform_indices = @transform_8, window_bounds = array<i64: 640, 256>}]} {
    %get3A = arith.constant 0 : index
    %get3A_0 = arith.constant 0 : index
    %get3A_1 = vector.load %arg1[%get3A, %get3A_0] : memref<640x128xf32, #tpu.memory_space<vmem>>, vector<640x128xf32>
    %get3A_2 = arith.constant 0 : index
    %get3A_3 = arith.constant 0 : index
    %get3A_4 = vector.load %arg2[%get3A_2, %get3A_3] : memref<640x128xf32, #tpu.memory_space<vmem>>, vector<640x128xf32>
    %add3A = arith.addf %get3A_1, %get3A_4 : vector<640x128xf32>
    %get3A_5 = arith.constant 0 : index
    %get3A_6 = arith.constant 0 : index
    %get3A_7 = vector.load %arg6[%get3A_5, %get3A_6] : memref<256x256xf32, #tpu.memory_space<vmem>>, vector<128x256xf32>
    %dot_general3A = arith.constant dense<0.000000e+00> : vector<640x256xf32>
    %dot_general3A_8 = tpu.matmul %add3A, %get3A_7, %dot_general3A {dimension_numbers = #tpu.dot_dimension_numbers<[1], [0], [0], [1], [0, 0, 1, 1], [], []>, transpose_lhs_hint = false} : vector<640x128xf32>, vector<128x256xf32>, vector<640x256xf32> -> vector<640x256xf32>
    %get3A_9 = arith.constant 0 : index
    %get3A_10 = arith.constant 0 : index
    %get3A_11 = vector.load %arg3[%get3A_9, %get3A_10] : memref<640x128xf32, #tpu.memory_space<vmem>>, vector<640x128xf32>
    %get3A_12 = arith.constant 0 : index
    %get3A_13 = arith.constant 0 : index
    %get3A_14 = vector.load %arg4[%get3A_12, %get3A_13] : memref<640x128xf32, #tpu.memory_space<vmem>>, vector<640x128xf32>
    %add3A_15 = arith.addf %get3A_11, %get3A_14 : vector<640x128xf32>
    %get3A_16 = arith.constant 128 : index
    %get3A_17 = arith.constant 0 : index
    %get3A_18 = vector.load %arg6[%get3A_16, %get3A_17] : memref<256x256xf32, #tpu.memory_space<vmem>>, vector<128x256xf32>
    %dot_general3A_19 = arith.constant dense<0.000000e+00> : vector<640x256xf32>
    %dot_general3A_20 = tpu.matmul %add3A_15, %get3A_18, %dot_general3A_19 {dimension_numbers = #tpu.dot_dimension_numbers<[1], [0], [0], [1], [0, 0, 1, 1], [], []>, transpose_lhs_hint = false} : vector<640x128xf32>, vector<128x256xf32>, vector<640x256xf32> -> vector<640x256xf32>
    %add3A_21 = arith.addf %dot_general3A_8, %dot_general3A_20 : vector<640x256xf32>
    %get3A_22 = arith.constant 0 : index
    %get3A_23 = arith.constant 0 : index
    %get3A_24 = vector.load %arg5[%get3A_22, %get3A_23] : memref<640x1xf32, #tpu.memory_space<vmem>>, vector<640x1xf32>
    %get3A_25 = arith.constant 0 : index
    %get3A_26 = arith.constant 0 : index
    %get3A_27 = vector.load %arg7[%get3A_25, %get3A_26] : memref<1x256xf32, #tpu.memory_space<vmem>>, vector<1x256xf32>
    %mul3A = vector.broadcast %get3A_24 : vector<640x1xf32> to vector<640x256xf32>
    %mul3A_28 = vector.broadcast %get3A_27 : vector<1x256xf32> to vector<640x256xf32>
    %mul3A_29 = arith.mulf %mul3A, %mul3A_28 : vector<640x256xf32>
    %mul3A_30 = arith.constant 2.000000e+00 : f32
    %mul3A_31 = vector.broadcast %mul3A_30 : f32 to vector<640x256xf32>
    %mul3A_32 = arith.mulf %mul3A_31, %mul3A_29 : vector<640x256xf32>
    %add3A_33 = arith.addf %add3A_21, %mul3A_32 : vector<640x256xf32>
    %get3A_34 = arith.constant 0 : index
    %get3A_35 = arith.constant 0 : index
    %get3A_36 = vector.load %arg8[%get3A_34, %get3A_35] : memref<1x256xf32, #tpu.memory_space<vmem>>, vector<1x256xf32>
    %mul3A_37 = arith.constant 2.000000e+00 : f32
    %mul3A_38 = vector.broadcast %mul3A_37 : f32 to vector<1x256xf32>
    %mul3A_39 = arith.mulf %mul3A_38, %get3A_36 : vector<1x256xf32>
    %add3A_40 = vector.broadcast %mul3A_39 : vector<1x256xf32> to vector<640x256xf32>
    %add3A_41 = arith.addf %add3A_33, %add3A_40 : vector<640x256xf32>
    %ge3A = arith.constant 0.000000e+00 : f32
    %ge3A_42 = vector.broadcast %ge3A : f32 to vector<640x256xf32>
    %ge3A_43 = arith.cmpf oge, %add3A_41, %ge3A_42 : vector<640x256xf32>
    %mul3A_44 = arith.constant 0.00999999977 : f32
    %mul3A_45 = vector.broadcast %mul3A_44 : f32 to vector<640x256xf32>
    %mul3A_46 = arith.mulf %mul3A_45, %add3A_41 : vector<640x256xf32>
    %select_n3A = arith.select %ge3A_43, %add3A_41, %mul3A_46 : vector<640x256xi1>, vector<640x256xf32>
    %swap3A = arith.constant 0 : index
    %swap3A_47 = arith.constant 0 : index
    %swap3A_48 = vector.load %arg9[%swap3A, %swap3A_47] : memref<640x256xf32, #tpu.memory_space<vmem>>, vector<640x256xf32>
    tpu.vector_store %arg9[%swap3A, %swap3A_47], %select_n3A {strides = array<i32>} : memref<640x256xf32, #tpu.memory_space<vmem>>, vector<640x256xf32>,
    return
  }
  func.func @transform_0(%arg0: i32) -> (i32, i32) {
    %c0_i32 = arith.constant 0 : i32
    %c0_i32_0 = arith.constant 0 : i32
    return %arg0, %c0_i32 : i32, i32
  }
  func.func @transform_1(%arg0: i32) -> (i32, i32) {
    %add3A = arith.constant 125 : i32
    %add3A_0 = arith.addi %arg0, %add3A : i32
    %c0_i32 = arith.constant 0 : i32
    %c0_i32_1 = arith.constant 0 : i32
    return %add3A_0, %c0_i32 : i32, i32
  }
  func.func @transform_2(%arg0: i32) -> (i32, i32) {
    %c0_i32 = arith.constant 0 : i32
    %c0_i32_0 = arith.constant 0 : i32
    return %arg0, %c0_i32 : i32, i32
  }
  func.func @transform_3(%arg0: i32) -> (i32, i32) {
    %add3A = arith.constant 125 : i32
    %add3A_0 = arith.addi %arg0, %add3A : i32
    %c0_i32 = arith.constant 0 : i32
    %c0_i32_1 = arith.constant 0 : i32
    return %add3A_0, %c0_i32 : i32, i32
  }
  func.func @transform_4(%arg0: i32) -> (i32, i32) {
    %c0_i32 = arith.constant 0 : i32
    %c0_i32_0 = arith.constant 0 : i32
    return %arg0, %c0_i32 : i32, i32
  }
  func.func @transform_5(%arg0: i32) -> (i32, i32) {
    %c0_i32 = arith.constant 0 : i32
    %c0_i32_0 = arith.constant 0 : i32
    %c0_i32_1 = arith.constant 0 : i32
    return %c0_i32, %c0_i32_0 : i32, i32
  }
  func.func @transform_6(%arg0: i32) -> (i32, i32) {
    %c0_i32 = arith.constant 0 : i32
    %c0_i32_0 = arith.constant 0 : i32
    %c0_i32_1 = arith.constant 0 : i32
    return %c0_i32, %c0_i32_0 : i32, i32
  }
  func.func @transform_7(%arg0: i32) -> (i32, i32) {
    %c0_i32 = arith.constant 0 : i32
    %c0_i32_0 = arith.constant 0 : i32
    %c0_i32_1 = arith.constant 0 : i32
    return %c0_i32, %c0_i32_0 : i32, i32
  }
  func.func @transform_8(%arg0: i32) -> (i32, i32) {
    %c0_i32 = arith.constant 0 : i32
    %c0_i32_0 = arith.constant 0 : i32
    return %arg0, %c0_i32 : i32, i32
  }
}

module attributes {stable_mosaic.version = 14 : i64} {
  func.func @_edge2_body(%arg0: i32, %arg1: memref<640x128xf32, #tpu.memory_space<vmem>>, %arg2: memref<640x128xf32, #tpu.memory_space<vmem>>, %arg3: memref<640x128xf32, #tpu.memory_space<vmem>>, %arg4: memref<640x128xf32, #tpu.memory_space<vmem>>, %arg5: memref<640x1xf32, #tpu.memory_space<vmem>>, %arg6: memref<640x256xf32, #tpu.memory_space<vmem>>, %arg7: memref<256x256xf32, #tpu.memory_space<vmem>>, %arg8: memref<1x256xf32, #tpu.memory_space<vmem>>, %arg9: memref<1x256xf32, #tpu.memory_space<vmem>>, %arg10: memref<256x256xf32, #tpu.memory_space<vmem>>, %arg11: memref<256x256xf32, #tpu.memory_space<vmem>>, %arg12: memref<1x256xf32, #tpu.memory_space<vmem>>, %arg13: memref<640x256xf32, #tpu.memory_space<vmem>>) attributes {dimension_semantics = [#tpu.dimension_semantics<arbitrary>], iteration_bounds = array<i64: 125>, scalar_prefetch = 0 : i64, scratch_operands = 0 : i64, tpu.core_type = #tpu.core_type<tc>, window_params = [{transform_indices = @transform_0, window_bounds = array<i64: 640, 128>}, {transform_indices = @transform_1, window_bounds = array<i64: 640, 128>}, {transform_indices = @transform_2, window_bounds = array<i64: 640, 128>}, {transform_indices = @transform_3, window_bounds = array<i64: 640, 128>}, {transform_indices = @transform_4, window_bounds = array<i64: 640, 1>}, {transform_indices = @transform_5, window_bounds = array<i64: 640, 256>}, {pipeline_mode = #tpu.pipeline_mode<synchronous>, transform_indices = @transform_6, window_bounds = array<i64: 256, 256>}, {pipeline_mode = #tpu.pipeline_mode<synchronous>, transform_indices = @transform_7, window_bounds = array<i64: 1, 256>}, {pipeline_mode = #tpu.pipeline_mode<synchronous>, transform_indices = @transform_8, window_bounds = array<i64: 1, 256>}, {pipeline_mode = #tpu.pipeline_mode<synchronous>, transform_indices = @transform_9, window_bounds = array<i64: 256, 256>}, {pipeline_mode = #tpu.pipeline_mode<synchronous>, transform_indices = @transform_10, window_bounds = array<i64: 256, 256>}, {pipeline_mode = #tpu.pipeline_mode<synchronous>, transform_indices = @transform_11, window_bounds = array<i64: 1, 256>}, {transform_indices = @transform_12, window_bounds = array<i64: 640, 256>}]} {
    %get3A = arith.constant 0 : index
    %get3A_0 = arith.constant 0 : index
    %get3A_1 = vector.load %arg1[%get3A, %get3A_0] : memref<640x128xf32, #tpu.memory_space<vmem>>, vector<640x128xf32>
    %get3A_2 = arith.constant 0 : index
    %get3A_3 = arith.constant 0 : index
    %get3A_4 = vector.load %arg2[%get3A_2, %get3A_3] : memref<640x128xf32, #tpu.memory_space<vmem>>, vector<640x128xf32>
    %add3A = arith.addf %get3A_1, %get3A_4 : vector<640x128xf32>
    %get3A_5 = arith.constant 0 : index
    %get3A_6 = arith.constant 0 : index
    %get3A_7 = vector.load %arg7[%get3A_5, %get3A_6] : memref<256x256xf32, #tpu.memory_space<vmem>>, vector<128x256xf32>
    %dot_general3A = arith.constant dense<0.000000e+00> : vector<640x256xf32>
    %dot_general3A_8 = tpu.matmul %add3A, %get3A_7, %dot_general3A {dimension_numbers = #tpu.dot_dimension_numbers<[1], [0], [0], [1], [0, 0, 1, 1], [], []>, transpose_lhs_hint = false} : vector<640x128xf32>, vector<128x256xf32>, vector<640x256xf32> -> vector<640x256xf32>
    %get3A_9 = arith.constant 0 : index
    %get3A_10 = arith.constant 0 : index
    %get3A_11 = vector.load %arg3[%get3A_9, %get3A_10] : memref<640x128xf32, #tpu.memory_space<vmem>>, vector<640x128xf32>
    %get3A_12 = arith.constant 0 : index
    %get3A_13 = arith.constant 0 : index
    %get3A_14 = vector.load %arg4[%get3A_12, %get3A_13] : memref<640x128xf32, #tpu.memory_space<vmem>>, vector<640x128xf32>
    %add3A_15 = arith.addf %get3A_11, %get3A_14 : vector<640x128xf32>
    %get3A_16 = arith.constant 128 : index
    %get3A_17 = arith.constant 0 : index
    %get3A_18 = vector.load %arg7[%get3A_16, %get3A_17] : memref<256x256xf32, #tpu.memory_space<vmem>>, vector<128x256xf32>
    %dot_general3A_19 = arith.constant dense<0.000000e+00> : vector<640x256xf32>
    %dot_general3A_20 = tpu.matmul %add3A_15, %get3A_18, %dot_general3A_19 {dimension_numbers = #tpu.dot_dimension_numbers<[1], [0], [0], [1], [0, 0, 1, 1], [], []>, transpose_lhs_hint = false} : vector<640x128xf32>, vector<128x256xf32>, vector<640x256xf32> -> vector<640x256xf32>
    %add3A_21 = arith.addf %dot_general3A_8, %dot_general3A_20 : vector<640x256xf32>
    %get3A_22 = arith.constant 0 : index
    %get3A_23 = arith.constant 0 : index
    %get3A_24 = vector.load %arg5[%get3A_22, %get3A_23] : memref<640x1xf32, #tpu.memory_space<vmem>>, vector<640x1xf32>
    %get3A_25 = arith.constant 0 : index
    %get3A_26 = arith.constant 0 : index
    %get3A_27 = vector.load %arg8[%get3A_25, %get3A_26] : memref<1x256xf32, #tpu.memory_space<vmem>>, vector<1x256xf32>
    %mul3A = vector.broadcast %get3A_24 : vector<640x1xf32> to vector<640x256xf32>
    %mul3A_28 = vector.broadcast %get3A_27 : vector<1x256xf32> to vector<640x256xf32>
    %mul3A_29 = arith.mulf %mul3A, %mul3A_28 : vector<640x256xf32>
    %mul3A_30 = arith.constant 2.000000e+00 : f32
    %mul3A_31 = vector.broadcast %mul3A_30 : f32 to vector<640x256xf32>
    %mul3A_32 = arith.mulf %mul3A_31, %mul3A_29 : vector<640x256xf32>
    %add3A_33 = arith.addf %add3A_21, %mul3A_32 : vector<640x256xf32>
    %get3A_34 = arith.constant 0 : index
    %get3A_35 = arith.constant 0 : index
    %get3A_36 = vector.load %arg9[%get3A_34, %get3A_35] : memref<1x256xf32, #tpu.memory_space<vmem>>, vector<1x256xf32>
    %mul3A_37 = arith.constant 2.000000e+00 : f32
    %mul3A_38 = vector.broadcast %mul3A_37 : f32 to vector<1x256xf32>
    %mul3A_39 = arith.mulf %mul3A_38, %get3A_36 : vector<1x256xf32>
    %add3A_40 = vector.broadcast %mul3A_39 : vector<1x256xf32> to vector<640x256xf32>
    %add3A_41 = arith.addf %add3A_33, %add3A_40 : vector<640x256xf32>
    %get3A_42 = arith.constant 0 : index
    %get3A_43 = arith.constant 0 : index
    %get3A_44 = vector.load %arg10[%get3A_42, %get3A_43] : memref<256x256xf32, #tpu.memory_space<vmem>>, vector<256x256xf32>
    %dot_general3A_45 = arith.constant dense<0.000000e+00> : vector<640x256xf32>
    %dot_general3A_46 = tpu.matmul %add3A_41, %get3A_44, %dot_general3A_45 {dimension_numbers = #tpu.dot_dimension_numbers<[1], [0], [0], [1], [0, 0, 1, 1], [], []>, transpose_lhs_hint = false} : vector<640x256xf32>, vector<256x256xf32>, vector<640x256xf32> -> vector<640x256xf32>
    %get3A_47 = arith.constant 0 : index
    %get3A_48 = arith.constant 0 : index
    %get3A_49 = vector.load %arg6[%get3A_47, %get3A_48] : memref<640x256xf32, #tpu.memory_space<vmem>>, vector<640x256xf32>
    %get3A_50 = arith.constant 0 : index
    %get3A_51 = arith.constant 0 : index
    %get3A_52 = vector.load %arg11[%get3A_50, %get3A_51] : memref<256x256xf32, #tpu.memory_space<vmem>>, vector<256x256xf32>
    %dot_general3A_53 = arith.constant dense<0.000000e+00> : vector<640x256xf32>
    %dot_general3A_54 = tpu.matmul %get3A_49, %get3A_52, %dot_general3A_53 {dimension_numbers = #tpu.dot_dimension_numbers<[1], [0], [0], [1], [0, 0, 1, 1], [], []>, transpose_lhs_hint = false} : vector<640x256xf32>, vector<256x256xf32>, vector<640x256xf32> -> vector<640x256xf32>
    %add3A_55 = arith.addf %dot_general3A_46, %dot_general3A_54 : vector<640x256xf32>
    %get3A_56 = arith.constant 0 : index
    %get3A_57 = arith.constant 0 : index
    %get3A_58 = vector.load %arg12[%get3A_56, %get3A_57] : memref<1x256xf32, #tpu.memory_space<vmem>>, vector<1x256xf32>
    %add3A_59 = vector.broadcast %get3A_58 : vector<1x256xf32> to vector<640x256xf32>
    %add3A_60 = arith.addf %add3A_55, %add3A_59 : vector<640x256xf32>
    %ge3A = arith.constant 0.000000e+00 : f32
    %ge3A_61 = vector.broadcast %ge3A : f32 to vector<640x256xf32>
    %ge3A_62 = arith.cmpf oge, %add3A_60, %ge3A_61 : vector<640x256xf32>
    %mul3A_63 = arith.constant 0.00999999977 : f32
    %mul3A_64 = vector.broadcast %mul3A_63 : f32 to vector<640x256xf32>
    %mul3A_65 = arith.mulf %mul3A_64, %add3A_60 : vector<640x256xf32>
    %select_n3A = arith.select %ge3A_62, %add3A_60, %mul3A_65 : vector<640x256xi1>, vector<640x256xf32>
    %swap3A = arith.constant 0 : index
    %swap3A_66 = arith.constant 0 : index
    %swap3A_67 = vector.load %arg13[%swap3A, %swap3A_66] : memref<640x256xf32, #tpu.memory_space<vmem>>, vector<640x256xf32>
    tpu.vector_store %arg13[%swap3A, %swap3A_66], %select_n3A {strides = array<i32>} : memref<640x256xf32, #tpu.memory_space<vmem>>, vector<640x256xf32>,
    return
  }
  func.func @transform_0(%arg0: i32) -> (i32, i32) {
    %c0_i32 = arith.constant 0 : i32
    %c0_i32_0 = arith.constant 0 : i32
    return %arg0, %c0_i32 : i32, i32
  }
  func.func @transform_1(%arg0: i32) -> (i32, i32) {
    %add3A = arith.constant 125 : i32
    %add3A_0 = arith.addi %arg0, %add3A : i32
    %c0_i32 = arith.constant 0 : i32
    %c0_i32_1 = arith.constant 0 : i32
    return %add3A_0, %c0_i32 : i32, i32
  }
  func.func @transform_2(%arg0: i32) -> (i32, i32) {
    %c0_i32 = arith.constant 0 : i32
    %c0_i32_0 = arith.constant 0 : i32
    return %arg0, %c0_i32 : i32, i32
  }
  func.func @transform_3(%arg0: i32) -> (i32, i32) {
    %add3A = arith.constant 125 : i32
    %add3A_0 = arith.addi %arg0, %add3A : i32
    %c0_i32 = arith.constant 0 : i32
    %c0_i32_1 = arith.constant 0 : i32
    return %add3A_0, %c0_i32 : i32, i32
  }
  func.func @transform_4(%arg0: i32) -> (i32, i32) {
    %c0_i32 = arith.constant 0 : i32
    %c0_i32_0 = arith.constant 0 : i32
    return %arg0, %c0_i32 : i32, i32
  }
  func.func @transform_5(%arg0: i32) -> (i32, i32) {
    %c0_i32 = arith.constant 0 : i32
    %c0_i32_0 = arith.constant 0 : i32
    return %arg0, %c0_i32 : i32, i32
  }
  func.func @transform_6(%arg0: i32) -> (i32, i32) {
    %c0_i32 = arith.constant 0 : i32
    %c0_i32_0 = arith.constant 0 : i32
    %c0_i32_1 = arith.constant 0 : i32
    return %c0_i32, %c0_i32_0 : i32, i32
  }
  func.func @transform_7(%arg0: i32) -> (i32, i32) {
    %c0_i32 = arith.constant 0 : i32
    %c0_i32_0 = arith.constant 0 : i32
    %c0_i32_1 = arith.constant 0 : i32
    return %c0_i32, %c0_i32_0 : i32, i32
  }
  func.func @transform_8(%arg0: i32) -> (i32, i32) {
    %c0_i32 = arith.constant 0 : i32
    %c0_i32_0 = arith.constant 0 : i32
    %c0_i32_1 = arith.constant 0 : i32
    return %c0_i32, %c0_i32_0 : i32, i32
  }
  func.func @transform_9(%arg0: i32) -> (i32, i32) {
    %c0_i32 = arith.constant 0 : i32
    %c0_i32_0 = arith.constant 0 : i32
    %c0_i32_1 = arith.constant 0 : i32
    return %c0_i32, %c0_i32_0 : i32, i32
  }
  func.func @transform_10(%arg0: i32) -> (i32, i32) {
    %c0_i32 = arith.constant 0 : i32
    %c0_i32_0 = arith.constant 0 : i32
    %c0_i32_1 = arith.constant 0 : i32
    return %c0_i32, %c0_i32_0 : i32, i32
  }
  func.func @transform_11(%arg0: i32) -> (i32, i32) {
    %c0_i32 = arith.constant 0 : i32
    %c0_i32_0 = arith.constant 0 : i32
    %c0_i32_1 = arith.constant 0 : i32
    return %c0_i32, %c0_i32_0 : i32, i32
  }
  func.func @transform_12(%arg0: i32) -> (i32, i32) {
    %c0_i32 = arith.constant 0 : i32
    %c0_i32_0 = arith.constant 0 : i32
    return %arg0, %c0_i32 : i32, i32
  }
}

module attributes {stable_mosaic.version = 14 : i64} {
  func.func @_head_body(%arg0: i32, %arg1: memref<640x256xf32, #tpu.memory_space<vmem>>, %arg2: memref<640x16xf32, #tpu.memory_space<vmem>>, %arg3: memref<640x1xf32, #tpu.memory_space<vmem>>, %arg4: memref<256x256xf32, #tpu.memory_space<vmem>>, %arg5: memref<16x256xf32, #tpu.memory_space<vmem>>, %arg6: memref<1x256xf32, #tpu.memory_space<vmem>>, %arg7: memref<1x256xf32, #tpu.memory_space<vmem>>, %arg8: memref<256x2xf32, #tpu.memory_space<vmem>>, %arg9: memref<1x2xf32, #tpu.memory_space<vmem>>, %arg10: memref<256x256xf32, #tpu.memory_space<vmem>>, %arg11: memref<16x256xf32, #tpu.memory_space<vmem>>, %arg12: memref<1x256xf32, #tpu.memory_space<vmem>>, %arg13: memref<1x256xf32, #tpu.memory_space<vmem>>, %arg14: memref<256x2xf32, #tpu.memory_space<vmem>>, %arg15: memref<1x2xf32, #tpu.memory_space<vmem>>, %arg16: memref<640x2xf32, #tpu.memory_space<vmem>>, %arg17: memref<640x2xf32, #tpu.memory_space<vmem>>, %arg18: memref<640x1xf32, #tpu.memory_space<vmem>>) attributes {dimension_semantics = [#tpu.dimension_semantics<arbitrary>], iteration_bounds = array<i64: 125>, scalar_prefetch = 0 : i64, scratch_operands = 0 : i64, tpu.core_type = #tpu.core_type<tc>, window_params = [{transform_indices = @transform_0, window_bounds = array<i64: 640, 256>}, {transform_indices = @transform_1, window_bounds = array<i64: 640, 16>}, {transform_indices = @transform_2, window_bounds = array<i64: 640, 1>}, {pipeline_mode = #tpu.pipeline_mode<synchronous>, transform_indices = @transform_3, window_bounds = array<i64: 256, 256>}, {pipeline_mode = #tpu.pipeline_mode<synchronous>, transform_indices = @transform_4, window_bounds = array<i64: 16, 256>}, {pipeline_mode = #tpu.pipeline_mode<synchronous>, transform_indices = @transform_5, window_bounds = array<i64: 1, 256>}, {pipeline_mode = #tpu.pipeline_mode<synchronous>, transform_indices = @transform_6, window_bounds = array<i64: 1, 256>}, {pipeline_mode = #tpu.pipeline_mode<synchronous>, transform_indices = @transform_7, window_bounds = array<i64: 256, 2>}, {pipeline_mode = #tpu.pipeline_mode<synchronous>, transform_indices = @transform_8, window_bounds = array<i64: 1, 2>}, {pipeline_mode = #tpu.pipeline_mode<synchronous>, transform_indices = @transform_9, window_bounds = array<i64: 256, 256>}, {pipeline_mode = #tpu.pipeline_mode<synchronous>, transform_indices = @transform_10, window_bounds = array<i64: 16, 256>}, {pipeline_mode = #tpu.pipeline_mode<synchronous>, transform_indices = @transform_11, window_bounds = array<i64: 1, 256>}, {pipeline_mode = #tpu.pipeline_mode<synchronous>, transform_indices = @transform_12, window_bounds = array<i64: 1, 256>}, {pipeline_mode = #tpu.pipeline_mode<synchronous>, transform_indices = @transform_13, window_bounds = array<i64: 256, 2>}, {pipeline_mode = #tpu.pipeline_mode<synchronous>, transform_indices = @transform_14, window_bounds = array<i64: 1, 2>}, {transform_indices = @transform_15, window_bounds = array<i64: 640, 2>}, {transform_indices = @transform_16, window_bounds = array<i64: 640, 2>}, {transform_indices = @transform_17, window_bounds = array<i64: 640, 1>}]} {
    %get3A = arith.constant 0 : index
    %get3A_0 = arith.constant 0 : index
    %get3A_1 = vector.load %arg1[%get3A, %get3A_0] : memref<640x256xf32, #tpu.memory_space<vmem>>, vector<640x256xf32>
    %get3A_2 = arith.constant 0 : index
    %get3A_3 = arith.constant 0 : index
    %get3A_4 = vector.load %arg2[%get3A_2, %get3A_3] : memref<640x16xf32, #tpu.memory_space<vmem>>, vector<640x16xf32>
    %get3A_5 = arith.constant 0 : index
    %get3A_6 = arith.constant 0 : index
    %get3A_7 = vector.load %arg3[%get3A_5, %get3A_6] : memref<640x1xf32, #tpu.memory_space<vmem>>, vector<640x1xf32>
    %get3A_8 = arith.constant 0 : index
    %get3A_9 = arith.constant 0 : index
    %get3A_10 = vector.load %arg4[%get3A_8, %get3A_9] : memref<256x256xf32, #tpu.memory_space<vmem>>, vector<256x256xf32>
    %dot_general3A = arith.constant dense<0.000000e+00> : vector<640x256xf32>
    %dot_general3A_11 = tpu.matmul %get3A_1, %get3A_10, %dot_general3A {dimension_numbers = #tpu.dot_dimension_numbers<[1], [0], [0], [1], [0, 0, 1, 1], [], []>, transpose_lhs_hint = false} : vector<640x256xf32>, vector<256x256xf32>, vector<640x256xf32> -> vector<640x256xf32>
    %get3A_12 = arith.constant 0 : index
    %get3A_13 = arith.constant 0 : index
    %get3A_14 = vector.load %arg5[%get3A_12, %get3A_13] : memref<16x256xf32, #tpu.memory_space<vmem>>, vector<16x256xf32>
    %dot_general3A_15 = arith.constant dense<0.000000e+00> : vector<640x256xf32>
    %dot_general3A_16 = tpu.matmul %get3A_4, %get3A_14, %dot_general3A_15 {dimension_numbers = #tpu.dot_dimension_numbers<[1], [0], [0], [1], [0, 0, 1, 1], [], []>, transpose_lhs_hint = false} : vector<640x16xf32>, vector<16x256xf32>, vector<640x256xf32> -> vector<640x256xf32>
    %add3A = arith.addf %dot_general3A_11, %dot_general3A_16 : vector<640x256xf32>
    %get3A_17 = arith.constant 0 : index
    %get3A_18 = arith.constant 0 : index
    %get3A_19 = vector.load %arg6[%get3A_17, %get3A_18] : memref<1x256xf32, #tpu.memory_space<vmem>>, vector<1x256xf32>
    %mul3A = vector.broadcast %get3A_7 : vector<640x1xf32> to vector<640x256xf32>
    %mul3A_20 = vector.broadcast %get3A_19 : vector<1x256xf32> to vector<640x256xf32>
    %mul3A_21 = arith.mulf %mul3A, %mul3A_20 : vector<640x256xf32>
    %add3A_22 = arith.addf %add3A, %mul3A_21 : vector<640x256xf32>
    %get3A_23 = arith.constant 0 : index
    %get3A_24 = arith.constant 0 : index
    %get3A_25 = vector.load %arg7[%get3A_23, %get3A_24] : memref<1x256xf32, #tpu.memory_space<vmem>>, vector<1x256xf32>
    %add3A_26 = vector.broadcast %get3A_25 : vector<1x256xf32> to vector<640x256xf32>
    %add3A_27 = arith.addf %add3A_22, %add3A_26 : vector<640x256xf32>
    %get3A_28 = arith.constant 0 : index
    %get3A_29 = arith.constant 0 : index
    %get3A_30 = vector.load %arg8[%get3A_28, %get3A_29] : memref<256x2xf32, #tpu.memory_space<vmem>>, vector<256x2xf32>
    %dot_general3A_31 = arith.constant dense<0.000000e+00> : vector<640x2xf32>
    %dot_general3A_32 = tpu.matmul %add3A_27, %get3A_30, %dot_general3A_31 {dimension_numbers = #tpu.dot_dimension_numbers<[1], [0], [0], [1], [0, 0, 1, 1], [], []>, transpose_lhs_hint = false} : vector<640x256xf32>, vector<256x2xf32>, vector<640x2xf32> -> vector<640x2xf32>
    %get3A_33 = arith.constant 0 : index
    %get3A_34 = arith.constant 0 : index
    %get3A_35 = vector.load %arg9[%get3A_33, %get3A_34] : memref<1x2xf32, #tpu.memory_space<vmem>>, vector<1x2xf32>
    %add3A_36 = vector.broadcast %get3A_35 : vector<1x2xf32> to vector<640x2xf32>
    %add3A_37 = arith.addf %dot_general3A_32, %add3A_36 : vector<640x2xf32>
    %logistic3A = arith.negf %add3A_37 : vector<640x2xf32>
    %logistic3A_38 = math.exp %logistic3A : vector<640x2xf32>
    %logistic3A_39 = arith.constant 1.000000e+00 : f32
    %logistic3A_40 = vector.broadcast %logistic3A_39 : f32 to vector<640x2xf32>
    %logistic3A_41 = arith.addf %logistic3A_40, %logistic3A_38 : vector<640x2xf32>
    %logistic3A_42 = arith.divf %logistic3A_40, %logistic3A_41 : vector<640x2xf32>
    %reduce_max3A = arith.constant dense<0xFF800000> : vector<640xf32>
    %reduce_max3A_43 = vector.multi_reduction <maximumf>, %logistic3A_42, %reduce_max3A [1] : vector<640x2xf32> to vector<640xf32>
    %broadcast_in_dim3A = vector.shape_cast %reduce_max3A_43 : vector<640xf32> to vector<640x1xf32>
    %sub3A = vector.broadcast %broadcast_in_dim3A : vector<640x1xf32> to vector<640x2xf32>
    %sub3A_44 = arith.subf %logistic3A_42, %sub3A : vector<640x2xf32>
    %exp3A = math.exp %sub3A_44 : vector<640x2xf32>
    %reduce_sum3A = arith.constant dense<0.000000e+00> : vector<640xf32>
    %reduce_sum3A_45 = vector.multi_reduction <add>, %exp3A, %reduce_sum3A [1] : vector<640x2xf32> to vector<640xf32>
    %broadcast_in_dim3A_46 = vector.shape_cast %reduce_sum3A_45 : vector<640xf32> to vector<640x1xf32>
    %div3A = vector.broadcast %broadcast_in_dim3A_46 : vector<640x1xf32> to vector<640x2xf32>
    %div3A_47 = arith.divf %exp3A, %div3A : vector<640x2xf32>
    %get3A_48 = arith.constant 0 : index
    %get3A_49 = arith.constant 0 : index
    %get3A_50 = vector.load %arg10[%get3A_48, %get3A_49] : memref<256x256xf32, #tpu.memory_space<vmem>>, vector<256x256xf32>
    %dot_general3A_51 = arith.constant dense<0.000000e+00> : vector<640x256xf32>
    %dot_general3A_52 = tpu.matmul %get3A_1, %get3A_50, %dot_general3A_51 {dimension_numbers = #tpu.dot_dimension_numbers<[1], [0], [0], [1], [0, 0, 1, 1], [], []>, transpose_lhs_hint = false} : vector<640x256xf32>, vector<256x256xf32>, vector<640x256xf32> -> vector<640x256xf32>
    %get3A_53 = arith.constant 0 : index
    %get3A_54 = arith.constant 0 : index
    %get3A_55 = vector.load %arg11[%get3A_53, %get3A_54] : memref<16x256xf32, #tpu.memory_space<vmem>>, vector<16x256xf32>
    %dot_general3A_56 = arith.constant dense<0.000000e+00> : vector<640x256xf32>
    %dot_general3A_57 = tpu.matmul %get3A_4, %get3A_55, %dot_general3A_56 {dimension_numbers = #tpu.dot_dimension_numbers<[1], [0], [0], [1], [0, 0, 1, 1], [], []>, transpose_lhs_hint = false} : vector<640x16xf32>, vector<16x256xf32>, vector<640x256xf32> -> vector<640x256xf32>
    %add3A_58 = arith.addf %dot_general3A_52, %dot_general3A_57 : vector<640x256xf32>
    %get3A_59 = arith.constant 0 : index
    %get3A_60 = arith.constant 0 : index
    %get3A_61 = vector.load %arg12[%get3A_59, %get3A_60] : memref<1x256xf32, #tpu.memory_space<vmem>>, vector<1x256xf32>
    %mul3A_62 = vector.broadcast %get3A_7 : vector<640x1xf32> to vector<640x256xf32>
    %mul3A_63 = vector.broadcast %get3A_61 : vector<1x256xf32> to vector<640x256xf32>
    %mul3A_64 = arith.mulf %mul3A_62, %mul3A_63 : vector<640x256xf32>
    %add3A_65 = arith.addf %add3A_58, %mul3A_64 : vector<640x256xf32>
    %get3A_66 = arith.constant 0 : index
    %get3A_67 = arith.constant 0 : index
    %get3A_68 = vector.load %arg13[%get3A_66, %get3A_67] : memref<1x256xf32, #tpu.memory_space<vmem>>, vector<1x256xf32>
    %add3A_69 = vector.broadcast %get3A_68 : vector<1x256xf32> to vector<640x256xf32>
    %add3A_70 = arith.addf %add3A_65, %add3A_69 : vector<640x256xf32>
    %get3A_71 = arith.constant 0 : index
    %get3A_72 = arith.constant 0 : index
    %get3A_73 = vector.load %arg14[%get3A_71, %get3A_72] : memref<256x2xf32, #tpu.memory_space<vmem>>, vector<256x2xf32>
    %dot_general3A_74 = arith.constant dense<0.000000e+00> : vector<640x2xf32>
    %dot_general3A_75 = tpu.matmul %add3A_70, %get3A_73, %dot_general3A_74 {dimension_numbers = #tpu.dot_dimension_numbers<[1], [0], [0], [1], [0, 0, 1, 1], [], []>, transpose_lhs_hint = false} : vector<640x256xf32>, vector<256x2xf32>, vector<640x2xf32> -> vector<640x2xf32>
    %get3A_76 = arith.constant 0 : index
    %get3A_77 = arith.constant 0 : index
    %get3A_78 = vector.load %arg15[%get3A_76, %get3A_77] : memref<1x2xf32, #tpu.memory_space<vmem>>, vector<1x2xf32>
    %add3A_79 = vector.broadcast %get3A_78 : vector<1x2xf32> to vector<640x2xf32>
    %add3A_80 = arith.addf %dot_general3A_75, %add3A_79 : vector<640x2xf32>
    %swap3A = arith.constant 0 : index
    %swap3A_81 = arith.constant 0 : index
    %swap3A_82 = vector.load %arg16[%swap3A, %swap3A_81] : memref<640x2xf32, #tpu.memory_space<vmem>>, vector<640x2xf32>
    tpu.vector_store %arg16[%swap3A, %swap3A_81], %div3A_47 {strides = array<i32>} : memref<640x2xf32, #tpu.memory_space<vmem>>, vector<640x2xf32>,
    %swap3A_83 = arith.constant 0 : index
    %swap3A_84 = arith.constant 0 : index
    %swap3A_85 = vector.load %arg17[%swap3A_83, %swap3A_84] : memref<640x2xf32, #tpu.memory_space<vmem>>, vector<640x2xf32>
    tpu.vector_store %arg17[%swap3A_83, %swap3A_84], %add3A_80 {strides = array<i32>} : memref<640x2xf32, #tpu.memory_space<vmem>>, vector<640x2xf32>,
    %mul3A_86 = arith.mulf %add3A_80, %div3A_47 : vector<640x2xf32>
    %reduce_sum3A_87 = arith.constant dense<0.000000e+00> : vector<640xf32>
    %reduce_sum3A_88 = vector.multi_reduction <add>, %mul3A_86, %reduce_sum3A_87 [1] : vector<640x2xf32> to vector<640xf32>
    %broadcast_in_dim3A_89 = vector.shape_cast %reduce_sum3A_88 : vector<640xf32> to vector<640x1xf32>
    %swap3A_90 = arith.constant 0 : index
    %swap3A_91 = arith.constant 0 : index
    %swap3A_92 = vector.load %arg18[%swap3A_90, %swap3A_91] : memref<640x1xf32, #tpu.memory_space<vmem>>, vector<640x1xf32>
    tpu.vector_store %arg18[%swap3A_90, %swap3A_91], %broadcast_in_dim3A_89 {strides = array<i32>} : memref<640x1xf32, #tpu.memory_space<vmem>>, vector<640x1xf32>,
    return
  }
  func.func @transform_0(%arg0: i32) -> (i32, i32) {
    %c0_i32 = arith.constant 0 : i32
    %c0_i32_0 = arith.constant 0 : i32
    return %arg0, %c0_i32 : i32, i32
  }
  func.func @transform_1(%arg0: i32) -> (i32, i32) {
    %c0_i32 = arith.constant 0 : i32
    %c0_i32_0 = arith.constant 0 : i32
    return %arg0, %c0_i32 : i32, i32
  }
  func.func @transform_2(%arg0: i32) -> (i32, i32) {
    %c0_i32 = arith.constant 0 : i32
    %c0_i32_0 = arith.constant 0 : i32
    return %arg0, %c0_i32 : i32, i32
  }
  func.func @transform_3(%arg0: i32) -> (i32, i32) {
    %c0_i32 = arith.constant 0 : i32
    %c0_i32_0 = arith.constant 0 : i32
    %c0_i32_1 = arith.constant 0 : i32
    return %c0_i32, %c0_i32_0 : i32, i32
  }
  func.func @transform_4(%arg0: i32) -> (i32, i32) {
    %c0_i32 = arith.constant 0 : i32
    %c0_i32_0 = arith.constant 0 : i32
    %c0_i32_1 = arith.constant 0 : i32
    return %c0_i32, %c0_i32_0 : i32, i32
  }
  func.func @transform_5(%arg0: i32) -> (i32, i32) {
    %c0_i32 = arith.constant 0 : i32
    %c0_i32_0 = arith.constant 0 : i32
    %c0_i32_1 = arith.constant 0 : i32
    return %c0_i32, %c0_i32_0 : i32, i32
  }
  func.func @transform_6(%arg0: i32) -> (i32, i32) {
    %c0_i32 = arith.constant 0 : i32
    %c0_i32_0 = arith.constant 0 : i32
    %c0_i32_1 = arith.constant 0 : i32
    return %c0_i32, %c0_i32_0 : i32, i32
  }
  func.func @transform_7(%arg0: i32) -> (i32, i32) {
    %c0_i32 = arith.constant 0 : i32
    %c0_i32_0 = arith.constant 0 : i32
    %c0_i32_1 = arith.constant 0 : i32
    return %c0_i32, %c0_i32_0 : i32, i32
  }
  func.func @transform_8(%arg0: i32) -> (i32, i32) {
    %c0_i32 = arith.constant 0 : i32
    %c0_i32_0 = arith.constant 0 : i32
    %c0_i32_1 = arith.constant 0 : i32
    return %c0_i32, %c0_i32_0 : i32, i32
  }
  func.func @transform_9(%arg0: i32) -> (i32, i32) {
    %c0_i32 = arith.constant 0 : i32
    %c0_i32_0 = arith.constant 0 : i32
    %c0_i32_1 = arith.constant 0 : i32
    return %c0_i32, %c0_i32_0 : i32, i32
  }
  func.func @transform_10(%arg0: i32) -> (i32, i32) {
    %c0_i32 = arith.constant 0 : i32
    %c0_i32_0 = arith.constant 0 : i32
    %c0_i32_1 = arith.constant 0 : i32
    return %c0_i32, %c0_i32_0 : i32, i32
  }
  func.func @transform_11(%arg0: i32) -> (i32, i32) {
    %c0_i32 = arith.constant 0 : i32
    %c0_i32_0 = arith.constant 0 : i32
    %c0_i32_1 = arith.constant 0 : i32
    return %c0_i32, %c0_i32_0 : i32, i32
  }
  func.func @transform_12(%arg0: i32) -> (i32, i32) {
    %c0_i32 = arith.constant 0 : i32
    %c0_i32_0 = arith.constant 0 : i32
    %c0_i32_1 = arith.constant 0 : i32
    return %c0_i32, %c0_i32_0 : i32, i32
  }
  func.func @transform_13(%arg0: i32) -> (i32, i32) {
    %c0_i32 = arith.constant 0 : i32
    %c0_i32_0 = arith.constant 0 : i32
    %c0_i32_1 = arith.constant 0 : i32
    return %c0_i32, %c0_i32_0 : i32, i32
  }
  func.func @transform_14(%arg0: i32) -> (i32, i32) {
    %c0_i32 = arith.constant 0 : i32
    %c0_i32_0 = arith.constant 0 : i32
    %c0_i32_1 = arith.constant 0 : i32
    return %c0_i32, %c0_i32_0 : i32, i32
  }
  func.func @transform_15(%arg0: i32) -> (i32, i32) {
    %c0_i32 = arith.constant 0 : i32
    %c0_i32_0 = arith.constant 0 : i32
    return %arg0, %c0_i32 : i32, i32
  }
  func.func @transform_16(%arg0: i32) -> (i32, i32) {
    %c0_i32 = arith.constant 0 : i32
    %c0_i32_0 = arith.constant 0 : i32
    return %arg0, %c0_i32 : i32, i32
  }
  func.func @transform_17(%arg0: i32) -> (i32, i32) {
    %c0_i32 = arith.constant 0 : i32
    %c0_i32_0 = arith.constant 0 : i32
    return %arg0, %c0_i32 : i32, i32
  }
}

</mosaic_0001>

<sc_bundles>
// kernel: kernel.14.cloned.1.call-start
scs
__scs_entry_jumppad:
0x0: {  	(pc) =	sbr.rel $0x88, $3  }
0x1: {  	(tag) =	ssettag $0x0;
	lr =	simm.s32 $0x1  }
0x2: {  	[smem:$0x3F80] =	sst lr;
	_ =	strace $0xD0000000  }
0x3: {  	_ = 	snop  }
0x4: {  	_ = 	snop  }
0x5: {  	_ = 	snop  }
0x6: {  	_ = 	snop  }
0x7: {  	_ = 	snop  }
__scs_overlays_trampoline_lowered:
0x8: {  	[smem:$0x3F8F] =	sst s0  }
0x9: {  	[smem:$0x3F90] =	sst s1  }
0xa: {  	[smem:$0x3F91] =	sst s2  }
0xb: {  	[smem:$0x3F92] =	sst s3  }
0xc: {  	[smem:$0x3F93] =	sst s4  }
0xd: {  	[smem:$0x3F94] =	sst s5  }
0xe: {  	[smem:$0x3F95] =	sst s6  }
0xf: {  	[smem:$0x3F96] =	sst s7  }
0x10: {  	[smem:$0x3F97] =	sst s8  }
0x11: {  	[smem:$0x3F98] =	sst s9;
	s0 =	simm.s32 @!p0 $0x0  }
0x12: {  	s1 =	sld [smem:$0x3F7E];
	s0 =	simm.s32 @p0 $0x1  }
0x13: {  	[smem:$0x3F99] =	sst s0;
	s0 =	simm.s32 @!p1 $0x0  }
0x14: {  	s2 =	sld [smem:$0x3F7D];
	s0 =	simm.s32 @p1 $0x1  }
0x15: {  	[smem:$0x3F9A] =	sst s0;
	s0 =	simm.s32 @!p2 $0x0  }
0x16: {  	s3 =	sld [smem:$0x3FDB];
	s0 =	simm.s32 @p2 $0x1  }
0x17: {  	s4 =	simm.s32 $0x1BF5;
	[smem:$0x3F9C] =	sst s0  }
0x18: {  	s0 =	sld [smem:$0x3F7F];
	_ =	swait.ge [sflag:s4], $0x0  }
0x19: {  	s7 =	sld [smem:$0x3F80]  }
0x1a: {  	s8 =	sadd.s32 $0xFFFFE003, lr  }
0x1b: {  	s9 =	sadd.s32 $0xFFFFFEF7, lr;
	s5 =	simm.s32 $0xFFFFFFFF;
	p2 =	slt.u32 s8, $0xFFFFF086  }
0x1c: {  	p1 =	slt.u32 s9, $0xF7A;
	s5 =	simm.s32 @!p2 $0x0  }
0x1d: {  	s5 =	simm.s32 @p1 $0x1;
	p0 =	seq.s32 s7, s2  }
0x1e: {  	s7 =	smul.u32 @!p0 $0xF7A, s2;
	p2 =	seq.s32 @!p0 s5, $0x0  }
0x1f: {  	s9 =	smul.u32 $0xF7A, s1;
	s8 =	simm.s32 @!p0 $0x1BF5;
	p2 =	por !p2, p0  }
0x20: {  	[sflag:s8] =	ssyncset.s32 @!p0 $0xFFFFF086;
	s6 =	sadd.s32 @!p0 s3, s7;
	s7 =	simm.s32 @!p0 $0x108  }
0x21: {  	s3 =	sadd.s32 s3, s9;
	s6 =	sadd.s32 @!p0 $0x88, s6;
	s7 =	simm.s32 @p2 $0x1082  }
0x22: {  	[simem:s7], [sflag:s8] =	dma.local @!p0 [hbm:s6], $0xF7A  }
0x23: {  	s9 =	sor.u32 $0xD0000000, s2;
	s6 =	simm.s32 $0x108;
	_ =	swait.ge @!p0 [sflag:s8], $0x0  }
0x24: {  	s3 =	sadd.s32 $0x88, s3;
	s6 =	simm.s32 @!p1 $0x1082;
	[sflag:s4] =	ssyncset.s32 $0xFFFFF086  }
0x25: {  	[simem:s6], [sflag:s4] =	dma.local [hbm:s3], $0xF7A  }
0x26: {  	[smem:$0x3F80] =	sst s1;
	(tag) =	ssettag s2;
	_ =	strace s9  }
0x27: {  	s1 =	sld [smem:$0x3F90]  }
0x28: {  	s2 =	sld [smem:$0x3F91]  }
0x29: {  	s4 =	sld [smem:$0x3F93]  }
0x2a: {  	p0 =	seq.s32 s5, $0x0;
	s5 =	sld [smem:$0x3F94]  }
0x2b: {  	s6 =	sld [smem:$0x3F95]  }
0x2c: {  	s7 =	sld [smem:$0x3F96]  }
0x2d: {  	s3 =	simm.s32 $0x108;
	s8 =	sld [smem:$0x3F97]  }
0x2e: {  	s3 =	simm.s32 @!p0 $0x1082;
	s9 =	sld [smem:$0x3F98]  }
0x2f: {  	lr =	sadd.s32 s0, s3;
	s0 =	sld [smem:$0x3F8F]  }
0x30: {  	s3 =	sld [smem:$0x3F92]  }
0x31: {  	[smem:$0x3F9B] =	sst s10  }
0x32: {  	s10 =	sld [smem:$0x3F99];
	_ =	sdelay $0x3  }
0x33: {  	p0 =	seq.s32 s10, $0x1;
	s10 =	sld [smem:$0x3F9B];
	_ =	sdelay $0x3  }
0x34: {  	[smem:$0x3F9B] =	sst s10  }
0x35: {  	s10 =	sld [smem:$0x3F9A];
	_ =	sdelay $0x3  }
0x36: {  	p1 =	seq.s32 s10, $0x1;
	s10 =	sld [smem:$0x3F9B];
	_ =	sdelay $0x3  }
0x37: {  	[smem:$0x3F9B] =	sst s10  }
0x38: {  	s10 =	sld [smem:$0x3F9C]  }
0x39: {  	_ = 	snop;
	(pc) =	sbr.ind lr, $3  }
0x3a: {  	_ = 	snop  }
0x3b: {  	_ = 	snop  }
0x3c: {  	p2 =	seq.s32 s10, $0x1;
	s10 =	sld [smem:$0x3F9B]  }
0x3d: {  	_ =	shalt  }
0x3e: {  	_ =	shalt  }
0x3f: {  	_ =	shalt  }
0x40: {  	_ =	shalt  }
0x41: {  	_ =	shalt  }
0x42: {  	_ =	shalt  }
0x43: {  	_ =	shalt  }
0x44: {  	_ =	shalt  }
0x45: {  	_ =	shalt  }
0x46: {  	_ =	shalt  }
0x47: {  	_ =	shalt  }
0x48: {  	_ =	shalt  }
0x49: {  	_ =	shalt  }
0x4a: {  	_ =	shalt  }
0x4b: {  	_ =	shalt  }
0x4c: {  	_ =	shalt  }
0x4d: {  	_ =	shalt  }
0x4e: {  	_ =	shalt  }
0x4f: {  	_ =	shalt  }
0x50: {  	_ =	shalt  }
0x51: {  	_ =	shalt  }
0x52: {  	_ =	shalt  }
0x53: {  	_ =	shalt  }
0x54: {  	_ =	shalt  }
0x55: {  	_ =	shalt  }
0x56: {  	_ =	shalt  }
0x57: {  	_ =	shalt  }
0x58: {  	_ =	shalt  }
0x59: {  	_ =	shalt  }
0x5a: {  	_ =	shalt  }
0x5b: {  	_ =	shalt  }
0x5c: {  	_ =	shalt  }
0x5d: {  	_ =	shalt  }
0x5e: {  	_ =	shalt  }
0x5f: {  	_ =	shalt  }
0x60: {  	_ =	shalt  }
0x61: {  	_ =	shalt  }
0x62: {  	_ =	shalt  }
0x63: {  	_ =	shalt  }
0x64: {  	_ =	shalt  }
0x65: {  	_ =	shalt  }
0x66: {  	_ =	shalt  }
0x67: {  	_ =	shalt  }
0x68: {  	_ =	shalt  }
0x69: {  	_ =	shalt  }
0x6a: {  	_ =	shalt  }
0x6b: {  	_ =	shalt  }
0x6c: {  	_ =	shalt  }
0x6d: {  	_ =	shalt  }
0x6e: {  	_ =	shalt  }
0x6f: {  	_ =	shalt  }
0x70: {  	_ =	shalt  }
0x71: {  	_ =	shalt  }
0x72: {  	_ =	shalt  }
0x73: {  	_ =	shalt  }
0x74: {  	_ =	shalt  }
0x75: {  	_ =	shalt  }
0x76: {  	_ =	shalt  }
0x77: {  	_ =	shalt  }
0x78: {  	_ =	shalt  }
0x79: {  	_ =	shalt  }
0x7a: {  	_ =	shalt  }
0x7b: {  	_ =	shalt  }
0x7c: {  	_ =	shalt  }
0x7d: {  	_ =	shalt  }
0x7e: {  	_ =	shalt  }
0x7f: {  	_ =	shalt  }
0x80: {  	_ =	shalt  }
0x81: {  	_ =	shalt  }
0x82: {  	_ =	shalt  }
0x83: {  	_ =	shalt  }
0x84: {  	_ =	shalt  }
0x85: {  	_ =	shalt  }
0x86: {  	_ =	shalt  }
0x87: {  	_ =	shalt  }
.Lfunc_end0:
.L_simem_size_0:
called_computation.3_lowered:
.L_overlay_start_0:
0x88: {  	s2 =	sld [smem:$0x3FD9]  }
0x89: {  	s3 =	sld [smem:$0x3FFE];
	_ =	sdelay $0x1  }
0x8a: {  	s1 =	srdreg.scid  }
0x8b: {  	s0 =	sand.u32 $0x1, s1  }
0x8c: {  	s17 =	sshll.u32 s0, $0xA;
	s2 =	sadd.s32 s3, s2  }
0x8d: {  	s2 =	sadd.s32 s2, s17  }
0x8e: {  	[smem:$0x3FA7] =	sst s2  }
0x8f: {  	_ = 	snop  }
0x90: {  	s2 =	sld [smem:$0x3FD0];
	_ =	sdelay $0x2  }
0x91: {  	s4 =	simm.s32 $0x10;
	s18 =	sld [smem:$0x3FC6]  }
0x92: {  	[smem:s4], [sflag:s4] =	dma.local [hbm:s2], $0x1  }
0x93: {  	_ =	swait.eq [sflag:s4], $0x1  }
0x94: {  	[sflag:s4] =	ssyncset.done $0x0  }
0x95: {  	[sflag:s4] =	ssyncadd.s32 $0xFFFFFFFF  }
0x96: {  	s4 =	sld [smem:$0x12];
	(tm) =	ssettm $0x1  }
0x97: {  	s19 =	sld [smem:$0x3FFB];
	_ =	sdelay $0x3  }
0x98: {  	_ =	strace s19  }
0x99: {  	s2 =	sld [smem:$0x3FFC];
	_ =	sdelay $0x3  }
0x9a: {  	_ =	strace s2  }
0x9b: {  	s2 =	sld [smem:$0x3FFD];
	_ =	sdelay $0x3  }
0x9c: {  	_ =	strace s2  }
0x9d: {  	_ =	strace $0x8FFFFFFF  }
0x9e: {  	s20 =	sld [smem:$0x3FDB];
	_ =	sdelay $0x1  }
0x9f: {  	s5 =	simm.s32 $_scs_section_size  }
0xa0: {  	s6 =	simm.s32 $_size__tile_overlayer_lowered;
	s7 =	simm.s32 $_tile_overlayer_lowered  }
0xa1: {  	s8 =	simm.s32 $0x1BFF;
	s21 =	sshll.u32 s7, $0x1;
	s5 =	sadd.s32 s5, s20  }
0xa2: {  	s22 =	simm.s32 $0x0;
	s6 =	sshll.u32 s6, $0x1;
	s7 =	sadd.s32 s21, s5  }
0xa3: {  	[timem:s22], [sflag:s8] =	dma.local [hbm:s7], s6  }
0xa4: {  	_ =	swait.ge [sflag:s8], s6  }
0xa5: {  	s6 =	ssub.s32 $0x0, s6;
	[sflag:s8] =	ssyncset.done $0x0  }
0xa6: {  	[sflag:s8] =	ssyncadd.s32 s6;
	_ =	sdelay $0x1  }
0xa7: {  	s23 =	simm.s32 $0x1B8B  }
0xa8: {  	_ =	swait.ge [sflag:s23], $0x1  }
0xa9: {  	[sflag:s23] =	ssyncset.done $0x0  }
0xaa: {  	[sflag:s23] =	ssyncadd.s32 $0xFFFFFFFF  }
0xab: {  	s6 =	sld [smem:$0x0]  }
0xac: {  	s7 =	sand.u32 $0xFFFFFFFE, s1  }
0xad: {  	p0 =	sne.s32 s1, s7  }
0xae: {  	s7 =	sshll.u32 @p0 s7, $0xE  }
0xaf: {  	s7 =	sadd.s32 @p0 $0x11B8D, s7;
	s8 =	sshll.u32 @p0 s6, $0x11  }
0xb0: {  	s7 =	sor.u32 @p0 s8, s7  }
0xb1: {  	[sflag:s7] =	ssyncadd.remote.s32 @p0 $0x1;
	_ =	sdelay $0x1  }
0xb2: {  	s7 =	simm.s32 @p0 $0x1B8D  }
0xb3: {  	_ =	swait.eq @p0 [sflag:s7], $0x1  }
0xb4: {  	[sflag:s7] =	ssyncadd.s32 @p0 $0xFFFFFFFF  }
0xb5: {  	s8 =	sshll.u32 @!p0 s1, $0xE  }
0xb6: {  	s8 =	sor.u32 @!p0 $0x4000, s8;
	s7 =	simm.s32 @!p0 $0x1B8D  }
0xb7: {  	s6 =	sshll.u32 @!p0 s6, $0x11;
	s8 =	sadd.s32 @!p0 $0x11B8D, s8;
	_ =	swait.eq @!p0 [sflag:s7], $0x1  }
0xb8: {  	s6 =	sor.u32 @!p0 s6, s8;
	[sflag:s7] =	ssyncadd.s32 @!p0 $0xFFFFFFFF  }
0xb9: {  	s25 =	simm.s32 $0x1B8E;
	s24 =	sld [smem:$0x3FFE];
	[sflag:s6] =	ssyncadd.remote.s32 @!p0 $0x1  }
0xba: {  	s26 =	simm.s32 $execute0_lowered;
	[smem:$0x3FD2] =	sst s25  }
0xbb: {  	s7 =	sshll.u32 s26, $0x1;
	_ =	strace $0x8000004C;
	[dreg:$0x1] =	wrdreg $0xFFFFFFFF  }
0xbc: {  	s28 =	simm.s32 $_size_execute0_lowered;
	s5 =	sadd.s32 s5, s7;
	[dreg:$0x0] =	wrdreg $0x0  }
0xbd: {  	s7 =	sshll.u32 s28, $0x1;
	[dreg:$0x2] =	wrdreg s5  }
0xbe: {  	[dreg:$0x3] =	wrdreg s7  }
0xbf: {  	[dreg:$0x4] =	wrdreg $0xC0  }
0xc0: {  	_ =	task [dreg:s22], $0x5FFFF  }
0xc1: {  	[dreg:$0x1] =	wrdreg $0xFFFFFFFF  }
0xc2: {  	[dreg:$0x0] =	wrdreg $0x60  }
0xc3: {  	[dreg:$0x2] =	wrdreg s24  }
0xc4: {  	[dreg:$0x3] =	wrdreg s18  }
0xc5: {  	[dreg:$0x4] =	wrdreg s4  }
0xc6: {  	[dreg:$0x5] =	wrdreg $0x40800  }
0xc7: {  	[dreg:$0x6] =	wrdreg $0xF  }
0xc8: {  	_ =	task.clear_ibuf [dreg:s22], $0x7FFFF;
	_ =	strace $0x9000004C  }
0xc9: {  	s29 =	simm.s32 $0xF;
	_ =	strace $0x8000004E  }
0xca: {  	_ =	swait.ge [sflag:s29], $0x1  }
0xcb: {  	[sflag:s29] =	ssyncadd.s32 $0xFFFFFFFF  }
0xcc: {  	_ =	strace $0x9000004E  }
0xcd: {  	_ =	sfence  }
0xce: {  	s30 =	sld [smem:$0x0];
	_ =	sdelay $0x2  }
0xcf: {  	s31 =	sshll.u32 s1, $0xD;
	s1 =	sshrl.u32 s1, $0x2  }
0xd0: {  	s4 =	sand.u32 $0x4000, s31;
	s1 =	sadd.s32 s1, s30  }
0xd1: {  	s0 =	sor.u32 s4, s0;
	s1 =	sshll.u32 s1, $0x11  }
0xd2: {  	s0 =	sor.u32 s1, s0  }
0xd3: {  	s0 =	sadd.s32 $0x8F2B, s0  }
0xd4: {  	[sflag:s0] =	ssyncadd.remote.s32 $0x1  }
0xd5: {  	_ =	sfence.sel $0xFFFF  }
0xd6: {  	[dreg:$0x0] =	wrdreg $0xFFFFFFFF;
	(pc) =	sbr.abs _section_cstart, $3  }
0xd7: {  	[dreg:$0x1] =	wrdreg $0xFFFFFFFF  }
0xd8: {  	_ =	task.clear_ibuf [dreg:s22], $0x2FFFF;
	_ =	strace $0x9FFFFFFF  }
0xd9: {  	(tm) =	ssettm $0x7FFFFFFF  }
tec
execute0_lowered:
.L_overlay_start_1:
0x0: {  	(tag) =	ssettag $0x1  }
0x1: {  	s5 =	rddreg [dreg:$0x0]  }
0x2: {  	s10 =	rddreg [dreg:$0x1];
	s0 =	stileid.u32  }
0x3: {  	s2 =	rddreg [dreg:$0x2];
	s6 =	smul.u32 $0x24000, s0  }
0x4: {  	s1 =	srdreg.scid;
	s9 =	smul.u32 $0x13C00, s0  }
0x5: {  	s3 =	rddreg [dreg:$0x3];
	s4 =	simm.s32 $0x0;
	s26 =	smul.u32 $0x4F000, s0  }
0x6: {  	s7 =	sand.u32 $0x1, s1;
	s1 =	rddreg [dreg:$0x4];
	s28 =	smul.u32 $0x2400, s0  }
0x7: {  	[smem:$0x7FF] =	sst s4;
	s8 =	smul.u32 $0x13C000, s7  }
0x8: {  	s30 =	sshll.u32 s0, $0x6;
	_ =	strace $0x8000004D;
	s13 =	smul.u32 $0x12000, s7  }
0x9: {  	s25 =	ssub.s32 $0x2, s7;
	s31 =	smul.u32 $0x1200, s7;
	s11 =	sadd.s32 s6, s5  }
0xa: {  	s12 =	sshrl.u32 s25, $0x1;
	s29 =	sshrl.u32 s26, $0x2;
	s24 =	sadd.s32 s9, s8  }
0xb: {  	s8 =	ssub.s32 s25, s12;
	s15 =	sadd.s32 s29, s3;
	s11 =	sadd.s32 s13, s11  }
0xc: {  	s12 =	sadd.s32 s31, s28;
	s13 =	simm.s32 $0x1;
	s6 =	sshrl.u32 s24, $0x3  }
0xd: {  	s8 =	smax.u32 s8, $0x1;
	s9 =	sadd.s32 $0x8800, s11;
	s12 =	sshrl.u32 s12, $0x3  }
0xe: {  	s11 =	sadd.s32 $0x248800, s11;
	s14 =	sadd.s32 s6, s5;
	s5 =	sor.u32 $0x1C01, s30  }
0xf: {  	s10 =	sadd.s32 s12, s10;
	s12 =	sshrl.u32 s15, $0x3;
	s15 =	simm.s32 $0x0  }
0x10: {  	s6 =	sadd.s32 $0x48B800, s14;
	s7 =	sadd.s32 $0x4DA800, s14;
	s14 =	simm.s32 $0x80  }
.LBB2_1:
0x11: {  	[spmem:s12], [sflag:s5] =	dma.local [hbm:s2], $0x2780  }
0x12: {  	_ =	swait.ge [sflag:s13], $0x2780  }
0x13: {  	[sflag:s13] =	ssyncset.done $0x0  }
0x14: {  	[sflag:s13] =	ssyncadd.s32 $0xFFFFD880  }
0x15: {  	s16 =	sadd.s32 $0x0, s10;
	[bflag:$0x0] =	sbarrier.arrive $0xFFFF  }
0x16: {  	[tilespmem:s4], [sflag:$0x1] =	stream.linear.gather [hbm4b:s16+s4], $0x80, $0x38;
	[tilespmem:$0x17C80] =	vst v63  }
0x17: {  	_ =	swait.ge [sflag:s13], $0x80  }
0x18: {  	[sflag:s13] =	ssyncset.done $0x0  }
0x19: {  	[sflag:s13] =	ssyncadd.s32 $0xFFFFFF80  }
0x1a: {  	[tilespmem:s14], [sflag:$0x1] =	stream.linear.gather [hbm4b:s9+s4], $0x4000, $0x38;
	[tilespmem:$0x17C80] =	vst v63  }
0x1b: {  	_ =	swait.ge [sflag:s13], $0x4000  }
0x1c: {  	[sflag:s13] =	ssyncset.done $0x0  }
0x1d: {  	[sflag:s13] =	ssyncadd.s32 $0xFFFFC000  }
0x1e: {  	[spmem:s3] =	stream.indirect.scatter.add.f32 [tilespmem:s14], [sflag:$0x1], $0x80, s4, s14, $0xb8;
	[tilespmem:$0x17C80] =	vst v63  }
0x1f: {  	s17 =	simm.s32 $0x10;
	_ =	swait.ge [sflag:s13], $0x4000  }
0x20: {  	s18 =	simm.s32 $0x20;
	s16 =	sadd.s32 $0x800, s9;
	[sflag:s13] =	ssyncset.done $0x0  }
.LBB2_2:
0x21: {  	s19 =	sadd.s32 s17, s10  }
0x22: {  	[sflag:s13] =	ssyncadd.s32 $0xFFFFC000;
	s17 =	smov.u32 s18;
	s20 =	sadd.s32 $0x10, s18  }
0x23: {  	[tilespmem:s4], [sflag:$0x1] =	stream.linear.gather [hbm4b:s19+s4], $0x80, $0x38;
	[tilespmem:$0x17C80] =	vst v63  }
0x24: {  	p0 =	sne.s32 s18, $0x230;
	_ =	swait.ge [sflag:s13], $0x80  }
0x25: {  	[sflag:s13] =	ssyncset.done $0x0  }
0x26: {  	[sflag:s13] =	ssyncadd.s32 $0xFFFFFF80  }
0x27: {  	[tilespmem:s14], [sflag:$0x1] =	stream.linear.gather [hbm4b:s16+s4], $0x4000, $0x38;
	[tilespmem:$0x17C80] =	vst v63  }
0x28: {  	_ =	swait.ge [sflag:s13], $0x4000  }
.Ltmp0:
0x29: {  	[sflag:s13] =	ssyncset.done $0x0;
	(pc) =	sbr.rel @p0 .LBB2_2-.Ltmp0, $4  }
0x2a: {  	[sflag:s13] =	ssyncadd.s32 $0xFFFFC000  }
0x2b: {  	[spmem:s3] =	stream.indirect.scatter.add.f32 [tilespmem:s14], [sflag:$0x1], $0x80, s4, s14, $0xb8;
	[tilespmem:$0x17C80] =	vst v63  }
0x2c: {  	_ =	swait.ge [sflag:s13], $0x4000  }
0x2d: {  	s18 =	smov.u32 s20;
	s16 =	sadd.s32 $0x800, s16;
	[sflag:s13] =	ssyncset.done $0x0  }
0x2e: {  	s17 =	sadd.s32 s17, s10;
	[sflag:s13] =	ssyncadd.s32 $0xFFFFC000  }
0x2f: {  	[tilespmem:s4], [sflag:$0x1] =	stream.linear.gather [hbm4b:s17+s4], $0x80, $0x38;
	[tilespmem:$0x17C80] =	vst v63  }
0x30: {  	_ =	swait.ge [sflag:s13], $0x80  }
0x31: {  	[sflag:s13] =	ssyncset.done $0x0  }
0x32: {  	[sflag:s13] =	ssyncadd.s32 $0xFFFFFF80  }
0x33: {  	[tilespmem:s14], [sflag:$0x1] =	stream.linear.gather [hbm4b:s16+s4], $0x4000, $0x38;
	[tilespmem:$0x17C80] =	vst v63  }
0x34: {  	_ =	swait.ge [sflag:s13], $0x4000  }
0x35: {  	[sflag:s13] =	ssyncset.done $0x0  }
0x36: {  	[sflag:s13] =	ssyncadd.s32 $0xFFFFC000  }
0x37: {  	[spmem:s3] =	stream.indirect.scatter.add.f32 [tilespmem:s14], [sflag:$0x1], $0x80, s4, s14, $0xb8;
	[tilespmem:$0x17C80] =	vst v63  }
0x38: {  	_ =	swait.ge [sflag:s13], $0x4000  }
0x39: {  	[sflag:s13] =	ssyncset.done $0x0  }
0x3a: {  	[sflag:s13] =	ssyncadd.s32 $0xFFFFC000  }
0x3b: {  	[bflag:$0x0] =	sbarrier.arrive $0xFFFF  }
0x3c: {  	[hbm:s6], [sflag:s5] =	dma.local [spmem:s12], $0x2780  }
0x3d: {  	_ =	swait.ge [sflag:s13], $0x2780  }
0x3e: {  	[sflag:s13] =	ssyncset.done $0x0  }
0x3f: {  	[sflag:s13] =	ssyncadd.s32 $0xFFFFD880  }
0x40: {  	[bflag:$0x0] =	sbarrier.arrive $0xFFFF  }
0x41: {  	[spmem:s12], [sflag:s5] =	dma.local [hbm:s2], $0x2780  }
0x42: {  	_ =	swait.ge [sflag:s13], $0x2780  }
0x43: {  	[sflag:s13] =	ssyncset.done $0x0  }
0x44: {  	[sflag:s13] =	ssyncadd.s32 $0xFFFFD880  }
0x45: {  	s31 =	sadd.s32 $0x0, s10;
	[bflag:$0x0] =	sbarrier.arrive $0xFFFF  }
0x46: {  	[tilespmem:s4], [sflag:$0x1] =	stream.linear.gather [hbm4b:s31+s4], $0x80, $0x38;
	[tilespmem:$0x17C80] =	vst v63  }
0x47: {  	_ =	swait.ge [sflag:s13], $0x80  }
0x48: {  	[sflag:s13] =	ssyncset.done $0x0  }
0x49: {  	[sflag:s13] =	ssyncadd.s32 $0xFFFFFF80  }
0x4a: {  	[tilespmem:s14], [sflag:$0x1] =	stream.linear.gather [hbm4b:s11+s4], $0x4000, $0x38;
	[tilespmem:$0x17C80] =	vst v63  }
0x4b: {  	_ =	swait.ge [sflag:s13], $0x4000  }
0x4c: {  	[sflag:s13] =	ssyncset.done $0x0  }
0x4d: {  	[sflag:s13] =	ssyncadd.s32 $0xFFFFC000  }
0x4e: {  	[spmem:s3] =	stream.indirect.scatter.add.f32 [tilespmem:s14], [sflag:$0x1], $0x80, s4, s14, $0xb8;
	[tilespmem:$0x17C80] =	vst v63  }
0x4f: {  	s18 =	simm.s32 $0x20;
	_ =	swait.ge [sflag:s13], $0x4000  }
0x50: {  	s17 =	simm.s32 $0x10;
	s16 =	sadd.s32 $0x800, s11;
	[sflag:s13] =	ssyncset.done $0x0  }
.LBB2_4:
0x51: {  	s19 =	sadd.s32 s17, s10  }
0x52: {  	[sflag:s13] =	ssyncadd.s32 $0xFFFFC000;
	s17 =	smov.u32 s18;
	s20 =	sadd.s32 $0x10, s18  }
0x53: {  	[tilespmem:s4], [sflag:$0x1] =	stream.linear.gather [hbm4b:s19+s4], $0x80, $0x38;
	[tilespmem:$0x17C80] =	vst v63  }
0x54: {  	p0 =	sne.s32 s18, $0x230;
	_ =	swait.ge [sflag:s13], $0x80  }
0x55: {  	[sflag:s13] =	ssyncset.done $0x0  }
0x56: {  	[sflag:s13] =	ssyncadd.s32 $0xFFFFFF80  }
0x57: {  	[tilespmem:s14], [sflag:$0x1] =	stream.linear.gather [hbm4b:s16+s4], $0x4000, $0x38;
	[tilespmem:$0x17C80] =	vst v63  }
0x58: {  	_ =	swait.ge [sflag:s13], $0x4000  }
.Ltmp1:
0x59: {  	[sflag:s13] =	ssyncset.done $0x0;
	(pc) =	sbr.rel @p0 .LBB2_4-.Ltmp1, $4  }
0x5a: {  	[sflag:s13] =	ssyncadd.s32 $0xFFFFC000  }
0x5b: {  	[spmem:s3] =	stream.indirect.scatter.add.f32 [tilespmem:s14], [sflag:$0x1], $0x80, s4, s14, $0xb8;
	[tilespmem:$0x17C80] =	vst v63  }
0x5c: {  	_ =	swait.ge [sflag:s13], $0x4000  }
0x5d: {  	s18 =	smov.u32 s20;
	s16 =	sadd.s32 $0x800, s16;
	[sflag:s13] =	ssyncset.done $0x0  }
0x5e: {  	s17 =	sadd.s32 s17, s10;
	[sflag:s13] =	ssyncadd.s32 $0xFFFFC000  }
0x5f: {  	[tilespmem:s4], [sflag:$0x1] =	stream.linear.gather [hbm4b:s17+s4], $0x80, $0x38;
	[tilespmem:$0x17C80] =	vst v63  }
0x60: {  	_ =	swait.ge [sflag:s13], $0x80  }
0x61: {  	[sflag:s13] =	ssyncset.done $0x0  }
0x62: {  	[sflag:s13] =	ssyncadd.s32 $0xFFFFFF80  }
0x63: {  	[tilespmem:s14], [sflag:$0x1] =	stream.linear.gather [hbm4b:s16+s4], $0x4000, $0x38;
	[tilespmem:$0x17C80] =	vst v63  }
0x64: {  	_ =	swait.ge [sflag:s13], $0x4000  }
0x65: {  	[sflag:s13] =	ssyncset.done $0x0  }
0x66: {  	[sflag:s13] =	ssyncadd.s32 $0xFFFFC000  }
0x67: {  	[spmem:s3] =	stream.indirect.scatter.add.f32 [tilespmem:s14], [sflag:$0x1], $0x80, s4, s14, $0xb8;
	[tilespmem:$0x17C80] =	vst v63  }
0x68: {  	_ =	swait.ge [sflag:s13], $0x4000  }
0x69: {  	[sflag:s13] =	ssyncset.done $0x0  }
0x6a: {  	s15 =	sadd.s32 $0x1, s15;
	[sflag:s13] =	ssyncadd.s32 $0xFFFFC000  }
0x6b: {  	p0 =	sne.s32 s15, s8;
	[bflag:$0x0] =	sbarrier.arrive $0xFFFF  }
0x6c: {  	[hbm:s7], [sflag:s5] =	dma.local [spmem:s12], $0x2780  }
.Ltmp2:
0x6d: {  	_ =	swait.ge [sflag:s13], $0x2780;
	(pc) =	sbr.rel @p0 .LBB2_1-.Ltmp2, $3  }
0x6e: {  	[sflag:s13] =	ssyncset.done $0x0  }
0x6f: {  	[sflag:s13] =	ssyncadd.s32 $0xFFFFD880  }
0x70: {  	[bflag:$0x0] =	sbarrier.arrive $0xFFFF;
	_ =	sdelay $0x1  }
0x71: {  	_ =	sfence.sel $0x180000  }
0x72: {  	[bflag:$0x0] =	sbarrier.arrive $0xFFFF  }
0x73: {  	p0 =	sne.s32 s0, $0x0;
	_ =	strace $0x9000004D  }
0x74: {  	s0 =	sadd.s32 @!p0 $0x100000, s1;
	[bflag:$0x2] =	sbarrier.arrive $0xFFFF  }
0x75: {  	[sflag:s0] =	ssyncadd.tile.s32 @!p0 $0x1;
	_ =	shalt  }
.Lfunc_end2:
_tile_overlayer_lowered:
.L_overlay_start_2:
0x76: {  	(tag) =	ssettag $0x2  }
0x77: {  	s0 =	rddreg [dreg:$0x0];
	s2 =	stileid.u32  }
0x78: {  	s1 =	rddreg [dreg:$0x1];
	p0 =	sne.s32 s2, $0x0  }
0x79: {  	s3 =	rddreg [dreg:$0x2];
	[bflag:$0x3] =	sbarrier.arrive $0xFFFF;
	s2 =	simm.s32 @!p0 $0x1C01  }
0x7a: {  	[timem:s3], [sflag:s2] =	dma.local @!p0 [hbm:s0], s1  }
0x7b: {  	s0 =	simm.s32 @!p0 $0x1  }
0x7c: {  	_ =	swait.ge @!p0 [sflag:s0], s1  }
0x7d: {  	s1 =	ssub.s32 @!p0 $0x0, s1;
	[sflag:s0] =	ssyncset.done @!p0 $0x0  }
0x7e: {  	[sflag:s0] =	ssyncadd.s32 @!p0 s1  }
0x7f: {  	[bflag:$0x3] =	sbarrier.arrive $0xFFFF  }
0x80: {  	_ =	shalt  }

// kernel: kernel.17.cloned.1.call-start
scs
__scs_entry_jumppad:
0x0: {  	(pc) =	sbr.rel $0x88, $3  }
0x1: {  	(tag) =	ssettag $0x0;
	lr =	simm.s32 $0x1  }
0x2: {  	[smem:$0x3F80] =	sst lr;
	_ =	strace $0xD0000000  }
0x3: {  	_ = 	snop  }
0x4: {  	_ = 	snop  }
0x5: {  	_ = 	snop  }
0x6: {  	_ = 	snop  }
0x7: {  	_ = 	snop  }
__scs_overlays_trampoline_lowered:
0x8: {  	[smem:$0x3F8F] =	sst s0  }
0x9: {  	[smem:$0x3F90] =	sst s1  }
0xa: {  	[smem:$0x3F91] =	sst s2  }
0xb: {  	[smem:$0x3F92] =	sst s3  }
0xc: {  	[smem:$0x3F93] =	sst s4  }
0xd: {  	[smem:$0x3F94] =	sst s5  }
0xe: {  	[smem:$0x3F95] =	sst s6  }
0xf: {  	[smem:$0x3F96] =	sst s7  }
0x10: {  	[smem:$0x3F97] =	sst s8  }
0x11: {  	[smem:$0x3F98] =	sst s9;
	s0 =	simm.s32 @!p0 $0x0  }
0x12: {  	s1 =	sld [smem:$0x3F7E];
	s0 =	simm.s32 @p0 $0x1  }
0x13: {  	[smem:$0x3F99] =	sst s0;
	s0 =	simm.s32 @!p1 $0x0  }
0x14: {  	s2 =	sld [smem:$0x3F7D];
	s0 =	simm.s32 @p1 $0x1  }
0x15: {  	[smem:$0x3F9A] =	sst s0;
	s0 =	simm.s32 @!p2 $0x0  }
0x16: {  	s3 =	sld [smem:$0x3FDB];
	s0 =	simm.s32 @p2 $0x1  }
0x17: {  	s4 =	simm.s32 $0x1BF5;
	[smem:$0x3F9C] =	sst s0  }
0x18: {  	s0 =	sld [smem:$0x3F7F];
	_ =	swait.ge [sflag:s4], $0x0  }
0x19: {  	s7 =	sld [smem:$0x3F80]  }
0x1a: {  	s8 =	sadd.s32 $0xFFFFE003, lr  }
0x1b: {  	s9 =	sadd.s32 $0xFFFFFEF7, lr;
	s5 =	simm.s32 $0xFFFFFFFF;
	p2 =	slt.u32 s8, $0xFFFFF086  }
0x1c: {  	p1 =	slt.u32 s9, $0xF7A;
	s5 =	simm.s32 @!p2 $0x0  }
0x1d: {  	s5 =	simm.s32 @p1 $0x1;
	p0 =	seq.s32 s7, s2  }
0x1e: {  	s7 =	smul.u32 @!p0 $0xF7A, s2;
	p2 =	seq.s32 @!p0 s5, $0x0  }
0x1f: {  	s9 =	smul.u32 $0xF7A, s1;
	s8 =	simm.s32 @!p0 $0x1BF5;
	p2 =	por !p2, p0  }
0x20: {  	[sflag:s8] =	ssyncset.s32 @!p0 $0xFFFFF086;
	s6 =	sadd.s32 @!p0 s3, s7;
	s7 =	simm.s32 @!p0 $0x108  }
0x21: {  	s3 =	sadd.s32 s3, s9;
	s6 =	sadd.s32 @!p0 $0x88, s6;
	s7 =	simm.s32 @p2 $0x1082  }
0x22: {  	[simem:s7], [sflag:s8] =	dma.local @!p0 [hbm:s6], $0xF7A  }
0x23: {  	s9 =	sor.u32 $0xD0000000, s2;
	s6 =	simm.s32 $0x108;
	_ =	swait.ge @!p0 [sflag:s8], $0x0  }
0x24: {  	s3 =	sadd.s32 $0x88, s3;
	s6 =	simm.s32 @!p1 $0x1082;
	[sflag:s4] =	ssyncset.s32 $0xFFFFF086  }
0x25: {  	[simem:s6], [sflag:s4] =	dma.local [hbm:s3], $0xF7A  }
0x26: {  	[smem:$0x3F80] =	sst s1;
	(tag) =	ssettag s2;
	_ =	strace s9  }
0x27: {  	s1 =	sld [smem:$0x3F90]  }
0x28: {  	s2 =	sld [smem:$0x3F91]  }
0x29: {  	s4 =	sld [smem:$0x3F93]  }
0x2a: {  	p0 =	seq.s32 s5, $0x0;
	s5 =	sld [smem:$0x3F94]  }
0x2b: {  	s6 =	sld [smem:$0x3F95]  }
0x2c: {  	s7 =	sld [smem:$0x3F96]  }
0x2d: {  	s3 =	simm.s32 $0x108;
	s8 =	sld [smem:$0x3F97]  }
0x2e: {  	s3 =	simm.s32 @!p0 $0x1082;
	s9 =	sld [smem:$0x3F98]  }
0x2f: {  	lr =	sadd.s32 s0, s3;
	s0 =	sld [smem:$0x3F8F]  }
0x30: {  	s3 =	sld [smem:$0x3F92]  }
0x31: {  	[smem:$0x3F9B] =	sst s10  }
0x32: {  	s10 =	sld [smem:$0x3F99];
	_ =	sdelay $0x3  }
0x33: {  	p0 =	seq.s32 s10, $0x1;
	s10 =	sld [smem:$0x3F9B];
	_ =	sdelay $0x3  }
0x34: {  	[smem:$0x3F9B] =	sst s10  }
0x35: {  	s10 =	sld [smem:$0x3F9A];
	_ =	sdelay $0x3  }
0x36: {  	p1 =	seq.s32 s10, $0x1;
	s10 =	sld [smem:$0x3F9B];
	_ =	sdelay $0x3  }
0x37: {  	[smem:$0x3F9B] =	sst s10  }
0x38: {  	s10 =	sld [smem:$0x3F9C]  }
0x39: {  	_ = 	snop;
	(pc) =	sbr.ind lr, $3  }
0x3a: {  	_ = 	snop  }
0x3b: {  	_ = 	snop  }
0x3c: {  	p2 =	seq.s32 s10, $0x1;
	s10 =	sld [smem:$0x3F9B]  }
0x3d: {  	_ =	shalt  }
0x3e: {  	_ =	shalt  }
0x3f: {  	_ =	shalt  }
0x40: {  	_ =	shalt  }
0x41: {  	_ =	shalt  }
0x42: {  	_ =	shalt  }
0x43: {  	_ =	shalt  }
0x44: {  	_ =	shalt  }
0x45: {  	_ =	shalt  }
0x46: {  	_ =	shalt  }
0x47: {  	_ =	shalt  }
0x48: {  	_ =	shalt  }
0x49: {  	_ =	shalt  }
0x4a: {  	_ =	shalt  }
0x4b: {  	_ =	shalt  }
0x4c: {  	_ =	shalt  }
0x4d: {  	_ =	shalt  }
0x4e: {  	_ =	shalt  }
0x4f: {  	_ =	shalt  }
0x50: {  	_ =	shalt  }
0x51: {  	_ =	shalt  }
0x52: {  	_ =	shalt  }
0x53: {  	_ =	shalt  }
0x54: {  	_ =	shalt  }
0x55: {  	_ =	shalt  }
0x56: {  	_ =	shalt  }
0x57: {  	_ =	shalt  }
0x58: {  	_ =	shalt  }
0x59: {  	_ =	shalt  }
0x5a: {  	_ =	shalt  }
0x5b: {  	_ =	shalt  }
0x5c: {  	_ =	shalt  }
0x5d: {  	_ =	shalt  }
0x5e: {  	_ =	shalt  }
0x5f: {  	_ =	shalt  }
0x60: {  	_ =	shalt  }
0x61: {  	_ =	shalt  }
0x62: {  	_ =	shalt  }
0x63: {  	_ =	shalt  }
0x64: {  	_ =	shalt  }
0x65: {  	_ =	shalt  }
0x66: {  	_ =	shalt  }
0x67: {  	_ =	shalt  }
0x68: {  	_ =	shalt  }
0x69: {  	_ =	shalt  }
0x6a: {  	_ =	shalt  }
0x6b: {  	_ =	shalt  }
0x6c: {  	_ =	shalt  }
0x6d: {  	_ =	shalt  }
0x6e: {  	_ =	shalt  }
0x6f: {  	_ =	shalt  }
0x70: {  	_ =	shalt  }
0x71: {  	_ =	shalt  }
0x72: {  	_ =	shalt  }
0x73: {  	_ =	shalt  }
0x74: {  	_ =	shalt  }
0x75: {  	_ =	shalt  }
0x76: {  	_ =	shalt  }
0x77: {  	_ =	shalt  }
0x78: {  	_ =	shalt  }
0x79: {  	_ =	shalt  }
0x7a: {  	_ =	shalt  }
0x7b: {  	_ =	shalt  }
0x7c: {  	_ =	shalt  }
0x7d: {  	_ =	shalt  }
0x7e: {  	_ =	shalt  }
0x7f: {  	_ =	shalt  }
0x80: {  	_ =	shalt  }
0x81: {  	_ =	shalt  }
0x82: {  	_ =	shalt  }
0x83: {  	_ =	shalt  }
0x84: {  	_ =	shalt  }
0x85: {  	_ =	shalt  }
0x86: {  	_ =	shalt  }
0x87: {  	_ =	shalt  }
.Lfunc_end0:
.L_simem_size_0:
called_computation.4_lowered:
.L_overlay_start_0:
0x88: {  	s2 =	sld [smem:$0x3FD9]  }
0x89: {  	s3 =	sld [smem:$0x3FFE];
	_ =	sdelay $0x1  }
0x8a: {  	s1 =	srdreg.scid  }
0x8b: {  	s0 =	sand.u32 $0x1, s1  }
0x8c: {  	s17 =	sshll.u32 s0, $0xA;
	s2 =	sadd.s32 s3, s2  }
0x8d: {  	s2 =	sadd.s32 s2, s17  }
0x8e: {  	[smem:$0x3FA7] =	sst s2  }
0x8f: {  	_ = 	snop  }
0x90: {  	s2 =	sld [smem:$0x3FD0];
	_ =	sdelay $0x2  }
0x91: {  	s18 =	simm.s32 $0x10  }
0x92: {  	[smem:s18], [sflag:s18] =	dma.local [hbm:s2], $0x1  }
0x93: {  	_ =	swait.eq [sflag:s18], $0x1  }
0x94: {  	[sflag:s18] =	ssyncset.done $0x0  }
0x95: {  	[sflag:s18] =	ssyncadd.s32 $0xFFFFFFFF  }
0x96: {  	s3 =	sld [smem:$0x12];
	(tm) =	ssettm $0x1  }
0x97: {  	s19 =	sld [smem:$0x3FFB];
	_ =	sdelay $0x3  }
0x98: {  	_ =	strace s19  }
0x99: {  	s2 =	sld [smem:$0x3FFC];
	_ =	sdelay $0x3  }
0x9a: {  	_ =	strace s2  }
0x9b: {  	s2 =	sld [smem:$0x3FFD];
	_ =	sdelay $0x3  }
0x9c: {  	_ =	strace s2  }
0x9d: {  	_ =	strace $0x8FFFFFFF  }
0x9e: {  	s20 =	sld [smem:$0x3FDB];
	_ =	sdelay $0x1  }
0x9f: {  	s4 =	simm.s32 $_scs_section_size  }
0xa0: {  	s5 =	simm.s32 $_size__tile_overlayer_lowered;
	s6 =	simm.s32 $_tile_overlayer_lowered  }
0xa1: {  	s7 =	simm.s32 $0x1BFF;
	s21 =	sshll.u32 s6, $0x1;
	s4 =	sadd.s32 s4, s20  }
0xa2: {  	s22 =	simm.s32 $0x0;
	s5 =	sshll.u32 s5, $0x1;
	s6 =	sadd.s32 s21, s4  }
0xa3: {  	[timem:s22], [sflag:s7] =	dma.local [hbm:s6], s5  }
0xa4: {  	_ =	swait.ge [sflag:s7], s5  }
0xa5: {  	s5 =	ssub.s32 $0x0, s5;
	[sflag:s7] =	ssyncset.done $0x0  }
0xa6: {  	[sflag:s7] =	ssyncadd.s32 s5;
	_ =	sdelay $0x1  }
0xa7: {  	s23 =	simm.s32 $0x1B8B  }
0xa8: {  	_ =	swait.ge [sflag:s23], $0x1  }
0xa9: {  	[sflag:s23] =	ssyncset.done $0x0  }
0xaa: {  	[sflag:s23] =	ssyncadd.s32 $0xFFFFFFFF  }
0xab: {  	s5 =	sld [smem:$0x0]  }
0xac: {  	s6 =	sand.u32 $0xFFFFFFFE, s1  }
0xad: {  	p0 =	sne.s32 s1, s6  }
0xae: {  	s6 =	sshll.u32 @p0 s6, $0xE  }
0xaf: {  	s6 =	sadd.s32 @p0 $0x11B8D, s6;
	s7 =	sshll.u32 @p0 s5, $0x11  }
0xb0: {  	s6 =	sor.u32 @p0 s7, s6  }
0xb1: {  	[sflag:s6] =	ssyncadd.remote.s32 @p0 $0x1;
	_ =	sdelay $0x1  }
0xb2: {  	s6 =	simm.s32 @p0 $0x1B8D  }
0xb3: {  	_ =	swait.eq @p0 [sflag:s6], $0x1  }
0xb4: {  	[sflag:s6] =	ssyncadd.s32 @p0 $0xFFFFFFFF  }
0xb5: {  	s7 =	sshll.u32 @!p0 s1, $0xE  }
0xb6: {  	s7 =	sor.u32 @!p0 $0x4000, s7;
	s6 =	simm.s32 @!p0 $0x1B8D  }
0xb7: {  	s5 =	sshll.u32 @!p0 s5, $0x11;
	s7 =	sadd.s32 @!p0 $0x11B8D, s7;
	_ =	swait.eq @!p0 [sflag:s6], $0x1  }
0xb8: {  	s5 =	sor.u32 @!p0 s5, s7;
	[sflag:s6] =	ssyncadd.s32 @!p0 $0xFFFFFFFF  }
0xb9: {  	s25 =	simm.s32 $0x1B8E;
	s24 =	sld [smem:$0x3FFE];
	[sflag:s5] =	ssyncadd.remote.s32 @!p0 $0x1  }
0xba: {  	s26 =	simm.s32 $execute0_lowered;
	[smem:$0x3FD2] =	sst s25  }
0xbb: {  	s6 =	sshll.u32 s26, $0x1;
	_ =	strace $0x8000005B;
	[dreg:$0x1] =	wrdreg $0xFFFFFFFF  }
0xbc: {  	s28 =	simm.s32 $_size_execute0_lowered;
	s4 =	sadd.s32 s4, s6;
	[dreg:$0x0] =	wrdreg $0x0  }
0xbd: {  	s6 =	sshll.u32 s28, $0x1;
	[dreg:$0x2] =	wrdreg s4  }
0xbe: {  	[dreg:$0x3] =	wrdreg s6  }
0xbf: {  	[dreg:$0x4] =	wrdreg $0xC0  }
0xc0: {  	_ =	task [dreg:s22], $0x5FFFF  }
0xc1: {  	[dreg:$0x1] =	wrdreg $0xFFFFFFFF  }
0xc2: {  	[dreg:$0x0] =	wrdreg $0x60  }
0xc3: {  	[dreg:$0x2] =	wrdreg s24  }
0xc4: {  	[dreg:$0x3] =	wrdreg s3  }
0xc5: {  	[dreg:$0x4] =	wrdreg $0x41000  }
0xc6: {  	[dreg:$0x5] =	wrdreg $0xD  }
0xc7: {  	_ =	task.clear_ibuf [dreg:s22], $0x6FFFF;
	_ =	strace $0x9000005B  }
0xc8: {  	s29 =	simm.s32 $0xD;
	_ =	strace $0x8000005D  }
0xc9: {  	_ =	swait.ge [sflag:s29], $0x1  }
0xca: {  	[sflag:s29] =	ssyncadd.s32 $0xFFFFFFFF  }
0xcb: {  	_ =	strace $0x9000005D  }
0xcc: {  	_ =	sfence  }
0xcd: {  	s30 =	sld [smem:$0x0];
	_ =	sdelay $0x2  }
0xce: {  	s31 =	sshll.u32 s1, $0xD;
	s1 =	sshrl.u32 s1, $0x2  }
0xcf: {  	s4 =	sand.u32 $0x4000, s31;
	s1 =	sadd.s32 s1, s30  }
0xd0: {  	s0 =	sor.u32 s4, s0;
	s1 =	sshll.u32 s1, $0x11  }
0xd1: {  	s0 =	sor.u32 s1, s0  }
0xd2: {  	s0 =	sadd.s32 $0x8F2B, s0  }
0xd3: {  	[sflag:s0] =	ssyncadd.remote.s32 $0x1  }
0xd4: {  	_ =	sfence.sel $0xFFFF  }
0xd5: {  	[dreg:$0x0] =	wrdreg $0xFFFFFFFF;
	(pc) =	sbr.abs _section_cstart, $3  }
0xd6: {  	[dreg:$0x1] =	wrdreg $0xFFFFFFFF  }
0xd7: {  	_ =	task.clear_ibuf [dreg:s22], $0x2FFFF;
	_ =	strace $0x9FFFFFFF  }
0xd8: {  	(tm) =	ssettm $0x7FFFFFFF  }
0xd9: {  	_ =	shalt  }
tec
execute0_lowered:
.L_overlay_start_1:
0x0: {  	(tag) =	ssettag $0x1  }
0x1: {  	s7 =	rddreg [dreg:$0x0]  }
0x2: {  	s2 =	rddreg [dreg:$0x1];
	s1 =	srdreg.scid  }
0x3: {  	s0 =	stileid.u32;
	s3 =	rddreg [dreg:$0x2]  }
0x4: {  	s4 =	simm.s32 $0x0;
	s14 =	simm.s32 $0x2;
	s15 =	simm.s32 $0x4080  }
0x5: {  	s16 =	simm.s32 $0x80;
	s17 =	simm.s32 $0x1;
	s9 =	smul.u32 $0x2800, s0  }
0x6: {  	s8 =	sand.u32 $0x1, s1;
	s1 =	rddreg [dreg:$0x3];
	s12 =	smul.u32 $0x13C00, s0  }
0x7: {  	s18 =	simm.s32 $0x0;
	[smem:$0x7FF] =	sst s4;
	s24 =	smul.u32 $0x4F000, s0  }
0x8: {  	s5 =	sadd.s32 $0x48B800, s7;
	s6 =	sadd.s32 $0x4B3000, s7;
	s10 =	smul.u32 $0x1400, s8  }
0x9: {  	s31 =	sshll.u32 s0, $0x6;
	s11 =	smul.u32 $0x13C000, s8;
	s8 =	ssub.s32 $0x2, s8  }
0xa: {  	_ =	strace $0x8000005C;
	s28 =	sshrl.u32 s8, $0x1;
	s29 =	sshrl.u32 s24, $0x2  }
0xb: {  	s9 =	sadd.s32 s10, s9;
	s23 =	sadd.s32 s12, s11;
	s30 =	ssub.s32 s8, s28  }
0xc: {  	s13 =	sadd.s32 s29, s3;
	s9 =	sshrl.u32 s9, $0x3;
	s26 =	sshrl.u32 s23, $0x3  }
0xd: {  	s10 =	smax.u32 s30, $0x1;
	s25 =	sadd.s32 s9, s7;
	s9 =	sadd.s32 s26, s7  }
0xe: {  	s7 =	sor.u32 $0x1C02, s31;
	s8 =	sadd.s32 $0x4DA800, s9;
	s9 =	sadd.s32 $0x8200, s9  }
0xf: {  	s13 =	sshrl.u32 s13, $0x3;
	s11 =	sadd.s32 $0x529800, s25;
	s12 =	sadd.s32 $0x548400, s25  }
.LBB2_1:
0x10: {  	[spmem:s13], [sflag:s7] =	dma.local [hbm:s2], $0x2780  }
0x11: {  	_ =	swait.ge [sflag:s14], $0x2780  }
0x12: {  	[sflag:s14] =	ssyncset.done $0x0  }
0x13: {  	[sflag:s14] =	ssyncadd.s32 $0xFFFFD880  }
0x14: {  	s19 =	sadd.s32 $0x0, s12;
	[bflag:$0x0] =	sbarrier.arrive $0xFFFF  }
0x15: {  	[tilespmem:s4], [sflag:$0x2] =	stream.linear.gather [hbm4b:s19+s4], $0x80, $0x38;
	[tilespmem:$0x17D00] =	vst v63  }
0x16: {  	_ =	swait.ge [sflag:s14], $0x80  }
0x17: {  	[sflag:s14] =	ssyncset.done $0x0  }
0x18: {  	s31 =	sadd.s32 $0x0, s11;
	[sflag:s14] =	ssyncadd.s32 $0xFFFFFF80  }
0x19: {  	[tilespmem:s15], [sflag:$0x2] =	stream.linear.gather [hbm4b:s31+s4], $0x80, $0x38;
	[tilespmem:$0x17D00] =	vst v63  }
0x1a: {  	_ =	swait.ge [sflag:s14], $0x80  }
0x1b: {  	[sflag:s14] =	ssyncset.done $0x0  }
0x1c: {  	[sflag:s14] =	ssyncadd.s32 $0xFFFFFF80  }
0x1d: {  	[tilespmem:s16], [sflag:$0x1] =	stream.indirect.gather [hbm4b:s5+s16], $0x80, s15, s16, $0xb8;
	[tilespmem:$0x17D00] =	vst v63  }
0x1e: {  	_ =	swait.ge [sflag:s17], $0x4000  }
0x1f: {  	[sflag:s17] =	ssyncset.done $0x0  }
0x20: {  	[sflag:s17] =	ssyncadd.s32 $0xFFFFC000  }
0x21: {  	[spmem:s3] =	stream.indirect.scatter.add.f32 [tilespmem:s16], [sflag:$0x2], $0x80, s4, s16, $0xb8;
	[tilespmem:$0x17D00] =	vst v63  }
0x22: {  	_ =	swait.ge [sflag:s14], $0x4000  }
0x23: {  	s20 =	simm.s32 $0x20;
	s19 =	simm.s32 $0x10;
	[sflag:s14] =	ssyncset.done $0x0  }
.LBB2_2:
0x24: {  	s21 =	sadd.s32 s19, s12  }
0x25: {  	[sflag:s14] =	ssyncadd.s32 $0xFFFFC000;
	s22 =	smov.u32 s20;
	s23 =	sadd.s32 $0x10, s20  }
0x26: {  	[tilespmem:s4], [sflag:$0x2] =	stream.linear.gather [hbm4b:s21+s4], $0x80, $0x38;
	[tilespmem:$0x17D00] =	vst v63  }
0x27: {  	p0 =	sne.s32 s20, $0x270;
	_ =	swait.ge [sflag:s14], $0x80  }
0x28: {  	[sflag:s14] =	ssyncset.done $0x0  }
0x29: {  	s20 =	sadd.s32 s19, s11;
	s19 =	smov.u32 s22;
	[sflag:s14] =	ssyncadd.s32 $0xFFFFFF80  }
0x2a: {  	[tilespmem:s15], [sflag:$0x2] =	stream.linear.gather [hbm4b:s20+s4], $0x80, $0x38;
	[tilespmem:$0x17D00] =	vst v63  }
0x2b: {  	_ =	swait.ge [sflag:s14], $0x80  }
0x2c: {  	[sflag:s14] =	ssyncset.done $0x0  }
0x2d: {  	[sflag:s14] =	ssyncadd.s32 $0xFFFFFF80  }
0x2e: {  	[tilespmem:s16], [sflag:$0x1] =	stream.indirect.gather [hbm4b:s5+s16], $0x80, s15, s16, $0xb8;
	[tilespmem:$0x17D00] =	vst v63  }
0x2f: {  	_ =	swait.ge [sflag:s17], $0x4000  }
.Ltmp0:
0x30: {  	[sflag:s17] =	ssyncset.done $0x0;
	(pc) =	sbr.rel @p0 .LBB2_2-.Ltmp0, $4  }
0x31: {  	[sflag:s17] =	ssyncadd.s32 $0xFFFFC000  }
0x32: {  	[spmem:s3] =	stream.indirect.scatter.add.f32 [tilespmem:s16], [sflag:$0x2], $0x80, s4, s16, $0xb8;
	[tilespmem:$0x17D00] =	vst v63  }
0x33: {  	_ =	swait.ge [sflag:s14], $0x4000  }
0x34: {  	s20 =	smov.u32 s23;
	[sflag:s14] =	ssyncset.done $0x0  }
0x35: {  	s20 =	sadd.s32 s19, s12;
	[sflag:s14] =	ssyncadd.s32 $0xFFFFC000  }
0x36: {  	[tilespmem:s4], [sflag:$0x2] =	stream.linear.gather [hbm4b:s20+s4], $0x80, $0x38;
	[tilespmem:$0x17D00] =	vst v63  }
0x37: {  	_ =	swait.ge [sflag:s14], $0x80  }
0x38: {  	[sflag:s14] =	ssyncset.done $0x0  }
0x39: {  	s29 =	sadd.s32 s19, s11;
	[sflag:s14] =	ssyncadd.s32 $0xFFFFFF80  }
0x3a: {  	[tilespmem:s15], [sflag:$0x2] =	stream.linear.gather [hbm4b:s29+s4], $0x80, $0x38;
	[tilespmem:$0x17D00] =	vst v63  }
0x3b: {  	_ =	swait.ge [sflag:s14], $0x80  }
0x3c: {  	[sflag:s14] =	ssyncset.done $0x0  }
0x3d: {  	[sflag:s14] =	ssyncadd.s32 $0xFFFFFF80  }
0x3e: {  	[tilespmem:s16], [sflag:$0x1] =	stream.indirect.gather [hbm4b:s5+s16], $0x80, s15, s16, $0xb8;
	[tilespmem:$0x17D00] =	vst v63  }
0x3f: {  	_ =	swait.ge [sflag:s17], $0x4000  }
0x40: {  	[sflag:s17] =	ssyncset.done $0x0  }
0x41: {  	[sflag:s17] =	ssyncadd.s32 $0xFFFFC000  }
0x42: {  	[spmem:s3] =	stream.indirect.scatter.add.f32 [tilespmem:s16], [sflag:$0x2], $0x80, s4, s16, $0xb8;
	[tilespmem:$0x17D00] =	vst v63  }
0x43: {  	_ =	swait.ge [sflag:s14], $0x4000  }
0x44: {  	[sflag:s14] =	ssyncset.done $0x0  }
0x45: {  	[sflag:s14] =	ssyncadd.s32 $0xFFFFC000  }
0x46: {  	[bflag:$0x0] =	sbarrier.arrive $0xFFFF  }
0x47: {  	[hbm:s8], [sflag:s7] =	dma.local [spmem:s13], $0x2780  }
0x48: {  	_ =	swait.ge [sflag:s14], $0x2780  }
0x49: {  	[sflag:s14] =	ssyncset.done $0x0  }
0x4a: {  	[sflag:s14] =	ssyncadd.s32 $0xFFFFD880  }
0x4b: {  	[bflag:$0x0] =	sbarrier.arrive $0xFFFF  }
0x4c: {  	[spmem:s13], [sflag:s7] =	dma.local [hbm:s2], $0x2780  }
0x4d: {  	_ =	swait.ge [sflag:s14], $0x2780  }
0x4e: {  	[sflag:s14] =	ssyncset.done $0x0  }
0x4f: {  	[sflag:s14] =	ssyncadd.s32 $0xFFFFD880  }
0x50: {  	s30 =	sadd.s32 $0x0, s12;
	[bflag:$0x0] =	sbarrier.arrive $0xFFFF  }
0x51: {  	[tilespmem:s4], [sflag:$0x2] =	stream.linear.gather [hbm4b:s30+s4], $0x80, $0x38;
	[tilespmem:$0x17D00] =	vst v63  }
0x52: {  	_ =	swait.ge [sflag:s14], $0x80  }
0x53: {  	[sflag:s14] =	ssyncset.done $0x0  }
0x54: {  	s31 =	sadd.s32 $0x0, s11;
	[sflag:s14] =	ssyncadd.s32 $0xFFFFFF80  }
0x55: {  	[tilespmem:s15], [sflag:$0x2] =	stream.linear.gather [hbm4b:s31+s4], $0x80, $0x38;
	[tilespmem:$0x17D00] =	vst v63  }
0x56: {  	_ =	swait.ge [sflag:s14], $0x80  }
0x57: {  	[sflag:s14] =	ssyncset.done $0x0  }
0x58: {  	[sflag:s14] =	ssyncadd.s32 $0xFFFFFF80  }
0x59: {  	[tilespmem:s16], [sflag:$0x1] =	stream.indirect.gather [hbm4b:s6+s16], $0x80, s15, s16, $0xb8;
	[tilespmem:$0x17D00] =	vst v63  }
0x5a: {  	_ =	swait.ge [sflag:s17], $0x4000  }
0x5b: {  	[sflag:s17] =	ssyncset.done $0x0  }
0x5c: {  	[sflag:s17] =	ssyncadd.s32 $0xFFFFC000  }
0x5d: {  	[spmem:s3] =	stream.indirect.scatter.add.f32 [tilespmem:s16], [sflag:$0x2], $0x80, s4, s16, $0xb8;
	[tilespmem:$0x17D00] =	vst v63  }
0x5e: {  	_ =	swait.ge [sflag:s14], $0x4000  }
0x5f: {  	s19 =	simm.s32 $0x10;
	s20 =	simm.s32 $0x20;
	[sflag:s14] =	ssyncset.done $0x0  }
.LBB2_4:
0x60: {  	s21 =	sadd.s32 s19, s12  }
0x61: {  	[sflag:s14] =	ssyncadd.s32 $0xFFFFC000;
	s22 =	smov.u32 s20;
	s23 =	sadd.s32 $0x10, s20  }
0x62: {  	[tilespmem:s4], [sflag:$0x2] =	stream.linear.gather [hbm4b:s21+s4], $0x80, $0x38;
	[tilespmem:$0x17D00] =	vst v63  }
0x63: {  	p0 =	sne.s32 s20, $0x270;
	_ =	swait.ge [sflag:s14], $0x80  }
0x64: {  	[sflag:s14] =	ssyncset.done $0x0  }
0x65: {  	s20 =	sadd.s32 s19, s11;
	s19 =	smov.u32 s22;
	[sflag:s14] =	ssyncadd.s32 $0xFFFFFF80  }
0x66: {  	[tilespmem:s15], [sflag:$0x2] =	stream.linear.gather [hbm4b:s20+s4], $0x80, $0x38;
	[tilespmem:$0x17D00] =	vst v63  }
0x67: {  	_ =	swait.ge [sflag:s14], $0x80  }
0x68: {  	[sflag:s14] =	ssyncset.done $0x0  }
0x69: {  	[sflag:s14] =	ssyncadd.s32 $0xFFFFFF80  }
0x6a: {  	[tilespmem:s16], [sflag:$0x1] =	stream.indirect.gather [hbm4b:s6+s16], $0x80, s15, s16, $0xb8;
	[tilespmem:$0x17D00] =	vst v63  }
0x6b: {  	_ =	swait.ge [sflag:s17], $0x4000  }
.Ltmp1:
0x6c: {  	[sflag:s17] =	ssyncset.done $0x0;
	(pc) =	sbr.rel @p0 .LBB2_4-.Ltmp1, $4  }
0x6d: {  	[sflag:s17] =	ssyncadd.s32 $0xFFFFC000  }
0x6e: {  	[spmem:s3] =	stream.indirect.scatter.add.f32 [tilespmem:s16], [sflag:$0x2], $0x80, s4, s16, $0xb8;
	[tilespmem:$0x17D00] =	vst v63  }
0x6f: {  	_ =	swait.ge [sflag:s14], $0x4000  }
0x70: {  	s20 =	smov.u32 s23;
	[sflag:s14] =	ssyncset.done $0x0  }
0x71: {  	s20 =	sadd.s32 s19, s12;
	[sflag:s14] =	ssyncadd.s32 $0xFFFFC000  }
0x72: {  	[tilespmem:s4], [sflag:$0x2] =	stream.linear.gather [hbm4b:s20+s4], $0x80, $0x38;
	[tilespmem:$0x17D00] =	vst v63  }
0x73: {  	_ =	swait.ge [sflag:s14], $0x80  }
0x74: {  	[sflag:s14] =	ssyncset.done $0x0  }
0x75: {  	s31 =	sadd.s32 s19, s11;
	[sflag:s14] =	ssyncadd.s32 $0xFFFFFF80  }
0x76: {  	[tilespmem:s15], [sflag:$0x2] =	stream.linear.gather [hbm4b:s31+s4], $0x80, $0x38;
	[tilespmem:$0x17D00] =	vst v63  }
0x77: {  	_ =	swait.ge [sflag:s14], $0x80  }
0x78: {  	[sflag:s14] =	ssyncset.done $0x0  }
0x79: {  	[sflag:s14] =	ssyncadd.s32 $0xFFFFFF80  }
0x7a: {  	[tilespmem:s16], [sflag:$0x1] =	stream.indirect.gather [hbm4b:s6+s16], $0x80, s15, s16, $0xb8;
	[tilespmem:$0x17D00] =	vst v63  }
0x7b: {  	_ =	swait.ge [sflag:s17], $0x4000  }
0x7c: {  	[sflag:s17] =	ssyncset.done $0x0  }
0x7d: {  	[sflag:s17] =	ssyncadd.s32 $0xFFFFC000  }
0x7e: {  	[spmem:s3] =	stream.indirect.scatter.add.f32 [tilespmem:s16], [sflag:$0x2], $0x80, s4, s16, $0xb8;
	[tilespmem:$0x17D00] =	vst v63  }
0x7f: {  	_ =	swait.ge [sflag:s14], $0x4000  }
0x80: {  	[sflag:s14] =	ssyncset.done $0x0  }
0x81: {  	s18 =	sadd.s32 $0x1, s18;
	[sflag:s14] =	ssyncadd.s32 $0xFFFFC000  }
0x82: {  	p0 =	sne.s32 s18, s10;
	[bflag:$0x0] =	sbarrier.arrive $0xFFFF  }
0x83: {  	[hbm:s9], [sflag:s7] =	dma.local [spmem:s13], $0x2780  }
.Ltmp2:
0x84: {  	_ =	swait.ge [sflag:s14], $0x2780;
	(pc) =	sbr.rel @p0 .LBB2_1-.Ltmp2, $3  }
0x85: {  	[sflag:s14] =	ssyncset.done $0x0  }
0x86: {  	[sflag:s14] =	ssyncadd.s32 $0xFFFFD880  }
0x87: {  	[bflag:$0x0] =	sbarrier.arrive $0xFFFF;
	_ =	sdelay $0x1  }
0x88: {  	_ =	sfence.sel $0x180000  }
0x89: {  	[bflag:$0x0] =	sbarrier.arrive $0xFFFF  }
0x8a: {  	p0 =	sne.s32 s0, $0x0;
	_ =	strace $0x9000005C  }
0x8b: {  	s0 =	sadd.s32 @!p0 $0x100000, s1;
	[bflag:$0x2] =	sbarrier.arrive $0xFFFF  }
0x8c: {  	[sflag:s0] =	ssyncadd.tile.s32 @!p0 $0x1;
	_ =	shalt  }
.Lfunc_end2:
_tile_overlayer_lowered:
.L_overlay_start_2:
0x8d: {  	(tag) =	ssettag $0x2  }
0x8e: {  	s0 =	rddreg [dreg:$0x0];
	s2 =	stileid.u32  }
0x8f: {  	s1 =	rddreg [dreg:$0x1];
	p0 =	sne.s32 s2, $0x0  }
0x90: {  	s3 =	rddreg [dreg:$0x2];
	[bflag:$0x3] =	sbarrier.arrive $0xFFFF;
	s2 =	simm.s32 @!p0 $0x1C02  }
0x91: {  	[timem:s3], [sflag:s2] =	dma.local @!p0 [hbm:s0], s1  }
0x92: {  	s0 =	simm.s32 @!p0 $0x2  }
0x93: {  	_ =	swait.ge @!p0 [sflag:s0], s1  }
0x94: {  	s1 =	ssub.s32 @!p0 $0x0, s1;
	[sflag:s0] =	ssyncset.done @!p0 $0x0  }
0x95: {  	[sflag:s0] =	ssyncadd.s32 @!p0 s1  }
0x96: {  	[bflag:$0x3] =	sbarrier.arrive $0xFFFF  }
0x97: {  	_ =	shalt  }

// kernel: kernel.20.cloned.1.call-start
scs
__scs_entry_jumppad:
0x0: {  	(pc) =	sbr.rel $0x88, $3  }
0x1: {  	(tag) =	ssettag $0x0;
	lr =	simm.s32 $0x1  }
0x2: {  	[smem:$0x3F80] =	sst lr;
	_ =	strace $0xD0000000  }
0x3: {  	_ = 	snop  }
0x4: {  	_ = 	snop  }
0x5: {  	_ = 	snop  }
0x6: {  	_ = 	snop  }
0x7: {  	_ = 	snop  }
__scs_overlays_trampoline_lowered:
0x8: {  	[smem:$0x3F8F] =	sst s0  }
0x9: {  	[smem:$0x3F90] =	sst s1  }
0xa: {  	[smem:$0x3F91] =	sst s2  }
0xb: {  	[smem:$0x3F92] =	sst s3  }
0xc: {  	[smem:$0x3F93] =	sst s4  }
0xd: {  	[smem:$0x3F94] =	sst s5  }
0xe: {  	[smem:$0x3F95] =	sst s6  }
0xf: {  	[smem:$0x3F96] =	sst s7  }
0x10: {  	[smem:$0x3F97] =	sst s8  }
0x11: {  	[smem:$0x3F98] =	sst s9;
	s0 =	simm.s32 @!p0 $0x0  }
0x12: {  	s1 =	sld [smem:$0x3F7E];
	s0 =	simm.s32 @p0 $0x1  }
0x13: {  	[smem:$0x3F99] =	sst s0;
	s0 =	simm.s32 @!p1 $0x0  }
0x14: {  	s2 =	sld [smem:$0x3F7D];
	s0 =	simm.s32 @p1 $0x1  }
0x15: {  	[smem:$0x3F9A] =	sst s0;
	s0 =	simm.s32 @!p2 $0x0  }
0x16: {  	s3 =	sld [smem:$0x3FDB];
	s0 =	simm.s32 @p2 $0x1  }
0x17: {  	s4 =	simm.s32 $0x1BF5;
	[smem:$0x3F9C] =	sst s0  }
0x18: {  	s0 =	sld [smem:$0x3F7F];
	_ =	swait.ge [sflag:s4], $0x0  }
0x19: {  	s7 =	sld [smem:$0x3F80]  }
0x1a: {  	s8 =	sadd.s32 $0xFFFFE003, lr  }
0x1b: {  	s9 =	sadd.s32 $0xFFFFFEF7, lr;
	s5 =	simm.s32 $0xFFFFFFFF;
	p2 =	slt.u32 s8, $0xFFFFF086  }
0x1c: {  	p1 =	slt.u32 s9, $0xF7A;
	s5 =	simm.s32 @!p2 $0x0  }
0x1d: {  	s5 =	simm.s32 @p1 $0x1;
	p0 =	seq.s32 s7, s2  }
0x1e: {  	s7 =	smul.u32 @!p0 $0xF7A, s2;
	p2 =	seq.s32 @!p0 s5, $0x0  }
0x1f: {  	s9 =	smul.u32 $0xF7A, s1;
	s8 =	simm.s32 @!p0 $0x1BF5;
	p2 =	por !p2, p0  }
0x20: {  	[sflag:s8] =	ssyncset.s32 @!p0 $0xFFFFF086;
	s6 =	sadd.s32 @!p0 s3, s7;
	s7 =	simm.s32 @!p0 $0x108  }
0x21: {  	s3 =	sadd.s32 s3, s9;
	s6 =	sadd.s32 @!p0 $0x88, s6;
	s7 =	simm.s32 @p2 $0x1082  }
0x22: {  	[simem:s7], [sflag:s8] =	dma.local @!p0 [hbm:s6], $0xF7A  }
0x23: {  	s9 =	sor.u32 $0xD0000000, s2;
	s6 =	simm.s32 $0x108;
	_ =	swait.ge @!p0 [sflag:s8], $0x0  }
0x24: {  	s3 =	sadd.s32 $0x88, s3;
	s6 =	simm.s32 @!p1 $0x1082;
	[sflag:s4] =	ssyncset.s32 $0xFFFFF086  }
0x25: {  	[simem:s6], [sflag:s4] =	dma.local [hbm:s3], $0xF7A  }
0x26: {  	[smem:$0x3F80] =	sst s1;
	(tag) =	ssettag s2;
	_ =	strace s9  }
0x27: {  	s1 =	sld [smem:$0x3F90]  }
0x28: {  	s2 =	sld [smem:$0x3F91]  }
0x29: {  	s4 =	sld [smem:$0x3F93]  }
0x2a: {  	p0 =	seq.s32 s5, $0x0;
	s5 =	sld [smem:$0x3F94]  }
0x2b: {  	s6 =	sld [smem:$0x3F95]  }
0x2c: {  	s7 =	sld [smem:$0x3F96]  }
0x2d: {  	s3 =	simm.s32 $0x108;
	s8 =	sld [smem:$0x3F97]  }
0x2e: {  	s3 =	simm.s32 @!p0 $0x1082;
	s9 =	sld [smem:$0x3F98]  }
0x2f: {  	lr =	sadd.s32 s0, s3;
	s0 =	sld [smem:$0x3F8F]  }
0x30: {  	s3 =	sld [smem:$0x3F92]  }
0x31: {  	[smem:$0x3F9B] =	sst s10  }
0x32: {  	s10 =	sld [smem:$0x3F99];
	_ =	sdelay $0x3  }
0x33: {  	p0 =	seq.s32 s10, $0x1;
	s10 =	sld [smem:$0x3F9B];
	_ =	sdelay $0x3  }
0x34: {  	[smem:$0x3F9B] =	sst s10  }
0x35: {  	s10 =	sld [smem:$0x3F9A];
	_ =	sdelay $0x3  }
0x36: {  	p1 =	seq.s32 s10, $0x1;
	s10 =	sld [smem:$0x3F9B];
	_ =	sdelay $0x3  }
0x37: {  	[smem:$0x3F9B] =	sst s10  }
0x38: {  	s10 =	sld [smem:$0x3F9C]  }
0x39: {  	_ = 	snop;
	(pc) =	sbr.ind lr, $3  }
0x3a: {  	_ = 	snop  }
0x3b: {  	_ = 	snop  }
0x3c: {  	p2 =	seq.s32 s10, $0x1;
	s10 =	sld [smem:$0x3F9B]  }
0x3d: {  	_ =	shalt  }
0x3e: {  	_ =	shalt  }
0x3f: {  	_ =	shalt  }
0x40: {  	_ =	shalt  }
0x41: {  	_ =	shalt  }
0x42: {  	_ =	shalt  }
0x43: {  	_ =	shalt  }
0x44: {  	_ =	shalt  }
0x45: {  	_ =	shalt  }
0x46: {  	_ =	shalt  }
0x47: {  	_ =	shalt  }
0x48: {  	_ =	shalt  }
0x49: {  	_ =	shalt  }
0x4a: {  	_ =	shalt  }
0x4b: {  	_ =	shalt  }
0x4c: {  	_ =	shalt  }
0x4d: {  	_ =	shalt  }
0x4e: {  	_ =	shalt  }
0x4f: {  	_ =	shalt  }
0x50: {  	_ =	shalt  }
0x51: {  	_ =	shalt  }
0x52: {  	_ =	shalt  }
0x53: {  	_ =	shalt  }
0x54: {  	_ =	shalt  }
0x55: {  	_ =	shalt  }
0x56: {  	_ =	shalt  }
0x57: {  	_ =	shalt  }
0x58: {  	_ =	shalt  }
0x59: {  	_ =	shalt  }
0x5a: {  	_ =	shalt  }
0x5b: {  	_ =	shalt  }
0x5c: {  	_ =	shalt  }
0x5d: {  	_ =	shalt  }
0x5e: {  	_ =	shalt  }
0x5f: {  	_ =	shalt  }
0x60: {  	_ =	shalt  }
0x61: {  	_ =	shalt  }
0x62: {  	_ =	shalt  }
0x63: {  	_ =	shalt  }
0x64: {  	_ =	shalt  }
0x65: {  	_ =	shalt  }
0x66: {  	_ =	shalt  }
0x67: {  	_ =	shalt  }
0x68: {  	_ =	shalt  }
0x69: {  	_ =	shalt  }
0x6a: {  	_ =	shalt  }
0x6b: {  	_ =	shalt  }
0x6c: {  	_ =	shalt  }
0x6d: {  	_ =	shalt  }
0x6e: {  	_ =	shalt  }
0x6f: {  	_ =	shalt  }
0x70: {  	_ =	shalt  }
0x71: {  	_ =	shalt  }
0x72: {  	_ =	shalt  }
0x73: {  	_ =	shalt  }
0x74: {  	_ =	shalt  }
0x75: {  	_ =	shalt  }
0x76: {  	_ =	shalt  }
0x77: {  	_ =	shalt  }
0x78: {  	_ =	shalt  }
0x79: {  	_ =	shalt  }
0x7a: {  	_ =	shalt  }
0x7b: {  	_ =	shalt  }
0x7c: {  	_ =	shalt  }
0x7d: {  	_ =	shalt  }
0x7e: {  	_ =	shalt  }
0x7f: {  	_ =	shalt  }
0x80: {  	_ =	shalt  }
0x81: {  	_ =	shalt  }
0x82: {  	_ =	shalt  }
0x83: {  	_ =	shalt  }
0x84: {  	_ =	shalt  }
0x85: {  	_ =	shalt  }
0x86: {  	_ =	shalt  }
0x87: {  	_ =	shalt  }
.Lfunc_end0:
.L_simem_size_0:
called_computation.5_lowered:
.L_overlay_start_0:
0x88: {  	s2 =	sld [smem:$0x3FD9]  }
0x89: {  	s3 =	sld [smem:$0x3FFE];
	_ =	sdelay $0x1  }
0x8a: {  	s1 =	srdreg.scid  }
0x8b: {  	s0 =	sand.u32 $0x1, s1  }
0x8c: {  	s15 =	sshll.u32 s0, $0xA;
	s2 =	sadd.s32 s3, s2  }
0x8d: {  	s2 =	sadd.s32 s2, s15  }
0x8e: {  	[smem:$0x3FA7] =	sst s2  }
0x8f: {  	_ = 	snop  }
0x90: {  	s2 =	sld [smem:$0x3FD0];
	_ =	sdelay $0x2  }
0x91: {  	s16 =	simm.s32 $0x10  }
0x92: {  	[smem:s16], [sflag:s16] =	dma.local [hbm:s2], $0x1  }
0x93: {  	_ =	swait.eq [sflag:s16], $0x1  }
0x94: {  	[sflag:s16] =	ssyncset.done $0x0  }
0x95: {  	[sflag:s16] =	ssyncadd.s32 $0xFFFFFFFF  }
0x96: {  	s17 =	sld [smem:$0x12];
	(tm) =	ssettm $0x1  }
0x97: {  	s18 =	sld [smem:$0x3FFB];
	_ =	sdelay $0x3  }
0x98: {  	_ =	strace s18  }
0x99: {  	s3 =	sld [smem:$0x3FFC];
	_ =	sdelay $0x3  }
0x9a: {  	_ =	strace s3  }
0x9b: {  	s3 =	sld [smem:$0x3FFD];
	_ =	sdelay $0x3  }
0x9c: {  	_ =	strace s3  }
0x9d: {  	_ =	strace $0x8FFFFFFF  }
0x9e: {  	s19 =	sld [smem:$0x3FDB];
	_ =	sdelay $0x1  }
0x9f: {  	s4 =	simm.s32 $_scs_section_size  }
0xa0: {  	s5 =	simm.s32 $_size__tile_overlayer_lowered;
	s6 =	simm.s32 $_tile_overlayer_lowered  }
0xa1: {  	s22 =	simm.s32 $0x1BFF;
	s21 =	sshll.u32 s6, $0x1;
	s3 =	sadd.s32 s4, s19  }
0xa2: {  	s7 =	simm.s32 $0x0;
	s20 =	sshll.u32 s5, $0x1;
	s5 =	sadd.s32 s21, s3  }
0xa3: {  	[timem:s7], [sflag:s22] =	dma.local [hbm:s5], s20  }
0xa4: {  	_ =	swait.ge [sflag:s22], s20  }
0xa5: {  	s4 =	ssub.s32 $0x0, s20;
	[sflag:s22] =	ssyncset.done $0x0  }
0xa6: {  	[sflag:s22] =	ssyncadd.s32 s4;
	_ =	sdelay $0x1  }
0xa7: {  	s23 =	simm.s32 $0x1B8B  }
0xa8: {  	_ =	swait.ge [sflag:s23], $0x1  }
0xa9: {  	[sflag:s23] =	ssyncset.done $0x0  }
0xaa: {  	s25 =	simm.s32 $0x1B8E;
	s24 =	sld [smem:$0x3FFE];
	[sflag:s23] =	ssyncadd.s32 $0xFFFFFFFF  }
0xab: {  	s26 =	simm.s32 $execute0_lowered;
	[smem:$0x3FD2] =	sst s25  }
0xac: {  	s5 =	sshll.u32 s26, $0x1;
	_ =	strace $0x8000005E;
	[dreg:$0x1] =	wrdreg $0xFFFFFFFF  }
0xad: {  	s28 =	simm.s32 $_size_execute0_lowered;
	s3 =	sadd.s32 s3, s5;
	[dreg:$0x0] =	wrdreg $0x0  }
0xae: {  	s5 =	sshll.u32 s28, $0x1;
	[dreg:$0x2] =	wrdreg s3  }
0xaf: {  	[dreg:$0x3] =	wrdreg s5  }
0xb0: {  	[dreg:$0x4] =	wrdreg $0xC0  }
0xb1: {  	_ =	task [dreg:s7], $0x5FFFF  }
0xb2: {  	[dreg:$0x1] =	wrdreg $0xFFFFFFFF  }
0xb3: {  	[dreg:$0x0] =	wrdreg $0x60  }
0xb4: {  	[dreg:$0x2] =	wrdreg s24  }
0xb5: {  	[dreg:$0x3] =	wrdreg s17  }
0xb6: {  	[dreg:$0x4] =	wrdreg $0x41000  }
0xb7: {  	[dreg:$0x5] =	wrdreg $0x9  }
0xb8: {  	_ =	task.clear_ibuf [dreg:s7], $0x6FFFF;
	_ =	strace $0x9000005E  }
0xb9: {  	s29 =	simm.s32 $0x9;
	_ =	strace $0x80000060  }
0xba: {  	_ =	swait.ge [sflag:s29], $0x1  }
0xbb: {  	[sflag:s29] =	ssyncadd.s32 $0xFFFFFFFF  }
0xbc: {  	_ =	strace $0x90000060  }
0xbd: {  	_ =	sfence  }
0xbe: {  	s30 =	sld [smem:$0x0];
	_ =	sdelay $0x2  }
0xbf: {  	s31 =	sshll.u32 s1, $0xD;
	s1 =	sshrl.u32 s1, $0x2  }
0xc0: {  	s3 =	sand.u32 $0x4000, s31;
	s1 =	sadd.s32 s1, s30  }
0xc1: {  	s0 =	sor.u32 s3, s0;
	s1 =	sshll.u32 s1, $0x11  }
0xc2: {  	s0 =	sor.u32 s1, s0  }
0xc3: {  	s0 =	sadd.s32 $0x8F2B, s0  }
0xc4: {  	[sflag:s0] =	ssyncadd.remote.s32 $0x1  }
0xc5: {  	_ =	sfence.sel $0xFFFF  }
0xc6: {  	[dreg:$0x0] =	wrdreg $0xFFFFFFFF;
	(pc) =	sbr.abs _section_cstart, $3  }
0xc7: {  	[dreg:$0x1] =	wrdreg $0xFFFFFFFF  }
0xc8: {  	_ =	task.clear_ibuf [dreg:s7], $0x2FFFF;
	_ =	strace $0x9FFFFFFF  }
0xc9: {  	(tm) =	ssettm $0x7FFFFFFF  }
tec
execute0_lowered:
.L_overlay_start_1:
0x0: {  	(tag) =	ssettag $0x1  }
0x1: {  	s7 =	rddreg [dreg:$0x0]  }
0x2: {  	s2 =	rddreg [dreg:$0x1];
	s1 =	srdreg.scid  }
0x3: {  	s0 =	stileid.u32;
	s3 =	rddreg [dreg:$0x2]  }
0x4: {  	s4 =	simm.s32 $0x0;
	s16 =	simm.s32 $0x2;
	s9 =	smul.u32 $0x2800, s0  }
0x5: {  	s17 =	simm.s32 $0x4080;
	s18 =	simm.s32 $0x80;
	s12 =	smul.u32 $0x13C00, s0  }
0x6: {  	s19 =	simm.s32 $0x1;
	s20 =	simm.s32 $0x0;
	s25 =	smul.u32 $0x28000, s0  }
0x7: {  	s8 =	sand.u32 $0x1, s1;
	s1 =	rddreg [dreg:$0x3];
	s28 =	smul.u32 $0x4F000, s0  }
0x8: {  	[smem:$0x7FF] =	sst s4;
	s5 =	sadd.s32 $0x7C00, s7;
	s10 =	smul.u32 $0x1400, s8  }
0x9: {  	s6 =	sadd.s32 $0x2F400, s7;
	s31 =	sshll.u32 s0, $0x6;
	s11 =	smul.u32 $0x13C000, s8  }
0xa: {  	_ =	strace $0x8000005F;
	s29 =	ssub.s32 $0x2, s8;
	s14 =	smul.u32 $0x14000, s8  }
0xb: {  	s30 =	sshrl.u32 s29, $0x1;
	s9 =	sadd.s32 s10, s9;
	s24 =	sadd.s32 s12, s11  }
0xc: {  	s11 =	sadd.s32 s25, s7;
	s10 =	sshrl.u32 s28, $0x2;
	s9 =	sshrl.u32 s9, $0x3  }
0xd: {  	s26 =	sshrl.u32 s24, $0x3;
	s15 =	sadd.s32 s10, s3;
	s14 =	sadd.s32 s14, s11  }
0xe: {  	s13 =	sadd.s32 s9, s7;
	s9 =	sadd.s32 s26, s7;
	s10 =	sadd.s32 $0xA6200, s14  }
0xf: {  	s12 =	ssub.s32 s29, s30;
	s14 =	sadd.s32 $0x54D400, s14;
	s7 =	sadd.s32 $0x48B800, s9  }
0x10: {  	s12 =	smax.u32 s12, $0x1;
	s8 =	sadd.s32 $0x4DA800, s9;
	s9 =	sor.u32 $0x1C02, s31  }
0x11: {  	s15 =	sshrl.u32 s15, $0x3;
	s11 =	sadd.s32 $0x529800, s13;
	s13 =	sadd.s32 $0x548400, s13  }
.LBB2_1:
0x12: {  	[spmem:s15], [sflag:s9] =	dma.local [hbm:s2], $0x2780  }
0x13: {  	_ =	swait.ge [sflag:s16], $0x2780  }
0x14: {  	[sflag:s16] =	ssyncset.done $0x0  }
0x15: {  	[sflag:s16] =	ssyncadd.s32 $0xFFFFD880  }
0x16: {  	s21 =	sadd.s32 $0x0, s13;
	[bflag:$0x0] =	sbarrier.arrive $0xFFFF  }
0x17: {  	[tilespmem:s4], [sflag:$0x2] =	stream.linear.gather [hbm4b:s21+s4], $0x80, $0x38;
	[tilespmem:$0x17D00] =	vst v63  }
0x18: {  	_ =	swait.ge [sflag:s16], $0x80  }
0x19: {  	[sflag:s16] =	ssyncset.done $0x0  }
0x1a: {  	s31 =	sadd.s32 $0x0, s11;
	[sflag:s16] =	ssyncadd.s32 $0xFFFFFF80  }
0x1b: {  	[tilespmem:s17], [sflag:$0x2] =	stream.linear.gather [hbm4b:s31+s4], $0x80, $0x38;
	[tilespmem:$0x17D00] =	vst v63  }
0x1c: {  	_ =	swait.ge [sflag:s16], $0x80  }
0x1d: {  	[sflag:s16] =	ssyncset.done $0x0  }
0x1e: {  	[sflag:s16] =	ssyncadd.s32 $0xFFFFFF80  }
0x1f: {  	[tilespmem:s18], [sflag:$0x1] =	stream.indirect.gather [hbm4b:s5+s18], $0x80, s17, s18, $0xb8;
	[tilespmem:$0x17D00] =	vst v63  }
0x20: {  	_ =	swait.ge [sflag:s19], $0x4000  }
0x21: {  	[sflag:s19] =	ssyncset.done $0x0  }
0x22: {  	[sflag:s19] =	ssyncadd.s32 $0xFFFFC000  }
0x23: {  	[spmem:s3] =	stream.indirect.scatter.add.f32 [tilespmem:s18], [sflag:$0x2], $0x80, s4, s18, $0xb8;
	[tilespmem:$0x17D00] =	vst v63  }
0x24: {  	_ =	swait.ge [sflag:s16], $0x4000  }
0x25: {  	[sflag:s16] =	ssyncset.done $0x0  }
0x26: {  	[sflag:s16] =	ssyncadd.s32 $0xFFFFC000  }
0x27: {  	[hbm4b:s10+s4] =	stream.linear.scatter [tilespmem:s18], [sflag:$0x2], $0x4000, $0x38;
	[tilespmem:$0x17D00] =	vst v63  }
0x28: {  	s22 =	simm.s32 $0x10;
	_ =	swait.ge [sflag:s16], $0x4000  }
0x29: {  	s23 =	simm.s32 $0x20;
	s21 =	sadd.s32 $0x800, s10;
	[sflag:s16] =	ssyncset.done $0x0  }
.LBB2_2:
0x2a: {  	s24 =	sadd.s32 s22, s13  }
0x2b: {  	[sflag:s16] =	ssyncadd.s32 $0xFFFFC000;
	s25 =	smov.u32 s23;
	s26 =	sadd.s32 $0x10, s23  }
0x2c: {  	[tilespmem:s4], [sflag:$0x2] =	stream.linear.gather [hbm4b:s24+s4], $0x80, $0x38;
	[tilespmem:$0x17D00] =	vst v63  }
0x2d: {  	p0 =	sne.s32 s23, $0x270;
	_ =	swait.ge [sflag:s16], $0x80  }
0x2e: {  	[sflag:s16] =	ssyncset.done $0x0  }
0x2f: {  	s23 =	sadd.s32 s22, s11;
	s22 =	smov.u32 s25;
	[sflag:s16] =	ssyncadd.s32 $0xFFFFFF80  }
0x30: {  	[tilespmem:s17], [sflag:$0x2] =	stream.linear.gather [hbm4b:s23+s4], $0x80, $0x38;
	[tilespmem:$0x17D00] =	vst v63  }
0x31: {  	_ =	swait.ge [sflag:s16], $0x80  }
0x32: {  	[sflag:s16] =	ssyncset.done $0x0  }
0x33: {  	[sflag:s16] =	ssyncadd.s32 $0xFFFFFF80  }
0x34: {  	[tilespmem:s18], [sflag:$0x1] =	stream.indirect.gather [hbm4b:s5+s18], $0x80, s17, s18, $0xb8;
	[tilespmem:$0x17D00] =	vst v63  }
0x35: {  	_ =	swait.ge [sflag:s19], $0x4000  }
0x36: {  	[sflag:s19] =	ssyncset.done $0x0  }
0x37: {  	[sflag:s19] =	ssyncadd.s32 $0xFFFFC000  }
0x38: {  	[spmem:s3] =	stream.indirect.scatter.add.f32 [tilespmem:s18], [sflag:$0x2], $0x80, s4, s18, $0xb8;
	[tilespmem:$0x17D00] =	vst v63  }
0x39: {  	_ =	swait.ge [sflag:s16], $0x4000  }
.Ltmp0:
0x3a: {  	[sflag:s16] =	ssyncset.done $0x0;
	(pc) =	sbr.rel @p0 .LBB2_2-.Ltmp0, $4  }
0x3b: {  	[sflag:s16] =	ssyncadd.s32 $0xFFFFC000  }
0x3c: {  	[hbm4b:s21+s4] =	stream.linear.scatter [tilespmem:s18], [sflag:$0x2], $0x4000, $0x38;
	[tilespmem:$0x17D00] =	vst v63  }
0x3d: {  	_ =	swait.ge [sflag:s16], $0x4000  }
0x3e: {  	s23 =	smov.u32 s26;
	s21 =	sadd.s32 $0x800, s21;
	[sflag:s16] =	ssyncset.done $0x0  }
0x3f: {  	s23 =	sadd.s32 s22, s13;
	[sflag:s16] =	ssyncadd.s32 $0xFFFFC000  }
0x40: {  	[tilespmem:s4], [sflag:$0x2] =	stream.linear.gather [hbm4b:s23+s4], $0x80, $0x38;
	[tilespmem:$0x17D00] =	vst v63  }
0x41: {  	_ =	swait.ge [sflag:s16], $0x80  }
0x42: {  	[sflag:s16] =	ssyncset.done $0x0  }
0x43: {  	s29 =	sadd.s32 s22, s11;
	[sflag:s16] =	ssyncadd.s32 $0xFFFFFF80  }
0x44: {  	[tilespmem:s17], [sflag:$0x2] =	stream.linear.gather [hbm4b:s29+s4], $0x80, $0x38;
	[tilespmem:$0x17D00] =	vst v63  }
0x45: {  	_ =	swait.ge [sflag:s16], $0x80  }
0x46: {  	[sflag:s16] =	ssyncset.done $0x0  }
0x47: {  	[sflag:s16] =	ssyncadd.s32 $0xFFFFFF80  }
0x48: {  	[tilespmem:s18], [sflag:$0x1] =	stream.indirect.gather [hbm4b:s5+s18], $0x80, s17, s18, $0xb8;
	[tilespmem:$0x17D00] =	vst v63  }
0x49: {  	_ =	swait.ge [sflag:s19], $0x4000  }
0x4a: {  	[sflag:s19] =	ssyncset.done $0x0  }
0x4b: {  	[sflag:s19] =	ssyncadd.s32 $0xFFFFC000  }
0x4c: {  	[spmem:s3] =	stream.indirect.scatter.add.f32 [tilespmem:s18], [sflag:$0x2], $0x80, s4, s18, $0xb8;
	[tilespmem:$0x17D00] =	vst v63  }
0x4d: {  	_ =	swait.ge [sflag:s16], $0x4000  }
0x4e: {  	[sflag:s16] =	ssyncset.done $0x0  }
0x4f: {  	[sflag:s16] =	ssyncadd.s32 $0xFFFFC000  }
0x50: {  	[hbm4b:s21+s4] =	stream.linear.scatter [tilespmem:s18], [sflag:$0x2], $0x4000, $0x38;
	[tilespmem:$0x17D00] =	vst v63  }
0x51: {  	_ =	swait.ge [sflag:s16], $0x4000  }
0x52: {  	[sflag:s16] =	ssyncset.done $0x0  }
0x53: {  	[sflag:s16] =	ssyncadd.s32 $0xFFFFC000  }
0x54: {  	[bflag:$0x0] =	sbarrier.arrive $0xFFFF  }
0x55: {  	[hbm:s7], [sflag:s9] =	dma.local [spmem:s15], $0x2780  }
0x56: {  	_ =	swait.ge [sflag:s16], $0x2780  }
0x57: {  	[sflag:s16] =	ssyncset.done $0x0  }
0x58: {  	[sflag:s16] =	ssyncadd.s32 $0xFFFFD880  }
0x59: {  	[bflag:$0x0] =	sbarrier.arrive $0xFFFF  }
0x5a: {  	[spmem:s15], [sflag:s9] =	dma.local [hbm:s2], $0x2780  }
0x5b: {  	_ =	swait.ge [sflag:s16], $0x2780  }
0x5c: {  	[sflag:s16] =	ssyncset.done $0x0  }
0x5d: {  	[sflag:s16] =	ssyncadd.s32 $0xFFFFD880  }
0x5e: {  	s30 =	sadd.s32 $0x0, s13;
	[bflag:$0x0] =	sbarrier.arrive $0xFFFF  }
0x5f: {  	[tilespmem:s4], [sflag:$0x2] =	stream.linear.gather [hbm4b:s30+s4], $0x80, $0x38;
	[tilespmem:$0x17D00] =	vst v63  }
0x60: {  	_ =	swait.ge [sflag:s16], $0x80  }
0x61: {  	[sflag:s16] =	ssyncset.done $0x0  }
0x62: {  	s31 =	sadd.s32 $0x0, s11;
	[sflag:s16] =	ssyncadd.s32 $0xFFFFFF80  }
0x63: {  	[tilespmem:s17], [sflag:$0x2] =	stream.linear.gather [hbm4b:s31+s4], $0x80, $0x38;
	[tilespmem:$0x17D00] =	vst v63  }
0x64: {  	_ =	swait.ge [sflag:s16], $0x80  }
0x65: {  	[sflag:s16] =	ssyncset.done $0x0  }
0x66: {  	[sflag:s16] =	ssyncadd.s32 $0xFFFFFF80  }
0x67: {  	[tilespmem:s18], [sflag:$0x1] =	stream.indirect.gather [hbm4b:s6+s18], $0x80, s17, s18, $0xb8;
	[tilespmem:$0x17D00] =	vst v63  }
0x68: {  	_ =	swait.ge [sflag:s19], $0x4000  }
0x69: {  	[sflag:s19] =	ssyncset.done $0x0  }
0x6a: {  	[sflag:s19] =	ssyncadd.s32 $0xFFFFC000  }
0x6b: {  	[spmem:s3] =	stream.indirect.scatter.add.f32 [tilespmem:s18], [sflag:$0x2], $0x80, s4, s18, $0xb8;
	[tilespmem:$0x17D00] =	vst v63  }
0x6c: {  	_ =	swait.ge [sflag:s16], $0x4000  }
0x6d: {  	[sflag:s16] =	ssyncset.done $0x0  }
0x6e: {  	[sflag:s16] =	ssyncadd.s32 $0xFFFFC000  }
0x6f: {  	[hbm4b:s14+s4] =	stream.linear.scatter [tilespmem:s18], [sflag:$0x2], $0x4000, $0x38;
	[tilespmem:$0x17D00] =	vst v63  }
0x70: {  	s22 =	simm.s32 $0x10;
	_ =	swait.ge [sflag:s16], $0x4000  }
0x71: {  	s23 =	simm.s32 $0x20;
	s21 =	sadd.s32 $0x800, s14;
	[sflag:s16] =	ssyncset.done $0x0  }
.LBB2_4:
0x72: {  	s24 =	sadd.s32 s22, s13  }
0x73: {  	[sflag:s16] =	ssyncadd.s32 $0xFFFFC000;
	s25 =	smov.u32 s23;
	s26 =	sadd.s32 $0x10, s23  }
0x74: {  	[tilespmem:s4], [sflag:$0x2] =	stream.linear.gather [hbm4b:s24+s4], $0x80, $0x38;
	[tilespmem:$0x17D00] =	vst v63  }
0x75: {  	p0 =	sne.s32 s23, $0x270;
	_ =	swait.ge [sflag:s16], $0x80  }
0x76: {  	[sflag:s16] =	ssyncset.done $0x0  }
0x77: {  	s23 =	sadd.s32 s22, s11;
	s22 =	smov.u32 s25;
	[sflag:s16] =	ssyncadd.s32 $0xFFFFFF80  }
0x78: {  	[tilespmem:s17], [sflag:$0x2] =	stream.linear.gather [hbm4b:s23+s4], $0x80, $0x38;
	[tilespmem:$0x17D00] =	vst v63  }
0x79: {  	_ =	swait.ge [sflag:s16], $0x80  }
0x7a: {  	[sflag:s16] =	ssyncset.done $0x0  }
0x7b: {  	[sflag:s16] =	ssyncadd.s32 $0xFFFFFF80  }
0x7c: {  	[tilespmem:s18], [sflag:$0x1] =	stream.indirect.gather [hbm4b:s6+s18], $0x80, s17, s18, $0xb8;
	[tilespmem:$0x17D00] =	vst v63  }
0x7d: {  	_ =	swait.ge [sflag:s19], $0x4000  }
0x7e: {  	[sflag:s19] =	ssyncset.done $0x0  }
0x7f: {  	[sflag:s19] =	ssyncadd.s32 $0xFFFFC000  }
0x80: {  	[spmem:s3] =	stream.indirect.scatter.add.f32 [tilespmem:s18], [sflag:$0x2], $0x80, s4, s18, $0xb8;
	[tilespmem:$0x17D00] =	vst v63  }
0x81: {  	_ =	swait.ge [sflag:s16], $0x4000  }
.Ltmp1:
0x82: {  	[sflag:s16] =	ssyncset.done $0x0;
	(pc) =	sbr.rel @p0 .LBB2_4-.Ltmp1, $4  }
0x83: {  	[sflag:s16] =	ssyncadd.s32 $0xFFFFC000  }
0x84: {  	[hbm4b:s21+s4] =	stream.linear.scatter [tilespmem:s18], [sflag:$0x2], $0x4000, $0x38;
	[tilespmem:$0x17D00] =	vst v63  }
0x85: {  	_ =	swait.ge [sflag:s16], $0x4000  }
0x86: {  	s23 =	smov.u32 s26;
	s21 =	sadd.s32 $0x800, s21;
	[sflag:s16] =	ssyncset.done $0x0  }
0x87: {  	s23 =	sadd.s32 s22, s13;
	[sflag:s16] =	ssyncadd.s32 $0xFFFFC000  }
0x88: {  	[tilespmem:s4], [sflag:$0x2] =	stream.linear.gather [hbm4b:s23+s4], $0x80, $0x38;
	[tilespmem:$0x17D00] =	vst v63  }
0x89: {  	_ =	swait.ge [sflag:s16], $0x80  }
0x8a: {  	[sflag:s16] =	ssyncset.done $0x0  }
0x8b: {  	s31 =	sadd.s32 s22, s11;
	[sflag:s16] =	ssyncadd.s32 $0xFFFFFF80  }
0x8c: {  	[tilespmem:s17], [sflag:$0x2] =	stream.linear.gather [hbm4b:s31+s4], $0x80, $0x38;
	[tilespmem:$0x17D00] =	vst v63  }
0x8d: {  	_ =	swait.ge [sflag:s16], $0x80  }
0x8e: {  	[sflag:s16] =	ssyncset.done $0x0  }
0x8f: {  	[sflag:s16] =	ssyncadd.s32 $0xFFFFFF80  }
0x90: {  	[tilespmem:s18], [sflag:$0x1] =	stream.indirect.gather [hbm4b:s6+s18], $0x80, s17, s18, $0xb8;
	[tilespmem:$0x17D00] =	vst v63  }
0x91: {  	_ =	swait.ge [sflag:s19], $0x4000  }
0x92: {  	[sflag:s19] =	ssyncset.done $0x0  }
0x93: {  	[sflag:s19] =	ssyncadd.s32 $0xFFFFC000  }
0x94: {  	[spmem:s3] =	stream.indirect.scatter.add.f32 [tilespmem:s18], [sflag:$0x2], $0x80, s4, s18, $0xb8;
	[tilespmem:$0x17D00] =	vst v63  }
0x95: {  	_ =	swait.ge [sflag:s16], $0x4000  }
0x96: {  	[sflag:s16] =	ssyncset.done $0x0  }
0x97: {  	[sflag:s16] =	ssyncadd.s32 $0xFFFFC000  }
0x98: {  	[hbm4b:s21+s4] =	stream.linear.scatter [tilespmem:s18], [sflag:$0x2], $0x4000, $0x38;
	[tilespmem:$0x17D00] =	vst v63  }
0x99: {  	_ =	swait.ge [sflag:s16], $0x4000  }
0x9a: {  	[sflag:s16] =	ssyncset.done $0x0  }
0x9b: {  	s20 =	sadd.s32 $0x1, s20;
	[sflag:s16] =	ssyncadd.s32 $0xFFFFC000  }
0x9c: {  	p0 =	sne.s32 s20, s12;
	[bflag:$0x0] =	sbarrier.arrive $0xFFFF  }
0x9d: {  	[hbm:s8], [sflag:s9] =	dma.local [spmem:s15], $0x2780  }
.Ltmp2:
0x9e: {  	_ =	swait.ge [sflag:s16], $0x2780;
	(pc) =	sbr.rel @p0 .LBB2_1-.Ltmp2, $3  }
0x9f: {  	[sflag:s16] =	ssyncset.done $0x0  }
0xa0: {  	[sflag:s16] =	ssyncadd.s32 $0xFFFFD880  }
0xa1: {  	[bflag:$0x0] =	sbarrier.arrive $0xFFFF;
	_ =	sdelay $0x1  }
0xa2: {  	_ =	sfence.sel $0x180000  }
0xa3: {  	[bflag:$0x0] =	sbarrier.arrive $0xFFFF  }
0xa4: {  	p0 =	sne.s32 s0, $0x0;
	_ =	strace $0x9000005F  }
0xa5: {  	s0 =	sadd.s32 @!p0 $0x100000, s1;
	[bflag:$0x2] =	sbarrier.arrive $0xFFFF  }
0xa6: {  	[sflag:s0] =	ssyncadd.tile.s32 @!p0 $0x1;
	_ =	shalt  }
.Lfunc_end2:
_tile_overlayer_lowered:
.L_overlay_start_2:
0xa7: {  	(tag) =	ssettag $0x2  }
0xa8: {  	s0 =	rddreg [dreg:$0x0];
	s2 =	stileid.u32  }
0xa9: {  	s1 =	rddreg [dreg:$0x1];
	p0 =	sne.s32 s2, $0x0  }
0xaa: {  	s3 =	rddreg [dreg:$0x2];
	[bflag:$0x3] =	sbarrier.arrive $0xFFFF;
	s2 =	simm.s32 @!p0 $0x1C02  }
0xab: {  	[timem:s3], [sflag:s2] =	dma.local @!p0 [hbm:s0], s1  }
0xac: {  	s0 =	simm.s32 @!p0 $0x2  }
0xad: {  	_ =	swait.ge @!p0 [sflag:s0], s1  }
0xae: {  	s1 =	ssub.s32 @!p0 $0x0, s1;
	[sflag:s0] =	ssyncset.done @!p0 $0x0  }
0xaf: {  	[sflag:s0] =	ssyncadd.s32 @!p0 s1  }
0xb0: {  	[bflag:$0x3] =	sbarrier.arrive $0xFFFF  }
0xb1: {  	_ =	shalt  }

// kernel: kernel.23.cloned.1.call-start
scs
__scs_entry_jumppad:
0x0: {  	(pc) =	sbr.rel $0x88, $3  }
0x1: {  	(tag) =	ssettag $0x0;
	lr =	simm.s32 $0x1  }
0x2: {  	[smem:$0x3F80] =	sst lr;
	_ =	strace $0xD0000000  }
0x3: {  	_ = 	snop  }
0x4: {  	_ = 	snop  }
0x5: {  	_ = 	snop  }
0x6: {  	_ = 	snop  }
0x7: {  	_ = 	snop  }
__scs_overlays_trampoline_lowered:
0x8: {  	[smem:$0x3F8F] =	sst s0  }
0x9: {  	[smem:$0x3F90] =	sst s1  }
0xa: {  	[smem:$0x3F91] =	sst s2  }
0xb: {  	[smem:$0x3F92] =	sst s3  }
0xc: {  	[smem:$0x3F93] =	sst s4  }
0xd: {  	[smem:$0x3F94] =	sst s5  }
0xe: {  	[smem:$0x3F95] =	sst s6  }
0xf: {  	[smem:$0x3F96] =	sst s7  }
0x10: {  	[smem:$0x3F97] =	sst s8  }
0x11: {  	[smem:$0x3F98] =	sst s9;
	s0 =	simm.s32 @!p0 $0x0  }
0x12: {  	s1 =	sld [smem:$0x3F7E];
	s0 =	simm.s32 @p0 $0x1  }
0x13: {  	[smem:$0x3F99] =	sst s0;
	s0 =	simm.s32 @!p1 $0x0  }
0x14: {  	s2 =	sld [smem:$0x3F7D];
	s0 =	simm.s32 @p1 $0x1  }
0x15: {  	[smem:$0x3F9A] =	sst s0;
	s0 =	simm.s32 @!p2 $0x0  }
0x16: {  	s3 =	sld [smem:$0x3FDB];
	s0 =	simm.s32 @p2 $0x1  }
0x17: {  	s4 =	simm.s32 $0x1BF5;
	[smem:$0x3F9C] =	sst s0  }
0x18: {  	s0 =	sld [smem:$0x3F7F];
	_ =	swait.ge [sflag:s4], $0x0  }
0x19: {  	s7 =	sld [smem:$0x3F80]  }
0x1a: {  	s8 =	sadd.s32 $0xFFFFE003, lr  }
0x1b: {  	s9 =	sadd.s32 $0xFFFFFEF7, lr;
	s5 =	simm.s32 $0xFFFFFFFF;
	p2 =	slt.u32 s8, $0xFFFFF086  }
0x1c: {  	p1 =	slt.u32 s9, $0xF7A;
	s5 =	simm.s32 @!p2 $0x0  }
0x1d: {  	s5 =	simm.s32 @p1 $0x1;
	p0 =	seq.s32 s7, s2  }
0x1e: {  	s7 =	smul.u32 @!p0 $0xF7A, s2;
	p2 =	seq.s32 @!p0 s5, $0x0  }
0x1f: {  	s9 =	smul.u32 $0xF7A, s1;
	s8 =	simm.s32 @!p0 $0x1BF5;
	p2 =	por !p2, p0  }
0x20: {  	[sflag:s8] =	ssyncset.s32 @!p0 $0xFFFFF086;
	s6 =	sadd.s32 @!p0 s3, s7;
	s7 =	simm.s32 @!p0 $0x108  }
0x21: {  	s3 =	sadd.s32 s3, s9;
	s6 =	sadd.s32 @!p0 $0x88, s6;
	s7 =	simm.s32 @p2 $0x1082  }
0x22: {  	[simem:s7], [sflag:s8] =	dma.local @!p0 [hbm:s6], $0xF7A  }
0x23: {  	s9 =	sor.u32 $0xD0000000, s2;
	s6 =	simm.s32 $0x108;
	_ =	swait.ge @!p0 [sflag:s8], $0x0  }
0x24: {  	s3 =	sadd.s32 $0x88, s3;
	s6 =	simm.s32 @!p1 $0x1082;
	[sflag:s4] =	ssyncset.s32 $0xFFFFF086  }
0x25: {  	[simem:s6], [sflag:s4] =	dma.local [hbm:s3], $0xF7A  }
0x26: {  	[smem:$0x3F80] =	sst s1;
	(tag) =	ssettag s2;
	_ =	strace s9  }
0x27: {  	s1 =	sld [smem:$0x3F90]  }
0x28: {  	s2 =	sld [smem:$0x3F91]  }
0x29: {  	s4 =	sld [smem:$0x3F93]  }
0x2a: {  	p0 =	seq.s32 s5, $0x0;
	s5 =	sld [smem:$0x3F94]  }
0x2b: {  	s6 =	sld [smem:$0x3F95]  }
0x2c: {  	s7 =	sld [smem:$0x3F96]  }
0x2d: {  	s3 =	simm.s32 $0x108;
	s8 =	sld [smem:$0x3F97]  }
0x2e: {  	s3 =	simm.s32 @!p0 $0x1082;
	s9 =	sld [smem:$0x3F98]  }
0x2f: {  	lr =	sadd.s32 s0, s3;
	s0 =	sld [smem:$0x3F8F]  }
0x30: {  	s3 =	sld [smem:$0x3F92]  }
0x31: {  	[smem:$0x3F9B] =	sst s10  }
0x32: {  	s10 =	sld [smem:$0x3F99];
	_ =	sdelay $0x3  }
0x33: {  	p0 =	seq.s32 s10, $0x1;
	s10 =	sld [smem:$0x3F9B];
	_ =	sdelay $0x3  }
0x34: {  	[smem:$0x3F9B] =	sst s10  }
0x35: {  	s10 =	sld [smem:$0x3F9A];
	_ =	sdelay $0x3  }
0x36: {  	p1 =	seq.s32 s10, $0x1;
	s10 =	sld [smem:$0x3F9B];
	_ =	sdelay $0x3  }
0x37: {  	[smem:$0x3F9B] =	sst s10  }
0x38: {  	s10 =	sld [smem:$0x3F9C]  }
0x39: {  	_ = 	snop;
	(pc) =	sbr.ind lr, $3  }
0x3a: {  	_ = 	snop  }
0x3b: {  	_ = 	snop  }
0x3c: {  	p2 =	seq.s32 s10, $0x1;
	s10 =	sld [smem:$0x3F9B]  }
0x3d: {  	_ =	shalt  }
0x3e: {  	_ =	shalt  }
0x3f: {  	_ =	shalt  }
0x40: {  	_ =	shalt  }
0x41: {  	_ =	shalt  }
0x42: {  	_ =	shalt  }
0x43: {  	_ =	shalt  }
0x44: {  	_ =	shalt  }
0x45: {  	_ =	shalt  }
0x46: {  	_ =	shalt  }
0x47: {  	_ =	shalt  }
0x48: {  	_ =	shalt  }
0x49: {  	_ =	shalt  }
0x4a: {  	_ =	shalt  }
0x4b: {  	_ =	shalt  }
0x4c: {  	_ =	shalt  }
0x4d: {  	_ =	shalt  }
0x4e: {  	_ =	shalt  }
0x4f: {  	_ =	shalt  }
0x50: {  	_ =	shalt  }
0x51: {  	_ =	shalt  }
0x52: {  	_ =	shalt  }
0x53: {  	_ =	shalt  }
0x54: {  	_ =	shalt  }
0x55: {  	_ =	shalt  }
0x56: {  	_ =	shalt  }
0x57: {  	_ =	shalt  }
0x58: {  	_ =	shalt  }
0x59: {  	_ =	shalt  }
0x5a: {  	_ =	shalt  }
0x5b: {  	_ =	shalt  }
0x5c: {  	_ =	shalt  }
0x5d: {  	_ =	shalt  }
0x5e: {  	_ =	shalt  }
0x5f: {  	_ =	shalt  }
0x60: {  	_ =	shalt  }
0x61: {  	_ =	shalt  }
0x62: {  	_ =	shalt  }
0x63: {  	_ =	shalt  }
0x64: {  	_ =	shalt  }
0x65: {  	_ =	shalt  }
0x66: {  	_ =	shalt  }
0x67: {  	_ =	shalt  }
0x68: {  	_ =	shalt  }
0x69: {  	_ =	shalt  }
0x6a: {  	_ =	shalt  }
0x6b: {  	_ =	shalt  }
0x6c: {  	_ =	shalt  }
0x6d: {  	_ =	shalt  }
0x6e: {  	_ =	shalt  }
0x6f: {  	_ =	shalt  }
0x70: {  	_ =	shalt  }
0x71: {  	_ =	shalt  }
0x72: {  	_ =	shalt  }
0x73: {  	_ =	shalt  }
0x74: {  	_ =	shalt  }
0x75: {  	_ =	shalt  }
0x76: {  	_ =	shalt  }
0x77: {  	_ =	shalt  }
0x78: {  	_ =	shalt  }
0x79: {  	_ =	shalt  }
0x7a: {  	_ =	shalt  }
0x7b: {  	_ =	shalt  }
0x7c: {  	_ =	shalt  }
0x7d: {  	_ =	shalt  }
0x7e: {  	_ =	shalt  }
0x7f: {  	_ =	shalt  }
0x80: {  	_ =	shalt  }
0x81: {  	_ =	shalt  }
0x82: {  	_ =	shalt  }
0x83: {  	_ =	shalt  }
0x84: {  	_ =	shalt  }
0x85: {  	_ =	shalt  }
0x86: {  	_ =	shalt  }
0x87: {  	_ =	shalt  }
.Lfunc_end0:
.L_simem_size_0:
called_computation.6_lowered:
.L_overlay_start_0:
0x88: {  	s2 =	sld [smem:$0x3FD9]  }
0x89: {  	s3 =	sld [smem:$0x3FFE];
	_ =	sdelay $0x1  }
0x8a: {  	s1 =	srdreg.scid  }
0x8b: {  	s0 =	sand.u32 $0x1, s1  }
0x8c: {  	s16 =	sshll.u32 s0, $0xA;
	s2 =	sadd.s32 s3, s2  }
0x8d: {  	s2 =	sadd.s32 s2, s16  }
0x8e: {  	[smem:$0x3FA7] =	sst s2  }
0x8f: {  	_ = 	snop  }
0x90: {  	(tm) =	ssettm $0x1  }
0x91: {  	s17 =	sld [smem:$0x3FFB];
	_ =	sdelay $0x3  }
0x92: {  	_ =	strace s17  }
0x93: {  	s2 =	sld [smem:$0x3FFC];
	_ =	sdelay $0x3  }
0x94: {  	_ =	strace s2  }
0x95: {  	s2 =	sld [smem:$0x3FFD];
	_ =	sdelay $0x3  }
0x96: {  	_ =	strace s2  }
0x97: {  	_ =	strace $0x8FFFFFFF  }
0x98: {  	s18 =	sld [smem:$0x3FDB];
	_ =	sdelay $0x1  }
0x99: {  	s19 =	simm.s32 $_scs_section_size  }
0x9a: {  	s4 =	simm.s32 $_size__tile_overlayer_lowered;
	s5 =	simm.s32 $_tile_overlayer_lowered  }
0x9b: {  	s22 =	simm.s32 $0x1BFF;
	s21 =	sshll.u32 s5, $0x1;
	s2 =	sadd.s32 s19, s18  }
0x9c: {  	s6 =	simm.s32 $0x0;
	s20 =	sshll.u32 s4, $0x1;
	s4 =	sadd.s32 s21, s2  }
0x9d: {  	[timem:s6], [sflag:s22] =	dma.local [hbm:s4], s20  }
0x9e: {  	_ =	swait.ge [sflag:s22], s20  }
0x9f: {  	s3 =	ssub.s32 $0x0, s20;
	[sflag:s22] =	ssyncset.done $0x0  }
0xa0: {  	[sflag:s22] =	ssyncadd.s32 s3;
	_ =	sdelay $0x1  }
0xa1: {  	s23 =	simm.s32 $0x1B8B  }
0xa2: {  	_ =	swait.ge [sflag:s23], $0x1  }
0xa3: {  	[sflag:s23] =	ssyncset.done $0x0  }
0xa4: {  	s25 =	simm.s32 $0x1B8E;
	s24 =	sld [smem:$0x3FFE];
	[sflag:s23] =	ssyncadd.s32 $0xFFFFFFFF  }
0xa5: {  	s26 =	simm.s32 $execute0_lowered;
	[smem:$0x3FD2] =	sst s25  }
0xa6: {  	s4 =	sshll.u32 s26, $0x1;
	_ =	strace $0x80000061;
	[dreg:$0x1] =	wrdreg $0xFFFFFFFF  }
0xa7: {  	s28 =	simm.s32 $_size_execute0_lowered;
	s2 =	sadd.s32 s2, s4;
	[dreg:$0x0] =	wrdreg $0x0  }
0xa8: {  	s4 =	sshll.u32 s28, $0x1;
	[dreg:$0x2] =	wrdreg s2  }
0xa9: {  	[dreg:$0x3] =	wrdreg s4  }
0xaa: {  	[dreg:$0x4] =	wrdreg $0xC0  }
0xab: {  	_ =	task [dreg:s6], $0x5FFFF  }
0xac: {  	[dreg:$0x1] =	wrdreg $0xFFFFFFFF  }
0xad: {  	[dreg:$0x0] =	wrdreg $0x60  }
0xae: {  	[dreg:$0x2] =	wrdreg s24  }
0xaf: {  	[dreg:$0x3] =	wrdreg $0x9  }
0xb0: {  	_ =	task.clear_ibuf [dreg:s6], $0x4FFFF;
	_ =	strace $0x90000061  }
0xb1: {  	s29 =	simm.s32 $0x9;
	_ =	strace $0x80000063  }
0xb2: {  	_ =	swait.ge [sflag:s29], $0x1  }
0xb3: {  	[sflag:s29] =	ssyncadd.s32 $0xFFFFFFFF  }
0xb4: {  	_ =	strace $0x90000063  }
0xb5: {  	_ =	sfence  }
0xb6: {  	s30 =	sld [smem:$0x0];
	_ =	sdelay $0x2  }
0xb7: {  	s31 =	sshll.u32 s1, $0xD;
	s1 =	sshrl.u32 s1, $0x2  }
0xb8: {  	s3 =	sand.u32 $0x4000, s31;
	s1 =	sadd.s32 s1, s30  }
0xb9: {  	s0 =	sor.u32 s3, s0;
	s1 =	sshll.u32 s1, $0x11  }
0xba: {  	s0 =	sor.u32 s1, s0  }
0xbb: {  	s0 =	sadd.s32 $0x8F2B, s0  }
0xbc: {  	[sflag:s0] =	ssyncadd.remote.s32 $0x1  }
0xbd: {  	_ =	sfence.sel $0xFFFF  }
0xbe: {  	[dreg:$0x0] =	wrdreg $0xFFFFFFFF;
	(pc) =	sbr.abs _section_cstart, $3  }
0xbf: {  	[dreg:$0x1] =	wrdreg $0xFFFFFFFF  }
0xc0: {  	_ =	task.clear_ibuf [dreg:s6], $0x2FFFF;
	_ =	strace $0x9FFFFFFF  }
0xc1: {  	(tm) =	ssettm $0x7FFFFFFF  }
tec
execute0_lowered:
.L_overlay_start_1:
0x0: {  	(tag) =	ssettag $0x1  }
0x1: {  	s5 =	rddreg [dreg:$0x0]  }
0x2: {  	s0 =	rddreg [dreg:$0x1]  }
0x3: {  	s3 =	srdreg.scid;
	s1 =	stileid.u32;
	s2 =	simm.s32 $0x0  }
0x4: {  	s11 =	simm.s32 $0x4080;
	s12 =	simm.s32 $0x80;
	s7 =	smul.u32 $0x2800, s1  }
0x5: {  	s13 =	simm.s32 $0x1;
	s6 =	sand.u32 $0x1, s3;
	s9 =	smul.u32 $0x28000, s1  }
0x6: {  	s14 =	simm.s32 $0x0;
	[smem:$0x7FF] =	sst s2;
	s8 =	smul.u32 $0x1400, s6  }
0x7: {  	s3 =	sadd.s32 $0x48B800, s5;
	s10 =	smul.u32 $0x14000, s6;
	s6 =	ssub.s32 $0x2, s6  }
0x8: {  	s4 =	sadd.s32 $0x4B3000, s5;
	_ =	strace $0x80000062;
	s30 =	sshrl.u32 s6, $0x1  }
0x9: {  	s29 =	sadd.s32 s9, s5;
	s7 =	sadd.s32 s8, s7;
	s6 =	ssub.s32 s6, s30  }
0xa: {  	s10 =	sadd.s32 s10, s29;
	s7 =	sshrl.u32 s7, $0x3;
	s6 =	smax.u32 s6, $0x1  }
0xb: {  	s9 =	sadd.s32 $0xA4D400, s10;
	s31 =	sadd.s32 s7, s5;
	s5 =	sadd.s32 $0x7CD400, s10  }
0xc: {  	s10 =	simm.s32 $0x2;
	s7 =	sadd.s32 $0x529800, s31;
	s8 =	sadd.s32 $0x548400, s31  }
.LBB2_1:
0xd: {  	s15 =	sadd.s32 $0x0, s8  }
0xe: {  	[tilespmem:s2], [sflag:$0x2] =	stream.linear.gather [hbm4b:s15+s2], $0x80, $0x38;
	[tilespmem:$0x4100] =	vst v63  }
0xf: {  	_ =	swait.ge [sflag:s10], $0x80  }
0x10: {  	[sflag:s10] =	ssyncset.done $0x0  }
0x11: {  	s31 =	sadd.s32 $0x0, s7;
	[sflag:s10] =	ssyncadd.s32 $0xFFFFFF80  }
0x12: {  	[tilespmem:s11], [sflag:$0x2] =	stream.linear.gather [hbm4b:s31+s2], $0x80, $0x38;
	[tilespmem:$0x4100] =	vst v63  }
0x13: {  	_ =	swait.ge [sflag:s10], $0x80  }
0x14: {  	[sflag:s10] =	ssyncset.done $0x0  }
0x15: {  	[sflag:s10] =	ssyncadd.s32 $0xFFFFFF80  }
0x16: {  	[tilespmem:s12], [sflag:$0x1] =	stream.indirect.gather [hbm4b:s3+s12], $0x80, s11, s12, $0xb8;
	[tilespmem:$0x4100] =	vst v63  }
0x17: {  	_ =	swait.ge [sflag:s13], $0x4000  }
0x18: {  	[sflag:s13] =	ssyncset.done $0x0  }
0x19: {  	[sflag:s13] =	ssyncadd.s32 $0xFFFFC000  }
0x1a: {  	[hbm4b:s5+s2] =	stream.linear.scatter [tilespmem:s12], [sflag:$0x2], $0x4000, $0x38;
	[tilespmem:$0x4100] =	vst v63  }
0x1b: {  	s17 =	simm.s32 $0x10;
	s19 =	sadd.s32 $0x10, s8;
	_ =	swait.ge [sflag:s10], $0x4000  }
0x1c: {  	s18 =	simm.s32 $0x20;
	s16 =	sadd.s32 $0x800, s5;
	[sflag:s10] =	ssyncset.done $0x0  }
.LBB2_2:
0x1d: {  	s20 =	sadd.s32 s18, s8  }
0x1e: {  	s15 =	simm.s32 $0x0;
	[sflag:s10] =	ssyncadd.s32 $0xFFFFC000;
	s21 =	smov.u32 s18  }
0x1f: {  	[tilespmem:s15], [sflag:$0x2] =	stream.linear.gather [hbm4b:s19+s15], $0x80, $0x38;
	[tilespmem:$0x4100] =	vst v63  }
0x20: {  	p0 =	sne.s32 s18, $0x270;
	s18 =	sadd.s32 $0x10, s18;
	_ =	swait.ge [sflag:s10], $0x80  }
0x21: {  	s19 =	smov.u32 s20;
	[sflag:s10] =	ssyncset.done $0x0  }
0x22: {  	s20 =	sadd.s32 s17, s7;
	s17 =	smov.u32 s21;
	[sflag:s10] =	ssyncadd.s32 $0xFFFFFF80  }
0x23: {  	[tilespmem:s11], [sflag:$0x2] =	stream.linear.gather [hbm4b:s20+s15], $0x80, $0x38;
	[tilespmem:$0x4100] =	vst v63  }
0x24: {  	_ =	swait.ge [sflag:s10], $0x80  }
0x25: {  	[sflag:s10] =	ssyncset.done $0x0  }
0x26: {  	[sflag:s10] =	ssyncadd.s32 $0xFFFFFF80  }
0x27: {  	[tilespmem:s12], [sflag:$0x1] =	stream.indirect.gather [hbm4b:s3+s12], $0x80, s11, s12, $0xb8;
	[tilespmem:$0x4100] =	vst v63  }
0x28: {  	_ =	swait.ge [sflag:s13], $0x4000  }
.Ltmp0:
0x29: {  	[sflag:s13] =	ssyncset.done $0x0;
	(pc) =	sbr.rel @p0 .LBB2_2-.Ltmp0, $4  }
0x2a: {  	[sflag:s13] =	ssyncadd.s32 $0xFFFFC000  }
0x2b: {  	[hbm4b:s16+s15] =	stream.linear.scatter [tilespmem:s12], [sflag:$0x2], $0x4000, $0x38;
	[tilespmem:$0x4100] =	vst v63  }
0x2c: {  	_ =	swait.ge [sflag:s10], $0x4000  }
0x2d: {  	s16 =	sadd.s32 $0x800, s16;
	[sflag:s10] =	ssyncset.done $0x0  }
0x2e: {  	[sflag:s10] =	ssyncadd.s32 $0xFFFFC000  }
0x2f: {  	[tilespmem:s15], [sflag:$0x2] =	stream.linear.gather [hbm4b:s19+s15], $0x80, $0x38;
	[tilespmem:$0x4100] =	vst v63  }
0x30: {  	_ =	swait.ge [sflag:s10], $0x80  }
0x31: {  	[sflag:s10] =	ssyncset.done $0x0  }
0x32: {  	s17 =	sadd.s32 s17, s7;
	[sflag:s10] =	ssyncadd.s32 $0xFFFFFF80  }
0x33: {  	[tilespmem:s11], [sflag:$0x2] =	stream.linear.gather [hbm4b:s17+s15], $0x80, $0x38;
	[tilespmem:$0x4100] =	vst v63  }
0x34: {  	_ =	swait.ge [sflag:s10], $0x80  }
0x35: {  	[sflag:s10] =	ssyncset.done $0x0  }
0x36: {  	[sflag:s10] =	ssyncadd.s32 $0xFFFFFF80  }
0x37: {  	[tilespmem:s12], [sflag:$0x1] =	stream.indirect.gather [hbm4b:s3+s12], $0x80, s11, s12, $0xb8;
	[tilespmem:$0x4100] =	vst v63  }
0x38: {  	_ =	swait.ge [sflag:s13], $0x4000  }
0x39: {  	p1 =	por $0x1, $0x1;
	[sflag:s13] =	ssyncset.done $0x0  }
.Ltmp1:
0x3a: {  	[sflag:s13] =	ssyncadd.s32 $0xFFFFC000;
	(pc) =	sbr.rel @!p1 .LBB2_8-.Ltmp1, $4  }
0x3b: {  	[hbm4b:s16+s15] =	stream.linear.scatter [tilespmem:s12], [sflag:$0x2], $0x4000, $0x38;
	[tilespmem:$0x4100] =	vst v63  }
0x3c: {  	_ =	swait.ge [sflag:s10], $0x4000  }
0x3d: {  	p0 =	por $0x0, $0x0;
	[sflag:s10] =	ssyncset.done $0x0  }
0x3e: {  	s17 =	smov.u32 s9;
	s16 =	simm.s32 $0x10;
	[sflag:s10] =	ssyncadd.s32 $0xFFFFC000  }
0x3f: {  	s15 =	sadd.s32 $0x0, s8  }
0x40: {  	[tilespmem:s2], [sflag:$0x2] =	stream.linear.gather [hbm4b:s15+s2], $0x80, $0x38;
	[tilespmem:$0x4100] =	vst v63  }
0x41: {  	_ =	swait.ge [sflag:s10], $0x80  }
0x42: {  	[sflag:s10] =	ssyncset.done $0x0  }
0x43: {  	s31 =	sadd.s32 $0x0, s7;
	[sflag:s10] =	ssyncadd.s32 $0xFFFFFF80  }
0x44: {  	[tilespmem:s11], [sflag:$0x2] =	stream.linear.gather [hbm4b:s31+s2], $0x80, $0x38;
	[tilespmem:$0x4100] =	vst v63  }
0x45: {  	_ =	swait.ge [sflag:s10], $0x80  }
0x46: {  	[sflag:s10] =	ssyncset.done $0x0  }
0x47: {  	[sflag:s10] =	ssyncadd.s32 $0xFFFFFF80  }
0x48: {  	[tilespmem:s12], [sflag:$0x1] =	stream.indirect.gather [hbm4b:s4+s12], $0x80, s11, s12, $0xb8;
	[tilespmem:$0x4100] =	vst v63  }
0x49: {  	p1 =	por $0x1, $0x1;
	_ =	swait.ge [sflag:s13], $0x4000  }
.Ltmp2:
0x4a: {  	[sflag:s13] =	ssyncset.done $0x0;
	(pc) =	sbr.rel @!p1 .LBB2_5-.Ltmp2, $4  }
0x4b: {  	[sflag:s13] =	ssyncadd.s32 $0xFFFFC000  }
0x4c: {  	[hbm4b:s9+s2] =	stream.linear.scatter [tilespmem:s12], [sflag:$0x2], $0x4000, $0x38;
	[tilespmem:$0x4100] =	vst v63  }
0x4d: {  	s17 =	sadd.s32 $0x800, s9;
	_ =	swait.ge [sflag:s10], $0x4000  }
0x4e: {  	p0 =	por $0x1, $0x1;
	s15 =	simm.s32 $0x20;
	[sflag:s10] =	ssyncset.done $0x0  }
.LBB2_6:
0x4f: {  	s18 =	sadd.s32 s16, s8  }
0x50: {  	[sflag:s10] =	ssyncadd.s32 $0xFFFFC000;
	s19 =	smov.u32 s15;
	s20 =	sadd.s32 $0x10, s15  }
0x51: {  	[tilespmem:s2], [sflag:$0x2] =	stream.linear.gather [hbm4b:s18+s2], $0x80, $0x38;
	[tilespmem:$0x4100] =	vst v63  }
0x52: {  	p1 =	sne.s32 s15, $0x270;
	_ =	swait.ge [sflag:s10], $0x80  }
0x53: {  	[sflag:s10] =	ssyncset.done $0x0  }
0x54: {  	s15 =	sadd.s32 s16, s7;
	s16 =	smov.u32 s19;
	[sflag:s10] =	ssyncadd.s32 $0xFFFFFF80  }
0x55: {  	[tilespmem:s11], [sflag:$0x2] =	stream.linear.gather [hbm4b:s15+s2], $0x80, $0x38;
	[tilespmem:$0x4100] =	vst v63  }
0x56: {  	_ =	swait.ge [sflag:s10], $0x80  }
0x57: {  	[sflag:s10] =	ssyncset.done $0x0  }
0x58: {  	[sflag:s10] =	ssyncadd.s32 $0xFFFFFF80  }
0x59: {  	[tilespmem:s12], [sflag:$0x1] =	stream.indirect.gather [hbm4b:s4+s12], $0x80, s11, s12, $0xb8;
	[tilespmem:$0x4100] =	vst v63  }
0x5a: {  	_ =	swait.ge [sflag:s13], $0x4000  }
.Ltmp3:
0x5b: {  	[sflag:s13] =	ssyncset.done $0x0;
	(pc) =	sbr.rel @p1 .LBB2_6-.Ltmp3, $4  }
0x5c: {  	[sflag:s13] =	ssyncadd.s32 $0xFFFFC000  }
0x5d: {  	[hbm4b:s17+s2] =	stream.linear.scatter [tilespmem:s12], [sflag:$0x2], $0x4000, $0x38;
	[tilespmem:$0x4100] =	vst v63  }
0x5e: {  	_ =	swait.ge [sflag:s10], $0x4000  }
0x5f: {  	s15 =	smov.u32 s20;
	s17 =	sadd.s32 $0x800, s17;
	[sflag:s10] =	ssyncset.done $0x0  }
0x60: {  	s15 =	smov.u32 s16  }
.LBB2_8:
0x61: {  	s16 =	sadd.s32 s15, s8;
	[sflag:s10] =	ssyncadd.s32 @p0 $0xFFFFC000  }
0x62: {  	[tilespmem:s2], [sflag:$0x2] =	stream.linear.gather [hbm4b:s16+s2], $0x80, $0x38;
	[tilespmem:$0x4100] =	vst v63  }
0x63: {  	_ =	swait.ge [sflag:s10], $0x80  }
0x64: {  	[sflag:s10] =	ssyncset.done $0x0  }
0x65: {  	s31 =	sadd.s32 s15, s7;
	[sflag:s10] =	ssyncadd.s32 $0xFFFFFF80  }
0x66: {  	[tilespmem:s11], [sflag:$0x2] =	stream.linear.gather [hbm4b:s31+s2], $0x80, $0x38;
	[tilespmem:$0x4100] =	vst v63  }
0x67: {  	_ =	swait.ge [sflag:s10], $0x80  }
0x68: {  	[sflag:s10] =	ssyncset.done $0x0  }
0x69: {  	[sflag:s10] =	ssyncadd.s32 $0xFFFFFF80  }
0x6a: {  	[tilespmem:s12], [sflag:$0x1] =	stream.indirect.gather [hbm4b:s4+s12], $0x80, s11, s12, $0xb8;
	[tilespmem:$0x4100] =	vst v63  }
0x6b: {  	_ =	swait.ge [sflag:s13], $0x4000  }
0x6c: {  	s14 =	sadd.s32 $0x1, s14;
	[sflag:s13] =	ssyncset.done $0x0  }
0x6d: {  	p0 =	sne.s32 s14, s6;
	[sflag:s13] =	ssyncadd.s32 $0xFFFFC000  }
0x6e: {  	[hbm4b:s17+s2] =	stream.linear.scatter [tilespmem:s12], [sflag:$0x2], $0x4000, $0x38;
	[tilespmem:$0x4100] =	vst v63  }
.Ltmp4:
0x6f: {  	_ = 	snop;
	(pc) =	sbr.rel @p0 .LBB2_1-.Ltmp4, $4  }
.Ltmp5:
0x70: {  	_ = 	snop;
	(pc) =	sbr.rel @!p0 .LBB2_9-.Ltmp5, $4  }
0x71: {  	_ =	swait.ge [sflag:s10], $0x4000  }
0x72: {  	[sflag:s10] =	ssyncset.done $0x0  }
0x73: {  	[sflag:s10] =	ssyncadd.s32 $0xFFFFC000  }
0x74: {  	_ = 	snop  }
.LBB2_5:
.Ltmp6:
0x75: {  	(pc) =	sbr.rel .LBB2_8-.Ltmp6, $2  }
0x76: {  	_ =	sdelay $0x2  }
0x77: {  	s15 =	simm.s32 $0x10  }
.LBB2_9:
0x78: {  	_ =	sfence.sel $0x180000  }
0x79: {  	[bflag:$0x0] =	sbarrier.arrive $0xFFFF  }
0x7a: {  	p0 =	sne.s32 s1, $0x0;
	_ =	strace $0x90000062  }
0x7b: {  	s0 =	sadd.s32 @!p0 $0x100000, s0;
	[bflag:$0x2] =	sbarrier.arrive $0xFFFF  }
0x7c: {  	[sflag:s0] =	ssyncadd.tile.s32 @!p0 $0x1;
	_ =	shalt  }
.Lfunc_end2:
_tile_overlayer_lowered:
.L_overlay_start_2:
0x7d: {  	(tag) =	ssettag $0x2  }
0x7e: {  	s0 =	rddreg [dreg:$0x0];
	s2 =	stileid.u32  }
0x7f: {  	s1 =	rddreg [dreg:$0x1];
	p0 =	sne.s32 s2, $0x0  }
0x80: {  	s3 =	rddreg [dreg:$0x2];
	[bflag:$0x3] =	sbarrier.arrive $0xFFFF;
	s2 =	simm.s32 @!p0 $0x1C02  }
0x81: {  	[timem:s3], [sflag:s2] =	dma.local @!p0 [hbm:s0], s1  }
0x82: {  	s0 =	simm.s32 @!p0 $0x2  }
0x83: {  	_ =	swait.ge @!p0 [sflag:s0], s1  }
0x84: {  	s1 =	ssub.s32 @!p0 $0x0, s1;
	[sflag:s0] =	ssyncset.done @!p0 $0x0  }
0x85: {  	[sflag:s0] =	ssyncadd.s32 @!p0 s1  }
0x86: {  	[bflag:$0x3] =	sbarrier.arrive $0xFFFF  }
0x87: {  	_ =	shalt  }

// kernel: scatter_offload_async_start.1
scs
__scs_entry_jumppad:
0x0: {  	(pc) =	sbr.rel $0x88, $3  }
0x1: {  	(tag) =	ssettag $0x0;
	lr =	simm.s32 $0x1  }
0x2: {  	[smem:$0x3F80] =	sst lr;
	_ =	strace $0xD0000000  }
0x3: {  	_ = 	snop  }
0x4: {  	_ = 	snop  }
0x5: {  	_ = 	snop  }
0x6: {  	_ = 	snop  }
0x7: {  	_ = 	snop  }
__scs_overlays_trampoline_lowered:
0x8: {  	[smem:$0x3F8F] =	sst s0  }
0x9: {  	[smem:$0x3F90] =	sst s1  }
0xa: {  	[smem:$0x3F91] =	sst s2  }
0xb: {  	[smem:$0x3F92] =	sst s3  }
0xc: {  	[smem:$0x3F93] =	sst s4  }
0xd: {  	[smem:$0x3F94] =	sst s5  }
0xe: {  	[smem:$0x3F95] =	sst s6  }
0xf: {  	[smem:$0x3F96] =	sst s7  }
0x10: {  	[smem:$0x3F97] =	sst s8  }
0x11: {  	[smem:$0x3F98] =	sst s9;
	s0 =	simm.s32 @!p0 $0x0  }
0x12: {  	s1 =	sld [smem:$0x3F7E];
	s0 =	simm.s32 @p0 $0x1  }
0x13: {  	[smem:$0x3F99] =	sst s0;
	s0 =	simm.s32 @!p1 $0x0  }
0x14: {  	s2 =	sld [smem:$0x3F7D];
	s0 =	simm.s32 @p1 $0x1  }
0x15: {  	[smem:$0x3F9A] =	sst s0;
	s0 =	simm.s32 @!p2 $0x0  }
0x16: {  	s3 =	sld [smem:$0x3FDB];
	s0 =	simm.s32 @p2 $0x1  }
0x17: {  	s4 =	simm.s32 $0x1BF5;
	[smem:$0x3F9C] =	sst s0  }
0x18: {  	s0 =	sld [smem:$0x3F7F];
	_ =	swait.ge [sflag:s4], $0x0  }
0x19: {  	s7 =	sld [smem:$0x3F80]  }
0x1a: {  	s8 =	sadd.s32 $0xFFFFE003, lr  }
0x1b: {  	s9 =	sadd.s32 $0xFFFFFEF7, lr;
	s5 =	simm.s32 $0xFFFFFFFF;
	p2 =	slt.u32 s8, $0xFFFFF086  }
0x1c: {  	p1 =	slt.u32 s9, $0xF7A;
	s5 =	simm.s32 @!p2 $0x0  }
0x1d: {  	s5 =	simm.s32 @p1 $0x1;
	p0 =	seq.s32 s7, s2  }
0x1e: {  	s7 =	smul.u32 @!p0 $0xF7A, s2;
	p2 =	seq.s32 @!p0 s5, $0x0  }
0x1f: {  	s9 =	smul.u32 $0xF7A, s1;
	s8 =	simm.s32 @!p0 $0x1BF5;
	p2 =	por !p2, p0  }
0x20: {  	[sflag:s8] =	ssyncset.s32 @!p0 $0xFFFFF086;
	s6 =	sadd.s32 @!p0 s3, s7;
	s7 =	simm.s32 @!p0 $0x108  }
0x21: {  	s3 =	sadd.s32 s3, s9;
	s6 =	sadd.s32 @!p0 $0x88, s6;
	s7 =	simm.s32 @p2 $0x1082  }
0x22: {  	[simem:s7], [sflag:s8] =	dma.local @!p0 [hbm:s6], $0xF7A  }
0x23: {  	s9 =	sor.u32 $0xD0000000, s2;
	s6 =	simm.s32 $0x108;
	_ =	swait.ge @!p0 [sflag:s8], $0x0  }
0x24: {  	s3 =	sadd.s32 $0x88, s3;
	s6 =	simm.s32 @!p1 $0x1082;
	[sflag:s4] =	ssyncset.s32 $0xFFFFF086  }
0x25: {  	[simem:s6], [sflag:s4] =	dma.local [hbm:s3], $0xF7A  }
0x26: {  	[smem:$0x3F80] =	sst s1;
	(tag) =	ssettag s2;
	_ =	strace s9  }
0x27: {  	s1 =	sld [smem:$0x3F90]  }
0x28: {  	s2 =	sld [smem:$0x3F91]  }
0x29: {  	s4 =	sld [smem:$0x3F93]  }
0x2a: {  	p0 =	seq.s32 s5, $0x0;
	s5 =	sld [smem:$0x3F94]  }
0x2b: {  	s6 =	sld [smem:$0x3F95]  }
0x2c: {  	s7 =	sld [smem:$0x3F96]  }
0x2d: {  	s3 =	simm.s32 $0x108;
	s8 =	sld [smem:$0x3F97]  }
0x2e: {  	s3 =	simm.s32 @!p0 $0x1082;
	s9 =	sld [smem:$0x3F98]  }
0x2f: {  	lr =	sadd.s32 s0, s3;
	s0 =	sld [smem:$0x3F8F]  }
0x30: {  	s3 =	sld [smem:$0x3F92]  }
0x31: {  	[smem:$0x3F9B] =	sst s10  }
0x32: {  	s10 =	sld [smem:$0x3F99];
	_ =	sdelay $0x3  }
0x33: {  	p0 =	seq.s32 s10, $0x1;
	s10 =	sld [smem:$0x3F9B];
	_ =	sdelay $0x3  }
0x34: {  	[smem:$0x3F9B] =	sst s10  }
0x35: {  	s10 =	sld [smem:$0x3F9A];
	_ =	sdelay $0x3  }
0x36: {  	p1 =	seq.s32 s10, $0x1;
	s10 =	sld [smem:$0x3F9B];
	_ =	sdelay $0x3  }
0x37: {  	[smem:$0x3F9B] =	sst s10  }
0x38: {  	s10 =	sld [smem:$0x3F9C]  }
0x39: {  	_ = 	snop;
	(pc) =	sbr.ind lr, $3  }
0x3a: {  	_ = 	snop  }
0x3b: {  	_ = 	snop  }
0x3c: {  	p2 =	seq.s32 s10, $0x1;
	s10 =	sld [smem:$0x3F9B]  }
0x3d: {  	_ =	shalt  }
0x3e: {  	_ =	shalt  }
0x3f: {  	_ =	shalt  }
0x40: {  	_ =	shalt  }
0x41: {  	_ =	shalt  }
0x42: {  	_ =	shalt  }
0x43: {  	_ =	shalt  }
0x44: {  	_ =	shalt  }
0x45: {  	_ =	shalt  }
0x46: {  	_ =	shalt  }
0x47: {  	_ =	shalt  }
0x48: {  	_ =	shalt  }
0x49: {  	_ =	shalt  }
0x4a: {  	_ =	shalt  }
0x4b: {  	_ =	shalt  }
0x4c: {  	_ =	shalt  }
0x4d: {  	_ =	shalt  }
0x4e: {  	_ =	shalt  }
0x4f: {  	_ =	shalt  }
0x50: {  	_ =	shalt  }
0x51: {  	_ =	shalt  }
0x52: {  	_ =	shalt  }
0x53: {  	_ =	shalt  }
0x54: {  	_ =	shalt  }
0x55: {  	_ =	shalt  }
0x56: {  	_ =	shalt  }
0x57: {  	_ =	shalt  }
0x58: {  	_ =	shalt  }
0x59: {  	_ =	shalt  }
0x5a: {  	_ =	shalt  }
0x5b: {  	_ =	shalt  }
0x5c: {  	_ =	shalt  }
0x5d: {  	_ =	shalt  }
0x5e: {  	_ =	shalt  }
0x5f: {  	_ =	shalt  }
0x60: {  	_ =	shalt  }
0x61: {  	_ =	shalt  }
0x62: {  	_ =	shalt  }
0x63: {  	_ =	shalt  }
0x64: {  	_ =	shalt  }
0x65: {  	_ =	shalt  }
0x66: {  	_ =	shalt  }
0x67: {  	_ =	shalt  }
0x68: {  	_ =	shalt  }
0x69: {  	_ =	shalt  }
0x6a: {  	_ =	shalt  }
0x6b: {  	_ =	shalt  }
0x6c: {  	_ =	shalt  }
0x6d: {  	_ =	shalt  }
0x6e: {  	_ =	shalt  }
0x6f: {  	_ =	shalt  }
0x70: {  	_ =	shalt  }
0x71: {  	_ =	shalt  }
0x72: {  	_ =	shalt  }
0x73: {  	_ =	shalt  }
0x74: {  	_ =	shalt  }
0x75: {  	_ =	shalt  }
0x76: {  	_ =	shalt  }
0x77: {  	_ =	shalt  }
0x78: {  	_ =	shalt  }
0x79: {  	_ =	shalt  }
0x7a: {  	_ =	shalt  }
0x7b: {  	_ =	shalt  }
0x7c: {  	_ =	shalt  }
0x7d: {  	_ =	shalt  }
0x7e: {  	_ =	shalt  }
0x7f: {  	_ =	shalt  }
0x80: {  	_ =	shalt  }
0x81: {  	_ =	shalt  }
0x82: {  	_ =	shalt  }
0x83: {  	_ =	shalt  }
0x84: {  	_ =	shalt  }
0x85: {  	_ =	shalt  }
0x86: {  	_ =	shalt  }
0x87: {  	_ =	shalt  }
.Lfunc_end0:
.L_simem_size_0:
called_computation.1_lowered:
.L_overlay_start_0:
0x88: {  	s0 =	sld [smem:$0x3FD9]  }
0x89: {  	s1 =	sld [smem:$0x3FFE];
	_ =	sdelay $0x3  }
0x8a: {  	s0 =	sadd.s32 s1, s0  }
0x8b: {  	[smem:$0x3FA7] =	sst s0  }
0x8c: {  	_ = 	snop  }
0x8d: {  	(tm) =	ssettm $0x1  }
0x8e: {  	s14 =	sld [smem:$0x3FFB];
	_ =	sdelay $0x3  }
0x8f: {  	_ =	strace s14  }
0x90: {  	s0 =	sld [smem:$0x3FFC];
	_ =	sdelay $0x3  }
0x91: {  	_ =	strace s0  }
0x92: {  	s0 =	sld [smem:$0x3FFD];
	_ =	sdelay $0x3  }
0x93: {  	_ =	strace s0  }
0x94: {  	_ =	strace $0x8FFFFFFF  }
0x95: {  	s15 =	sld [smem:$0x3FDB];
	_ =	sdelay $0x1  }
0x96: {  	s16 =	simm.s32 $_scs_section_size  }
0x97: {  	s2 =	simm.s32 $_size__tile_overlayer_lowered;
	s3 =	simm.s32 $_tile_overlayer_lowered  }
0x98: {  	s4 =	simm.s32 $0x1BFF;
	s17 =	sshll.u32 s3, $0x1;
	s1 =	sadd.s32 s16, s15  }
0x99: {  	s18 =	simm.s32 $0x0;
	s2 =	sshll.u32 s2, $0x1;
	s3 =	sadd.s32 s17, s1  }
0x9a: {  	[timem:s18], [sflag:s4] =	dma.local [hbm:s3], s2  }
0x9b: {  	_ =	swait.ge [sflag:s4], s2  }
0x9c: {  	s2 =	ssub.s32 $0x0, s2;
	[sflag:s4] =	ssyncset.done $0x0  }
0x9d: {  	[sflag:s4] =	ssyncadd.s32 s2;
	_ =	sdelay $0x1  }
0x9e: {  	s19 =	simm.s32 $0x1B8B  }
0x9f: {  	_ =	swait.ge [sflag:s19], $0x1  }
0xa0: {  	[sflag:s19] =	ssyncset.done $0x0  }
0xa1: {  	s21 =	simm.s32 $0x1B8E;
	s20 =	sld [smem:$0x3FFE];
	[sflag:s19] =	ssyncadd.s32 $0xFFFFFFFF  }
0xa2: {  	s22 =	simm.s32 $execute0_lowered;
	[smem:$0x3FD2] =	sst s21  }
0xa3: {  	s3 =	sshll.u32 s22, $0x1;
	_ =	strace $0x8000004F;
	[dreg:$0x1] =	wrdreg $0xFFFFFFFF  }
0xa4: {  	s23 =	simm.s32 $_size_execute0_lowered;
	s3 =	sadd.s32 s1, s3;
	[dreg:$0x0] =	wrdreg $0x0  }
0xa5: {  	s4 =	sshll.u32 s23, $0x1;
	[dreg:$0x2] =	wrdreg s3  }
0xa6: {  	[dreg:$0x3] =	wrdreg s4  }
0xa7: {  	[dreg:$0x4] =	wrdreg $0xC0  }
0xa8: {  	s24 =	simm.s32 $execute1_lowered;
	_ =	task [dreg:s18], $0x5FFFF  }
0xa9: {  	s3 =	sshll.u32 s24, $0x1;
	[dreg:$0x1] =	wrdreg $0xFFFFFFFF  }
0xaa: {  	s1 =	sadd.s32 s1, s3;
	[dreg:$0x0] =	wrdreg $0x60  }
0xab: {  	[dreg:$0x2] =	wrdreg s1  }
0xac: {  	[dreg:$0x3] =	wrdreg s20  }
0xad: {  	[dreg:$0x4] =	wrdreg $0x9  }
0xae: {  	_ =	task.clear_ibuf [dreg:s18], $0x5FFFF;
	_ =	strace $0x9000004F  }
0xaf: {  	s25 =	simm.s32 $0x9;
	_ =	strace $0x80000051  }
0xb0: {  	_ =	swait.ge [sflag:s25], $0x1  }
0xb1: {  	[sflag:s25] =	ssyncadd.s32 $0xFFFFFFFF  }
0xb2: {  	_ =	strace $0x90000051  }
0xb3: {  	_ =	strace $0x80000052;
	[dreg:$0x1] =	wrdreg $0xFFFFFFFF  }
0xb4: {  	[dreg:$0x0] =	wrdreg $0x2030  }
0xb5: {  	[dreg:$0x2] =	wrdreg s20  }
0xb6: {  	[dreg:$0x3] =	wrdreg $0xA  }
0xb7: {  	_ =	task.clear_ibuf [dreg:s18], $0x4FFFF;
	_ =	strace $0x90000052  }
0xb8: {  	s26 =	simm.s32 $0xA;
	_ =	strace $0x80000054  }
0xb9: {  	_ =	swait.ge [sflag:s26], $0x1  }
0xba: {  	[sflag:s26] =	ssyncadd.s32 $0xFFFFFFFF  }
0xbb: {  	_ =	strace $0x90000054  }
0xbc: {  	_ =	sfence  }
0xbd: {  	s28 =	sld [smem:$0x0];
	_ =	sdelay $0x1  }
0xbe: {  	s29 =	srdreg.scid  }
0xbf: {  	s30 =	sshll.u32 s29, $0xD;
	s31 =	sshrl.u32 s29, $0x2  }
0xc0: {  	s2 =	sand.u32 $0x1, s29;
	s3 =	sand.u32 $0x4000, s30;
	s1 =	sadd.s32 s31, s28  }
0xc1: {  	s2 =	sor.u32 s3, s2;
	s1 =	sshll.u32 s1, $0x11  }
0xc2: {  	s1 =	sor.u32 s1, s2  }
0xc3: {  	s1 =	sadd.s32 $0x8F2B, s1  }
0xc4: {  	[sflag:s1] =	ssyncadd.remote.s32 $0x1  }
0xc5: {  	_ =	sfence.sel $0xFFFF  }
0xc6: {  	[dreg:$0x0] =	wrdreg $0xFFFFFFFF;
	(pc) =	sbr.abs _section_cstart, $3  }
0xc7: {  	[dreg:$0x1] =	wrdreg $0xFFFFFFFF  }
0xc8: {  	_ =	task.clear_ibuf [dreg:s18], $0x2FFFF;
	_ =	strace $0x9FFFFFFF  }
0xc9: {  	(tm) =	ssettm $0x7FFFFFFF  }
tec
execute0_lowered:
.L_overlay_start_1:
0x0: {  	(tag) =	ssettag $0x1  }
0x1: {  	s2 =	rddreg [dreg:$0x0]  }
0x2: {  	s4 =	rddreg [dreg:$0x1]  }
0x3: {  	s0 =	rddreg [dreg:$0x2];
	s3 =	stileid.u32  }
0x4: {  	[bflag:$0x3] =	sbarrier.arrive $0xFFFF;
	s1 =	simm.s32 $_size_execute1_lowered;
	p0 =	sne.s32 s3, $0x0  }
0x5: {  	s1 =	sshll.u32 s1, $0x1;
	s5 =	simm.s32 @!p0 $0x1C3F;
	s6 =	simm.s32 @!p0 $0x4060  }
0x6: {  	[timem:s6], [sflag:s5] =	dma.local @!p0 [hbm:s2], s1  }
0x7: {  	s2 =	smul.u32 $0x280, s3  }
.Ltmp0:
0x8: {  	s31 =	simm.s32 $0x2;
	s7 =	simm.s32 $0x280;
	(pc) =	sbr.rel .LBB2_1-.Ltmp0, $4  }
0x9: {  	s8 =	simm.s32 $0x780;
	s10 =	simm.s32 $0x0;
	s9 =	simm.s32 $0x0  }
0xa: {  	s3 =	simm.s32 $0x1;
	_ =	strace $0x80000050;
	s30 =	sshrl.u32 s2, $0x3  }
0xb: {  	s6 =	simm.s32 $0x0;
	[sflag:s3] =	ssyncpa.u1 $0x0;
	s5 =	sadd.s32 s30, s4  }
0xc: {  	s4 =	sadd.s32 $0x53D800, s4;
	[sflag:s31] =	ssyncpa.u1 $0x0;
	s5 =	sadd.s32 $0x7C00, s5  }
.LBB2_8:
0xd: {  	p1 =	seq.s32 s9, $0x2  }
.Ltmp1:
0xe: {  	_ = 	snop;
	(pc) =	sbr.rel @p1 .LBB2_10-.Ltmp1, $1  }
0xf: {  	_ =	sdelay $0x3  }
.LBB2_9:
0x10: {  	s9 =	sadd.s32 $0x1, s9;
	s10 =	smov.u32 s2  }
.LBB2_1:
0x11: {  	p1 =	sne.s32 s9, $0x0  }
.Ltmp2:
0x12: {  	_ = 	snop;
	(pc) =	sbr.rel @!p1 .LBB2_2-.Ltmp2, $1  }
0x13: {  	_ =	sdelay $0x3  }
0x14: {  	s11 =	sand.u32 $0x1, s9  }
0x15: {  	p1 =	seq.s32 s11, $0x0  }
.Ltmp3:
0x16: {  	_ = 	snop;
	(pc) =	sbr.rel @p1 .LBB2_8-.Ltmp3, $1  }
0x17: {  	_ =	sdelay $0x3  }
0x18: {  	_ =	swait.ge [sflag:s3], $0x280  }
0x19: {  	[sflag:s3] =	ssyncset.done $0x0  }
0x1a: {  	s11 =	simm.s32 $0x0;
	p1 =	por $0x1, $0x1;
	[sflag:s3] =	ssyncadd.s32 $0xFFFFFD80  }
.LBB2_5:
0x1b: {  	v0 =	vld [tilespmem:s11+$0x280]  }
0x1c: {  	v1 =	vld [tilespmem:s11+$0x290]  }
0x1d: {  	v2 =	vld [tilespmem:s11+$0x2A0]  }
0x1e: {  	v3 =	vld [tilespmem:s11+$0x2B0]  }
0x1f: {  	v4 =	vld [tilespmem:s11+$0x2C0]  }
0x20: {  	v53 =	vld [tilespmem:s11+$0x2D0];
	[tilespmem:s11+$0x780] =	vst v0  }
0x21: {  	v54 =	vld [tilespmem:s11+$0x2E0];
	[tilespmem:s11+$0x790] =	vst v1  }
0x22: {  	v55 =	vld [tilespmem:s11+$0x2F0];
	[tilespmem:s11+$0x7A0] =	vst v2  }
0x23: {  	v56 =	vld [tilespmem:s11+$0x300];
	[tilespmem:s11+$0x7B0] =	vst v3  }
0x24: {  	v57 =	vld [tilespmem:s11+$0x310];
	[tilespmem:s11+$0x7C0] =	vst v4  }
0x25: {  	v58 =	vld [tilespmem:s11+$0x320];
	[tilespmem:s11+$0x7D0] =	vst v53  }
0x26: {  	v59 =	vld [tilespmem:s11+$0x330];
	[tilespmem:s11+$0x7E0] =	vst v54  }
0x27: {  	v60 =	vld [tilespmem:s11+$0x340];
	[tilespmem:s11+$0x7F0] =	vst v55  }
0x28: {  	v61 =	vld [tilespmem:s11+$0x350];
	[tilespmem:s11+$0x800] =	vst v56  }
0x29: {  	v62 =	vld [tilespmem:s11+$0x360];
	[tilespmem:s11+$0x810] =	vst v57  }
0x2a: {  	v63 =	vld [tilespmem:s11+$0x370];
	p2 =	por p1, p1;
	[tilespmem:s11+$0x820] =	vst v58  }
.Ltmp4:
0x2b: {  	[tilespmem:s11+$0x830] =	vst v59;
	(pc) =	sbr.rel @p2 .LBB2_5-.Ltmp4, $4  }
0x2c: {  	[tilespmem:s11+$0x840] =	vst v60  }
0x2d: {  	[tilespmem:s11+$0x850] =	vst v61  }
0x2e: {  	s12 =	simm.s32 $0x1F0;
	s13 =	simm.s32 $0x980;
	[tilespmem:s11+$0x860] =	vst v62  }
0x2f: {  	s14 =	simm.s32 $0x480;
	p1 =	por $0x0, $0x0;
	[tilespmem:s11+$0x870] =	vst v63;
	s11 =	simm.s32 $0x100  }
.LBB2_6:
0x30: {  	s12 =	sadd.s32 $0x10, s12  }
0x31: {  	v0 =	vld [tilespmem:s14+$0x0];
	p1 =	slt.u32 s12, $0x270  }
.Ltmp5:
0x32: {  	_ = 	snop;
	(pc) =	sbr.rel @p1 .LBB2_6-.Ltmp5, $2  }
0x33: {  	_ =	sdelay $0x2  }
0x34: {  	s14 =	sadd.s32 $0x10, s14;
	[tilespmem:s13+$0x0] =	vst v0;
	s13 =	sadd.s32 $0x10, s13  }
.Ltmp6:
0x35: {  	(pc) =	sbr.rel .LBB2_8-.Ltmp6, $4  }
0x36: {  	_ = 	snop  }
0x37: {  	s10 =	sshrl.u32 s10, $0x3  }
0x38: {  	s10 =	sadd.s32 s4, s10  }
0x39: {  	[hbm4b:s10+s6] =	stream.linear.scatter [tilespmem:s8], [sflag:$0x2], $0x280, $0x38;
	[tilespmem:$0xA00] =	vst v63  }
.LBB2_2:
.Ltmp7:
0x3a: {  	(pc) =	sbr.rel .LBB2_9-.Ltmp7, $2  }
0x3b: {  	_ =	sdelay $0x2  }
0x3c: {  	[tilespmem:s7], [sflag:$0x1] =	stream.linear.gather [hbm4b:s5+s6], $0x280, $0x38;
	[tilespmem:$0xA00] =	vst v63  }
.LBB2_10:
0x3d: {  	s2 =	simm.s32 $0x2  }
0x3e: {  	_ =	swait.ge [sflag:s2], $0x280  }
0x3f: {  	[sflag:s2] =	ssyncset.done $0x0  }
0x40: {  	[sflag:s2] =	ssyncadd.s32 $0xFFFFFD80  }
0x41: {  	_ =	sfence.sel $0x180000  }
0x42: {  	s3 =	simm.s32 $0x1;
	[bflag:$0x0] =	sbarrier.arrive $0xFFFF  }
0x43: {  	[sflag:s3] =	ssyncpa.u1 $0x1  }
0x44: {  	[sflag:s2] =	ssyncpa.u1 $0x1  }
0x45: {  	_ =	strace $0x90000050  }
0x46: {  	s0 =	sadd.s32 @!p0 $0x100000, s0;
	[bflag:$0x2] =	sbarrier.arrive $0xFFFF  }
0x47: {  	[sflag:s0] =	ssyncadd.tile.s32 @!p0 $0x1;
	s0 =	simm.s32 @!p0 $0x3F  }
0x48: {  	_ =	swait.ge @!p0 [sflag:s0], s1  }
0x49: {  	s1 =	ssub.s32 @!p0 $0x0, s1;
	[sflag:s0] =	ssyncset.done @!p0 $0x0  }
0x4a: {  	[sflag:s0] =	ssyncadd.s32 @!p0 s1  }
0x4b: {  	[bflag:$0x3] =	sbarrier.arrive $0xFFFF  }
0x4c: {  	_ =	shalt  }
.Lfunc_end2:
execute1_lowered:
.L_overlay_start_2:
0x4d: {  	(tag) =	ssettag $0x2  }
0x4e: {  	s0 =	rddreg [dreg:$0x0]  }
0x4f: {  	s14 =	stileid.u32;
	_ =	strace $0x80000053;
	s2 =	simm.s32 $0x1  }
0x50: {  	v1 =	vimm.s32 $0xFFFFFFFF;
	s1 =	smin.u32 s14, $0x4;
	[sflag:s2] =	ssyncpa.u1 $0x0  }
0x51: {  	s1 =	sadd.s32 s14, s1;
	[tilespmem:$0x10] =	vst v1  }
0x52: {  	v0 =	vimm.f32 $0.0e+00;
	p0 =	slt.u32 s14, $0x4;
	[tilespmem:$0x20] =	vst v1;
	s3 =	smul.u32 $0x1F40, s1;
	s1 =	simm.s32 $0x3E80  }
0x53: {  	[tilespmem:$0x30] =	vst v0;
	s1 =	simm.s32 @!p0 $0x1F40  }
0x54: {  	[tilespmem:$0x40] =	vst v0;
	s1 =	sadd.s32 s1, s3  }
0x55: {  	[tilespmem:$0x50] =	vst v0;
	s4 =	smin.u32 s1, $0x27100  }
0x56: {  	[tilespmem:$0x60] =	vst v1;
	s9 =	ssub.s32 s4, s3  }
0x57: {  	s7 =	simm.s32 $0x2;
	s8 =	simm.s32 $0x8;
	[tilespmem:$0x70] =	vst v1;
	p0 =	sgt.s32 s9, $0x0  }
0x58: {  	s31 =	simm.s32 $0x9;
	s16 =	simm.s32 $0x0;
	[tilespmem:$0x80] =	vst v1;
	s9 =	simm.s32 @!p0 $0x0  }
0x59: {  	s17 =	simm.s32 $0xF0;
	s18 =	simm.s32 $0xFFFFFFFF;
	v1 =	vimm.s32 $0x0;
	[tilespmem:$0xB0] =	vst v0;
	s5 =	smulhi.u32 $0x10624DD3, s9  }
0x5a: {  	s19 =	simm.s32 $0xFFFFC280;
	s20 =	simm.s32 $0xFFFFFFFE;
	s21 =	simm.s32 $0xF;
	[tilespmem:$0x90] =	vst v1  }
0x5b: {  	[tilespmem:$0xA0] =	vst v1;
	[sflag:s7] =	ssyncpa.u1 $0x0;
	s7 =	simm.s32 $0x7;
	s10 =	sshrl.u32 s5, $0x9  }
0x5c: {  	s25 =	simm.s32 $0x0;
	[sflag:s7] =	ssyncpa.u1 $0x0;
	s11 =	smul.u32 $0x1F40, s10  }
0x5d: {  	s24 =	simm.s32 $0x0;
	s6 =	sadd.s32 $0x538800, s0;
	[sflag:s8] =	ssyncpa.u1 $0x0  }
.Ltmp8:
0x5e: {  	s23 =	smov.u32 s3;
	p0 =	sne.s32 s9, s11;
	(pc) =	sbr.rel .LBB3_1-.Ltmp8, $4  }
0x5f: {  	s1 =	sadd.s32 $0x53D800, s0;
	[sflag:s31] =	ssyncpa.u1 $0x0;
	s2 =	simm.s32 @!p0 $0x0  }
0x60: {  	s5 =	sadd.s32 $0x533800, s0;
	p0 =	por $0x0, $0x0;
	s9 =	sadd.s32 s2, s10  }
0x61: {  	vm0 =	vmmov $0xffff;
	v2 =	vlaneseq.u32;
	s10 =	sshll.u32 s14, $0x1;
	s14 =	sshllo.u32 s14, $0x1;
	s11 =	sadd.s32 $0x1, s9  }
0x62: {  	vm1 =	vmxor vm1, vm1;
	vm2 =	vmmov $0x1;
	vm3 =	vcmask $0x3F3C;
	s12 =	sadd.s32 $0x2, s9;
	s13 =	sor.u32 $0x81, s10;
	s15 =	sor.u32 $0x80, s10  }
.LBB3_9:
0x63: {  	p1 =	slt.u32 s24, $0x3  }
0x64: {  	s0 =	simm.s32 @!p1 $0x2  }
0x65: {  	_ =	swait.ge @!p1 [sflag:s0], $0x1F40  }
0x66: {  	[sflag:s0] =	ssyncset.done @!p1 $0x0  }
0x67: {  	[sflag:s0] =	ssyncadd.s32 @!p1 $0xFFFFE0C0;
	s0 =	simm.s32 @!p1 $0x9  }
0x68: {  	_ =	swait.ge @!p1 [sflag:s0], $0x10  }
0x69: {  	[sflag:s0] =	ssyncset.done @!p1 $0x0  }
0x6a: {  	[sflag:s0] =	ssyncadd.s32 @!p1 $0xFFFFFFF0;
	p1 =	sne.s32 s24, s12  }
.Ltmp9:
0x6b: {  	s2 =	sadd.s32 $0x1F40, s23;
	(pc) =	sbr.rel @!p1 .LBB3_10-.Ltmp9, $4  }
0x6c: {  	s22 =	smov.u32 s3;
	s31 =	sadd.s32 $0x1, s24;
	s17 =	sadd.s32 $0x1F40, s17  }
0x6d: {  	s18 =	sadd.s32 $0x1, s18;
	s25 =	smov.u32 s23;
	p2 =	slt.s32 s2, s4  }
0x6e: {  	p0 =	por !p0, !p0;
	s19 =	sadd.s32 $0x1F40, s19;
	s22 =	smov.u32 @p2 s2  }
0x6f: {  	s20 =	sadd.s32 $0x1, s20;
	s23 =	smov.u32 s22;
	s24 =	smov.u32 s31  }
.LBB3_1:
0x70: {  	p1 =	sge.u32 s24, s9  }
0x71: {  	s0 =	smulhi.u32 @!p1 $0xAAAAAAAB, s24;
	_ =	sdelay $0x1  }
0x72: {  	s0 =	sshrl.u32 @!p1 s0, $0x1  }
0x73: {  	s0 =	smul.u32 @!p1 $0x3, s0;
	_ =	sdelay $0x1  }
0x74: {  	s0 =	ssub.s32 @!p1 s24, s0  }
0x75: {  	s0 =	smul.u32 @!p1 $0x7D00, s0;
	_ =	sdelay $0x1  }
0x76: {  	s2 =	sshrl.u32 @!p1 s23, $0x3;
	s0 =	sshrl.u32 @!p1 s0, $0x2  }
0x77: {  	s22 =	sand.u32 @!p1 $0x7, s23;
	s2 =	sadd.s32 @!p1 s5, s2;
	s0 =	sadd.s32 @!p1 $0x100, s0  }
0x78: {  	[tilespmem:s0], [sflag:$0x7] =	stream.linear.gather @!p1 [hbm4b:s2+s22], $0x1F40, $0x38;
	[tilespmem:$0x11A60] =	vst v63  }
0x79: {  	s0 =	sadd.s32 $0xFFFFFFFF, s24  }
0x7a: {  	p1 =	sge.u32 s0, s9  }
.Ltmp10:
0x7b: {  	_ = 	snop;
	(pc) =	sbr.rel @p1 .LBB3_5-.Ltmp10, $1  }
0x7c: {  	_ =	sdelay $0x3  }
0x7d: {  	s2 =	smulhi.u32 $0xAAAAAAAB, s0;
	_ =	sdelay $0x1  }
0x7e: {  	s2 =	sshrl.u32 s2, $0x1  }
0x7f: {  	s2 =	smul.u32 $0x3, s2;
	_ =	sdelay $0x1  }
0x80: {  	s2 =	ssub.s32 s0, s2  }
0x81: {  	s2 =	smul.u32 $0x7D00, s2  }
0x82: {  	_ =	swait.ge [sflag:s7], $0x1F40  }
0x83: {  	[sflag:s7] =	ssyncset.done $0x0;
	s2 =	sshrl.u32 s2, $0x2  }
0x84: {  	[sflag:s7] =	ssyncadd.s32 $0xFFFFE0C0;
	(ifvalue) =	ssetifvalue $0xFFFFFFFF;
	v3 =	vld.msk [tilespmem:s2+$0x100 ss:$0x1], $0xffff;
	_ =	sdelay $0x2  }
0x85: {  	s30 =	smulhi.u32 $0xAAAAAAAB, s18;
	p1 =	sne.s32 s24, $0x1  }
0x86: {  	v4 =	vimm.s32 @!p1 $0x0  }
0x87: {  	s2 =	sshrl.u32 s30, $0x1;
	v4 =	vperm.xlane @!p1 v3, v4  }
0x88: {  	s22 =	sshll.u32 s24, $0x4;
	s2 =	smul.u32 $0xFFFE8900, s2;
	vm4 =	vlt.u32 v3, $0x2800  }
0x89: {  	s22 =	sand.u32 $0x10, s22;
	v3 =	vnsel vm4, $0xFFFFFFFE, v3;
	vm4 =	vlt.u32 @!p1 v4, $0x2800  }
0x8a: {  	s2 =	sshra.s32 s2, $0x2;
	[tilespmem:s22+$0x60] =	vst v3;
	v3 =	vnsel @!p1 vm4, $0xFFFFFFFE, v4  }
0x8b: {  	s28 =	sadd.s32 s2, s17;
	[tilespmem:$0x80] =	vst @!p1 v3  }
0x8c: {  	v3 =	vld.msk [tilespmem:s28+$0x0 ss:$0x1], $0xffff;
	_ =	sdelay $0x4  }
0x8d: {  	(xrf1) =	vunique.msk.u32 $0xffff, v3;
	_ =	sdelay $0xd  }
0x8e: {  	v4 =	vimm.s32 $0xFFFFFFFF;
	v5, _, _ =	vpop (xrf1)  }
0x8f: {  	vm5 =	vne.s32 v3, v4;
	vm4 =	veq.s32 v5, v2  }
0x90: {  	vm6 =	vlt.u32 v3, $0x2800;
	vm4 =	vmand vm5, vm4  }
0x91: {  	vm4 =	vmand vm6, vm4  }
0x92: {  	v4 =	vnsel vm4, $0xFFFFFFFF, v3  }
0x93: {  	s31 =	sand.u32 $0x1, s0  }
0x94: {  	s0 =	simm.s32 $0x1F40;
	p1 =	seq.s32 s31, $0x1  }
0x95: {  	s0 =	simm.s32 @!p1 $0x0  }
0x96: {  	s26 =	sadd.s32 $0x7DF0, s0;
	(ifvalue) =	ssetifvalue $0xFFFFFFFF  }
0x97: {  	v3 =	vperm.xlane v3, v1;
	[tilespmem:s26], [sflag:$0x8] =	stream.indirect_vreg.gather [hbm4b:s1+s16], $0x1, v4, vm0, $0x4038;
	v4 =	vnsel vm6, $0xFFFFFFFE, v4;
	[tilespmem:$0x11A60] =	vst v63  }
0x98: {  	s2 =	simm.s32 $0x0;
	s22 =	sadd.s32 $0xFFFFFFF0, s28;
	[tilespmem:s28+$0x0] =	vst v4  }
.LBB3_3:
0x99: {  	v4 =	vld.msk [tilespmem:s22+$0x0 ss:$0x1], $0xffff;
	s2 =	sadd.s32 $0x10, s2;
	v5 =	vmov v3;
	s28 =	smov.u32 s22  }
0x9a: {  	p1 =	slt.u32 s2, $0x1F30;
	_ =	sdelay $0x4  }
0x9b: {  	v3 =	vperm.xlane v4, v1;
	(xrf1) =	vunique.msk.u32 $0xffff, v4;
	_ =	sdelay $0xd  }
0x9c: {  	v6, _, _ =	vpop (xrf1)  }
0x9d: {  	vm5 =	vne.s32 v4, v5;
	vm4 =	veq.s32 v6, v2  }
0x9e: {  	vm6 =	vlt.u32 v4, $0x2800;
	vm4 =	vmand vm5, vm4  }
0x9f: {  	vm4 =	vmand vm6, vm4  }
0xa0: {  	v4 =	vnsel vm4, $0xFFFFFFFF, v4  }
.Ltmp11:
0xa1: {  	v5 =	vnsel vm6, $0xFFFFFFFE, v4;
	(pc) =	sbr.rel @p1 .LBB3_3-.Ltmp11, $3  }
0xa2: {  	_ =	sdelay $0x1  }
0xa3: {  	s22 =	sadd.s32 $0xFFFFFFF0, s22;
	s26 =	sadd.s32 $0xFFFFFFF0, s26;
	(ifvalue) =	ssetifvalue $0xFFFFFFFF  }
0xa4: {  	[tilespmem:s26], [sflag:$0x8] =	stream.indirect_vreg.gather [hbm4b:s1+s16], $0x1, v4, vm0, $0x4038;
	[tilespmem:s28+$0x0] =	vst v5  }
0xa5: {  	s2 =	sshrl.u32 s25, $0x3  }
0xa6: {  	s0 =	sadd.s32 $0x9D40, s0;
	s2 =	sadd.s32 s6, s2  }
0xa7: {  	[tilespmem:s0], [sflag:$0x8] =	stream.linear.gather [hbm:s2], $0x1F40, $0x38;
	[tilespmem:$0x11A60] =	vst v63  }
.LBB3_5:
0xa8: {  	p1 =	slt.u32 s24, $0x2  }
0xa9: {  	p2 =	sge.u32 @!p1 s24, s12  }
0xaa: {  	p1 =	por p1, p2  }
.Ltmp12:
0xab: {  	_ = 	snop;
	(pc) =	sbr.rel @p1 .LBB3_9-.Ltmp12, $1  }
0xac: {  	_ =	sdelay $0x3  }
0xad: {  	s0 =	sadd.s32 $0xFFFFFFFE, s24  }
0xae: {  	s2 =	smulhi.u32 $0xAAAAAAAB, s0;
	_ =	sdelay $0x1  }
0xaf: {  	s2 =	sshrl.u32 s2, $0x1  }
0xb0: {  	s2 =	smul.u32 $0x3, s2;
	_ =	sdelay $0x1  }
0xb1: {  	s0 =	ssub.s32 s0, s2  }
0xb2: {  	_ =	swait.ge [sflag:s8], $0x3E80;
	s0 =	smul.u32 $0x1F40, s0  }
0xb3: {  	p1 =	sne.s32 s24, s11;
	[sflag:s8] =	ssyncset.done $0x0  }
0xb4: {  	[sflag:s8] =	ssyncadd.s32 $0xFFFFC180;
	s2 =	sadd.s32 @!p1 $0x203F, s0  }
0xb5: {  	[spmem:s13] =	stream.linear.scatter @!p1 [tilespmem:s2], [sflag:$0x1], $0x1, $0x38;
	[tilespmem:$0x11A60] =	vst v63  }
0xb6: {  	s2 =	simm.s32 @!p1 $0x1  }
0xb7: {  	_ =	swait.ge @!p1 [sflag:s2], $0x1  }
0xb8: {  	s22 =	sshll.u32 s24, $0x4;
	[sflag:s2] =	ssyncset.done @!p1 $0x0  }
0xb9: {  	s25 =	sand.u32 $0x10, s22;
	[sflag:s2] =	ssyncadd.s32 @!p1 $0xFFFFFFFF  }
0xba: {  	s2 =	sxor.u32 $0x10, s25;
	v4 =	vld [tilespmem:s25+$0x10]  }
0xbb: {  	v5 =	vld [tilespmem:s2+$0x60]  }
0xbc: {  	v3 =	vld [tilespmem:$0x80];
	_ =	sdelay $0x2  }
0xbd: {  	(v2sf) =	vpush v4, $0x0  }
0xbe: {  	(v2sf) =	vpush v5, $0x0  }
0xbf: {  	(v2sf) =	vpush v3, $0x0;
	_ =	sdelay $0xc  }
0xc0: {  	s22 =	spop (v2sf)  }
0xc1: {  	s26 =	spop (v2sf)  }
0xc2: {  	s28 =	spop (v2sf)  }
0xc3: {  	p2 =	seq.s32 s22, s26;
	p3 =	seq.s32 s28, s22  }
0xc4: {  	p3 =	por p2, p3  }
0xc5: {  	s26 =	sand.u32 $0x1, s24;
	v4 =	vpsel p3, $0xFFFFFFFF, v4  }
0xc6: {  	s29 =	smul.u32 $0x1F40, s26;
	[tilespmem:s25+$0x10] =	vst.msk $0x1, v4  }
0xc7: {  	v4 =	vld [tilespmem:$0x30]  }
0xc8: {  	v5 =	vld [tilespmem:s29+$0x9D40]  }
0xc9: {  	v6 =	vld [tilespmem:s25+$0x40];
	_ =	sdelay $0x3  }
0xca: {  	vm4 =	vmmov vm1;
	v5 =	vadd.f32 v5, v4  }
0xcb: {  	vm5 =	vmmov vm2;
	vm4 =	vmmov @p2 vm2;
	s22 =	sshll.u32 s26, $0x4;
	v4 =	vadd.f32 v6, v4  }
0xcc: {  	s26 =	sor.u32 $0x11A40, s22;
	vm5 =	vmmov @p3 vm1;
	[tilespmem:s29+$0x9D40] =	vst.msk vm4, v5  }
0xcd: {  	[tilespmem:s26+$0x0] =	vst.msk vm5, v4  }
0xce: {  	v4 =	vld [tilespmem:s29+$0x7DF0];
	_ =	sdelay $0x3  }
0xcf: {  	v5 =	vimm.f32 $0.0e+00  }
0xd0: {  	v4 =	vshift.insert v4, v5, s21  }
0xd1: {  	s22 =	sor.u32 $0x40, s2  }
0xd2: {  	[tilespmem:s22+$0x0] =	vst.msk $0x1, v4  }
0xd3: {  	[tilespmem:s29+$0x7DFF] =	vst.msk $0x1, v5  }
0xd4: {  	v4 =	vld [tilespmem:s0+$0x2030];
	_ =	sdelay $0x1  }
0xd5: {  	s22 =	smulhi.u32 $0xAAAAAAAB, s20;
	s0 =	simm.s32 $0x1  }
0xd6: {  	s0 =	simm.s32 @!p0 $0x0  }
0xd7: {  	s22 =	sshrl.u32 s22, $0x1;
	s0 =	smul.u32 $0x7D00, s0  }
0xd8: {  	s22 =	smul.u32 $0xFFFE8900, s22;
	v4 =	vshift.insert v4, v1, s21  }
0xd9: {  	s0 =	sshrl.u32 s0, $0x2  }
0xda: {  	s22 =	sshra.s32 s22, $0x2;
	s30 =	sadd.s32 $0x9D40, s0;
	[tilespmem:s2+$0x10] =	vst.msk $0x1, v4  }
0xdb: {  	s22 =	sadd.s32 s22, s19;
	v6 =	vld [tilespmem:s30+$0x0]  }
0xdc: {  	v7 =	vld [tilespmem:s22+$0x0];
	_ =	sdelay $0x3  }
0xdd: {  	v5 =	vadd.f32 v6, v5  }
0xde: {  	vm4 =	vne.s32 v7, $0xFFFFFFFF  }
0xdf: {  	(xrf2) =	vadd.seg.scan.f32 vm4, v5;
	_ =	sdelay $0x3  }
0xe0: {  	s31 =	sadd.s32 $0x5EC0, s0;
	v5 =	vperm.xlane v4, v1  }
0xe1: {  	v6 =	vld [tilespmem:s31+$0x0]  }
0xe2: {  	vm5 =	veq.s32 v7, v3;
	vm6 =	veq.s32 v7, v5  }
0xe3: {  	vm7 =	vgt.u32 v7, $0xFFFFFFFD;
	vm6 =	vmor vm6, vm5  }
0xe4: {  	vm6 =	vmor vm6, vm7  }
0xe5: {  	v9 =	vld [tilespmem:$0xA0];
	v7 =	vsel vm6, $0xFFFFFFFF, v7  }
0xe6: {  	v10 =	vld [tilespmem:$0x90];
	v6 =	vsel vm5, $0x0, v6;
	v8, _, _ =	vpop (xrf2)  }
0xe7: {  	v6 =	vadd.f32 v8, v6  }
0xe8: {  	s0 =	sadd.s32 $0xDBC0, s0  }
0xe9: {  	vm4 =	vmand vm4, vm3;
	[tilespmem:s0+$0x0] =	vst v6;
	(ifvalue) =	ssetifvalue $0xFFFFFFFF  }
0xea: {  	vm6 =	veq.s32 v9, $0x1;
	[hbm4b:s1+s16] =	stream.indirect_vreg.scatter [tilespmem:s0], [sflag:$0x2], $0x1, v7, vm0, $0x4038;
	v7 =	vsel vm4, $0x0, v8;
	[tilespmem:$0x11A60] =	vst v63  }
0xeb: {  	s2 =	simm.s32 $0x0;
	s22 =	sadd.s32 $0x10, s22;
	vm4 =	vmor vm6, vm5;
	v6 =	vsel vm5, v8, v10;
	v7 =	vshift.insert v7, v0, s21  }
.LBB3_7:
0xec: {  	v8 =	vld [tilespmem:s22+$0x0];
	s30 =	sadd.s32 $0x10, s30  }
0xed: {  	s31 =	sadd.s32 $0x10, s31;
	v9 =	vld [tilespmem:s30+$0x0]  }
0xee: {  	s2 =	sadd.s32 $0x10, s2;
	v10 =	vld [tilespmem:s31+$0x0]  }
0xef: {  	p2 =	slt.u32 s2, $0x1F30;
	_ =	sdelay $0x2  }
0xf0: {  	v7 =	vadd.f32 v9, v7  }
0xf1: {  	vm5 =	vne.s32 v8, $0xFFFFFFFF  }
0xf2: {  	vm6 =	vmand vm5, vm3;
	(xrf2) =	vadd.seg.scan.f32 vm5, v7;
	_ =	sdelay $0x5  }
0xf3: {  	vm7 =	veq.s32 v8, v5;
	vm5 =	veq.s32 v8, v3  }
0xf4: {  	vm8 =	vgt.u32 v8, $0xFFFFFFFD;
	vm4 =	vmor vm4, vm5;
	vm7 =	vmor vm7, vm5  }
0xf5: {  	vm7 =	vmor vm7, vm8  }
0xf6: {  	v8 =	vsel vm7, $0xFFFFFFFF, v8  }
.Ltmp13:
0xf7: {  	v7 =	vsel vm5, $0x0, v10;
	v9, _, _ =	vpop (xrf2);
	(pc) =	sbr.rel @p2 .LBB3_7-.Ltmp13, $4  }
0xf8: {  	v6 =	vsel vm5, v9, v6;
	v10 =	vadd.f32 v9, v7;
	v7 =	vsel vm6, $0x0, v9  }
0xf9: {  	s0 =	sadd.s32 $0x10, s0;
	v7 =	vshift.insert v7, v0, s21  }
0xfa: {  	s22 =	sadd.s32 $0x10, s22;
	[tilespmem:s0+$0x0] =	vst v10;
	(ifvalue) =	ssetifvalue $0xFFFFFFFF  }
0xfb: {  	[hbm4b:s1+s16] =	stream.indirect_vreg.scatter [tilespmem:s0], [sflag:$0x2], $0x1, v8, vm0, $0x4038;
	[tilespmem:$0x11A60] =	vst v63  }
0xfc: {  	v3 =	vld [tilespmem:s29+$0xFAF0];
	_ =	sdelay $0x4  }
0xfd: {  	v3 =	vshift.insert v3, v0, s21  }
0xfe: {  	s0 =	simm.s32 $0x30  }
0xff: {  	[tilespmem:s0+$0x0] =	vst.msk $0x1, v3  }
0x100: {  	v3 =	vsel vm4, $0x1, v1;
	[tilespmem:$0x90] =	vst v6  }
0x101: {  	s0 =	sadd.s32 @!p1 $0xFAFF, s29;
	[tilespmem:$0xA0] =	vst v3  }
0x102: {  	[spmem:s14] =	stream.linear.scatter @!p1 [tilespmem:s0], [sflag:$0x1], $0x1, $0x38;
	[tilespmem:$0x11A60] =	vst v63  }
0x103: {  	s0 =	simm.s32 @!p1 $0x1  }
0x104: {  	v3 =	vmctz.xlane @!p1 vm4;
	_ =	swait.ge @!p1 [sflag:s0], $0x1  }
0x105: {  	(v2sf) =	vpush @!p1 v4, $0x0  }
0x106: {  	(v2sf) =	vpush @!p1 v3, $0x0;
	_ =	sdelay $0xd  }
0x107: {  	s2 =	spop @!p1 (v2sf)  }
0x108: {  	s22 =	spop @!p1 (v2sf)  }
0x109: {  	p2 =	sne.s32 @!p1 s28, s2;
	p3 =	slt.s32 @!p1 s22, $0xF  }
0x10a: {  	[sflag:s0] =	ssyncset.done @!p1 $0x0;
	p2 =	por p2, p1;
	p3 =	por !p3, p1  }
0x10b: {  	[sflag:s0] =	ssyncadd.s32 @!p1 $0xFFFFFFFF;
	v3 =	vimm.s32 @!p2 $0xFFFFFFFF;
	s22 =	simm.s32 @p3 $0xF  }
0x10c: {  	[tilespmem:$0x80] =	vst @!p2 v3;
	s2 =	sadd.s32 @!p1 $0x90, s22  }
0x10d: {  	[spmem:s10] =	stream.linear.scatter @!p1 [tilespmem:s2], [sflag:$0x1], $0x1, $0x38;
	[tilespmem:$0x11A60] =	vst v63  }
0x10e: {  	_ =	swait.ge @!p1 [sflag:s0], $0x1  }
0x10f: {  	[sflag:s0] =	ssyncset.done @!p1 $0x0  }
0x110: {  	s2 =	simm.s32 @!p1 $0x80;
	[sflag:s0] =	ssyncadd.s32 @!p1 $0xFFFFFFFF  }
0x111: {  	[spmem:s15] =	stream.linear.scatter @!p1 [tilespmem:s2], [sflag:$0x1], $0x1, $0x38;
	[tilespmem:$0x11A60] =	vst v63  }
0x112: {  	_ =	swait.ge @!p1 [sflag:s0], $0x1  }
0x113: {  	[sflag:s0] =	ssyncset.done @!p1 $0x0  }
0x114: {  	[sflag:s0] =	ssyncadd.s32 @!p1 $0xFFFFFFFF;
	(ifvalue) =	ssetifvalue $0xFFFFFFFF;
	v3 =	vld [tilespmem:s25+$0x10];
	_ =	sdelay $0x3  }
.Ltmp14:
0x115: {  	_ = 	snop;
	(pc) =	sbr.rel .LBB3_9-.Ltmp14, $3  }
0x116: {  	_ =	sdelay $0x1  }
0x117: {  	(ifvalue) =	ssetifvalue $0xFFFFFFFF  }
0x118: {  	[hbm4b:s1+s16] =	stream.indirect_vreg.scatter [tilespmem:s26], [sflag:$0x9], $0x1, v3, vm0, $0x4038;
	[tilespmem:$0x11A60] =	vst v63  }
.LBB3_10:
0x119: {  	_ =	sfence.sel $0x180000  }
0x11a: {  	s0 =	simm.s32 $0x7;
	[bflag:$0x0] =	sbarrier.arrive $0xFFFF  }
0x11b: {  	s26 =	simm.s32 $0x8;
	[sflag:s0] =	ssyncpa.u1 $0x1  }
0x11c: {  	s28 =	simm.s32 $0x9;
	[sflag:s26] =	ssyncpa.u1 $0x1  }
0x11d: {  	[sflag:s28] =	ssyncpa.u1 $0x1  }
0x11e: {  	_ =	sfence.stream.spmem  }
0x11f: {  	s29 =	simm.s32 $0x3;
	[bflag:$0x0] =	sbarrier.arrive $0xFFFF  }
0x120: {  	s30 =	simm.s32 $0x4;
	[sflag:s29] =	ssyncpa.u1 $0x1  }
0x121: {  	s31 =	simm.s32 $0x3C;
	s2 =	stileid.u32;
	[sflag:s30] =	ssyncpa.u1 $0x1  }
0x122: {  	p0 =	sne.s32 s2, $0x0;
	[sflag:s31] =	ssyncpa.u1 $0x1  }
0x123: {  	s0 =	simm.s32 @p0 $0x1;
	_ =	sfence @p0  }
0x124: {  	[sflag:s0] =	ssyncpa.u1 @p0 $0x1;
	s0 =	simm.s32 @p0 $0x2  }
0x125: {  	[sflag:s0] =	ssyncpa.u1 @p0 $0x1  }
0x126: {  	_ =	strace @p0 $0x90000053  }
0x127: {  	[bflag:$0x2] =	sbarrier.arrive @p0 $0xFFFF  }
0x128: {  	_ =	shalt @p0  }
.LBB3_11:
0x129: {  	_ =	sfence.stream.spmem;
	s0 =	simm.s32 $0x5  }
0x12a: {  	s2 =	simm.s32 $0x80;
	s3 =	simm.s32 $0xC0;
	[sflag:s0] =	ssyncpa.u1 $0x0  }
0x12b: {  	[tilespmem:s3], [sflag:$0x5] =	stream.linear.gather [spmem:s2], $0x20, $0x38;
	[tilespmem:$0x11A60] =	vst v63  }
0x12c: {  	s2 =	simm.s32 $0x0;
	s3 =	simm.s32 $0xE0  }
0x12d: {  	[tilespmem:s3], [sflag:$0x5] =	stream.linear.gather [spmem:s2], $0x20, $0x38;
	[tilespmem:$0x11A60] =	vst v63  }
.Ltmp15:
0x12e: {  	_ = 	snop;
	(pc) =	sbr.rel .LBB3_12-.Ltmp15, $4  }
0x12f: {  	_ =	swait.ge [sflag:s0], $0x40  }
0x130: {  	[sflag:s0] =	ssyncset.done $0x0  }
0x131: {  	s31 =	simm.s32 $0x6;
	[sflag:s0] =	ssyncadd.s32 $0xFFFFFFC0  }
0x132: {  	s4 =	simm.s32 $0x0;
	[sflag:s31] =	ssyncpa.u1 $0x0  }
.LBB3_17:
0x133: {  	p0 =	sgt.u32 s5, $0x27FF  }
0x134: {  	s0 =	sshrl.u32 @!p0 s5, $0x3  }
0x135: {  	s5 =	sand.u32 @!p0 $0x7, s5;
	s6 =	simm.s32 @!p0 $0xB0;
	s0 =	sadd.s32 @!p0 s1, s0  }
0x136: {  	[tilespmem:s6], [sflag:$0x6] =	stream.linear.gather @!p0 [hbm4b:s0+s5], $0x1, $0x38;
	[tilespmem:$0x11A60] =	vst v63  }
0x137: {  	s0 =	simm.s32 @!p0 $0x6  }
0x138: {  	_ =	swait.ge @!p0 [sflag:s0], $0x1  }
0x139: {  	[sflag:s0] =	ssyncset.done @!p0 $0x0  }
0x13a: {  	[sflag:s0] =	ssyncadd.s32 @!p0 $0xFFFFFFFF  }
0x13b: {  	v2 =	vmov @!p0 s4;
	v1 =	vld.msk @!p0 [tilespmem:$0xB0], $0x1;
	_ =	sdelay $0x3  }
0x13c: {  	s0 =	simm.s32 @!p0 $0xE0  }
0x13d: {  	[tilespmem:v2+s0+$0x0], v1 =	vst.idx.ret.add.f32.msk @!p0 $0x1, v1  }
0x13e: {  	[tilespmem:s2+$0xC0] =	vst.msk $0x1, v0  }
0x13f: {  	v0 =	vld.msk [tilespmem:s4+$0xE0], $0x1;
	_ =	sdelay $0x4  }
0x140: {  	[tilespmem:s2+$0xE0] =	vst.msk $0x1, v0;
	s2 =	sadd.s32 $0x1, s2  }
.LBB3_19:
0x141: {  	s4 =	sadd.s32 $0x1, s4  }
0x142: {  	p0 =	sne.s32 s4, $0x20  }
.Ltmp16:
0x143: {  	_ = 	snop;
	(pc) =	sbr.rel @!p0 .LBB3_20-.Ltmp16, $1  }
0x144: {  	_ =	sdelay $0x3  }
.LBB3_12:
0x145: {  	v0 =	vld.msk [tilespmem:s4+$0xC0], $0x1;
	_ =	sdelay $0x4  }
0x146: {  	(v2sf) =	vpush v0, $0x0;
	_ =	sdelay $0xe  }
0x147: {  	s5 =	spop (v2sf)  }
0x148: {  	p0 =	seq.s32 s5, $0xFFFFFFFF  }
.Ltmp17:
0x149: {  	_ = 	snop;
	(pc) =	sbr.rel @p0 .LBB3_19-.Ltmp17, $1  }
0x14a: {  	_ =	sdelay $0x3  }
0x14b: {  	p0 =	slt.s32 s2, $0x1  }
.Ltmp18:
0x14c: {  	_ = 	snop;
	(pc) =	sbr.rel @p0 .LBB3_17-.Ltmp18, $1  }
0x14d: {  	_ =	sdelay $0x3  }
0x14e: {  	s0 =	simm.s32 $0xC0;
	p0 =	por $0x0, $0x0  }
0x14f: {  	v1 =	vld.msk @!p0 [tilespmem:s0+$0x0], $0x1;
	_ =	sdelay $0x4  }
0x150: {  	(v2sf) =	vpush @!p0 v1, $0x0;
	_ =	sdelay $0xd  }
0x151: {  	p2 =	sne.s32 s2, $0x1  }
.Ltmp19:
0x152: {  	s6 =	spop @!p0 (v2sf);
	(pc) =	sbr.rel @!p2 .LBB3_16-.Ltmp19, $4  }
0x153: {  	p1 =	seq.s32 @!p0 s5, s6  }
0x154: {  	s6 =	simm.s32 $0x0;
	p1 =	por !p1, p0  }
0x155: {  	s8 =	simm.s32 $0xFFFFFFFF;
	s6 =	simm.s32 @p1 $0xFFFFFFFF  }
0x156: {  	s7 =	simm.s32 $0x1;
	s6 =	smov.u32 @p0 s8  }
.LBB3_15:
0x157: {  	s8 =	smov.u32 s6;
	p0 =	sne.s32 s6, $0xFFFFFFFF  }
0x158: {  	s0 =	sadd.s32 $0x1, s0;
	s6 =	smov.u32 s7;
	s7 =	sadd.s32 $0x1, s7  }
0x159: {  	p1 =	sne.s32 s2, s7;
	v1 =	vld.msk @!p0 [tilespmem:s0+$0x0], $0x1;
	_ =	sdelay $0x4  }
0x15a: {  	(v2sf) =	vpush @!p0 v1, $0x0;
	_ =	sdelay $0xe  }
.Ltmp20:
0x15b: {  	s9 =	spop @!p0 (v2sf);
	(pc) =	sbr.rel @p1 .LBB3_15-.Ltmp20, $4  }
0x15c: {  	p2 =	seq.s32 @!p0 s5, s9  }
0x15d: {  	p2 =	por !p2, p0  }
0x15e: {  	s6 =	simm.s32 @p2 $0xFFFFFFFF  }
0x15f: {  	s6 =	smov.u32 @p0 s8  }
.LBB3_16:
0x160: {  	p0 =	sne.s32 s6, $0xFFFFFFFF  }
.Ltmp21:
0x161: {  	_ = 	snop;
	(pc) =	sbr.rel @!p0 .LBB3_17-.Ltmp21, $1  }
0x162: {  	_ =	sdelay $0x3  }
0x163: {  	v0 =	vld.msk [tilespmem:s4+$0xE0], $0x1;
	v1 =	vmov s6  }
.Ltmp22:
0x164: {  	_ = 	snop;
	(pc) =	sbr.rel .LBB3_19-.Ltmp22, $2  }
0x165: {  	_ =	sdelay $0x2  }
0x166: {  	[tilespmem:v1+s3+$0x0], v0 =	vst.idx.ret.add.f32.msk $0x1, v0  }
.LBB3_20:
0x167: {  	p0 =	slt.s32 s2, $0x1  }
.Ltmp23:
0x168: {  	_ = 	snop;
	(pc) =	sbr.rel @p0 .LBB3_24-.Ltmp23, $3  }
0x169: {  	_ =	sdelay $0x1  }
0x16a: {  	s0 =	simm.s32 $0x6  }
0x16b: {  	s3 =	simm.s32 $0x0;
	[sflag:s0] =	ssyncpa.u1 $0x1  }
0x16c: {  	s0 =	simm.s32 $0xC0  }
0x16d: {  	v0 =	vld.msk [tilespmem:s0+$0x0], $0x1;
	_ =	sdelay $0x4  }
0x16e: {  	(v2sf) =	vpush v0, $0x0;
	_ =	sdelay $0xe  }
0x16f: {  	s2 =	sadd.s32 $0xFFFFFFFF, s2;
	s4 =	spop (v2sf)  }
0x170: {  	p1 =	sne.s32 s2, $0x0;
	p0 =	sgt.u32 s4, $0x27FF  }
.Ltmp24:
0x171: {  	s5 =	sshrl.u32 @!p0 s4, $0x3;
	(pc) =	sbr.rel @!p1 .LBB3_23-.Ltmp24, $4  }
0x172: {  	s0 =	simm.s32 $0xE0;
	s4 =	sand.u32 @!p0 $0x7, s4;
	s5 =	sadd.s32 @!p0 s1, s5  }
0x173: {  	[hbm4b:s5+s4] =	stream.linear.scatter @!p0 [tilespmem:s0], [sflag:$0x5], $0x1, $0x38;
	[tilespmem:$0x11A60] =	vst v63  }
0x174: {  	s5 =	simm.s32 $0x0  }
0x175: {  	s4 =	simm.s32 $0xC1;
	s5 =	simm.s32 @!p0 $0x4  }
.LBB3_22:
0x176: {  	v0 =	vld.msk [tilespmem:s4+$0x0], $0x1;
	s2 =	sadd.s32 $0xFFFFFFFF, s2;
	s3 =	sadd.s32 s3, s5  }
0x177: {  	p0 =	sne.s32 s2, $0x0;
	_ =	sdelay $0x3  }
0x178: {  	(v2sf) =	vpush v0, $0x0;
	_ =	sdelay $0xe  }
.Ltmp25:
0x179: {  	s6 =	spop (v2sf);
	(pc) =	sbr.rel @p0 .LBB3_22-.Ltmp25, $4  }
0x17a: {  	s5 =	simm.s32 $0x0;
	p1 =	sgt.u32 s6, $0x27FF  }
0x17b: {  	s0 =	sadd.s32 $0x1, s0;
	s5 =	simm.s32 @!p1 $0x4;
	s7 =	sshrl.u32 @!p1 s6, $0x3  }
0x17c: {  	s4 =	sadd.s32 $0x1, s4;
	s6 =	sand.u32 @!p1 $0x7, s6;
	s7 =	sadd.s32 @!p1 s1, s7  }
0x17d: {  	[hbm4b:s7+s6] =	stream.linear.scatter @!p1 [tilespmem:s0], [sflag:$0x5], $0x1, $0x38;
	[tilespmem:$0x11A60] =	vst v63  }
.LBB3_23:
0x17e: {  	s0 =	sadd.s32 s3, s5  }
0x17f: {  	s3 =	sshrl.u32 s0, $0x2  }
.LBB3_24:
0x180: {  	s0 =	simm.s32 $0x5  }
0x181: {  	_ =	swait.ge [sflag:s0], s3  }
0x182: {  	s1 =	ssub.s32 $0x0, s3;
	[sflag:s0] =	ssyncset.done $0x0  }
0x183: {  	[sflag:s0] =	ssyncadd.s32 s1  }
0x184: {  	[sflag:s0] =	ssyncpa.u1 $0x1  }
0x185: {  	s29 =	simm.s32 $0x1;
	_ =	sfence  }
0x186: {  	s30 =	simm.s32 $0x2;
	[sflag:s29] =	ssyncpa.u1 $0x1  }
0x187: {  	[sflag:s30] =	ssyncpa.u1 $0x1  }
0x188: {  	_ =	strace $0x90000053  }
0x189: {  	[bflag:$0x2] =	sbarrier.arrive $0xFFFF  }
0x18a: {  	s31 =	rddreg [dreg:$0x1]  }
0x18b: {  	s0 =	sadd.s32 $0x100000, s31  }
0x18c: {  	[sflag:s0] =	ssyncadd.tile.s32 $0x1;
	_ =	shalt  }
.Lfunc_end3:
_tile_overlayer_lowered:
.L_overlay_start_3:
0x18d: {  	(tag) =	ssettag $0x3  }
0x18e: {  	s0 =	rddreg [dreg:$0x0];
	s2 =	stileid.u32  }
0x18f: {  	s1 =	rddreg [dreg:$0x1];
	p0 =	sne.s32 s2, $0x0  }
0x190: {  	s3 =	rddreg [dreg:$0x2];
	[bflag:$0x3] =	sbarrier.arrive $0xFFFF;
	s2 =	simm.s32 @!p0 $0x1C01  }
0x191: {  	[timem:s3], [sflag:s2] =	dma.local @!p0 [hbm:s0], s1  }
0x192: {  	s0 =	simm.s32 @!p0 $0x1  }
0x193: {  	_ =	swait.ge @!p0 [sflag:s0], s1  }
0x194: {  	s1 =	ssub.s32 @!p0 $0x0, s1;
	[sflag:s0] =	ssyncset.done @!p0 $0x0  }
0x195: {  	[sflag:s0] =	ssyncadd.s32 @!p0 s1  }
0x196: {  	[bflag:$0x3] =	sbarrier.arrive $0xFFFF  }
0x197: {  	_ =	shalt  }

// kernel: scatter_offload_async_start.2
scs
__scs_entry_jumppad:
0x0: {  	(pc) =	sbr.rel $0x88, $3  }
0x1: {  	(tag) =	ssettag $0x0;
	lr =	simm.s32 $0x1  }
0x2: {  	[smem:$0x3F80] =	sst lr;
	_ =	strace $0xD0000000  }
0x3: {  	_ = 	snop  }
0x4: {  	_ = 	snop  }
0x5: {  	_ = 	snop  }
0x6: {  	_ = 	snop  }
0x7: {  	_ = 	snop  }
__scs_overlays_trampoline_lowered:
0x8: {  	[smem:$0x3F8F] =	sst s0  }
0x9: {  	[smem:$0x3F90] =	sst s1  }
0xa: {  	[smem:$0x3F91] =	sst s2  }
0xb: {  	[smem:$0x3F92] =	sst s3  }
0xc: {  	[smem:$0x3F93] =	sst s4  }
0xd: {  	[smem:$0x3F94] =	sst s5  }
0xe: {  	[smem:$0x3F95] =	sst s6  }
0xf: {  	[smem:$0x3F96] =	sst s7  }
0x10: {  	[smem:$0x3F97] =	sst s8  }
0x11: {  	[smem:$0x3F98] =	sst s9;
	s0 =	simm.s32 @!p0 $0x0  }
0x12: {  	s1 =	sld [smem:$0x3F7E];
	s0 =	simm.s32 @p0 $0x1  }
0x13: {  	[smem:$0x3F99] =	sst s0;
	s0 =	simm.s32 @!p1 $0x0  }
0x14: {  	s2 =	sld [smem:$0x3F7D];
	s0 =	simm.s32 @p1 $0x1  }
0x15: {  	[smem:$0x3F9A] =	sst s0;
	s0 =	simm.s32 @!p2 $0x0  }
0x16: {  	s3 =	sld [smem:$0x3FDB];
	s0 =	simm.s32 @p2 $0x1  }
0x17: {  	s4 =	simm.s32 $0x1BF5;
	[smem:$0x3F9C] =	sst s0  }
0x18: {  	s0 =	sld [smem:$0x3F7F];
	_ =	swait.ge [sflag:s4], $0x0  }
0x19: {  	s7 =	sld [smem:$0x3F80]  }
0x1a: {  	s8 =	sadd.s32 $0xFFFFE003, lr  }
0x1b: {  	s9 =	sadd.s32 $0xFFFFFEF7, lr;
	s5 =	simm.s32 $0xFFFFFFFF;
	p2 =	slt.u32 s8, $0xFFFFF086  }
0x1c: {  	p1 =	slt.u32 s9, $0xF7A;
	s5 =	simm.s32 @!p2 $0x0  }
0x1d: {  	s5 =	simm.s32 @p1 $0x1;
	p0 =	seq.s32 s7, s2  }
0x1e: {  	s7 =	smul.u32 @!p0 $0xF7A, s2;
	p2 =	seq.s32 @!p0 s5, $0x0  }
0x1f: {  	s9 =	smul.u32 $0xF7A, s1;
	s8 =	simm.s32 @!p0 $0x1BF5;
	p2 =	por !p2, p0  }
0x20: {  	[sflag:s8] =	ssyncset.s32 @!p0 $0xFFFFF086;
	s6 =	sadd.s32 @!p0 s3, s7;
	s7 =	simm.s32 @!p0 $0x108  }
0x21: {  	s3 =	sadd.s32 s3, s9;
	s6 =	sadd.s32 @!p0 $0x88, s6;
	s7 =	simm.s32 @p2 $0x1082  }
0x22: {  	[simem:s7], [sflag:s8] =	dma.local @!p0 [hbm:s6], $0xF7A  }
0x23: {  	s9 =	sor.u32 $0xD0000000, s2;
	s6 =	simm.s32 $0x108;
	_ =	swait.ge @!p0 [sflag:s8], $0x0  }
0x24: {  	s3 =	sadd.s32 $0x88, s3;
	s6 =	simm.s32 @!p1 $0x1082;
	[sflag:s4] =	ssyncset.s32 $0xFFFFF086  }
0x25: {  	[simem:s6], [sflag:s4] =	dma.local [hbm:s3], $0xF7A  }
0x26: {  	[smem:$0x3F80] =	sst s1;
	(tag) =	ssettag s2;
	_ =	strace s9  }
0x27: {  	s1 =	sld [smem:$0x3F90]  }
0x28: {  	s2 =	sld [smem:$0x3F91]  }
0x29: {  	s4 =	sld [smem:$0x3F93]  }
0x2a: {  	p0 =	seq.s32 s5, $0x0;
	s5 =	sld [smem:$0x3F94]  }
0x2b: {  	s6 =	sld [smem:$0x3F95]  }
0x2c: {  	s7 =	sld [smem:$0x3F96]  }
0x2d: {  	s3 =	simm.s32 $0x108;
	s8 =	sld [smem:$0x3F97]  }
0x2e: {  	s3 =	simm.s32 @!p0 $0x1082;
	s9 =	sld [smem:$0x3F98]  }
0x2f: {  	lr =	sadd.s32 s0, s3;
	s0 =	sld [smem:$0x3F8F]  }
0x30: {  	s3 =	sld [smem:$0x3F92]  }
0x31: {  	[smem:$0x3F9B] =	sst s10  }
0x32: {  	s10 =	sld [smem:$0x3F99];
	_ =	sdelay $0x3  }
0x33: {  	p0 =	seq.s32 s10, $0x1;
	s10 =	sld [smem:$0x3F9B];
	_ =	sdelay $0x3  }
0x34: {  	[smem:$0x3F9B] =	sst s10  }
0x35: {  	s10 =	sld [smem:$0x3F9A];
	_ =	sdelay $0x3  }
0x36: {  	p1 =	seq.s32 s10, $0x1;
	s10 =	sld [smem:$0x3F9B];
	_ =	sdelay $0x3  }
0x37: {  	[smem:$0x3F9B] =	sst s10  }
0x38: {  	s10 =	sld [smem:$0x3F9C]  }
0x39: {  	_ = 	snop;
	(pc) =	sbr.ind lr, $3  }
0x3a: {  	_ = 	snop  }
0x3b: {  	_ = 	snop  }
0x3c: {  	p2 =	seq.s32 s10, $0x1;
	s10 =	sld [smem:$0x3F9B]  }
0x3d: {  	_ =	shalt  }
0x3e: {  	_ =	shalt  }
0x3f: {  	_ =	shalt  }
0x40: {  	_ =	shalt  }
0x41: {  	_ =	shalt  }
0x42: {  	_ =	shalt  }
0x43: {  	_ =	shalt  }
0x44: {  	_ =	shalt  }
0x45: {  	_ =	shalt  }
0x46: {  	_ =	shalt  }
0x47: {  	_ =	shalt  }
0x48: {  	_ =	shalt  }
0x49: {  	_ =	shalt  }
0x4a: {  	_ =	shalt  }
0x4b: {  	_ =	shalt  }
0x4c: {  	_ =	shalt  }
0x4d: {  	_ =	shalt  }
0x4e: {  	_ =	shalt  }
0x4f: {  	_ =	shalt  }
0x50: {  	_ =	shalt  }
0x51: {  	_ =	shalt  }
0x52: {  	_ =	shalt  }
0x53: {  	_ =	shalt  }
0x54: {  	_ =	shalt  }
0x55: {  	_ =	shalt  }
0x56: {  	_ =	shalt  }
0x57: {  	_ =	shalt  }
0x58: {  	_ =	shalt  }
0x59: {  	_ =	shalt  }
0x5a: {  	_ =	shalt  }
0x5b: {  	_ =	shalt  }
0x5c: {  	_ =	shalt  }
0x5d: {  	_ =	shalt  }
0x5e: {  	_ =	shalt  }
0x5f: {  	_ =	shalt  }
0x60: {  	_ =	shalt  }
0x61: {  	_ =	shalt  }
0x62: {  	_ =	shalt  }
0x63: {  	_ =	shalt  }
0x64: {  	_ =	shalt  }
0x65: {  	_ =	shalt  }
0x66: {  	_ =	shalt  }
0x67: {  	_ =	shalt  }
0x68: {  	_ =	shalt  }
0x69: {  	_ =	shalt  }
0x6a: {  	_ =	shalt  }
0x6b: {  	_ =	shalt  }
0x6c: {  	_ =	shalt  }
0x6d: {  	_ =	shalt  }
0x6e: {  	_ =	shalt  }
0x6f: {  	_ =	shalt  }
0x70: {  	_ =	shalt  }
0x71: {  	_ =	shalt  }
0x72: {  	_ =	shalt  }
0x73: {  	_ =	shalt  }
0x74: {  	_ =	shalt  }
0x75: {  	_ =	shalt  }
0x76: {  	_ =	shalt  }
0x77: {  	_ =	shalt  }
0x78: {  	_ =	shalt  }
0x79: {  	_ =	shalt  }
0x7a: {  	_ =	shalt  }
0x7b: {  	_ =	shalt  }
0x7c: {  	_ =	shalt  }
0x7d: {  	_ =	shalt  }
0x7e: {  	_ =	shalt  }
0x7f: {  	_ =	shalt  }
0x80: {  	_ =	shalt  }
0x81: {  	_ =	shalt  }
0x82: {  	_ =	shalt  }
0x83: {  	_ =	shalt  }
0x84: {  	_ =	shalt  }
0x85: {  	_ =	shalt  }
0x86: {  	_ =	shalt  }
0x87: {  	_ =	shalt  }
.Lfunc_end0:
.L_simem_size_0:
called_computation.2_lowered:
.L_overlay_start_0:
0x88: {  	s0 =	sld [smem:$0x3FD9]  }
0x89: {  	s1 =	sld [smem:$0x3FFE];
	_ =	sdelay $0x3  }
0x8a: {  	s0 =	sadd.s32 s1, s0  }
0x8b: {  	[smem:$0x3FA7] =	sst s0  }
0x8c: {  	_ = 	snop  }
0x8d: {  	(tm) =	ssettm $0x1  }
0x8e: {  	s14 =	sld [smem:$0x3FFB];
	_ =	sdelay $0x3  }
0x8f: {  	_ =	strace s14  }
0x90: {  	s0 =	sld [smem:$0x3FFC];
	_ =	sdelay $0x3  }
0x91: {  	_ =	strace s0  }
0x92: {  	s0 =	sld [smem:$0x3FFD];
	_ =	sdelay $0x3  }
0x93: {  	_ =	strace s0  }
0x94: {  	_ =	strace $0x8FFFFFFF  }
0x95: {  	s15 =	sld [smem:$0x3FDB];
	_ =	sdelay $0x1  }
0x96: {  	s16 =	simm.s32 $_scs_section_size  }
0x97: {  	s2 =	simm.s32 $_size__tile_overlayer_lowered;
	s3 =	simm.s32 $_tile_overlayer_lowered  }
0x98: {  	s4 =	simm.s32 $0x1BFF;
	s17 =	sshll.u32 s3, $0x1;
	s1 =	sadd.s32 s16, s15  }
0x99: {  	s18 =	simm.s32 $0x0;
	s2 =	sshll.u32 s2, $0x1;
	s3 =	sadd.s32 s17, s1  }
0x9a: {  	[timem:s18], [sflag:s4] =	dma.local [hbm:s3], s2  }
0x9b: {  	_ =	swait.ge [sflag:s4], s2  }
0x9c: {  	s2 =	ssub.s32 $0x0, s2;
	[sflag:s4] =	ssyncset.done $0x0  }
0x9d: {  	[sflag:s4] =	ssyncadd.s32 s2;
	_ =	sdelay $0x1  }
0x9e: {  	s19 =	simm.s32 $0x1B8B  }
0x9f: {  	_ =	swait.ge [sflag:s19], $0x1  }
0xa0: {  	[sflag:s19] =	ssyncset.done $0x0  }
0xa1: {  	s21 =	simm.s32 $0x1B8E;
	s20 =	sld [smem:$0x3FFE];
	[sflag:s19] =	ssyncadd.s32 $0xFFFFFFFF  }
0xa2: {  	s22 =	simm.s32 $execute0_lowered;
	[smem:$0x3FD2] =	sst s21  }
0xa3: {  	s3 =	sshll.u32 s22, $0x1;
	_ =	strace $0x80000055;
	[dreg:$0x1] =	wrdreg $0xFFFFFFFF  }
0xa4: {  	s23 =	simm.s32 $_size_execute0_lowered;
	s3 =	sadd.s32 s1, s3;
	[dreg:$0x0] =	wrdreg $0x0  }
0xa5: {  	s4 =	sshll.u32 s23, $0x1;
	[dreg:$0x2] =	wrdreg s3  }
0xa6: {  	[dreg:$0x3] =	wrdreg s4  }
0xa7: {  	[dreg:$0x4] =	wrdreg $0xC0  }
0xa8: {  	s24 =	simm.s32 $execute1_lowered;
	_ =	task [dreg:s18], $0x5FFFF  }
0xa9: {  	s3 =	sshll.u32 s24, $0x1;
	[dreg:$0x1] =	wrdreg $0xFFFFFFFF  }
0xaa: {  	s1 =	sadd.s32 s1, s3;
	[dreg:$0x0] =	wrdreg $0x60  }
0xab: {  	[dreg:$0x2] =	wrdreg s1  }
0xac: {  	[dreg:$0x3] =	wrdreg s20  }
0xad: {  	[dreg:$0x4] =	wrdreg $0xB  }
0xae: {  	_ =	task.clear_ibuf [dreg:s18], $0x5FFFF;
	_ =	strace $0x90000055  }
0xaf: {  	s25 =	simm.s32 $0xB;
	_ =	strace $0x80000057  }
0xb0: {  	_ =	swait.ge [sflag:s25], $0x1  }
0xb1: {  	[sflag:s25] =	ssyncadd.s32 $0xFFFFFFFF  }
0xb2: {  	_ =	strace $0x90000057  }
0xb3: {  	_ =	strace $0x80000058;
	[dreg:$0x1] =	wrdreg $0xFFFFFFFF  }
0xb4: {  	[dreg:$0x0] =	wrdreg $0x2030  }
0xb5: {  	[dreg:$0x2] =	wrdreg s20  }
0xb6: {  	[dreg:$0x3] =	wrdreg $0xC  }
0xb7: {  	_ =	task.clear_ibuf [dreg:s18], $0x4FFFF;
	_ =	strace $0x90000058  }
0xb8: {  	s26 =	simm.s32 $0xC;
	_ =	strace $0x8000005A  }
0xb9: {  	_ =	swait.ge [sflag:s26], $0x1  }
0xba: {  	[sflag:s26] =	ssyncadd.s32 $0xFFFFFFFF  }
0xbb: {  	_ =	strace $0x9000005A  }
0xbc: {  	_ =	sfence  }
0xbd: {  	s28 =	sld [smem:$0x0];
	_ =	sdelay $0x1  }
0xbe: {  	s29 =	srdreg.scid  }
0xbf: {  	s30 =	sshll.u32 s29, $0xD;
	s31 =	sshrl.u32 s29, $0x2  }
0xc0: {  	s2 =	sand.u32 $0x1, s29;
	s3 =	sand.u32 $0x4000, s30;
	s1 =	sadd.s32 s31, s28  }
0xc1: {  	s2 =	sor.u32 s3, s2;
	s1 =	sshll.u32 s1, $0x11  }
0xc2: {  	s1 =	sor.u32 s1, s2  }
0xc3: {  	s1 =	sadd.s32 $0x8F2B, s1  }
0xc4: {  	[sflag:s1] =	ssyncadd.remote.s32 $0x1  }
0xc5: {  	_ =	sfence.sel $0xFFFF  }
0xc6: {  	[dreg:$0x0] =	wrdreg $0xFFFFFFFF;
	(pc) =	sbr.abs _section_cstart, $3  }
0xc7: {  	[dreg:$0x1] =	wrdreg $0xFFFFFFFF  }
0xc8: {  	_ =	task.clear_ibuf [dreg:s18], $0x2FFFF;
	_ =	strace $0x9FFFFFFF  }
0xc9: {  	(tm) =	ssettm $0x7FFFFFFF  }
tec
execute0_lowered:
.L_overlay_start_1:
0x0: {  	(tag) =	ssettag $0x1  }
0x1: {  	s2 =	rddreg [dreg:$0x0]  }
0x2: {  	s4 =	rddreg [dreg:$0x1]  }
0x3: {  	s0 =	rddreg [dreg:$0x2];
	s3 =	stileid.u32  }
0x4: {  	[bflag:$0x3] =	sbarrier.arrive $0xFFFF;
	s1 =	simm.s32 $_size_execute1_lowered;
	p0 =	sne.s32 s3, $0x0  }
0x5: {  	s1 =	sshll.u32 s1, $0x1;
	s5 =	simm.s32 @!p0 $0x1C3F;
	s6 =	simm.s32 @!p0 $0x4060  }
0x6: {  	[timem:s6], [sflag:s5] =	dma.local @!p0 [hbm:s2], s1  }
0x7: {  	s2 =	smul.u32 $0x280, s3  }
.Ltmp0:
0x8: {  	s31 =	simm.s32 $0x2;
	s7 =	simm.s32 $0x280;
	(pc) =	sbr.rel .LBB2_1-.Ltmp0, $4  }
0x9: {  	s8 =	simm.s32 $0x780;
	s10 =	simm.s32 $0x0;
	s9 =	simm.s32 $0x0  }
0xa: {  	s3 =	simm.s32 $0x1;
	_ =	strace $0x80000056;
	s30 =	sshrl.u32 s2, $0x3  }
0xb: {  	s6 =	simm.s32 $0x0;
	[sflag:s3] =	ssyncpa.u1 $0x0;
	s5 =	sadd.s32 s30, s4  }
0xc: {  	s4 =	sadd.s32 $0x547E00, s4;
	[sflag:s31] =	ssyncpa.u1 $0x0;
	s5 =	sadd.s32 $0x7C00, s5  }
.LBB2_8:
0xd: {  	p1 =	seq.s32 s9, $0x2  }
.Ltmp1:
0xe: {  	_ = 	snop;
	(pc) =	sbr.rel @p1 .LBB2_10-.Ltmp1, $1  }
0xf: {  	_ =	sdelay $0x3  }
.LBB2_9:
0x10: {  	s9 =	sadd.s32 $0x1, s9;
	s10 =	smov.u32 s2  }
.LBB2_1:
0x11: {  	p1 =	sne.s32 s9, $0x0  }
.Ltmp2:
0x12: {  	_ = 	snop;
	(pc) =	sbr.rel @!p1 .LBB2_2-.Ltmp2, $1  }
0x13: {  	_ =	sdelay $0x3  }
0x14: {  	s11 =	sand.u32 $0x1, s9  }
0x15: {  	p1 =	seq.s32 s11, $0x0  }
.Ltmp3:
0x16: {  	_ = 	snop;
	(pc) =	sbr.rel @p1 .LBB2_8-.Ltmp3, $1  }
0x17: {  	_ =	sdelay $0x3  }
0x18: {  	_ =	swait.ge [sflag:s3], $0x280  }
0x19: {  	[sflag:s3] =	ssyncset.done $0x0  }
0x1a: {  	s11 =	simm.s32 $0x0;
	p1 =	por $0x1, $0x1;
	[sflag:s3] =	ssyncadd.s32 $0xFFFFFD80  }
.LBB2_5:
0x1b: {  	v0 =	vld [tilespmem:s11+$0x280]  }
0x1c: {  	v1 =	vld [tilespmem:s11+$0x290]  }
0x1d: {  	v2 =	vld [tilespmem:s11+$0x2A0]  }
0x1e: {  	v3 =	vld [tilespmem:s11+$0x2B0]  }
0x1f: {  	v4 =	vld [tilespmem:s11+$0x2C0]  }
0x20: {  	v53 =	vld [tilespmem:s11+$0x2D0];
	[tilespmem:s11+$0x780] =	vst v0  }
0x21: {  	v54 =	vld [tilespmem:s11+$0x2E0];
	[tilespmem:s11+$0x790] =	vst v1  }
0x22: {  	v55 =	vld [tilespmem:s11+$0x2F0];
	[tilespmem:s11+$0x7A0] =	vst v2  }
0x23: {  	v56 =	vld [tilespmem:s11+$0x300];
	[tilespmem:s11+$0x7B0] =	vst v3  }
0x24: {  	v57 =	vld [tilespmem:s11+$0x310];
	[tilespmem:s11+$0x7C0] =	vst v4  }
0x25: {  	v58 =	vld [tilespmem:s11+$0x320];
	[tilespmem:s11+$0x7D0] =	vst v53  }
0x26: {  	v59 =	vld [tilespmem:s11+$0x330];
	[tilespmem:s11+$0x7E0] =	vst v54  }
0x27: {  	v60 =	vld [tilespmem:s11+$0x340];
	[tilespmem:s11+$0x7F0] =	vst v55  }
0x28: {  	v61 =	vld [tilespmem:s11+$0x350];
	[tilespmem:s11+$0x800] =	vst v56  }
0x29: {  	v62 =	vld [tilespmem:s11+$0x360];
	[tilespmem:s11+$0x810] =	vst v57  }
0x2a: {  	v63 =	vld [tilespmem:s11+$0x370];
	p2 =	por p1, p1;
	[tilespmem:s11+$0x820] =	vst v58  }
.Ltmp4:
0x2b: {  	[tilespmem:s11+$0x830] =	vst v59;
	(pc) =	sbr.rel @p2 .LBB2_5-.Ltmp4, $4  }
0x2c: {  	[tilespmem:s11+$0x840] =	vst v60  }
0x2d: {  	[tilespmem:s11+$0x850] =	vst v61  }
0x2e: {  	s12 =	simm.s32 $0x1F0;
	s13 =	simm.s32 $0x980;
	[tilespmem:s11+$0x860] =	vst v62  }
0x2f: {  	s14 =	simm.s32 $0x480;
	p1 =	por $0x0, $0x0;
	[tilespmem:s11+$0x870] =	vst v63;
	s11 =	simm.s32 $0x100  }
.LBB2_6:
0x30: {  	s12 =	sadd.s32 $0x10, s12  }
0x31: {  	v0 =	vld [tilespmem:s14+$0x0];
	p1 =	slt.u32 s12, $0x270  }
.Ltmp5:
0x32: {  	_ = 	snop;
	(pc) =	sbr.rel @p1 .LBB2_6-.Ltmp5, $2  }
0x33: {  	_ =	sdelay $0x2  }
0x34: {  	s14 =	sadd.s32 $0x10, s14;
	[tilespmem:s13+$0x0] =	vst v0;
	s13 =	sadd.s32 $0x10, s13  }
.Ltmp6:
0x35: {  	(pc) =	sbr.rel .LBB2_8-.Ltmp6, $4  }
0x36: {  	_ = 	snop  }
0x37: {  	s10 =	sshrl.u32 s10, $0x3  }
0x38: {  	s10 =	sadd.s32 s4, s10  }
0x39: {  	[hbm4b:s10+s6] =	stream.linear.scatter [tilespmem:s8], [sflag:$0x2], $0x280, $0x38;
	[tilespmem:$0xA00] =	vst v63  }
.LBB2_2:
.Ltmp7:
0x3a: {  	(pc) =	sbr.rel .LBB2_9-.Ltmp7, $2  }
0x3b: {  	_ =	sdelay $0x2  }
0x3c: {  	[tilespmem:s7], [sflag:$0x1] =	stream.linear.gather [hbm4b:s5+s6], $0x280, $0x38;
	[tilespmem:$0xA00] =	vst v63  }
.LBB2_10:
0x3d: {  	s2 =	simm.s32 $0x2  }
0x3e: {  	_ =	swait.ge [sflag:s2], $0x280  }
0x3f: {  	[sflag:s2] =	ssyncset.done $0x0  }
0x40: {  	[sflag:s2] =	ssyncadd.s32 $0xFFFFFD80  }
0x41: {  	_ =	sfence.sel $0x180000  }
0x42: {  	s3 =	simm.s32 $0x1;
	[bflag:$0x0] =	sbarrier.arrive $0xFFFF  }
0x43: {  	[sflag:s3] =	ssyncpa.u1 $0x1  }
0x44: {  	[sflag:s2] =	ssyncpa.u1 $0x1  }
0x45: {  	_ =	strace $0x90000056  }
0x46: {  	s0 =	sadd.s32 @!p0 $0x100000, s0;
	[bflag:$0x2] =	sbarrier.arrive $0xFFFF  }
0x47: {  	[sflag:s0] =	ssyncadd.tile.s32 @!p0 $0x1;
	s0 =	simm.s32 @!p0 $0x3F  }
0x48: {  	_ =	swait.ge @!p0 [sflag:s0], s1  }
0x49: {  	s1 =	ssub.s32 @!p0 $0x0, s1;
	[sflag:s0] =	ssyncset.done @!p0 $0x0  }
0x4a: {  	[sflag:s0] =	ssyncadd.s32 @!p0 s1  }
0x4b: {  	[bflag:$0x3] =	sbarrier.arrive $0xFFFF  }
0x4c: {  	_ =	shalt  }
.Lfunc_end2:
execute1_lowered:
.L_overlay_start_2:
0x4d: {  	(tag) =	ssettag $0x2  }
0x4e: {  	s0 =	rddreg [dreg:$0x0]  }
0x4f: {  	s14 =	stileid.u32;
	_ =	strace $0x80000059;
	s2 =	simm.s32 $0x1  }
0x50: {  	v1 =	vimm.s32 $0xFFFFFFFF;
	s1 =	smin.u32 s14, $0x4;
	[sflag:s2] =	ssyncpa.u1 $0x0  }
0x51: {  	s1 =	sadd.s32 s14, s1;
	[tilespmem:$0x10] =	vst v1  }
0x52: {  	v0 =	vimm.f32 $0.0e+00;
	p0 =	slt.u32 s14, $0x4;
	[tilespmem:$0x20] =	vst v1;
	s3 =	smul.u32 $0x1F40, s1;
	s1 =	simm.s32 $0x3E80  }
0x53: {  	[tilespmem:$0x30] =	vst v0;
	s1 =	simm.s32 @!p0 $0x1F40  }
0x54: {  	[tilespmem:$0x40] =	vst v0;
	s1 =	sadd.s32 s1, s3  }
0x55: {  	[tilespmem:$0x50] =	vst v0;
	s4 =	smin.u32 s1, $0x27100  }
0x56: {  	[tilespmem:$0x60] =	vst v1;
	s9 =	ssub.s32 s4, s3  }
0x57: {  	s7 =	simm.s32 $0x2;
	s8 =	simm.s32 $0x8;
	[tilespmem:$0x70] =	vst v1;
	p0 =	sgt.s32 s9, $0x0  }
0x58: {  	s31 =	simm.s32 $0x9;
	s16 =	simm.s32 $0x0;
	[tilespmem:$0x80] =	vst v1;
	s9 =	simm.s32 @!p0 $0x0  }
0x59: {  	s17 =	simm.s32 $0xF0;
	s18 =	simm.s32 $0xFFFFFFFF;
	v1 =	vimm.s32 $0x0;
	[tilespmem:$0xB0] =	vst v0;
	s5 =	smulhi.u32 $0x10624DD3, s9  }
0x5a: {  	s19 =	simm.s32 $0xFFFFC280;
	s20 =	simm.s32 $0xFFFFFFFE;
	s21 =	simm.s32 $0xF;
	[tilespmem:$0x90] =	vst v1  }
0x5b: {  	[tilespmem:$0xA0] =	vst v1;
	[sflag:s7] =	ssyncpa.u1 $0x0;
	s7 =	simm.s32 $0x7;
	s10 =	sshrl.u32 s5, $0x9  }
0x5c: {  	s25 =	simm.s32 $0x0;
	[sflag:s7] =	ssyncpa.u1 $0x0;
	s11 =	smul.u32 $0x1F40, s10  }
0x5d: {  	s24 =	simm.s32 $0x0;
	s6 =	sadd.s32 $0x542E00, s0;
	[sflag:s8] =	ssyncpa.u1 $0x0  }
.Ltmp8:
0x5e: {  	s23 =	smov.u32 s3;
	p0 =	sne.s32 s9, s11;
	(pc) =	sbr.rel .LBB3_1-.Ltmp8, $4  }
0x5f: {  	s1 =	sadd.s32 $0x547E00, s0;
	[sflag:s31] =	ssyncpa.u1 $0x0;
	s2 =	simm.s32 @!p0 $0x0  }
0x60: {  	s5 =	sadd.s32 $0x53DE00, s0;
	p0 =	por $0x0, $0x0;
	s9 =	sadd.s32 s2, s10  }
0x61: {  	vm0 =	vmmov $0xffff;
	v2 =	vlaneseq.u32;
	s10 =	sshll.u32 s14, $0x1;
	s14 =	sshllo.u32 s14, $0x1;
	s11 =	sadd.s32 $0x1, s9  }
0x62: {  	vm1 =	vmxor vm1, vm1;
	vm2 =	vmmov $0x1;
	vm3 =	vcmask $0x3F3C;
	s12 =	sadd.s32 $0x2, s9;
	s13 =	sor.u32 $0x81, s10;
	s15 =	sor.u32 $0x80, s10  }
.LBB3_9:
0x63: {  	p1 =	slt.u32 s24, $0x3  }
0x64: {  	s0 =	simm.s32 @!p1 $0x2  }
0x65: {  	_ =	swait.ge @!p1 [sflag:s0], $0x1F40  }
0x66: {  	[sflag:s0] =	ssyncset.done @!p1 $0x0  }
0x67: {  	[sflag:s0] =	ssyncadd.s32 @!p1 $0xFFFFE0C0;
	s0 =	simm.s32 @!p1 $0x9  }
0x68: {  	_ =	swait.ge @!p1 [sflag:s0], $0x10  }
0x69: {  	[sflag:s0] =	ssyncset.done @!p1 $0x0  }
0x6a: {  	[sflag:s0] =	ssyncadd.s32 @!p1 $0xFFFFFFF0;
	p1 =	sne.s32 s24, s12  }
.Ltmp9:
0x6b: {  	s2 =	sadd.s32 $0x1F40, s23;
	(pc) =	sbr.rel @!p1 .LBB3_10-.Ltmp9, $4  }
0x6c: {  	s22 =	smov.u32 s3;
	s31 =	sadd.s32 $0x1, s24;
	s17 =	sadd.s32 $0x1F40, s17  }
0x6d: {  	s18 =	sadd.s32 $0x1, s18;
	s25 =	smov.u32 s23;
	p2 =	slt.s32 s2, s4  }
0x6e: {  	p0 =	por !p0, !p0;
	s19 =	sadd.s32 $0x1F40, s19;
	s22 =	smov.u32 @p2 s2  }
0x6f: {  	s20 =	sadd.s32 $0x1, s20;
	s23 =	smov.u32 s22;
	s24 =	smov.u32 s31  }
.LBB3_1:
0x70: {  	p1 =	sge.u32 s24, s9  }
0x71: {  	s0 =	smulhi.u32 @!p1 $0xAAAAAAAB, s24;
	_ =	sdelay $0x1  }
0x72: {  	s0 =	sshrl.u32 @!p1 s0, $0x1  }
0x73: {  	s0 =	smul.u32 @!p1 $0x3, s0;
	_ =	sdelay $0x1  }
0x74: {  	s0 =	ssub.s32 @!p1 s24, s0  }
0x75: {  	s0 =	smul.u32 @!p1 $0x7D00, s0;
	_ =	sdelay $0x1  }
0x76: {  	s2 =	sshrl.u32 @!p1 s23, $0x3;
	s0 =	sshrl.u32 @!p1 s0, $0x2  }
0x77: {  	s22 =	sand.u32 @!p1 $0x7, s23;
	s2 =	sadd.s32 @!p1 s5, s2;
	s0 =	sadd.s32 @!p1 $0x100, s0  }
0x78: {  	[tilespmem:s0], [sflag:$0x7] =	stream.linear.gather @!p1 [hbm4b:s2+s22], $0x1F40, $0x38;
	[tilespmem:$0x11A60] =	vst v63  }
0x79: {  	s0 =	sadd.s32 $0xFFFFFFFF, s24  }
0x7a: {  	p1 =	sge.u32 s0, s9  }
.Ltmp10:
0x7b: {  	_ = 	snop;
	(pc) =	sbr.rel @p1 .LBB3_5-.Ltmp10, $1  }
0x7c: {  	_ =	sdelay $0x3  }
0x7d: {  	s2 =	smulhi.u32 $0xAAAAAAAB, s0;
	_ =	sdelay $0x1  }
0x7e: {  	s2 =	sshrl.u32 s2, $0x1  }
0x7f: {  	s2 =	smul.u32 $0x3, s2;
	_ =	sdelay $0x1  }
0x80: {  	s2 =	ssub.s32 s0, s2  }
0x81: {  	s2 =	smul.u32 $0x7D00, s2  }
0x82: {  	_ =	swait.ge [sflag:s7], $0x1F40  }
0x83: {  	[sflag:s7] =	ssyncset.done $0x0;
	s2 =	sshrl.u32 s2, $0x2  }
0x84: {  	[sflag:s7] =	ssyncadd.s32 $0xFFFFE0C0;
	(ifvalue) =	ssetifvalue $0xFFFFFFFF;
	v3 =	vld.msk [tilespmem:s2+$0x100 ss:$0x1], $0xffff;
	_ =	sdelay $0x2  }
0x85: {  	s30 =	smulhi.u32 $0xAAAAAAAB, s18;
	p1 =	sne.s32 s24, $0x1  }
0x86: {  	v4 =	vimm.s32 @!p1 $0x0  }
0x87: {  	s2 =	sshrl.u32 s30, $0x1;
	v4 =	vperm.xlane @!p1 v3, v4  }
0x88: {  	s22 =	sshll.u32 s24, $0x4;
	s2 =	smul.u32 $0xFFFE8900, s2;
	vm4 =	vlt.u32 v3, $0x2800  }
0x89: {  	s22 =	sand.u32 $0x10, s22;
	v3 =	vnsel vm4, $0xFFFFFFFE, v3;
	vm4 =	vlt.u32 @!p1 v4, $0x2800  }
0x8a: {  	s2 =	sshra.s32 s2, $0x2;
	[tilespmem:s22+$0x60] =	vst v3;
	v3 =	vnsel @!p1 vm4, $0xFFFFFFFE, v4  }
0x8b: {  	s28 =	sadd.s32 s2, s17;
	[tilespmem:$0x80] =	vst @!p1 v3  }
0x8c: {  	v3 =	vld.msk [tilespmem:s28+$0x0 ss:$0x1], $0xffff;
	_ =	sdelay $0x4  }
0x8d: {  	(xrf1) =	vunique.msk.u32 $0xffff, v3;
	_ =	sdelay $0xd  }
0x8e: {  	v4 =	vimm.s32 $0xFFFFFFFF;
	v5, _, _ =	vpop (xrf1)  }
0x8f: {  	vm5 =	vne.s32 v3, v4;
	vm4 =	veq.s32 v5, v2  }
0x90: {  	vm6 =	vlt.u32 v3, $0x2800;
	vm4 =	vmand vm5, vm4  }
0x91: {  	vm4 =	vmand vm6, vm4  }
0x92: {  	v4 =	vnsel vm4, $0xFFFFFFFF, v3  }
0x93: {  	s31 =	sand.u32 $0x1, s0  }
0x94: {  	s0 =	simm.s32 $0x1F40;
	p1 =	seq.s32 s31, $0x1  }
0x95: {  	s0 =	simm.s32 @!p1 $0x0  }
0x96: {  	s26 =	sadd.s32 $0x7DF0, s0;
	(ifvalue) =	ssetifvalue $0xFFFFFFFF  }
0x97: {  	v3 =	vperm.xlane v3, v1;
	[tilespmem:s26], [sflag:$0x8] =	stream.indirect_vreg.gather [hbm4b:s1+s16], $0x1, v4, vm0, $0x4038;
	v4 =	vnsel vm6, $0xFFFFFFFE, v4;
	[tilespmem:$0x11A60] =	vst v63  }
0x98: {  	s2 =	simm.s32 $0x0;
	s22 =	sadd.s32 $0xFFFFFFF0, s28;
	[tilespmem:s28+$0x0] =	vst v4  }
.LBB3_3:
0x99: {  	v4 =	vld.msk [tilespmem:s22+$0x0 ss:$0x1], $0xffff;
	s2 =	sadd.s32 $0x10, s2;
	v5 =	vmov v3;
	s28 =	smov.u32 s22  }
0x9a: {  	p1 =	slt.u32 s2, $0x1F30;
	_ =	sdelay $0x4  }
0x9b: {  	v3 =	vperm.xlane v4, v1;
	(xrf1) =	vunique.msk.u32 $0xffff, v4;
	_ =	sdelay $0xd  }
0x9c: {  	v6, _, _ =	vpop (xrf1)  }
0x9d: {  	vm5 =	vne.s32 v4, v5;
	vm4 =	veq.s32 v6, v2  }
0x9e: {  	vm6 =	vlt.u32 v4, $0x2800;
	vm4 =	vmand vm5, vm4  }
0x9f: {  	vm4 =	vmand vm6, vm4  }
0xa0: {  	v4 =	vnsel vm4, $0xFFFFFFFF, v4  }
.Ltmp11:
0xa1: {  	v5 =	vnsel vm6, $0xFFFFFFFE, v4;
	(pc) =	sbr.rel @p1 .LBB3_3-.Ltmp11, $3  }
0xa2: {  	_ =	sdelay $0x1  }
0xa3: {  	s22 =	sadd.s32 $0xFFFFFFF0, s22;
	s26 =	sadd.s32 $0xFFFFFFF0, s26;
	(ifvalue) =	ssetifvalue $0xFFFFFFFF  }
0xa4: {  	[tilespmem:s26], [sflag:$0x8] =	stream.indirect_vreg.gather [hbm4b:s1+s16], $0x1, v4, vm0, $0x4038;
	[tilespmem:s28+$0x0] =	vst v5  }
0xa5: {  	s2 =	sshrl.u32 s25, $0x3  }
0xa6: {  	s0 =	sadd.s32 $0x9D40, s0;
	s2 =	sadd.s32 s6, s2  }
0xa7: {  	[tilespmem:s0], [sflag:$0x8] =	stream.linear.gather [hbm:s2], $0x1F40, $0x38;
	[tilespmem:$0x11A60] =	vst v63  }
.LBB3_5:
0xa8: {  	p1 =	slt.u32 s24, $0x2  }
0xa9: {  	p2 =	sge.u32 @!p1 s24, s12  }
0xaa: {  	p1 =	por p1, p2  }
.Ltmp12:
0xab: {  	_ = 	snop;
	(pc) =	sbr.rel @p1 .LBB3_9-.Ltmp12, $1  }
0xac: {  	_ =	sdelay $0x3  }
0xad: {  	s0 =	sadd.s32 $0xFFFFFFFE, s24  }
0xae: {  	s2 =	smulhi.u32 $0xAAAAAAAB, s0;
	_ =	sdelay $0x1  }
0xaf: {  	s2 =	sshrl.u32 s2, $0x1  }
0xb0: {  	s2 =	smul.u32 $0x3, s2;
	_ =	sdelay $0x1  }
0xb1: {  	s0 =	ssub.s32 s0, s2  }
0xb2: {  	_ =	swait.ge [sflag:s8], $0x3E80;
	s0 =	smul.u32 $0x1F40, s0  }
0xb3: {  	p1 =	sne.s32 s24, s11;
	[sflag:s8] =	ssyncset.done $0x0  }
0xb4: {  	[sflag:s8] =	ssyncadd.s32 $0xFFFFC180;
	s2 =	sadd.s32 @!p1 $0x203F, s0  }
0xb5: {  	[spmem:s13] =	stream.linear.scatter @!p1 [tilespmem:s2], [sflag:$0x1], $0x1, $0x38;
	[tilespmem:$0x11A60] =	vst v63  }
0xb6: {  	s2 =	simm.s32 @!p1 $0x1  }
0xb7: {  	_ =	swait.ge @!p1 [sflag:s2], $0x1  }
0xb8: {  	s22 =	sshll.u32 s24, $0x4;
	[sflag:s2] =	ssyncset.done @!p1 $0x0  }
0xb9: {  	s25 =	sand.u32 $0x10, s22;
	[sflag:s2] =	ssyncadd.s32 @!p1 $0xFFFFFFFF  }
0xba: {  	s2 =	sxor.u32 $0x10, s25;
	v4 =	vld [tilespmem:s25+$0x10]  }
0xbb: {  	v5 =	vld [tilespmem:s2+$0x60]  }
0xbc: {  	v3 =	vld [tilespmem:$0x80];
	_ =	sdelay $0x2  }
0xbd: {  	(v2sf) =	vpush v4, $0x0  }
0xbe: {  	(v2sf) =	vpush v5, $0x0  }
0xbf: {  	(v2sf) =	vpush v3, $0x0;
	_ =	sdelay $0xc  }
0xc0: {  	s22 =	spop (v2sf)  }
0xc1: {  	s26 =	spop (v2sf)  }
0xc2: {  	s28 =	spop (v2sf)  }
0xc3: {  	p2 =	seq.s32 s22, s26;
	p3 =	seq.s32 s28, s22  }
0xc4: {  	p3 =	por p2, p3  }
0xc5: {  	s26 =	sand.u32 $0x1, s24;
	v4 =	vpsel p3, $0xFFFFFFFF, v4  }
0xc6: {  	s29 =	smul.u32 $0x1F40, s26;
	[tilespmem:s25+$0x10] =	vst.msk $0x1, v4  }
0xc7: {  	v4 =	vld [tilespmem:$0x30]  }
0xc8: {  	v5 =	vld [tilespmem:s29+$0x9D40]  }
0xc9: {  	v6 =	vld [tilespmem:s25+$0x40];
	_ =	sdelay $0x3  }
0xca: {  	vm4 =	vmmov vm1;
	v5 =	vadd.f32 v5, v4  }
0xcb: {  	vm5 =	vmmov vm2;
	vm4 =	vmmov @p2 vm2;
	s22 =	sshll.u32 s26, $0x4;
	v4 =	vadd.f32 v6, v4  }
0xcc: {  	s26 =	sor.u32 $0x11A40, s22;
	vm5 =	vmmov @p3 vm1;
	[tilespmem:s29+$0x9D40] =	vst.msk vm4, v5  }
0xcd: {  	[tilespmem:s26+$0x0] =	vst.msk vm5, v4  }
0xce: {  	v4 =	vld [tilespmem:s29+$0x7DF0];
	_ =	sdelay $0x3  }
0xcf: {  	v5 =	vimm.f32 $0.0e+00  }
0xd0: {  	v4 =	vshift.insert v4, v5, s21  }
0xd1: {  	s22 =	sor.u32 $0x40, s2  }
0xd2: {  	[tilespmem:s22+$0x0] =	vst.msk $0x1, v4  }
0xd3: {  	[tilespmem:s29+$0x7DFF] =	vst.msk $0x1, v5  }
0xd4: {  	v4 =	vld [tilespmem:s0+$0x2030];
	_ =	sdelay $0x1  }
0xd5: {  	s22 =	smulhi.u32 $0xAAAAAAAB, s20;
	s0 =	simm.s32 $0x1  }
0xd6: {  	s0 =	simm.s32 @!p0 $0x0  }
0xd7: {  	s22 =	sshrl.u32 s22, $0x1;
	s0 =	smul.u32 $0x7D00, s0  }
0xd8: {  	s22 =	smul.u32 $0xFFFE8900, s22;
	v4 =	vshift.insert v4, v1, s21  }
0xd9: {  	s0 =	sshrl.u32 s0, $0x2  }
0xda: {  	s22 =	sshra.s32 s22, $0x2;
	s30 =	sadd.s32 $0x9D40, s0;
	[tilespmem:s2+$0x10] =	vst.msk $0x1, v4  }
0xdb: {  	s22 =	sadd.s32 s22, s19;
	v6 =	vld [tilespmem:s30+$0x0]  }
0xdc: {  	v7 =	vld [tilespmem:s22+$0x0];
	_ =	sdelay $0x3  }
0xdd: {  	v5 =	vadd.f32 v6, v5  }
0xde: {  	vm4 =	vne.s32 v7, $0xFFFFFFFF  }
0xdf: {  	(xrf2) =	vadd.seg.scan.f32 vm4, v5;
	_ =	sdelay $0x3  }
0xe0: {  	s31 =	sadd.s32 $0x5EC0, s0;
	v5 =	vperm.xlane v4, v1  }
0xe1: {  	v6 =	vld [tilespmem:s31+$0x0]  }
0xe2: {  	vm5 =	veq.s32 v7, v3;
	vm6 =	veq.s32 v7, v5  }
0xe3: {  	vm7 =	vgt.u32 v7, $0xFFFFFFFD;
	vm6 =	vmor vm6, vm5  }
0xe4: {  	vm6 =	vmor vm6, vm7  }
0xe5: {  	v9 =	vld [tilespmem:$0xA0];
	v7 =	vsel vm6, $0xFFFFFFFF, v7  }
0xe6: {  	v10 =	vld [tilespmem:$0x90];
	v6 =	vsel vm5, $0x0, v6;
	v8, _, _ =	vpop (xrf2)  }
0xe7: {  	v6 =	vadd.f32 v8, v6  }
0xe8: {  	s0 =	sadd.s32 $0xDBC0, s0  }
0xe9: {  	vm4 =	vmand vm4, vm3;
	[tilespmem:s0+$0x0] =	vst v6;
	(ifvalue) =	ssetifvalue $0xFFFFFFFF  }
0xea: {  	vm6 =	veq.s32 v9, $0x1;
	[hbm4b:s1+s16] =	stream.indirect_vreg.scatter [tilespmem:s0], [sflag:$0x2], $0x1, v7, vm0, $0x4038;
	v7 =	vsel vm4, $0x0, v8;
	[tilespmem:$0x11A60] =	vst v63  }
0xeb: {  	s2 =	simm.s32 $0x0;
	s22 =	sadd.s32 $0x10, s22;
	vm4 =	vmor vm6, vm5;
	v6 =	vsel vm5, v8, v10;
	v7 =	vshift.insert v7, v0, s21  }
.LBB3_7:
0xec: {  	v8 =	vld [tilespmem:s22+$0x0];
	s30 =	sadd.s32 $0x10, s30  }
0xed: {  	s31 =	sadd.s32 $0x10, s31;
	v9 =	vld [tilespmem:s30+$0x0]  }
0xee: {  	s2 =	sadd.s32 $0x10, s2;
	v10 =	vld [tilespmem:s31+$0x0]  }
0xef: {  	p2 =	slt.u32 s2, $0x1F30;
	_ =	sdelay $0x2  }
0xf0: {  	v7 =	vadd.f32 v9, v7  }
0xf1: {  	vm5 =	vne.s32 v8, $0xFFFFFFFF  }
0xf2: {  	vm6 =	vmand vm5, vm3;
	(xrf2) =	vadd.seg.scan.f32 vm5, v7;
	_ =	sdelay $0x5  }
0xf3: {  	vm7 =	veq.s32 v8, v5;
	vm5 =	veq.s32 v8, v3  }
0xf4: {  	vm8 =	vgt.u32 v8, $0xFFFFFFFD;
	vm4 =	vmor vm4, vm5;
	vm7 =	vmor vm7, vm5  }
0xf5: {  	vm7 =	vmor vm7, vm8  }
0xf6: {  	v8 =	vsel vm7, $0xFFFFFFFF, v8  }
.Ltmp13:
0xf7: {  	v7 =	vsel vm5, $0x0, v10;
	v9, _, _ =	vpop (xrf2);
	(pc) =	sbr.rel @p2 .LBB3_7-.Ltmp13, $4  }
0xf8: {  	v6 =	vsel vm5, v9, v6;
	v10 =	vadd.f32 v9, v7;
	v7 =	vsel vm6, $0x0, v9  }
0xf9: {  	s0 =	sadd.s32 $0x10, s0;
	v7 =	vshift.insert v7, v0, s21  }
0xfa: {  	s22 =	sadd.s32 $0x10, s22;
	[tilespmem:s0+$0x0] =	vst v10;
	(ifvalue) =	ssetifvalue $0xFFFFFFFF  }
0xfb: {  	[hbm4b:s1+s16] =	stream.indirect_vreg.scatter [tilespmem:s0], [sflag:$0x2], $0x1, v8, vm0, $0x4038;
	[tilespmem:$0x11A60] =	vst v63  }
0xfc: {  	v3 =	vld [tilespmem:s29+$0xFAF0];
	_ =	sdelay $0x4  }
0xfd: {  	v3 =	vshift.insert v3, v0, s21  }
0xfe: {  	s0 =	simm.s32 $0x30  }
0xff: {  	[tilespmem:s0+$0x0] =	vst.msk $0x1, v3  }
0x100: {  	v3 =	vsel vm4, $0x1, v1;
	[tilespmem:$0x90] =	vst v6  }
0x101: {  	s0 =	sadd.s32 @!p1 $0xFAFF, s29;
	[tilespmem:$0xA0] =	vst v3  }
0x102: {  	[spmem:s14] =	stream.linear.scatter @!p1 [tilespmem:s0], [sflag:$0x1], $0x1, $0x38;
	[tilespmem:$0x11A60] =	vst v63  }
0x103: {  	s0 =	simm.s32 @!p1 $0x1  }
0x104: {  	v3 =	vmctz.xlane @!p1 vm4;
	_ =	swait.ge @!p1 [sflag:s0], $0x1  }
0x105: {  	(v2sf) =	vpush @!p1 v4, $0x0  }
0x106: {  	(v2sf) =	vpush @!p1 v3, $0x0;
	_ =	sdelay $0xd  }
0x107: {  	s2 =	spop @!p1 (v2sf)  }
0x108: {  	s22 =	spop @!p1 (v2sf)  }
0x109: {  	p2 =	sne.s32 @!p1 s28, s2;
	p3 =	slt.s32 @!p1 s22, $0xF  }
0x10a: {  	[sflag:s0] =	ssyncset.done @!p1 $0x0;
	p2 =	por p2, p1;
	p3 =	por !p3, p1  }
0x10b: {  	[sflag:s0] =	ssyncadd.s32 @!p1 $0xFFFFFFFF;
	v3 =	vimm.s32 @!p2 $0xFFFFFFFF;
	s22 =	simm.s32 @p3 $0xF  }
0x10c: {  	[tilespmem:$0x80] =	vst @!p2 v3;
	s2 =	sadd.s32 @!p1 $0x90, s22  }
0x10d: {  	[spmem:s10] =	stream.linear.scatter @!p1 [tilespmem:s2], [sflag:$0x1], $0x1, $0x38;
	[tilespmem:$0x11A60] =	vst v63  }
0x10e: {  	_ =	swait.ge @!p1 [sflag:s0], $0x1  }
0x10f: {  	[sflag:s0] =	ssyncset.done @!p1 $0x0  }
0x110: {  	s2 =	simm.s32 @!p1 $0x80;
	[sflag:s0] =	ssyncadd.s32 @!p1 $0xFFFFFFFF  }
0x111: {  	[spmem:s15] =	stream.linear.scatter @!p1 [tilespmem:s2], [sflag:$0x1], $0x1, $0x38;
	[tilespmem:$0x11A60] =	vst v63  }
0x112: {  	_ =	swait.ge @!p1 [sflag:s0], $0x1  }
0x113: {  	[sflag:s0] =	ssyncset.done @!p1 $0x0  }
0x114: {  	[sflag:s0] =	ssyncadd.s32 @!p1 $0xFFFFFFFF;
	(ifvalue) =	ssetifvalue $0xFFFFFFFF;
	v3 =	vld [tilespmem:s25+$0x10];
	_ =	sdelay $0x3  }
.Ltmp14:
0x115: {  	_ = 	snop;
	(pc) =	sbr.rel .LBB3_9-.Ltmp14, $3  }
0x116: {  	_ =	sdelay $0x1  }
0x117: {  	(ifvalue) =	ssetifvalue $0xFFFFFFFF  }
0x118: {  	[hbm4b:s1+s16] =	stream.indirect_vreg.scatter [tilespmem:s26], [sflag:$0x9], $0x1, v3, vm0, $0x4038;
	[tilespmem:$0x11A60] =	vst v63  }
.LBB3_10:
0x119: {  	_ =	sfence.sel $0x180000  }
0x11a: {  	s0 =	simm.s32 $0x7;
	[bflag:$0x0] =	sbarrier.arrive $0xFFFF  }
0x11b: {  	s26 =	simm.s32 $0x8;
	[sflag:s0] =	ssyncpa.u1 $0x1  }
0x11c: {  	s28 =	simm.s32 $0x9;
	[sflag:s26] =	ssyncpa.u1 $0x1  }
0x11d: {  	[sflag:s28] =	ssyncpa.u1 $0x1  }
0x11e: {  	_ =	sfence.stream.spmem  }
0x11f: {  	s29 =	simm.s32 $0x3;
	[bflag:$0x0] =	sbarrier.arrive $0xFFFF  }
0x120: {  	s30 =	simm.s32 $0x4;
	[sflag:s29] =	ssyncpa.u1 $0x1  }
0x121: {  	s31 =	simm.s32 $0x3C;
	s2 =	stileid.u32;
	[sflag:s30] =	ssyncpa.u1 $0x1  }
0x122: {  	p0 =	sne.s32 s2, $0x0;
	[sflag:s31] =	ssyncpa.u1 $0x1  }
0x123: {  	s0 =	simm.s32 @p0 $0x1;
	_ =	sfence @p0  }
0x124: {  	[sflag:s0] =	ssyncpa.u1 @p0 $0x1;
	s0 =	simm.s32 @p0 $0x2  }
0x125: {  	[sflag:s0] =	ssyncpa.u1 @p0 $0x1  }
0x126: {  	_ =	strace @p0 $0x90000059  }
0x127: {  	[bflag:$0x2] =	sbarrier.arrive @p0 $0xFFFF  }
0x128: {  	_ =	shalt @p0  }
.LBB3_11:
0x129: {  	_ =	sfence.stream.spmem;
	s0 =	simm.s32 $0x5  }
0x12a: {  	s2 =	simm.s32 $0x80;
	s3 =	simm.s32 $0xC0;
	[sflag:s0] =	ssyncpa.u1 $0x0  }
0x12b: {  	[tilespmem:s3], [sflag:$0x5] =	stream.linear.gather [spmem:s2], $0x20, $0x38;
	[tilespmem:$0x11A60] =	vst v63  }
0x12c: {  	s2 =	simm.s32 $0x0;
	s3 =	simm.s32 $0xE0  }
0x12d: {  	[tilespmem:s3], [sflag:$0x5] =	stream.linear.gather [spmem:s2], $0x20, $0x38;
	[tilespmem:$0x11A60] =	vst v63  }
.Ltmp15:
0x12e: {  	_ = 	snop;
	(pc) =	sbr.rel .LBB3_12-.Ltmp15, $4  }
0x12f: {  	_ =	swait.ge [sflag:s0], $0x40  }
0x130: {  	[sflag:s0] =	ssyncset.done $0x0  }
0x131: {  	s31 =	simm.s32 $0x6;
	[sflag:s0] =	ssyncadd.s32 $0xFFFFFFC0  }
0x132: {  	s4 =	simm.s32 $0x0;
	[sflag:s31] =	ssyncpa.u1 $0x0  }
.LBB3_17:
0x133: {  	p0 =	sgt.u32 s5, $0x27FF  }
0x134: {  	s0 =	sshrl.u32 @!p0 s5, $0x3  }
0x135: {  	s5 =	sand.u32 @!p0 $0x7, s5;
	s6 =	simm.s32 @!p0 $0xB0;
	s0 =	sadd.s32 @!p0 s1, s0  }
0x136: {  	[tilespmem:s6], [sflag:$0x6] =	stream.linear.gather @!p0 [hbm4b:s0+s5], $0x1, $0x38;
	[tilespmem:$0x11A60] =	vst v63  }
0x137: {  	s0 =	simm.s32 @!p0 $0x6  }
0x138: {  	_ =	swait.ge @!p0 [sflag:s0], $0x1  }
0x139: {  	[sflag:s0] =	ssyncset.done @!p0 $0x0  }
0x13a: {  	[sflag:s0] =	ssyncadd.s32 @!p0 $0xFFFFFFFF  }
0x13b: {  	v2 =	vmov @!p0 s4;
	v1 =	vld.msk @!p0 [tilespmem:$0xB0], $0x1;
	_ =	sdelay $0x3  }
0x13c: {  	s0 =	simm.s32 @!p0 $0xE0  }
0x13d: {  	[tilespmem:v2+s0+$0x0], v1 =	vst.idx.ret.add.f32.msk @!p0 $0x1, v1  }
0x13e: {  	[tilespmem:s2+$0xC0] =	vst.msk $0x1, v0  }
0x13f: {  	v0 =	vld.msk [tilespmem:s4+$0xE0], $0x1;
	_ =	sdelay $0x4  }
0x140: {  	[tilespmem:s2+$0xE0] =	vst.msk $0x1, v0;
	s2 =	sadd.s32 $0x1, s2  }
.LBB3_19:
0x141: {  	s4 =	sadd.s32 $0x1, s4  }
0x142: {  	p0 =	sne.s32 s4, $0x20  }
.Ltmp16:
0x143: {  	_ = 	snop;
	(pc) =	sbr.rel @!p0 .LBB3_20-.Ltmp16, $1  }
0x144: {  	_ =	sdelay $0x3  }
.LBB3_12:
0x145: {  	v0 =	vld.msk [tilespmem:s4+$0xC0], $0x1;
	_ =	sdelay $0x4  }
0x146: {  	(v2sf) =	vpush v0, $0x0;
	_ =	sdelay $0xe  }
0x147: {  	s5 =	spop (v2sf)  }
0x148: {  	p0 =	seq.s32 s5, $0xFFFFFFFF  }
.Ltmp17:
0x149: {  	_ = 	snop;
	(pc) =	sbr.rel @p0 .LBB3_19-.Ltmp17, $1  }
0x14a: {  	_ =	sdelay $0x3  }
0x14b: {  	p0 =	slt.s32 s2, $0x1  }
.Ltmp18:
0x14c: {  	_ = 	snop;
	(pc) =	sbr.rel @p0 .LBB3_17-.Ltmp18, $1  }
0x14d: {  	_ =	sdelay $0x3  }
0x14e: {  	s0 =	simm.s32 $0xC0;
	p0 =	por $0x0, $0x0  }
0x14f: {  	v1 =	vld.msk @!p0 [tilespmem:s0+$0x0], $0x1;
	_ =	sdelay $0x4  }
0x150: {  	(v2sf) =	vpush @!p0 v1, $0x0;
	_ =	sdelay $0xd  }
0x151: {  	p2 =	sne.s32 s2, $0x1  }
.Ltmp19:
0x152: {  	s6 =	spop @!p0 (v2sf);
	(pc) =	sbr.rel @!p2 .LBB3_16-.Ltmp19, $4  }
0x153: {  	p1 =	seq.s32 @!p0 s5, s6  }
0x154: {  	s6 =	simm.s32 $0x0;
	p1 =	por !p1, p0  }
0x155: {  	s8 =	simm.s32 $0xFFFFFFFF;
	s6 =	simm.s32 @p1 $0xFFFFFFFF  }
0x156: {  	s7 =	simm.s32 $0x1;
	s6 =	smov.u32 @p0 s8  }
.LBB3_15:
0x157: {  	s8 =	smov.u32 s6;
	p0 =	sne.s32 s6, $0xFFFFFFFF  }
0x158: {  	s0 =	sadd.s32 $0x1, s0;
	s6 =	smov.u32 s7;
	s7 =	sadd.s32 $0x1, s7  }
0x159: {  	p1 =	sne.s32 s2, s7;
	v1 =	vld.msk @!p0 [tilespmem:s0+$0x0], $0x1;
	_ =	sdelay $0x4  }
0x15a: {  	(v2sf) =	vpush @!p0 v1, $0x0;
	_ =	sdelay $0xe  }
.Ltmp20:
0x15b: {  	s9 =	spop @!p0 (v2sf);
	(pc) =	sbr.rel @p1 .LBB3_15-.Ltmp20, $4  }
0x15c: {  	p2 =	seq.s32 @!p0 s5, s9  }
0x15d: {  	p2 =	por !p2, p0  }
0x15e: {  	s6 =	simm.s32 @p2 $0xFFFFFFFF  }
0x15f: {  	s6 =	smov.u32 @p0 s8  }
.LBB3_16:
0x160: {  	p0 =	sne.s32 s6, $0xFFFFFFFF  }
.Ltmp21:
0x161: {  	_ = 	snop;
	(pc) =	sbr.rel @!p0 .LBB3_17-.Ltmp21, $1  }
0x162: {  	_ =	sdelay $0x3  }
0x163: {  	v0 =	vld.msk [tilespmem:s4+$0xE0], $0x1;
	v1 =	vmov s6  }
.Ltmp22:
0x164: {  	_ = 	snop;
	(pc) =	sbr.rel .LBB3_19-.Ltmp22, $2  }
0x165: {  	_ =	sdelay $0x2  }
0x166: {  	[tilespmem:v1+s3+$0x0], v0 =	vst.idx.ret.add.f32.msk $0x1, v0  }
.LBB3_20:
0x167: {  	p0 =	slt.s32 s2, $0x1  }
.Ltmp23:
0x168: {  	_ = 	snop;
	(pc) =	sbr.rel @p0 .LBB3_24-.Ltmp23, $3  }
0x169: {  	_ =	sdelay $0x1  }
0x16a: {  	s0 =	simm.s32 $0x6  }
0x16b: {  	s3 =	simm.s32 $0x0;
	[sflag:s0] =	ssyncpa.u1 $0x1  }
0x16c: {  	s0 =	simm.s32 $0xC0  }
0x16d: {  	v0 =	vld.msk [tilespmem:s0+$0x0], $0x1;
	_ =	sdelay $0x4  }
0x16e: {  	(v2sf) =	vpush v0, $0x0;
	_ =	sdelay $0xe  }
0x16f: {  	s2 =	sadd.s32 $0xFFFFFFFF, s2;
	s4 =	spop (v2sf)  }
0x170: {  	p1 =	sne.s32 s2, $0x0;
	p0 =	sgt.u32 s4, $0x27FF  }
.Ltmp24:
0x171: {  	s5 =	sshrl.u32 @!p0 s4, $0x3;
	(pc) =	sbr.rel @!p1 .LBB3_23-.Ltmp24, $4  }
0x172: {  	s0 =	simm.s32 $0xE0;
	s4 =	sand.u32 @!p0 $0x7, s4;
	s5 =	sadd.s32 @!p0 s1, s5  }
0x173: {  	[hbm4b:s5+s4] =	stream.linear.scatter @!p0 [tilespmem:s0], [sflag:$0x5], $0x1, $0x38;
	[tilespmem:$0x11A60] =	vst v63  }
0x174: {  	s5 =	simm.s32 $0x0  }
0x175: {  	s4 =	simm.s32 $0xC1;
	s5 =	simm.s32 @!p0 $0x4  }
.LBB3_22:
0x176: {  	v0 =	vld.msk [tilespmem:s4+$0x0], $0x1;
	s2 =	sadd.s32 $0xFFFFFFFF, s2;
	s3 =	sadd.s32 s3, s5  }
0x177: {  	p0 =	sne.s32 s2, $0x0;
	_ =	sdelay $0x3  }
0x178: {  	(v2sf) =	vpush v0, $0x0;
	_ =	sdelay $0xe  }
.Ltmp25:
0x179: {  	s6 =	spop (v2sf);
	(pc) =	sbr.rel @p0 .LBB3_22-.Ltmp25, $4  }
0x17a: {  	s5 =	simm.s32 $0x0;
	p1 =	sgt.u32 s6, $0x27FF  }
0x17b: {  	s0 =	sadd.s32 $0x1, s0;
	s5 =	simm.s32 @!p1 $0x4;
	s7 =	sshrl.u32 @!p1 s6, $0x3  }
0x17c: {  	s4 =	sadd.s32 $0x1, s4;
	s6 =	sand.u32 @!p1 $0x7, s6;
	s7 =	sadd.s32 @!p1 s1, s7  }
0x17d: {  	[hbm4b:s7+s6] =	stream.linear.scatter @!p1 [tilespmem:s0], [sflag:$0x5], $0x1, $0x38;
	[tilespmem:$0x11A60] =	vst v63  }
.LBB3_23:
0x17e: {  	s0 =	sadd.s32 s3, s5  }
0x17f: {  	s3 =	sshrl.u32 s0, $0x2  }
.LBB3_24:
0x180: {  	s0 =	simm.s32 $0x5  }
0x181: {  	_ =	swait.ge [sflag:s0], s3  }
0x182: {  	s1 =	ssub.s32 $0x0, s3;
	[sflag:s0] =	ssyncset.done $0x0  }
0x183: {  	[sflag:s0] =	ssyncadd.s32 s1  }
0x184: {  	[sflag:s0] =	ssyncpa.u1 $0x1  }
0x185: {  	s29 =	simm.s32 $0x1;
	_ =	sfence  }
0x186: {  	s30 =	simm.s32 $0x2;
	[sflag:s29] =	ssyncpa.u1 $0x1  }
0x187: {  	[sflag:s30] =	ssyncpa.u1 $0x1  }
0x188: {  	_ =	strace $0x90000059  }
0x189: {  	[bflag:$0x2] =	sbarrier.arrive $0xFFFF  }
0x18a: {  	s31 =	rddreg [dreg:$0x1]  }
0x18b: {  	s0 =	sadd.s32 $0x100000, s31  }
0x18c: {  	[sflag:s0] =	ssyncadd.tile.s32 $0x1;
	_ =	shalt  }
.Lfunc_end3:
_tile_overlayer_lowered:
.L_overlay_start_3:
0x18d: {  	(tag) =	ssettag $0x3  }
0x18e: {  	s0 =	rddreg [dreg:$0x0];
	s2 =	stileid.u32  }
0x18f: {  	s1 =	rddreg [dreg:$0x1];
	p0 =	sne.s32 s2, $0x0  }
0x190: {  	s3 =	rddreg [dreg:$0x2];
	[bflag:$0x3] =	sbarrier.arrive $0xFFFF;
	s2 =	simm.s32 @!p0 $0x1C01  }
0x191: {  	[timem:s3], [sflag:s2] =	dma.local @!p0 [hbm:s0], s1  }
0x192: {  	s0 =	simm.s32 @!p0 $0x1  }
0x193: {  	_ =	swait.ge @!p0 [sflag:s0], s1  }
0x194: {  	s1 =	ssub.s32 @!p0 $0x0, s1;
	[sflag:s0] =	ssyncset.done @!p0 $0x0  }
0x195: {  	[sflag:s0] =	ssyncadd.s32 @!p0 s1  }
0x196: {  	[bflag:$0x3] =	sbarrier.arrive $0xFFFF  }
0x197: {  	_ =	shalt  }

// kernel: scatter_offload_async_start
scs
__scs_entry_jumppad:
0x0: {  	(pc) =	sbr.rel $0x88, $3  }
0x1: {  	(tag) =	ssettag $0x0;
	lr =	simm.s32 $0x1  }
0x2: {  	[smem:$0x3F80] =	sst lr;
	_ =	strace $0xD0000000  }
0x3: {  	_ = 	snop  }
0x4: {  	_ = 	snop  }
0x5: {  	_ = 	snop  }
0x6: {  	_ = 	snop  }
0x7: {  	_ = 	snop  }
__scs_overlays_trampoline_lowered:
0x8: {  	[smem:$0x3F8F] =	sst s0  }
0x9: {  	[smem:$0x3F90] =	sst s1  }
0xa: {  	[smem:$0x3F91] =	sst s2  }
0xb: {  	[smem:$0x3F92] =	sst s3  }
0xc: {  	[smem:$0x3F93] =	sst s4  }
0xd: {  	[smem:$0x3F94] =	sst s5  }
0xe: {  	[smem:$0x3F95] =	sst s6  }
0xf: {  	[smem:$0x3F96] =	sst s7  }
0x10: {  	[smem:$0x3F97] =	sst s8  }
0x11: {  	[smem:$0x3F98] =	sst s9;
	s0 =	simm.s32 @!p0 $0x0  }
0x12: {  	s1 =	sld [smem:$0x3F7E];
	s0 =	simm.s32 @p0 $0x1  }
0x13: {  	[smem:$0x3F99] =	sst s0;
	s0 =	simm.s32 @!p1 $0x0  }
0x14: {  	s2 =	sld [smem:$0x3F7D];
	s0 =	simm.s32 @p1 $0x1  }
0x15: {  	[smem:$0x3F9A] =	sst s0;
	s0 =	simm.s32 @!p2 $0x0  }
0x16: {  	s3 =	sld [smem:$0x3FDB];
	s0 =	simm.s32 @p2 $0x1  }
0x17: {  	s4 =	simm.s32 $0x1BF5;
	[smem:$0x3F9C] =	sst s0  }
0x18: {  	s0 =	sld [smem:$0x3F7F];
	_ =	swait.ge [sflag:s4], $0x0  }
0x19: {  	s7 =	sld [smem:$0x3F80]  }
0x1a: {  	s8 =	sadd.s32 $0xFFFFE003, lr  }
0x1b: {  	s9 =	sadd.s32 $0xFFFFFEF7, lr;
	s5 =	simm.s32 $0xFFFFFFFF;
	p2 =	slt.u32 s8, $0xFFFFF086  }
0x1c: {  	p1 =	slt.u32 s9, $0xF7A;
	s5 =	simm.s32 @!p2 $0x0  }
0x1d: {  	s5 =	simm.s32 @p1 $0x1;
	p0 =	seq.s32 s7, s2  }
0x1e: {  	s7 =	smul.u32 @!p0 $0xF7A, s2;
	p2 =	seq.s32 @!p0 s5, $0x0  }
0x1f: {  	s9 =	smul.u32 $0xF7A, s1;
	s8 =	simm.s32 @!p0 $0x1BF5;
	p2 =	por !p2, p0  }
0x20: {  	[sflag:s8] =	ssyncset.s32 @!p0 $0xFFFFF086;
	s6 =	sadd.s32 @!p0 s3, s7;
	s7 =	simm.s32 @!p0 $0x108  }
0x21: {  	s3 =	sadd.s32 s3, s9;
	s6 =	sadd.s32 @!p0 $0x88, s6;
	s7 =	simm.s32 @p2 $0x1082  }
0x22: {  	[simem:s7], [sflag:s8] =	dma.local @!p0 [hbm:s6], $0xF7A  }
0x23: {  	s9 =	sor.u32 $0xD0000000, s2;
	s6 =	simm.s32 $0x108;
	_ =	swait.ge @!p0 [sflag:s8], $0x0  }
0x24: {  	s3 =	sadd.s32 $0x88, s3;
	s6 =	simm.s32 @!p1 $0x1082;
	[sflag:s4] =	ssyncset.s32 $0xFFFFF086  }
0x25: {  	[simem:s6], [sflag:s4] =	dma.local [hbm:s3], $0xF7A  }
0x26: {  	[smem:$0x3F80] =	sst s1;
	(tag) =	ssettag s2;
	_ =	strace s9  }
0x27: {  	s1 =	sld [smem:$0x3F90]  }
0x28: {  	s2 =	sld [smem:$0x3F91]  }
0x29: {  	s4 =	sld [smem:$0x3F93]  }
0x2a: {  	p0 =	seq.s32 s5, $0x0;
	s5 =	sld [smem:$0x3F94]  }
0x2b: {  	s6 =	sld [smem:$0x3F95]  }
0x2c: {  	s7 =	sld [smem:$0x3F96]  }
0x2d: {  	s3 =	simm.s32 $0x108;
	s8 =	sld [smem:$0x3F97]  }
0x2e: {  	s3 =	simm.s32 @!p0 $0x1082;
	s9 =	sld [smem:$0x3F98]  }
0x2f: {  	lr =	sadd.s32 s0, s3;
	s0 =	sld [smem:$0x3F8F]  }
0x30: {  	s3 =	sld [smem:$0x3F92]  }
0x31: {  	[smem:$0x3F9B] =	sst s10  }
0x32: {  	s10 =	sld [smem:$0x3F99];
	_ =	sdelay $0x3  }
0x33: {  	p0 =	seq.s32 s10, $0x1;
	s10 =	sld [smem:$0x3F9B];
	_ =	sdelay $0x3  }
0x34: {  	[smem:$0x3F9B] =	sst s10  }
0x35: {  	s10 =	sld [smem:$0x3F9A];
	_ =	sdelay $0x3  }
0x36: {  	p1 =	seq.s32 s10, $0x1;
	s10 =	sld [smem:$0x3F9B];
	_ =	sdelay $0x3  }
0x37: {  	[smem:$0x3F9B] =	sst s10  }
0x38: {  	s10 =	sld [smem:$0x3F9C]  }
0x39: {  	_ = 	snop;
	(pc) =	sbr.ind lr, $3  }
0x3a: {  	_ = 	snop  }
0x3b: {  	_ = 	snop  }
0x3c: {  	p2 =	seq.s32 s10, $0x1;
	s10 =	sld [smem:$0x3F9B]  }
0x3d: {  	_ =	shalt  }
0x3e: {  	_ =	shalt  }
0x3f: {  	_ =	shalt  }
0x40: {  	_ =	shalt  }
0x41: {  	_ =	shalt  }
0x42: {  	_ =	shalt  }
0x43: {  	_ =	shalt  }
0x44: {  	_ =	shalt  }
0x45: {  	_ =	shalt  }
0x46: {  	_ =	shalt  }
0x47: {  	_ =	shalt  }
0x48: {  	_ =	shalt  }
0x49: {  	_ =	shalt  }
0x4a: {  	_ =	shalt  }
0x4b: {  	_ =	shalt  }
0x4c: {  	_ =	shalt  }
0x4d: {  	_ =	shalt  }
0x4e: {  	_ =	shalt  }
0x4f: {  	_ =	shalt  }
0x50: {  	_ =	shalt  }
0x51: {  	_ =	shalt  }
0x52: {  	_ =	shalt  }
0x53: {  	_ =	shalt  }
0x54: {  	_ =	shalt  }
0x55: {  	_ =	shalt  }
0x56: {  	_ =	shalt  }
0x57: {  	_ =	shalt  }
0x58: {  	_ =	shalt  }
0x59: {  	_ =	shalt  }
0x5a: {  	_ =	shalt  }
0x5b: {  	_ =	shalt  }
0x5c: {  	_ =	shalt  }
0x5d: {  	_ =	shalt  }
0x5e: {  	_ =	shalt  }
0x5f: {  	_ =	shalt  }
0x60: {  	_ =	shalt  }
0x61: {  	_ =	shalt  }
0x62: {  	_ =	shalt  }
0x63: {  	_ =	shalt  }
0x64: {  	_ =	shalt  }
0x65: {  	_ =	shalt  }
0x66: {  	_ =	shalt  }
0x67: {  	_ =	shalt  }
0x68: {  	_ =	shalt  }
0x69: {  	_ =	shalt  }
0x6a: {  	_ =	shalt  }
0x6b: {  	_ =	shalt  }
0x6c: {  	_ =	shalt  }
0x6d: {  	_ =	shalt  }
0x6e: {  	_ =	shalt  }
0x6f: {  	_ =	shalt  }
0x70: {  	_ =	shalt  }
0x71: {  	_ =	shalt  }
0x72: {  	_ =	shalt  }
0x73: {  	_ =	shalt  }
0x74: {  	_ =	shalt  }
0x75: {  	_ =	shalt  }
0x76: {  	_ =	shalt  }
0x77: {  	_ =	shalt  }
0x78: {  	_ =	shalt  }
0x79: {  	_ =	shalt  }
0x7a: {  	_ =	shalt  }
0x7b: {  	_ =	shalt  }
0x7c: {  	_ =	shalt  }
0x7d: {  	_ =	shalt  }
0x7e: {  	_ =	shalt  }
0x7f: {  	_ =	shalt  }
0x80: {  	_ =	shalt  }
0x81: {  	_ =	shalt  }
0x82: {  	_ =	shalt  }
0x83: {  	_ =	shalt  }
0x84: {  	_ =	shalt  }
0x85: {  	_ =	shalt  }
0x86: {  	_ =	shalt  }
0x87: {  	_ =	shalt  }
.Lfunc_end0:
.L_simem_size_0:
called_computation_lowered:
.L_overlay_start_0:
0x88: {  	s0 =	sld [smem:$0x3FD9]  }
0x89: {  	s1 =	sld [smem:$0x3FFE];
	_ =	sdelay $0x3  }
0x8a: {  	s0 =	sadd.s32 s1, s0  }
0x8b: {  	[smem:$0x3FA7] =	sst s0  }
0x8c: {  	_ = 	snop  }
0x8d: {  	s0 =	sld [smem:$0x3FD0];
	_ =	sdelay $0x2  }
0x8e: {  	s14 =	simm.s32 $0x10  }
0x8f: {  	[smem:s14], [sflag:s14] =	dma.local [hbm:s0], $0x1  }
0x90: {  	_ =	swait.eq [sflag:s14], $0x1  }
0x91: {  	[sflag:s14] =	ssyncset.done $0x0  }
0x92: {  	[sflag:s14] =	ssyncadd.s32 $0xFFFFFFFF  }
0x93: {  	s1 =	sld [smem:$0x10]  }
0x94: {  	s2 =	sld [smem:$0x11];
	(tm) =	ssettm $0x1  }
0x95: {  	s15 =	sld [smem:$0x3FFB];
	_ =	sdelay $0x3  }
0x96: {  	_ =	strace s15  }
0x97: {  	s0 =	sld [smem:$0x3FFC];
	_ =	sdelay $0x3  }
0x98: {  	_ =	strace s0  }
0x99: {  	s0 =	sld [smem:$0x3FFD];
	_ =	sdelay $0x3  }
0x9a: {  	_ =	strace s0  }
0x9b: {  	_ =	strace $0x8FFFFFFF  }
0x9c: {  	s16 =	sld [smem:$0x3FDB];
	_ =	sdelay $0x1  }
0x9d: {  	s3 =	simm.s32 $_scs_section_size  }
0x9e: {  	s4 =	simm.s32 $_size__tile_overlayer_lowered;
	s5 =	simm.s32 $_tile_overlayer_lowered  }
0x9f: {  	s6 =	simm.s32 $0x1BFF;
	s17 =	sshll.u32 s5, $0x1;
	s3 =	sadd.s32 s3, s16  }
0xa0: {  	s18 =	simm.s32 $0x0;
	s4 =	sshll.u32 s4, $0x1;
	s5 =	sadd.s32 s17, s3  }
0xa1: {  	[timem:s18], [sflag:s6] =	dma.local [hbm:s5], s4  }
0xa2: {  	_ =	swait.ge [sflag:s6], s4  }
0xa3: {  	s4 =	ssub.s32 $0x0, s4;
	[sflag:s6] =	ssyncset.done $0x0  }
0xa4: {  	[sflag:s6] =	ssyncadd.s32 s4;
	_ =	sdelay $0x1  }
0xa5: {  	s19 =	simm.s32 $0x1B8B  }
0xa6: {  	_ =	swait.ge [sflag:s19], $0x1  }
0xa7: {  	[sflag:s19] =	ssyncset.done $0x0  }
0xa8: {  	s21 =	simm.s32 $0x1B8E;
	s20 =	sld [smem:$0x3FFE];
	[sflag:s19] =	ssyncadd.s32 $0xFFFFFFFF  }
0xa9: {  	s22 =	simm.s32 $execute0_lowered;
	[smem:$0x3FD2] =	sst s21  }
0xaa: {  	s5 =	sshll.u32 s22, $0x1;
	_ =	strace $0x80000046;
	[dreg:$0x1] =	wrdreg $0xFFFFFFFF  }
0xab: {  	s23 =	simm.s32 $_size_execute0_lowered;
	s5 =	sadd.s32 s3, s5;
	[dreg:$0x0] =	wrdreg $0x0  }
0xac: {  	s6 =	sshll.u32 s23, $0x1;
	[dreg:$0x2] =	wrdreg s5  }
0xad: {  	[dreg:$0x3] =	wrdreg s6  }
0xae: {  	[dreg:$0x4] =	wrdreg $0xC0  }
0xaf: {  	s24 =	simm.s32 $execute1_lowered;
	_ =	task [dreg:s18], $0x5FFFF  }
0xb0: {  	s5 =	sshll.u32 s24, $0x1;
	[dreg:$0x1] =	wrdreg $0xFFFFFFFF  }
0xb1: {  	s3 =	sadd.s32 s3, s5;
	[dreg:$0x0] =	wrdreg $0x60  }
0xb2: {  	[dreg:$0x2] =	wrdreg s3  }
0xb3: {  	[dreg:$0x3] =	wrdreg s20  }
0xb4: {  	[dreg:$0x4] =	wrdreg $0xD  }
0xb5: {  	_ =	task.clear_ibuf [dreg:s18], $0x5FFFF;
	_ =	strace $0x90000046  }
0xb6: {  	s25 =	simm.s32 $0xD;
	_ =	strace $0x80000048  }
0xb7: {  	_ =	swait.ge [sflag:s25], $0x1  }
0xb8: {  	[sflag:s25] =	ssyncadd.s32 $0xFFFFFFFF  }
0xb9: {  	_ =	strace $0x90000048  }
0xba: {  	_ =	strace $0x80000049;
	[dreg:$0x1] =	wrdreg $0xFFFFFFFF  }
0xbb: {  	[dreg:$0x0] =	wrdreg $0x2030  }
0xbc: {  	[dreg:$0x2] =	wrdreg s20  }
0xbd: {  	[dreg:$0x3] =	wrdreg s2  }
0xbe: {  	[dreg:$0x4] =	wrdreg s1  }
0xbf: {  	[dreg:$0x5] =	wrdreg $0xE  }
0xc0: {  	_ =	task.clear_ibuf [dreg:s18], $0x6FFFF;
	_ =	strace $0x90000049  }
0xc1: {  	s26 =	simm.s32 $0xE;
	_ =	strace $0x8000004B  }
0xc2: {  	_ =	swait.ge [sflag:s26], $0x1  }
0xc3: {  	[sflag:s26] =	ssyncadd.s32 $0xFFFFFFFF  }
0xc4: {  	_ =	strace $0x9000004B  }
0xc5: {  	_ =	sfence  }
0xc6: {  	s28 =	sld [smem:$0x0];
	_ =	sdelay $0x1  }
0xc7: {  	s29 =	srdreg.scid  }
0xc8: {  	s30 =	sshll.u32 s29, $0xD;
	s31 =	sshrl.u32 s29, $0x2  }
0xc9: {  	s3 =	sand.u32 $0x4000, s30;
	s2 =	sand.u32 $0x1, s29;
	s1 =	sadd.s32 s31, s28  }
0xca: {  	s2 =	sor.u32 s3, s2;
	s1 =	sshll.u32 s1, $0x11  }
0xcb: {  	s1 =	sor.u32 s1, s2  }
0xcc: {  	s1 =	sadd.s32 $0x8F2B, s1  }
0xcd: {  	[sflag:s1] =	ssyncadd.remote.s32 $0x1  }
0xce: {  	_ =	sfence.sel $0xFFFF  }
0xcf: {  	[dreg:$0x0] =	wrdreg $0xFFFFFFFF;
	(pc) =	sbr.abs _section_cstart, $3  }
0xd0: {  	[dreg:$0x1] =	wrdreg $0xFFFFFFFF  }
0xd1: {  	_ =	task.clear_ibuf [dreg:s18], $0x2FFFF;
	_ =	strace $0x9FFFFFFF  }
0xd2: {  	(tm) =	ssettm $0x7FFFFFFF  }
0xd3: {  	_ =	shalt  }
tec
execute0_lowered:
.L_overlay_start_1:
0x0: {  	(tag) =	ssettag $0x1  }
0x1: {  	s2 =	rddreg [dreg:$0x0]  }
0x2: {  	s4 =	rddreg [dreg:$0x1]  }
0x3: {  	s0 =	rddreg [dreg:$0x2];
	s3 =	stileid.u32  }
0x4: {  	[bflag:$0x3] =	sbarrier.arrive $0xFFFF;
	s1 =	simm.s32 $_size_execute1_lowered;
	p0 =	sne.s32 s3, $0x0  }
0x5: {  	s1 =	sshll.u32 s1, $0x1;
	s5 =	simm.s32 @!p0 $0x1C3F;
	s6 =	simm.s32 @!p0 $0x4060  }
0x6: {  	[timem:s6], [sflag:s5] =	dma.local @!p0 [hbm:s2], s1  }
0x7: {  	s2 =	smul.u32 $0x280, s3  }
.Ltmp0:
0x8: {  	s31 =	simm.s32 $0x2;
	s7 =	simm.s32 $0x280;
	(pc) =	sbr.rel .LBB2_1-.Ltmp0, $4  }
0x9: {  	s8 =	simm.s32 $0x780;
	s10 =	simm.s32 $0x0;
	s9 =	simm.s32 $0x0  }
0xa: {  	s3 =	simm.s32 $0x1;
	_ =	strace $0x80000047;
	s30 =	sshrl.u32 s2, $0x3  }
0xb: {  	s6 =	simm.s32 $0x0;
	[sflag:s3] =	ssyncpa.u1 $0x0;
	s5 =	sadd.s32 s30, s4  }
0xc: {  	s4 =	sadd.s32 $0x8200, s4;
	[sflag:s31] =	ssyncpa.u1 $0x0;
	s5 =	sadd.s32 $0x7C00, s5  }
.LBB2_8:
0xd: {  	p1 =	seq.s32 s9, $0x2  }
.Ltmp1:
0xe: {  	_ = 	snop;
	(pc) =	sbr.rel @p1 .LBB2_10-.Ltmp1, $1  }
0xf: {  	_ =	sdelay $0x3  }
.LBB2_9:
0x10: {  	s9 =	sadd.s32 $0x1, s9;
	s10 =	smov.u32 s2  }
.LBB2_1:
0x11: {  	p1 =	sne.s32 s9, $0x0  }
.Ltmp2:
0x12: {  	_ = 	snop;
	(pc) =	sbr.rel @!p1 .LBB2_2-.Ltmp2, $1  }
0x13: {  	_ =	sdelay $0x3  }
0x14: {  	s11 =	sand.u32 $0x1, s9  }
0x15: {  	p1 =	seq.s32 s11, $0x0  }
.Ltmp3:
0x16: {  	_ = 	snop;
	(pc) =	sbr.rel @p1 .LBB2_8-.Ltmp3, $1  }
0x17: {  	_ =	sdelay $0x3  }
0x18: {  	_ =	swait.ge [sflag:s3], $0x280  }
0x19: {  	[sflag:s3] =	ssyncset.done $0x0  }
0x1a: {  	s11 =	simm.s32 $0x0;
	p1 =	por $0x1, $0x1;
	[sflag:s3] =	ssyncadd.s32 $0xFFFFFD80  }
.LBB2_5:
0x1b: {  	v0 =	vld [tilespmem:s11+$0x280]  }
0x1c: {  	v1 =	vld [tilespmem:s11+$0x290]  }
0x1d: {  	v2 =	vld [tilespmem:s11+$0x2A0]  }
0x1e: {  	v3 =	vld [tilespmem:s11+$0x2B0]  }
0x1f: {  	v4 =	vld [tilespmem:s11+$0x2C0]  }
0x20: {  	v53 =	vld [tilespmem:s11+$0x2D0];
	[tilespmem:s11+$0x780] =	vst v0  }
0x21: {  	v54 =	vld [tilespmem:s11+$0x2E0];
	[tilespmem:s11+$0x790] =	vst v1  }
0x22: {  	v55 =	vld [tilespmem:s11+$0x2F0];
	[tilespmem:s11+$0x7A0] =	vst v2  }
0x23: {  	v56 =	vld [tilespmem:s11+$0x300];
	[tilespmem:s11+$0x7B0] =	vst v3  }
0x24: {  	v57 =	vld [tilespmem:s11+$0x310];
	[tilespmem:s11+$0x7C0] =	vst v4  }
0x25: {  	v58 =	vld [tilespmem:s11+$0x320];
	[tilespmem:s11+$0x7D0] =	vst v53  }
0x26: {  	v59 =	vld [tilespmem:s11+$0x330];
	[tilespmem:s11+$0x7E0] =	vst v54  }
0x27: {  	v60 =	vld [tilespmem:s11+$0x340];
	[tilespmem:s11+$0x7F0] =	vst v55  }
0x28: {  	v61 =	vld [tilespmem:s11+$0x350];
	[tilespmem:s11+$0x800] =	vst v56  }
0x29: {  	v62 =	vld [tilespmem:s11+$0x360];
	[tilespmem:s11+$0x810] =	vst v57  }
0x2a: {  	v63 =	vld [tilespmem:s11+$0x370];
	p2 =	por p1, p1;
	[tilespmem:s11+$0x820] =	vst v58  }
.Ltmp4:
0x2b: {  	[tilespmem:s11+$0x830] =	vst v59;
	(pc) =	sbr.rel @p2 .LBB2_5-.Ltmp4, $4  }
0x2c: {  	[tilespmem:s11+$0x840] =	vst v60  }
0x2d: {  	[tilespmem:s11+$0x850] =	vst v61  }
0x2e: {  	s12 =	simm.s32 $0x1F0;
	s13 =	simm.s32 $0x980;
	[tilespmem:s11+$0x860] =	vst v62  }
0x2f: {  	s14 =	simm.s32 $0x480;
	p1 =	por $0x0, $0x0;
	[tilespmem:s11+$0x870] =	vst v63;
	s11 =	simm.s32 $0x100  }
.LBB2_6:
0x30: {  	s12 =	sadd.s32 $0x10, s12  }
0x31: {  	v0 =	vld [tilespmem:s14+$0x0];
	p1 =	slt.u32 s12, $0x270  }
.Ltmp5:
0x32: {  	_ = 	snop;
	(pc) =	sbr.rel @p1 .LBB2_6-.Ltmp5, $2  }
0x33: {  	_ =	sdelay $0x2  }
0x34: {  	s14 =	sadd.s32 $0x10, s14;
	[tilespmem:s13+$0x0] =	vst v0;
	s13 =	sadd.s32 $0x10, s13  }
.Ltmp6:
0x35: {  	(pc) =	sbr.rel .LBB2_8-.Ltmp6, $4  }
0x36: {  	_ = 	snop  }
0x37: {  	s10 =	sshrl.u32 s10, $0x3  }
0x38: {  	s10 =	sadd.s32 s4, s10  }
0x39: {  	[hbm4b:s10+s6] =	stream.linear.scatter [tilespmem:s8], [sflag:$0x2], $0x280, $0x38;
	[tilespmem:$0xA00] =	vst v63  }
.LBB2_2:
.Ltmp7:
0x3a: {  	(pc) =	sbr.rel .LBB2_9-.Ltmp7, $2  }
0x3b: {  	_ =	sdelay $0x2  }
0x3c: {  	[tilespmem:s7], [sflag:$0x1] =	stream.linear.gather [hbm4b:s5+s6], $0x280, $0x38;
	[tilespmem:$0xA00] =	vst v63  }
.LBB2_10:
0x3d: {  	s2 =	simm.s32 $0x2  }
0x3e: {  	_ =	swait.ge [sflag:s2], $0x280  }
0x3f: {  	[sflag:s2] =	ssyncset.done $0x0  }
0x40: {  	[sflag:s2] =	ssyncadd.s32 $0xFFFFFD80  }
0x41: {  	_ =	sfence.sel $0x180000  }
0x42: {  	s3 =	simm.s32 $0x1;
	[bflag:$0x0] =	sbarrier.arrive $0xFFFF  }
0x43: {  	[sflag:s3] =	ssyncpa.u1 $0x1  }
0x44: {  	[sflag:s2] =	ssyncpa.u1 $0x1  }
0x45: {  	_ =	strace $0x90000047  }
0x46: {  	s0 =	sadd.s32 @!p0 $0x100000, s0;
	[bflag:$0x2] =	sbarrier.arrive $0xFFFF  }
0x47: {  	[sflag:s0] =	ssyncadd.tile.s32 @!p0 $0x1;
	s0 =	simm.s32 @!p0 $0x3F  }
0x48: {  	_ =	swait.ge @!p0 [sflag:s0], s1  }
0x49: {  	s1 =	ssub.s32 @!p0 $0x0, s1;
	[sflag:s0] =	ssyncset.done @!p0 $0x0  }
0x4a: {  	[sflag:s0] =	ssyncadd.s32 @!p0 s1  }
0x4b: {  	[bflag:$0x3] =	sbarrier.arrive $0xFFFF  }
0x4c: {  	_ =	shalt  }
.Lfunc_end2:
execute1_lowered:
.L_overlay_start_2:
0x4d: {  	(tag) =	ssettag $0x2  }
0x4e: {  	s0 =	rddreg [dreg:$0x0]  }
0x4f: {  	s3 =	rddreg [dreg:$0x1];
	_ =	strace $0x8000004A;
	s1 =	simm.s32 $0x1  }
0x50: {  	v1 =	vimm.s32 $0xFFFFFFFF;
	[sflag:s1] =	ssyncpa.u1 $0x0  }
0x51: {  	[tilespmem:$0x10] =	vst v1  }
0x52: {  	v0 =	vimm.f32 $0.0e+00;
	s4 =	stileid.u32;
	[tilespmem:$0x20] =	vst v1  }
0x53: {  	s2 =	simm.s32 $0x4000;
	s30 =	simm.s32 $0x2;
	s7 =	simm.s32 $0x7;
	[tilespmem:$0x30] =	vst v0  }
0x54: {  	s8 =	simm.s32 $0x8;
	s31 =	simm.s32 $0x9;
	s16 =	simm.s32 $0x0;
	[tilespmem:$0x40] =	vst v0  }
0x55: {  	s17 =	simm.s32 $0xFFFFE000;
	s18 =	simm.s32 $0xF0;
	s19 =	simm.s32 $0xFFFFFFFF;
	[tilespmem:$0x50] =	vst v0  }
0x56: {  	s20 =	simm.s32 $0xFFFFC100;
	s21 =	simm.s32 $0xFFFFFFFE;
	s29 =	smin.u32 s4, $0x2;
	[tilespmem:$0x60] =	vst v1  }
0x57: {  	s22 =	simm.s32 $0xF;
	p0 =	slt.u32 s4, $0x2;
	[tilespmem:$0x70] =	vst v1;
	s1 =	sadd.s32 s4, s29  }
0x58: {  	s26 =	simm.s32 $0x0;
	[tilespmem:$0x80] =	vst v1;
	s2 =	simm.s32 @!p0 $0x2000;
	s5 =	sshll.u32 s1, $0xD  }
0x59: {  	s25 =	simm.s32 $0x0;
	s11 =	sshll.u32 s4, $0x1;
	v1 =	vimm.s32 $0x0;
	[tilespmem:$0xB0] =	vst v0;
	s1 =	sadd.s32 s2, s5  }
0x5a: {  	s14 =	sshllo.u32 s4, $0x1;
	s13 =	sor.u32 $0x81, s11;
	[tilespmem:$0x90] =	vst v1;
	s6 =	smin.u32 s1, $0x24000  }
.Ltmp8:
0x5b: {  	[tilespmem:$0xA0] =	vst v1;
	[sflag:s30] =	ssyncpa.u1 $0x0;
	s2 =	ssub.s32 s6, s5;
	(pc) =	sbr.rel .LBB3_1-.Ltmp8, $4  }
0x5c: {  	s15 =	sor.u32 $0x80, s11;
	[sflag:s7] =	ssyncpa.u1 $0x0;
	p0 =	sgt.s32 s2, $0x0  }
0x5d: {  	s24 =	smov.u32 s5;
	[sflag:s8] =	ssyncpa.u1 $0x0;
	s2 =	simm.s32 @!p0 $0x0  }
0x5e: {  	vm0 =	vmmov $0xffff;
	v2 =	vlaneseq.u32;
	s1 =	sadd.s32 $0x8200, s0;
	[sflag:s31] =	ssyncpa.u1 $0x0;
	s9 =	sshrl.u32 s2, $0xD  }
0x5f: {  	vm1 =	vmxor vm1, vm1;
	vm2 =	vmmov $0x1;
	vm3 =	vcmask $0x3F3C;
	p0 =	por $0x0, $0x0;
	s10 =	sadd.s32 $0x1, s9;
	s12 =	sadd.s32 $0x2, s9  }
.LBB3_9:
0x60: {  	p1 =	slt.u32 s25, $0x3  }
0x61: {  	s0 =	simm.s32 @!p1 $0x2  }
0x62: {  	_ =	swait.ge @!p1 [sflag:s0], $0x2000  }
0x63: {  	[sflag:s0] =	ssyncset.done @!p1 $0x0  }
0x64: {  	[sflag:s0] =	ssyncadd.s32 @!p1 $0xFFFFE000;
	s0 =	simm.s32 @!p1 $0x9  }
0x65: {  	_ =	swait.ge @!p1 [sflag:s0], $0x10  }
0x66: {  	s2 =	sadd.s32 $0x2000, s24;
	[sflag:s0] =	ssyncset.done @!p1 $0x0  }
0x67: {  	[sflag:s0] =	ssyncadd.s32 @!p1 $0xFFFFFFF0;
	p1 =	slt.s32 s2, s6;
	s0 =	smov.u32 s5  }
0x68: {  	s0 =	smov.u32 @p1 s2;
	p1 =	sne.s32 s25, s12  }
.Ltmp9:
0x69: {  	_ = 	snop;
	(pc) =	sbr.rel @!p1 .LBB3_10-.Ltmp9, $4  }
0x6a: {  	s31 =	sadd.s32 $0x1, s25  }
0x6b: {  	s17 =	sadd.s32 $0x2000, s17;
	s18 =	sadd.s32 $0x2000, s18;
	s19 =	sadd.s32 $0x1, s19  }
0x6c: {  	s26 =	smov.u32 s24;
	p0 =	por !p0, !p0;
	s20 =	sadd.s32 $0x2000, s20  }
0x6d: {  	s21 =	sadd.s32 $0x1, s21;
	s25 =	smov.u32 s31;
	s24 =	smov.u32 s0  }
.LBB3_1:
0x6e: {  	p1 =	sge.u32 s25, s9  }
0x6f: {  	s0 =	smulhi.u32 @!p1 $0xAAAAAAAB, s25;
	_ =	sdelay $0x1  }
0x70: {  	s0 =	sshrl.u32 @!p1 s0, $0x1  }
0x71: {  	s0 =	smul.u32 @!p1 $0x3, s0;
	_ =	sdelay $0x1  }
0x72: {  	s0 =	ssub.s32 @!p1 s25, s0  }
0x73: {  	s2 =	sshrl.u32 @!p1 s24, $0x3;
	s0 =	sshll.u32 @!p1 s0, $0xD  }
0x74: {  	s4 =	sand.u32 @!p1 $0x7, s24;
	s2 =	sadd.s32 @!p1 s3, s2;
	s0 =	sor.u32 @!p1 $0x100, s0  }
0x75: {  	[tilespmem:s0], [sflag:$0x7] =	stream.linear.gather @!p1 [hbm4b:s2+s4], $0x2000, $0x38;
	[tilespmem:$0x12120] =	vst v63  }
0x76: {  	s2 =	sadd.s32 $0xFFFFFFFF, s25  }
0x77: {  	p1 =	sge.u32 s2, s9  }
.Ltmp10:
0x78: {  	_ = 	snop;
	(pc) =	sbr.rel @p1 .LBB3_5-.Ltmp10, $1  }
0x79: {  	_ =	sdelay $0x3  }
0x7a: {  	s0 =	smulhi.u32 $0xAAAAAAAB, s2;
	_ =	sdelay $0x1  }
0x7b: {  	s0 =	sshrl.u32 s0, $0x1  }
0x7c: {  	s0 =	smul.u32 $0x3, s0;
	_ =	sdelay $0x1  }
0x7d: {  	s0 =	ssub.s32 s2, s0  }
0x7e: {  	_ =	swait.ge [sflag:s7], $0x2000;
	s0 =	sshll.u32 s0, $0xD  }
0x7f: {  	[sflag:s7] =	ssyncset.done $0x0;
	s0 =	sor.u32 $0x100, s0  }
0x80: {  	[sflag:s7] =	ssyncadd.s32 $0xFFFFE000;
	(ifvalue) =	ssetifvalue $0xFFFFFFFF;
	v3 =	vld.msk [tilespmem:s0+$0x0 ss:$0x1], $0xffff;
	_ =	sdelay $0x2  }
0x81: {  	s29 =	smulhi.u32 $0xAAAAAAAB, s19;
	p1 =	sne.s32 s25, $0x1  }
0x82: {  	v4 =	vimm.s32 @!p1 $0x0  }
0x83: {  	s0 =	sshrl.u32 s29, $0x1;
	v4 =	vperm.xlane @!p1 v3, v4  }
0x84: {  	s4 =	sshll.u32 s25, $0x4;
	s0 =	smul.u32 $0xFFFE8000, s0;
	vm4 =	vlt.u32 v3, $0x2800  }
0x85: {  	s4 =	sand.u32 $0x10, s4;
	v3 =	vnsel vm4, $0xFFFFFFFE, v3;
	vm4 =	vlt.u32 @!p1 v4, $0x2800  }
0x86: {  	s0 =	sshra.s32 s0, $0x2;
	[tilespmem:s4+$0x60] =	vst v3;
	v3 =	vnsel @!p1 vm4, $0xFFFFFFFE, v4  }
0x87: {  	s28 =	sadd.s32 s0, s18;
	[tilespmem:$0x80] =	vst @!p1 v3  }
0x88: {  	v3 =	vld.msk [tilespmem:s28+$0x0 ss:$0x1], $0xffff;
	_ =	sdelay $0x4  }
0x89: {  	(xrf1) =	vunique.msk.u32 $0xffff, v3;
	_ =	sdelay $0xd  }
0x8a: {  	v4 =	vimm.s32 $0xFFFFFFFF;
	v5, _, _ =	vpop (xrf1)  }
0x8b: {  	vm5 =	vne.s32 v3, v4;
	vm4 =	veq.s32 v5, v2  }
0x8c: {  	vm6 =	vlt.u32 v3, $0x2800;
	vm4 =	vmand vm5, vm4  }
0x8d: {  	vm4 =	vmand vm6, vm4  }
0x8e: {  	v4 =	vnsel vm4, $0xFFFFFFFF, v3;
	_ =	sdelay $0x2  }
0x8f: {  	s30 =	sand.u32 $0x2000, s17  }
0x90: {  	s31 =	sshll.u32 s2, $0xD;
	s0 =	sor.u32 $0x80F0, s30;
	(ifvalue) =	ssetifvalue $0xFFFFFFFF  }
0x91: {  	v3 =	vperm.xlane v3, v1;
	[tilespmem:s0], [sflag:$0x8] =	stream.indirect_vreg.gather [hbm4b:s1+s16], $0x1, v4, vm0, $0x4038;
	v4 =	vnsel vm6, $0xFFFFFFFE, v4;
	[tilespmem:$0x12120] =	vst v63  }
0x92: {  	s2 =	sand.u32 $0x2000, s31;
	s23 =	sadd.s32 $0xFFFFFFF0, s28;
	s4 =	simm.s32 $0x0;
	[tilespmem:s28+$0x0] =	vst v4  }
.LBB3_3:
0x93: {  	v4 =	vld.msk [tilespmem:s23+$0x0 ss:$0x1], $0xffff;
	s4 =	sadd.s32 $0x10, s4;
	v5 =	vmov v3;
	s28 =	smov.u32 s23  }
0x94: {  	p1 =	slt.u32 s4, $0x1FF0;
	_ =	sdelay $0x4  }
0x95: {  	v3 =	vperm.xlane v4, v1;
	(xrf1) =	vunique.msk.u32 $0xffff, v4;
	_ =	sdelay $0xd  }
0x96: {  	v6, _, _ =	vpop (xrf1)  }
0x97: {  	vm5 =	vne.s32 v4, v5;
	vm4 =	veq.s32 v6, v2  }
0x98: {  	vm6 =	vlt.u32 v4, $0x2800;
	vm4 =	vmand vm5, vm4  }
0x99: {  	vm4 =	vmand vm6, vm4  }
0x9a: {  	v4 =	vnsel vm4, $0xFFFFFFFF, v4  }
.Ltmp11:
0x9b: {  	v5 =	vnsel vm6, $0xFFFFFFFE, v4;
	(pc) =	sbr.rel @p1 .LBB3_3-.Ltmp11, $3  }
0x9c: {  	_ =	sdelay $0x1  }
0x9d: {  	s23 =	sadd.s32 $0xFFFFFFF0, s23;
	s0 =	sadd.s32 $0xFFFFFFF0, s0;
	(ifvalue) =	ssetifvalue $0xFFFFFFFF  }
0x9e: {  	[tilespmem:s0], [sflag:$0x8] =	stream.indirect_vreg.gather [hbm4b:s1+s16], $0x1, v4, vm0, $0x4038;
	[tilespmem:s28+$0x0] =	vst v5  }
0x9f: {  	s0 =	sshrl.u32 s26, $0x3;
	s4 =	rddreg [dreg:$0x2]  }
0xa0: {  	s2 =	sadd.s32 $0xA100, s2;
	s0 =	sadd.s32 s4, s0  }
0xa1: {  	[tilespmem:s2], [sflag:$0x8] =	stream.linear.gather [hbm:s0], $0x2000, $0x38;
	[tilespmem:$0x12120] =	vst v63  }
.LBB3_5:
0xa2: {  	p1 =	slt.u32 s25, $0x2  }
0xa3: {  	p2 =	sge.u32 @!p1 s25, s12  }
0xa4: {  	p1 =	por p1, p2  }
.Ltmp12:
0xa5: {  	_ = 	snop;
	(pc) =	sbr.rel @p1 .LBB3_9-.Ltmp12, $1  }
0xa6: {  	_ =	sdelay $0x3  }
0xa7: {  	s0 =	sadd.s32 $0xFFFFFFFE, s25  }
0xa8: {  	s2 =	smulhi.u32 $0xAAAAAAAB, s0;
	_ =	sdelay $0x1  }
0xa9: {  	s2 =	sshrl.u32 s2, $0x1  }
0xaa: {  	s2 =	smul.u32 $0x3, s2;
	_ =	sdelay $0x1  }
0xab: {  	_ =	swait.ge [sflag:s8], $0x4000;
	s0 =	ssub.s32 s0, s2  }
0xac: {  	p1 =	sne.s32 s25, s10;
	[sflag:s8] =	ssyncset.done $0x0;
	s0 =	sshll.u32 s0, $0xD  }
0xad: {  	[sflag:s8] =	ssyncadd.s32 $0xFFFFC000;
	s2 =	sadd.s32 @!p1 $0x20FF, s0  }
0xae: {  	[spmem:s13] =	stream.linear.scatter @!p1 [tilespmem:s2], [sflag:$0x1], $0x1, $0x38;
	[tilespmem:$0x12120] =	vst v63  }
0xaf: {  	s2 =	simm.s32 @!p1 $0x1  }
0xb0: {  	_ =	swait.ge @!p1 [sflag:s2], $0x1  }
0xb1: {  	s4 =	sshll.u32 s25, $0x4;
	[sflag:s2] =	ssyncset.done @!p1 $0x0  }
0xb2: {  	s26 =	sand.u32 $0x10, s4;
	[sflag:s2] =	ssyncadd.s32 @!p1 $0xFFFFFFFF  }
0xb3: {  	s2 =	sxor.u32 $0x10, s26;
	v4 =	vld [tilespmem:s26+$0x10]  }
0xb4: {  	v5 =	vld [tilespmem:s2+$0x60]  }
0xb5: {  	v3 =	vld [tilespmem:$0x80];
	_ =	sdelay $0x2  }
0xb6: {  	(v2sf) =	vpush v4, $0x0  }
0xb7: {  	(v2sf) =	vpush v5, $0x0  }
0xb8: {  	(v2sf) =	vpush v3, $0x0;
	_ =	sdelay $0xc  }
0xb9: {  	s4 =	spop (v2sf)  }
0xba: {  	s23 =	spop (v2sf)  }
0xbb: {  	s29 =	spop (v2sf)  }
0xbc: {  	p2 =	seq.s32 s4, s23;
	p3 =	seq.s32 s29, s4  }
0xbd: {  	p3 =	por p2, p3  }
0xbe: {  	v4 =	vpsel p3, $0xFFFFFFFF, v4  }
0xbf: {  	s23 =	sand.u32 $0x1, s25;
	[tilespmem:s26+$0x10] =	vst.msk $0x1, v4  }
0xc0: {  	s30 =	sshll.u32 s23, $0xD;
	v4 =	vld [tilespmem:$0x30]  }
0xc1: {  	v5 =	vld [tilespmem:s30+$0xA100]  }
0xc2: {  	v6 =	vld [tilespmem:s26+$0x40];
	_ =	sdelay $0x3  }
0xc3: {  	vm4 =	vmmov vm1;
	v5 =	vadd.f32 v5, v4  }
0xc4: {  	vm5 =	vmmov vm2;
	vm4 =	vmmov @p2 vm2;
	s4 =	sshll.u32 s23, $0x4;
	v4 =	vadd.f32 v6, v4  }
0xc5: {  	s28 =	sor.u32 $0x12100, s4;
	vm5 =	vmmov @p3 vm1;
	[tilespmem:s30+$0xA100] =	vst.msk vm4, v5  }
0xc6: {  	[tilespmem:s28+$0x0] =	vst.msk vm5, v4  }
0xc7: {  	v4 =	vld [tilespmem:s30+$0x80F0];
	_ =	sdelay $0x3  }
0xc8: {  	v5 =	vimm.f32 $0.0e+00  }
0xc9: {  	v4 =	vshift.insert v4, v5, s22  }
0xca: {  	s23 =	sor.u32 $0x40, s2  }
0xcb: {  	[tilespmem:s23+$0x0] =	vst.msk $0x1, v4  }
0xcc: {  	[tilespmem:s30+$0x80FF] =	vst.msk $0x1, v5  }
0xcd: {  	v4 =	vld [tilespmem:s0+$0x20F0];
	_ =	sdelay $0x1  }
0xce: {  	s23 =	smulhi.u32 $0xAAAAAAAB, s21;
	_ =	sdelay $0x1  }
0xcf: {  	s4 =	simm.s32 $0x1;
	s0 =	sshrl.u32 s23, $0x1  }
0xd0: {  	s4 =	simm.s32 @!p0 $0x0;
	s0 =	smul.u32 $0xFFFE8000, s0;
	v4 =	vshift.insert v4, v1, s22  }
0xd1: {  	s4 =	sshll.u32 s4, $0xD  }
0xd2: {  	s31 =	sadd.s32 $0xA100, s4;
	s0 =	sshra.s32 s0, $0x2;
	[tilespmem:s2+$0x10] =	vst.msk $0x1, v4  }
0xd3: {  	s23 =	sadd.s32 s0, s20;
	v6 =	vld [tilespmem:s31+$0x0]  }
0xd4: {  	v7 =	vld [tilespmem:s23+$0x0];
	_ =	sdelay $0x3  }
0xd5: {  	v5 =	vadd.f32 v6, v5  }
0xd6: {  	vm4 =	vne.s32 v7, $0xFFFFFFFF  }
0xd7: {  	(xrf2) =	vadd.seg.scan.f32 vm4, v5;
	_ =	sdelay $0x3  }
0xd8: {  	s0 =	sadd.s32 $0x6100, s4;
	v5 =	vperm.xlane v4, v1  }
0xd9: {  	v6 =	vld [tilespmem:s0+$0x0]  }
0xda: {  	vm5 =	veq.s32 v7, v3;
	vm6 =	veq.s32 v7, v5  }
0xdb: {  	vm7 =	vgt.u32 v7, $0xFFFFFFFD;
	vm6 =	vmor vm6, vm5  }
0xdc: {  	vm6 =	vmor vm6, vm7  }
0xdd: {  	v9 =	vld [tilespmem:$0xA0];
	v7 =	vsel vm6, $0xFFFFFFFF, v7  }
0xde: {  	v10 =	vld [tilespmem:$0x90];
	v6 =	vsel vm5, $0x0, v6;
	v8, _, _ =	vpop (xrf2)  }
0xdf: {  	v6 =	vadd.f32 v8, v6  }
0xe0: {  	s2 =	sadd.s32 $0xE100, s4  }
0xe1: {  	vm4 =	vmand vm4, vm3;
	[tilespmem:s2+$0x0] =	vst v6;
	(ifvalue) =	ssetifvalue $0xFFFFFFFF  }
0xe2: {  	vm6 =	veq.s32 v9, $0x1;
	[hbm4b:s1+s16] =	stream.indirect_vreg.scatter [tilespmem:s2], [sflag:$0x2], $0x1, v7, vm0, $0x4038;
	v7 =	vsel vm4, $0x0, v8;
	[tilespmem:$0x12120] =	vst v63  }
0xe3: {  	s4 =	simm.s32 $0x0;
	s23 =	sadd.s32 $0x10, s23;
	vm4 =	vmor vm6, vm5;
	v6 =	vsel vm5, v8, v10;
	v7 =	vshift.insert v7, v0, s22  }
.LBB3_7:
0xe4: {  	v8 =	vld [tilespmem:s23+$0x0];
	s31 =	sadd.s32 $0x10, s31  }
0xe5: {  	s0 =	sadd.s32 $0x10, s0;
	v9 =	vld [tilespmem:s31+$0x0]  }
0xe6: {  	s4 =	sadd.s32 $0x10, s4;
	v10 =	vld [tilespmem:s0+$0x0]  }
0xe7: {  	p2 =	slt.u32 s4, $0x1FF0;
	_ =	sdelay $0x2  }
0xe8: {  	v7 =	vadd.f32 v9, v7  }
0xe9: {  	vm5 =	vne.s32 v8, $0xFFFFFFFF  }
0xea: {  	vm6 =	vmand vm5, vm3;
	(xrf2) =	vadd.seg.scan.f32 vm5, v7;
	_ =	sdelay $0x5  }
0xeb: {  	vm7 =	veq.s32 v8, v5;
	vm5 =	veq.s32 v8, v3  }
0xec: {  	vm8 =	vgt.u32 v8, $0xFFFFFFFD;
	vm4 =	vmor vm4, vm5;
	vm7 =	vmor vm7, vm5  }
0xed: {  	vm7 =	vmor vm7, vm8  }
0xee: {  	v8 =	vsel vm7, $0xFFFFFFFF, v8  }
.Ltmp13:
0xef: {  	v7 =	vsel vm5, $0x0, v10;
	v9, _, _ =	vpop (xrf2);
	(pc) =	sbr.rel @p2 .LBB3_7-.Ltmp13, $4  }
0xf0: {  	v6 =	vsel vm5, v9, v6;
	v10 =	vadd.f32 v9, v7;
	v7 =	vsel vm6, $0x0, v9  }
0xf1: {  	s2 =	sadd.s32 $0x10, s2;
	v7 =	vshift.insert v7, v0, s22  }
0xf2: {  	s23 =	sadd.s32 $0x10, s23;
	[tilespmem:s2+$0x0] =	vst v10;
	(ifvalue) =	ssetifvalue $0xFFFFFFFF  }
0xf3: {  	[hbm4b:s1+s16] =	stream.indirect_vreg.scatter [tilespmem:s2], [sflag:$0x2], $0x1, v8, vm0, $0x4038;
	[tilespmem:$0x12120] =	vst v63  }
0xf4: {  	v3 =	vld [tilespmem:s30+$0x100F0];
	_ =	sdelay $0x4  }
0xf5: {  	v3 =	vshift.insert v3, v0, s22  }
0xf6: {  	s0 =	simm.s32 $0x30  }
0xf7: {  	[tilespmem:s0+$0x0] =	vst.msk $0x1, v3  }
0xf8: {  	v3 =	vsel vm4, $0x1, v1;
	[tilespmem:$0x90] =	vst v6  }
0xf9: {  	s0 =	sadd.s32 @!p1 $0x100FF, s30;
	[tilespmem:$0xA0] =	vst v3  }
0xfa: {  	[spmem:s14] =	stream.linear.scatter @!p1 [tilespmem:s0], [sflag:$0x1], $0x1, $0x38;
	[tilespmem:$0x12120] =	vst v63  }
0xfb: {  	s0 =	simm.s32 @!p1 $0x1  }
0xfc: {  	v3 =	vmctz.xlane @!p1 vm4;
	_ =	swait.ge @!p1 [sflag:s0], $0x1  }
0xfd: {  	(v2sf) =	vpush @!p1 v4, $0x0  }
0xfe: {  	(v2sf) =	vpush @!p1 v3, $0x0;
	_ =	sdelay $0xd  }
0xff: {  	s2 =	spop @!p1 (v2sf)  }
0x100: {  	s4 =	spop @!p1 (v2sf)  }
0x101: {  	p2 =	sne.s32 @!p1 s29, s2;
	p3 =	slt.s32 @!p1 s4, $0xF  }
0x102: {  	[sflag:s0] =	ssyncset.done @!p1 $0x0;
	p2 =	por p2, p1;
	p3 =	por !p3, p1  }
0x103: {  	[sflag:s0] =	ssyncadd.s32 @!p1 $0xFFFFFFFF;
	v3 =	vimm.s32 @!p2 $0xFFFFFFFF;
	s4 =	simm.s32 @p3 $0xF  }
0x104: {  	[tilespmem:$0x80] =	vst @!p2 v3;
	s2 =	sadd.s32 @!p1 $0x90, s4  }
0x105: {  	[spmem:s11] =	stream.linear.scatter @!p1 [tilespmem:s2], [sflag:$0x1], $0x1, $0x38;
	[tilespmem:$0x12120] =	vst v63  }
0x106: {  	_ =	swait.ge @!p1 [sflag:s0], $0x1  }
0x107: {  	[sflag:s0] =	ssyncset.done @!p1 $0x0  }
0x108: {  	s2 =	simm.s32 @!p1 $0x80;
	[sflag:s0] =	ssyncadd.s32 @!p1 $0xFFFFFFFF  }
0x109: {  	[spmem:s15] =	stream.linear.scatter @!p1 [tilespmem:s2], [sflag:$0x1], $0x1, $0x38;
	[tilespmem:$0x12120] =	vst v63  }
0x10a: {  	_ =	swait.ge @!p1 [sflag:s0], $0x1  }
0x10b: {  	[sflag:s0] =	ssyncset.done @!p1 $0x0  }
0x10c: {  	[sflag:s0] =	ssyncadd.s32 @!p1 $0xFFFFFFFF;
	(ifvalue) =	ssetifvalue $0xFFFFFFFF;
	v3 =	vld [tilespmem:s26+$0x10];
	_ =	sdelay $0x3  }
.Ltmp14:
0x10d: {  	_ = 	snop;
	(pc) =	sbr.rel .LBB3_9-.Ltmp14, $3  }
0x10e: {  	_ =	sdelay $0x1  }
0x10f: {  	(ifvalue) =	ssetifvalue $0xFFFFFFFF  }
0x110: {  	[hbm4b:s1+s16] =	stream.indirect_vreg.scatter [tilespmem:s28], [sflag:$0x9], $0x1, v3, vm0, $0x4038;
	[tilespmem:$0x12120] =	vst v63  }
.LBB3_10:
0x111: {  	_ =	sfence.sel $0x180000  }
0x112: {  	s0 =	simm.s32 $0x7;
	[bflag:$0x0] =	sbarrier.arrive $0xFFFF  }
0x113: {  	s26 =	simm.s32 $0x8;
	[sflag:s0] =	ssyncpa.u1 $0x1  }
0x114: {  	s28 =	simm.s32 $0x9;
	[sflag:s26] =	ssyncpa.u1 $0x1  }
0x115: {  	[sflag:s28] =	ssyncpa.u1 $0x1  }
0x116: {  	_ =	sfence.stream.spmem  }
0x117: {  	s29 =	simm.s32 $0x3;
	[bflag:$0x0] =	sbarrier.arrive $0xFFFF  }
0x118: {  	s30 =	simm.s32 $0x4;
	[sflag:s29] =	ssyncpa.u1 $0x1  }
0x119: {  	s31 =	simm.s32 $0x3C;
	s2 =	stileid.u32;
	[sflag:s30] =	ssyncpa.u1 $0x1  }
0x11a: {  	p0 =	sne.s32 s2, $0x0;
	[sflag:s31] =	ssyncpa.u1 $0x1  }
0x11b: {  	s0 =	simm.s32 @p0 $0x1;
	_ =	sfence @p0  }
0x11c: {  	[sflag:s0] =	ssyncpa.u1 @p0 $0x1;
	s0 =	simm.s32 @p0 $0x2  }
0x11d: {  	[sflag:s0] =	ssyncpa.u1 @p0 $0x1  }
0x11e: {  	_ =	strace @p0 $0x9000004A  }
0x11f: {  	[bflag:$0x2] =	sbarrier.arrive @p0 $0xFFFF  }
0x120: {  	_ =	shalt @p0  }
.LBB3_11:
0x121: {  	_ =	sfence.stream.spmem;
	s0 =	simm.s32 $0x5  }
0x122: {  	s2 =	simm.s32 $0x80;
	s3 =	simm.s32 $0xC0;
	[sflag:s0] =	ssyncpa.u1 $0x0  }
0x123: {  	[tilespmem:s3], [sflag:$0x5] =	stream.linear.gather [spmem:s2], $0x20, $0x38;
	[tilespmem:$0x12120] =	vst v63  }
0x124: {  	s2 =	simm.s32 $0x0;
	s3 =	simm.s32 $0xE0  }
0x125: {  	[tilespmem:s3], [sflag:$0x5] =	stream.linear.gather [spmem:s2], $0x20, $0x38;
	[tilespmem:$0x12120] =	vst v63  }
.Ltmp15:
0x126: {  	_ = 	snop;
	(pc) =	sbr.rel .LBB3_12-.Ltmp15, $4  }
0x127: {  	_ =	swait.ge [sflag:s0], $0x40  }
0x128: {  	[sflag:s0] =	ssyncset.done $0x0  }
0x129: {  	s31 =	simm.s32 $0x6;
	[sflag:s0] =	ssyncadd.s32 $0xFFFFFFC0  }
0x12a: {  	s4 =	simm.s32 $0x0;
	[sflag:s31] =	ssyncpa.u1 $0x0  }
.LBB3_17:
0x12b: {  	p0 =	sgt.u32 s0, $0x27FF  }
0x12c: {  	s5 =	sshrl.u32 @!p0 s0, $0x3  }
0x12d: {  	s0 =	sand.u32 @!p0 $0x7, s0;
	s6 =	simm.s32 @!p0 $0xB0;
	s5 =	sadd.s32 @!p0 s1, s5  }
0x12e: {  	[tilespmem:s6], [sflag:$0x6] =	stream.linear.gather @!p0 [hbm4b:s5+s0], $0x1, $0x38;
	[tilespmem:$0x12120] =	vst v63  }
0x12f: {  	s0 =	simm.s32 @!p0 $0x6  }
0x130: {  	_ =	swait.ge @!p0 [sflag:s0], $0x1  }
0x131: {  	[sflag:s0] =	ssyncset.done @!p0 $0x0  }
0x132: {  	[sflag:s0] =	ssyncadd.s32 @!p0 $0xFFFFFFFF  }
0x133: {  	v2 =	vmov @!p0 s4;
	v1 =	vld.msk @!p0 [tilespmem:$0xB0], $0x1;
	_ =	sdelay $0x3  }
0x134: {  	s0 =	simm.s32 @!p0 $0xE0  }
0x135: {  	[tilespmem:v2+s0+$0x0], v1 =	vst.idx.ret.add.f32.msk @!p0 $0x1, v1  }
0x136: {  	[tilespmem:s2+$0xC0] =	vst.msk $0x1, v0  }
0x137: {  	v0 =	vld.msk [tilespmem:s4+$0xE0], $0x1;
	_ =	sdelay $0x4  }
0x138: {  	[tilespmem:s2+$0xE0] =	vst.msk $0x1, v0;
	s2 =	sadd.s32 $0x1, s2  }
.LBB3_19:
0x139: {  	s4 =	sadd.s32 $0x1, s4  }
0x13a: {  	p0 =	sne.s32 s4, $0x20  }
.Ltmp16:
0x13b: {  	_ = 	snop;
	(pc) =	sbr.rel @!p0 .LBB3_20-.Ltmp16, $1  }
0x13c: {  	_ =	sdelay $0x3  }
.LBB3_12:
0x13d: {  	v0 =	vld.msk [tilespmem:s4+$0xC0], $0x1;
	_ =	sdelay $0x4  }
0x13e: {  	(v2sf) =	vpush v0, $0x0;
	_ =	sdelay $0xe  }
0x13f: {  	s0 =	spop (v2sf)  }
0x140: {  	p0 =	seq.s32 s0, $0xFFFFFFFF  }
.Ltmp17:
0x141: {  	_ = 	snop;
	(pc) =	sbr.rel @p0 .LBB3_19-.Ltmp17, $1  }
0x142: {  	_ =	sdelay $0x3  }
0x143: {  	p0 =	slt.s32 s2, $0x1  }
.Ltmp18:
0x144: {  	_ = 	snop;
	(pc) =	sbr.rel @p0 .LBB3_17-.Ltmp18, $1  }
0x145: {  	_ =	sdelay $0x3  }
0x146: {  	s5 =	simm.s32 $0xC0;
	p0 =	por $0x0, $0x0  }
0x147: {  	v1 =	vld.msk @!p0 [tilespmem:s5+$0x0], $0x1;
	_ =	sdelay $0x4  }
0x148: {  	(v2sf) =	vpush @!p0 v1, $0x0;
	_ =	sdelay $0xd  }
0x149: {  	p2 =	sne.s32 s2, $0x1  }
.Ltmp19:
0x14a: {  	s6 =	spop @!p0 (v2sf);
	(pc) =	sbr.rel @!p2 .LBB3_16-.Ltmp19, $4  }
0x14b: {  	p1 =	seq.s32 @!p0 s0, s6  }
0x14c: {  	s6 =	simm.s32 $0x0;
	p1 =	por !p1, p0  }
0x14d: {  	s8 =	simm.s32 $0xFFFFFFFF;
	s6 =	simm.s32 @p1 $0xFFFFFFFF  }
0x14e: {  	s7 =	simm.s32 $0x1;
	s6 =	smov.u32 @p0 s8  }
.LBB3_15:
0x14f: {  	s8 =	smov.u32 s6;
	p0 =	sne.s32 s6, $0xFFFFFFFF  }
0x150: {  	s5 =	sadd.s32 $0x1, s5;
	s6 =	smov.u32 s7;
	s7 =	sadd.s32 $0x1, s7  }
0x151: {  	p1 =	sne.s32 s2, s7;
	v1 =	vld.msk @!p0 [tilespmem:s5+$0x0], $0x1;
	_ =	sdelay $0x4  }
0x152: {  	(v2sf) =	vpush @!p0 v1, $0x0;
	_ =	sdelay $0xe  }
.Ltmp20:
0x153: {  	s9 =	spop @!p0 (v2sf);
	(pc) =	sbr.rel @p1 .LBB3_15-.Ltmp20, $4  }
0x154: {  	p2 =	seq.s32 @!p0 s0, s9  }
0x155: {  	p2 =	por !p2, p0  }
0x156: {  	s6 =	simm.s32 @p2 $0xFFFFFFFF  }
0x157: {  	s6 =	smov.u32 @p0 s8  }
.LBB3_16:
0x158: {  	p0 =	sne.s32 s6, $0xFFFFFFFF  }
.Ltmp21:
0x159: {  	_ = 	snop;
	(pc) =	sbr.rel @!p0 .LBB3_17-.Ltmp21, $1  }
0x15a: {  	_ =	sdelay $0x3  }
0x15b: {  	v0 =	vld.msk [tilespmem:s4+$0xE0], $0x1;
	v1 =	vmov s6  }
.Ltmp22:
0x15c: {  	_ = 	snop;
	(pc) =	sbr.rel .LBB3_19-.Ltmp22, $2  }
0x15d: {  	_ =	sdelay $0x2  }
0x15e: {  	[tilespmem:v1+s3+$0x0], v0 =	vst.idx.ret.add.f32.msk $0x1, v0  }
.LBB3_20:
0x15f: {  	p0 =	slt.s32 s2, $0x1  }
.Ltmp23:
0x160: {  	_ = 	snop;
	(pc) =	sbr.rel @p0 .LBB3_24-.Ltmp23, $3  }
0x161: {  	_ =	sdelay $0x1  }
0x162: {  	s0 =	simm.s32 $0x6  }
0x163: {  	[sflag:s0] =	ssyncpa.u1 $0x1;
	s0 =	simm.s32 $0x0  }
0x164: {  	s3 =	simm.s32 $0xC0  }
0x165: {  	v0 =	vld.msk [tilespmem:s3+$0x0], $0x1;
	_ =	sdelay $0x4  }
0x166: {  	(v2sf) =	vpush v0, $0x0;
	_ =	sdelay $0xe  }
0x167: {  	s2 =	sadd.s32 $0xFFFFFFFF, s2;
	s4 =	spop (v2sf)  }
0x168: {  	p1 =	sne.s32 s2, $0x0;
	p0 =	sgt.u32 s4, $0x27FF  }
.Ltmp24:
0x169: {  	s5 =	sshrl.u32 @!p0 s4, $0x3;
	(pc) =	sbr.rel @!p1 .LBB3_23-.Ltmp24, $4  }
0x16a: {  	s3 =	simm.s32 $0xE0;
	s4 =	sand.u32 @!p0 $0x7, s4;
	s5 =	sadd.s32 @!p0 s1, s5  }
0x16b: {  	[hbm4b:s5+s4] =	stream.linear.scatter @!p0 [tilespmem:s3], [sflag:$0x5], $0x1, $0x38;
	[tilespmem:$0x12120] =	vst v63  }
0x16c: {  	s5 =	simm.s32 $0x0  }
0x16d: {  	s4 =	simm.s32 $0xC1;
	s5 =	simm.s32 @!p0 $0x4  }
.LBB3_22:
0x16e: {  	v0 =	vld.msk [tilespmem:s4+$0x0], $0x1;
	s2 =	sadd.s32 $0xFFFFFFFF, s2;
	s0 =	sadd.s32 s0, s5  }
0x16f: {  	p0 =	sne.s32 s2, $0x0;
	_ =	sdelay $0x3  }
0x170: {  	(v2sf) =	vpush v0, $0x0;
	_ =	sdelay $0xe  }
.Ltmp25:
0x171: {  	s6 =	spop (v2sf);
	(pc) =	sbr.rel @p0 .LBB3_22-.Ltmp25, $4  }
0x172: {  	s5 =	simm.s32 $0x0;
	p1 =	sgt.u32 s6, $0x27FF  }
0x173: {  	s3 =	sadd.s32 $0x1, s3;
	s5 =	simm.s32 @!p1 $0x4;
	s7 =	sshrl.u32 @!p1 s6, $0x3  }
0x174: {  	s4 =	sadd.s32 $0x1, s4;
	s6 =	sand.u32 @!p1 $0x7, s6;
	s7 =	sadd.s32 @!p1 s1, s7  }
0x175: {  	[hbm4b:s7+s6] =	stream.linear.scatter @!p1 [tilespmem:s3], [sflag:$0x5], $0x1, $0x38;
	[tilespmem:$0x12120] =	vst v63  }
.LBB3_23:
0x176: {  	s0 =	sadd.s32 s0, s5  }
0x177: {  	s0 =	sshrl.u32 s0, $0x2  }
.LBB3_24:
0x178: {  	s1 =	simm.s32 $0x5  }
0x179: {  	_ =	swait.ge [sflag:s1], s0  }
0x17a: {  	s28 =	ssub.s32 $0x0, s0;
	[sflag:s1] =	ssyncset.done $0x0  }
0x17b: {  	[sflag:s1] =	ssyncadd.s32 s28  }
0x17c: {  	[sflag:s1] =	ssyncpa.u1 $0x1  }
0x17d: {  	s29 =	simm.s32 $0x1;
	_ =	sfence  }
0x17e: {  	s30 =	simm.s32 $0x2;
	[sflag:s29] =	ssyncpa.u1 $0x1  }
0x17f: {  	[sflag:s30] =	ssyncpa.u1 $0x1  }
0x180: {  	_ =	strace $0x9000004A  }
0x181: {  	[bflag:$0x2] =	sbarrier.arrive $0xFFFF  }
0x182: {  	s31 =	rddreg [dreg:$0x3]  }
0x183: {  	s0 =	sadd.s32 $0x100000, s31  }
0x184: {  	[sflag:s0] =	ssyncadd.tile.s32 $0x1;
	_ =	shalt  }
.Lfunc_end3:
_tile_overlayer_lowered:
.L_overlay_start_3:
0x185: {  	(tag) =	ssettag $0x3  }
0x186: {  	s0 =	rddreg [dreg:$0x0];
	s2 =	stileid.u32  }
0x187: {  	s1 =	rddreg [dreg:$0x1];
	p0 =	sne.s32 s2, $0x0  }
0x188: {  	s3 =	rddreg [dreg:$0x2];
	[bflag:$0x3] =	sbarrier.arrive $0xFFFF;
	s2 =	simm.s32 @!p0 $0x1C01  }
0x189: {  	[timem:s3], [sflag:s2] =	dma.local @!p0 [hbm:s0], s1  }
0x18a: {  	s0 =	simm.s32 @!p0 $0x1  }
0x18b: {  	_ =	swait.ge @!p0 [sflag:s0], s1  }
0x18c: {  	s1 =	ssub.s32 @!p0 $0x0, s1;
	[sflag:s0] =	ssyncset.done @!p0 $0x0  }
0x18d: {  	[sflag:s0] =	ssyncadd.s32 @!p0 s1  }
0x18e: {  	[bflag:$0x3] =	sbarrier.arrive $0xFFFF  }
0x18f: {  	_ =	shalt  }

</sc_bundles>
